<compile_context>
chip_gen: v7x
topology: tpu7x:2x2x1
jax: 0.10.2.dev20260603
libtpu: 0.0.44.dev20260713+nightly
codegen_flags: <defaults>
</compile_context>

<pallas_src>
import functools

import jax
import jax.numpy as jnp
from jax import lax
from jax.experimental import pallas as pl
from jax.experimental.pallas import tpu as pltpu
from jax.experimental.pallas import tpu_sc as plsc

_MAXR = 12.0
_NG = 50
_NGRAPH = 64
_NW = 32
_GC = 80
_BLK = 2000

_sc_params = pltpu.CompilerParams(needs_layout_passes=False)


def _sig(v):
    return 0.5 + 0.5 * jnp.tanh(0.5 * v)


def _sc_mesh():
    return plsc.VectorSubcoreMesh(core_axis_name="c", subcore_axis_name="s")


def _gather_call(xn, src, dst, lo, e):
    n, embed = xn.shape
    dt = xn.dtype
    epw = e // _NW
    gc = 80 if epw % 80 == 0 else 40
    nchunks = epw // gc

    nbuf = 4
    nrounds = (nchunks + nbuf - 1) // nbuf

    @functools.partial(
        pl.kernel,
        out_type=jax.ShapeDtypeStruct((e, 2 * embed), dt),
        mesh=_sc_mesh(),
        compiler_params=_sc_params,
        scratch_types=(
            [pltpu.VMEM((epw,), jnp.int32)] * 2
            + [pltpu.VMEM((gc, embed), dt)] * (2 * nbuf)
            + [pltpu.SemaphoreType.DMA] * (4 * nbuf)
        ),
    )
    def k(xn_hbm, src_hbm, dst_hbm, xsd_hbm, *scr):
        sidx_v, didx_v = scr[0], scr[1]
        sbufs = scr[2:2 + nbuf]
        dbufs = scr[2 + nbuf:2 + 2 * nbuf]
        gs = scr[2 + 2 * nbuf:2 + 3 * nbuf]
        gd = scr[2 + 3 * nbuf:2 + 4 * nbuf]
        ws = scr[2 + 4 * nbuf:2 + 5 * nbuf]
        wd = scr[2 + 5 * nbuf:2 + 6 * nbuf]
        wid = lax.axis_index("s") * 2 + lax.axis_index("c")
        base = wid * epw
        pltpu.sync_copy(src_hbm.at[pl.ds(lo + base, epw)], sidx_v)
        pltpu.sync_copy(dst_hbm.at[pl.ds(lo + base, epw)], didx_v)

        def g_start(jj, b):
            off = jj * gc
            pltpu.async_copy(
                xn_hbm.at[sidx_v.at[pl.ds(off, gc)]], sbufs[b], gs[b])
            pltpu.async_copy(
                xn_hbm.at[didx_v.at[pl.ds(off, gc)]], dbufs[b], gd[b])

        def g_wait(b):
            pltpu.make_async_copy(
                xn_hbm.at[pl.ds(0, gc)], sbufs[b], gs[b]).wait()
            pltpu.make_async_copy(
                xn_hbm.at[pl.ds(0, gc)], dbufs[b], gd[b]).wait()

        def w_start(jj, b):
            off = jj * gc
            pltpu.async_copy(
                sbufs[b],
                xsd_hbm.at[pl.ds(base + off, gc), pl.ds(0, embed)], ws[b])
            pltpu.async_copy(
                dbufs[b],
                xsd_hbm.at[pl.ds(base + off, gc), pl.ds(embed, embed)],
                wd[b])

        def w_wait(b):
            pltpu.make_async_copy(
                sbufs[b],
                xsd_hbm.at[pl.ds(base, gc), pl.ds(0, embed)], ws[b]).wait()
            pltpu.make_async_copy(
                dbufs[b],
                xsd_hbm.at[pl.ds(base, gc), pl.ds(embed, embed)],
                wd[b]).wait()

        g_start(0, 0)
        g_start(1, 1)

        @pl.loop(0, nrounds)
        def _(r):
            for b in range(nbuf):
                jj = r * nbuf + b

                @pl.when(jj < nchunks)
                def _():
                    b2 = (b + 2) % nbuf

                    @pl.when(jj >= 2)
                    def _():
                        w_wait(b2)

                    @pl.when(jj + 2 < nchunks)
                    def _():
                        g_start(jj + 2, b2)

                    g_wait(b)
                    w_start(jj, b)

        w_wait((nchunks - 2) % nbuf)
        w_wait((nchunks - 1) % nbuf)

    return k(xn, src, dst)


def _mlp_body(xsd_ref, xe_ref, dist_ref, vh_ref,
              eWin_ref, ebin_ref, eWh_ref, ebh_ref, eWout_ref, ebout_ref,
              eWrbf_ref, eWo_ref,
              fWin_ref, fbin_ref, fWh_ref, fbh_ref, fWout_ref, fbout_ref,
              fWrbf_ref, fWo_ref,
              en_ref, fx_ref, fy_ref, fz_ref):
    embed = xe_ref.shape[1]
    blk = xe_ref.shape[0]
    xsd = xsd_ref[...]
    xe = xe_ref[...]
    d = jnp.transpose(dist_ref[...].reshape(1, blk), (1, 0))
    step = _MAXR / (_NG - 1)
    offs = lax.broadcasted_iota(jnp.int32, (1, _NG), 1).astype(jnp.float32) * step
    coeff = -0.5 / (step * step)
    dd = d - offs
    rbf = jnp.exp(coeff * dd * dd)

    def branch(Win_ref, bin_ref, Wh_ref, bh_ref, Wout_ref, bout_ref,
               Wrbf_ref, Wo_ref):
        def mm(a_, b_):
            return jnp.dot(a_, b_, preferred_element_type=jnp.float32)

        W = Win_ref[...]
        a = (mm(xsd, W[0:2 * embed]) + mm(xe, W[2 * embed:3 * embed])
             + bin_ref[...])
        h = a * _sig(a)
        hh = mm(h, Wh_ref[...]) + bh_ref[...]
        h = h + hh * _sig(hh)
        g = mm(h, Wout_ref[...]) + bout_ref[...]
        g = g * mm(rbf, Wrbf_ref[...])
        return jnp.dot(g, Wo_ref[...], preferred_element_type=jnp.float32)

    se = branch(eWin_ref, ebin_ref, eWh_ref, ebh_ref, eWout_ref, ebout_ref,
                eWrbf_ref, eWo_ref)
    sf = branch(fWin_ref, fbin_ref, fWh_ref, fbh_ref, fWout_ref, fbout_ref,
                fWrbf_ref, fWo_ref)
    vht = vh_ref[...].reshape(3, blk)
    se_row = jnp.transpose(se, (1, 0))
    sf_row = jnp.transpose(sf, (1, 0))
    en_ref[...] = se_row.reshape(1, 1, blk)
    fx_ref[...] = (sf_row * vht[0:1]).reshape(1, 1, blk)
    fy_ref[...] = (sf_row * vht[1:2]).reshape(1, 1, blk)
    fz_ref[...] = (sf_row * vht[2:3]).reshape(1, 1, blk)


def _mlp_call(xsd, x_full, ntok_blocks, blk_off, dist3, vh3, ws):
    e = xsd.shape[0]
    embed = xsd.shape[1] // 2
    grid = e // _BLK

    def edge_spec(w):
        return pl.BlockSpec((_BLK, w), lambda i: (i, 0))

    def weight_spec(shape):
        if len(shape) == 1:
            return pl.BlockSpec(shape, lambda i: (0,))
        return pl.BlockSpec(shape, lambda i: (0, 0))

    xe_spec = pl.BlockSpec((_BLK, embed),
                           lambda i: (ntok_blocks + blk_off + i, 0))
    d_spec = pl.BlockSpec((1, 1, _BLK), lambda i: (blk_off + i, 0, 0))
    vh_spec = pl.BlockSpec((1, 3, _BLK), lambda i: (blk_off + i, 0, 0))
    in_specs = [edge_spec(2 * embed), xe_spec, d_spec, vh_spec]
    in_specs += [weight_spec(w.shape) for w in ws]
    out_specs = [pl.BlockSpec((1, 1, _BLK), lambda i: (i, 0, 0))] * 4
    out_shape = [jax.ShapeDtypeStruct((grid, 1, _BLK), jnp.float32)] * 4

    return pl.pallas_call(
        _mlp_body,
        grid=(grid,),
        in_specs=in_specs,
        out_specs=out_specs,
        out_shape=out_shape,
    )(xsd, x_full, dist3, vh3, *ws)


def _scatter_call(en, fx, fy, fz, src, batch, zeros_f, lo, e):
    n = batch.shape[0]
    epw = e // _NW
    niter = epw // 16

    @functools.partial(
        pl.kernel,
        out_type=(
            jax.ShapeDtypeStruct((_NW, n * 4), jnp.float32),
            jax.ShapeDtypeStruct((_NW, _NGRAPH), jnp.float32),
        ),
        mesh=_sc_mesh(),
        compiler_params=_sc_params,
        scratch_types=[
            pltpu.VMEM((epw,), jnp.int32),
            pltpu.VMEM((n,), jnp.int32),
            pltpu.VMEM((epw,), jnp.float32),
            pltpu.VMEM((epw,), jnp.float32),
            pltpu.VMEM((epw,), jnp.float32),
            pltpu.VMEM((epw,), jnp.float32),
            pltpu.VMEM((n * 4,), jnp.float32),
            pltpu.VMEM((_NGRAPH,), jnp.float32),
        ],
    )
    def k(en_hbm, fx_hbm, fy_hbm, fz_hbm, src_hbm, batch_hbm, zeros_hbm,
          fpart_hbm, epart_hbm,
          src_v, batch_v, ev_v, fx_v, fy_v, fz_v, facc_v, eacc_v):
        wid = lax.axis_index("s") * 2 + lax.axis_index("c")
        base = wid * epw
        pltpu.sync_copy(src_hbm.at[pl.ds(lo + base, epw)], src_v)
        pltpu.sync_copy(batch_hbm, batch_v)
        pltpu.sync_copy(en_hbm.at[pl.ds(base, epw)], ev_v)
        pltpu.sync_copy(fx_hbm.at[pl.ds(base, epw)], fx_v)
        pltpu.sync_copy(fy_hbm.at[pl.ds(base, epw)], fy_v)
        pltpu.sync_copy(fz_hbm.at[pl.ds(base, epw)], fz_v)
        pltpu.sync_copy(zeros_hbm, facc_v)

        zero16 = jnp.zeros((16,), jnp.float32)
        for i in range(_NGRAPH // 16):
            eacc_v[pl.ds(i * 16, 16)] = zero16

        @pl.loop(0, niter)
        def _(j):
            o = j * 16
            idx = src_v[pl.ds(o, 16)]
            seg = plsc.load_gather(batch_v, [idx])
            plsc.addupdate_scatter(eacc_v, [seg], ev_v[pl.ds(o, 16)])
            fi = idx * 4
            plsc.addupdate_scatter(facc_v, [fi], fx_v[pl.ds(o, 16)])
            plsc.addupdate_scatter(facc_v, [fi + 1], fy_v[pl.ds(o, 16)])
            plsc.addupdate_scatter(facc_v, [fi + 2], fz_v[pl.ds(o, 16)])

        pltpu.sync_copy(facc_v, fpart_hbm.at[wid])
        pltpu.sync_copy(eacc_v, epart_hbm.at[wid])

    return k(en, fx, fy, fz, src, batch, zeros_f)


def _reduce_body(*refs):
    nin = (len(refs) - 2) // 2
    fsum_ref, esum_ref = refs[2 * nin], refs[2 * nin + 1]
    fsum = jnp.sum(refs[0][...], axis=0, keepdims=True)
    esum = jnp.sum(refs[nin][...], axis=0, keepdims=True)
    for i in range(1, nin):
        fsum = fsum + jnp.sum(refs[i][...], axis=0, keepdims=True)
        esum = esum + jnp.sum(refs[nin + i][...], axis=0, keepdims=True)
    fsum_ref[...] = fsum
    esum_ref[...] = esum


def _reduce_call(fparts, eparts):
    n4 = fparts[0].shape[1]
    return pl.pallas_call(
        _reduce_body,
        out_shape=(
            jax.ShapeDtypeStruct((1, n4), jnp.float32),
            jax.ShapeDtypeStruct((1, _NGRAPH), jnp.float32),
        ),
    )(*fparts, *eparts)


def kernel(x, pos, dist, vec_hat, batch, edge_index,
           e_Win, e_bin, e_Wh, e_bh, e_Wout, e_bout, e_Wrbf, e_Wo,
           f_Win, f_bin, f_Wh, f_bh, f_Wout, f_bout, f_Wrbf, f_Wo):
    n = pos.shape[0]
    m = edge_index.shape[1]
    embed = x.shape[1]

    src = edge_index[0]
    dst = edge_index[1]

    xn = lax.slice(x, (0, 0), (n, embed))
    grid_all = m // _BLK
    ntok_blocks = n // _BLK
    dist3 = dist.reshape(grid_all, 1, _BLK)
    vh3 = jnp.transpose(vec_hat.reshape(grid_all, _BLK, 3), (0, 2, 1))

    ws = (e_Win, e_bin, e_Wh, e_bh, e_Wout, e_bout, e_Wrbf, e_Wo,
          f_Win, f_bin, f_Wh, f_bh, f_Wout, f_bout, f_Wrbf, f_Wo)

    chunk_sizes = (32000, 64000, 64000, 64000, 96000)
    outs = []
    lo = 0
    for ec in chunk_sizes:
        xsd_c = _gather_call(xn, src, dst, lo, ec)
        outs.append(_mlp_call(xsd_c, x, ntok_blocks, lo // _BLK,
                              dist3, vh3, ws))
        lo += ec

    en = jnp.concatenate([o[0] for o in outs], axis=0)
    fx = jnp.concatenate([o[1] for o in outs], axis=0)
    fy = jnp.concatenate([o[2] for o in outs], axis=0)
    fz = jnp.concatenate([o[3] for o in outs], axis=0)

    zeros_f = jnp.zeros((n * 4,), jnp.float32)
    fpart, epart = _scatter_call(en.reshape(m), fx.reshape(m), fy.reshape(m),
                                 fz.reshape(m), src, batch, zeros_f, 0, m)

    fsum, esum = _reduce_call([fpart], [epart])
    forces = fsum.reshape(n, 4)[:, :3]
    energy = esum.reshape(_NGRAPH, 1)
    return (energy, forces)

# --- scband reference (transcript-rebuilt; emitter-appended) ---
"""Pipeline reference for scband-output-module-68650757259664 (READ-ONLY COPY).

The authoritative reference and input builder live on the scoring server;
editing this copy changes nothing except your own understanding.
"""

import jax, jax.numpy as jnp
import numpy as np

EMBED = 128
FF = 256
NG = 50
MAXR = 12.0
N = 10000
E = 320000
NGRAPH = 64


def gaussian_smearing(dist):
    offset = jnp.linspace(0.0, MAXR, NG)
    coeff = -0.5 / (offset[1] - offset[0]) ** 2
    d = dist.reshape(-1, 1) - offset.reshape(1, -1)
    return jnp.exp(coeff * d * d)


def res_mlp(h, Win, bin_, Wh, bh, Wout, bout):
    h = jax.nn.silu(h @ Win + bin_)
    h = h + jax.nn.silu(h @ Wh + bh)
    return h @ Wout + bout


def setup_inputs(seed: int = 0):
    key = jax.random.key(seed)
    ks = jax.random.split(key, 24)
    d = {}
    d["x"] = jax.random.normal(ks[0], (N + E, EMBED), jnp.float32)
    d["pos"] = jax.random.normal(ks[1], (N, 3), jnp.float32)
    d["dist"] = jax.random.uniform(ks[2], (E,), jnp.float32) * MAXR
    d["vec_hat"] = jax.random.normal(ks[3], (E, 3), jnp.float32)
    d["batch"] = jnp.sort(jax.random.randint(ks[4], (N,), 0, NGRAPH, dtype=jnp.int32)).astype(jnp.int32)
    d["edge_index"] = jax.random.randint(ks[5], (2, E), 0, N, dtype=jnp.int32)
    s_in = 1.0 / np.sqrt(3 * EMBED)
    s_h = 1.0 / np.sqrt(FF)
    s_rbf = 1.0 / np.sqrt(NG)
    s_o = 1.0 / np.sqrt(EMBED)
    for i, p in enumerate(["e", "f"]):
        b = 6 + i * 8
        d[p + "_Win"] = jax.random.normal(ks[b], (3 * EMBED, FF), jnp.float32) * s_in
        d[p + "_bin"] = jnp.zeros((FF,), jnp.float32)
        d[p + "_Wh"] = jax.random.normal(ks[b + 1], (FF, FF), jnp.float32) * s_h
        d[p + "_bh"] = jnp.zeros((FF,), jnp.float32)
        d[p + "_Wout"] = jax.random.normal(ks[b + 2], (FF, EMBED), jnp.float32) * s_h
        d[p + "_bout"] = jnp.zeros((EMBED,), jnp.float32)
        d[p + "_Wrbf"] = jax.random.normal(ks[b + 3], (NG, EMBED), jnp.float32) * s_rbf
        d[p + "_Wo"] = jax.random.normal(ks[b + 4], (EMBED, 1), jnp.float32) * s_o
    return d


def reference(x, pos, dist, vec_hat, batch, edge_index,
              e_Win, e_bin, e_Wh, e_bh, e_Wout, e_bout, e_Wrbf, e_Wo,
              f_Win, f_bin, f_Wh, f_bh, f_Wout, f_bout, f_Wrbf, f_Wo):
    n = pos.shape[0]
    m = edge_index.shape[1]
    edge_token_pos = jnp.arange(n, n + m)
    inputs = jnp.concatenate([x[edge_index[0]], x[edge_index[1]], x[edge_token_pos]], axis=-1)
    rbf = gaussian_smearing(dist)
    energy_pairs = res_mlp(inputs, e_Win, e_bin, e_Wh, e_bh, e_Wout, e_bout) * (rbf @ e_Wrbf)
    force_pairs = res_mlp(inputs, f_Win, f_bin, f_Wh, f_bh, f_Wout, f_bout) * (rbf @ f_Wrbf)
    energy_pairs = energy_pairs @ e_Wo
    force_pairs = (force_pairs @ f_Wo) * vec_hat
    energy = jax.ops.segment_sum(energy_pairs, batch[edge_index[0]], num_segments=NGRAPH)
    forces = jax.ops.segment_sum(force_pairs, edge_index[0], num_segments=n)
    return (energy, forces)

if __name__ == "__main__":
    import jax
    _d = setup_inputs()
    print(jax.jit(kernel)(*tuple(_d.values())))

</pallas_src>

<mosaic_0001>
#map = affine_map<(d0, d1) -> (0, 0)>
#map1 = affine_map<(d0, d1) -> (0)>
module attributes {stable_mosaic.version = 14 : i64} {
  func.func @k(%arg0: i32, %arg1: i32, %arg2: memref<10000x128xf32, #tpu.memory_space<hbm>>, %arg3: memref<320000xi32, #tpu.memory_space<hbm>>, %arg4: memref<320000xi32, #tpu.memory_space<hbm>>, %arg5: memref<64000x256xf32, #tpu.memory_space<hbm>>, %arg6: memref<2000xi32, #tpu.memory_space<vmem>>, %arg7: memref<2000xi32, #tpu.memory_space<vmem>>, %arg8: memref<80x128xf32, #tpu.memory_space<vmem>>, %arg9: memref<80x128xf32, #tpu.memory_space<vmem>>, %arg10: memref<80x128xf32, #tpu.memory_space<vmem>>, %arg11: memref<80x128xf32, #tpu.memory_space<vmem>>, %arg12: memref<80x128xf32, #tpu.memory_space<vmem>>, %arg13: memref<80x128xf32, #tpu.memory_space<vmem>>, %arg14: memref<80x128xf32, #tpu.memory_space<vmem>>, %arg15: memref<80x128xf32, #tpu.memory_space<vmem>>, %arg16: memref<!tpu.dma_semaphore, #tpu.memory_space<semaphore_mem>>, %arg17: memref<!tpu.dma_semaphore, #tpu.memory_space<semaphore_mem>>, %arg18: memref<!tpu.dma_semaphore, #tpu.memory_space<semaphore_mem>>, %arg19: memref<!tpu.dma_semaphore, #tpu.memory_space<semaphore_mem>>, %arg20: memref<!tpu.dma_semaphore, #tpu.memory_space<semaphore_mem>>, %arg21: memref<!tpu.dma_semaphore, #tpu.memory_space<semaphore_mem>>, %arg22: memref<!tpu.dma_semaphore, #tpu.memory_space<semaphore_mem>>, %arg23: memref<!tpu.dma_semaphore, #tpu.memory_space<semaphore_mem>>, %arg24: memref<!tpu.dma_semaphore, #tpu.memory_space<semaphore_mem>>, %arg25: memref<!tpu.dma_semaphore, #tpu.memory_space<semaphore_mem>>, %arg26: memref<!tpu.dma_semaphore, #tpu.memory_space<semaphore_mem>>, %arg27: memref<!tpu.dma_semaphore, #tpu.memory_space<semaphore_mem>>, %arg28: memref<!tpu.dma_semaphore, #tpu.memory_space<semaphore_mem>>, %arg29: memref<!tpu.dma_semaphore, #tpu.memory_space<semaphore_mem>>, %arg30: memref<!tpu.dma_semaphore, #tpu.memory_space<semaphore_mem>>, %arg31: memref<!tpu.dma_semaphore, #tpu.memory_space<semaphore_mem>>) attributes {dimension_semantics = [#tpu.dimension_semantics<core_parallel>, #tpu.dimension_semantics<subcore_parallel>], iteration_bounds = array<i64: 2, 16>, scalar_prefetch = 0 : i64, scratch_operands = 26 : i64, tpu.core_type = #tpu.core_type<sc_vector_subcore>, window_params = [{transform_indices = #map}, {transform_indices = #map1}, {transform_indices = #map1}, {transform_indices = #map}]} {
    %mul3A = arith.constant 2 : i32
    %mul3A_0 = arith.muli %arg1, %mul3A : i32
    %add3A = arith.addi %mul3A_0, %arg0 : i32
    %mul3A_1 = arith.constant 2000 : i32
    %mul3A_2 = arith.muli %add3A, %mul3A_1 : i32
    %add3A_3 = arith.constant 160000 : i32
    %add3A_4 = arith.addi %add3A_3, %mul3A_2 : i32
    "tpu.region"() ({
      %run_scoped3A = tpu.sem_alloc : memref<!tpu.dma_semaphore, #tpu.memory_space<semaphore_mem>>
      %dma_start3A_45 = tpu.memref_slice %arg3[%add3A_4] : memref<320000xi32, #tpu.memory_space<hbm>> -> memref<2000xi32, #tpu.memory_space<hbm>>
      %dma_start3A_46 = tpu.memref_slice %arg3[%add3A_4] : memref<320000xi32, #tpu.memory_space<hbm>> -> memref<2000xi32, #tpu.memory_space<hbm>>
      tpu.enqueue_dma source(%dma_start3A_46 : memref<2000xi32, #tpu.memory_space<hbm>>) target(%arg6 : memref<2000xi32, #tpu.memory_space<vmem>>) target_semaphore(%run_scoped3A : memref<!tpu.dma_semaphore, #tpu.memory_space<semaphore_mem>>)
      %dma_wait3A_47 = tpu.memref_slice %arg3[%add3A_4] : memref<320000xi32, #tpu.memory_space<hbm>> -> memref<2000xi32, #tpu.memory_space<hbm>>
      %dma_wait3A_48 = tpu.memref_slice %arg3[%add3A_4] : memref<320000xi32, #tpu.memory_space<hbm>> -> memref<2000xi32, #tpu.memory_space<hbm>>
      tpu.wait_dma2 semaphore(%run_scoped3A : memref<!tpu.dma_semaphore, #tpu.memory_space<semaphore_mem>>) src(%dma_wait3A_48 : memref<2000xi32, #tpu.memory_space<hbm>>) dst(%arg6 : memref<2000xi32, #tpu.memory_space<vmem>>)
      tpu.yield
    }) : () -> ()
    %add3A_5 = arith.constant 160000 : i32
    %add3A_6 = arith.addi %add3A_5, %mul3A_2 : i32
    "tpu.region"() ({
      %run_scoped3A = tpu.sem_alloc : memref<!tpu.dma_semaphore, #tpu.memory_space<semaphore_mem>>
      %dma_start3A_45 = tpu.memref_slice %arg4[%add3A_6] : memref<320000xi32, #tpu.memory_space<hbm>> -> memref<2000xi32, #tpu.memory_space<hbm>>
      %dma_start3A_46 = tpu.memref_slice %arg4[%add3A_6] : memref<320000xi32, #tpu.memory_space<hbm>> -> memref<2000xi32, #tpu.memory_space<hbm>>
      tpu.enqueue_dma source(%dma_start3A_46 : memref<2000xi32, #tpu.memory_space<hbm>>) target(%arg7 : memref<2000xi32, #tpu.memory_space<vmem>>) target_semaphore(%run_scoped3A : memref<!tpu.dma_semaphore, #tpu.memory_space<semaphore_mem>>)
      %dma_wait3A_47 = tpu.memref_slice %arg4[%add3A_6] : memref<320000xi32, #tpu.memory_space<hbm>> -> memref<2000xi32, #tpu.memory_space<hbm>>
      %dma_wait3A_48 = tpu.memref_slice %arg4[%add3A_6] : memref<320000xi32, #tpu.memory_space<hbm>> -> memref<2000xi32, #tpu.memory_space<hbm>>
      tpu.wait_dma2 semaphore(%run_scoped3A : memref<!tpu.dma_semaphore, #tpu.memory_space<semaphore_mem>>) src(%dma_wait3A_48 : memref<2000xi32, #tpu.memory_space<hbm>>) dst(%arg7 : memref<2000xi32, #tpu.memory_space<vmem>>)
      tpu.yield
    }) : () -> ()
    %dma_start3A = arith.constant 0 : i32
    %dma_start3A_7 = tpu.memref_slice %arg6[%dma_start3A] : memref<2000xi32, #tpu.memory_space<vmem>> -> memref<80xi32, #tpu.memory_space<vmem>>
    %dma_start3A_8 = arith.constant 0 : i32
    %dma_start3A_9 = arith.constant 0 : i32
    %dma_start3A_10 = tpu.memref_slice %arg2[%dma_start3A_8, %dma_start3A_9] : memref<10000x128xf32, #tpu.memory_space<hbm>> -> memref<10000x128xf32, #tpu.memory_space<hbm>>
    tpu.enqueue_indirect_dma source(%dma_start3A_10 : memref<10000x128xf32, #tpu.memory_space<hbm>>) target(%arg8 : memref<80x128xf32, #tpu.memory_space<vmem>>) offsets(%dma_start3A_7 : memref<80xi32, #tpu.memory_space<vmem>>) semaphore(%arg16 : memref<!tpu.dma_semaphore, #tpu.memory_space<semaphore_mem>>)
    %dma_start3A_11 = arith.constant 0 : i32
    %dma_start3A_12 = tpu.memref_slice %arg7[%dma_start3A_11] : memref<2000xi32, #tpu.memory_space<vmem>> -> memref<80xi32, #tpu.memory_space<vmem>>
    %dma_start3A_13 = arith.constant 0 : i32
    %dma_start3A_14 = arith.constant 0 : i32
    %dma_start3A_15 = tpu.memref_slice %arg2[%dma_start3A_13, %dma_start3A_14] : memref<10000x128xf32, #tpu.memory_space<hbm>> -> memref<10000x128xf32, #tpu.memory_space<hbm>>
    tpu.enqueue_indirect_dma source(%dma_start3A_15 : memref<10000x128xf32, #tpu.memory_space<hbm>>) target(%arg12 : memref<80x128xf32, #tpu.memory_space<vmem>>) offsets(%dma_start3A_12 : memref<80xi32, #tpu.memory_space<vmem>>) semaphore(%arg20 : memref<!tpu.dma_semaphore, #tpu.memory_space<semaphore_mem>>)
    %dma_start3A_16 = arith.constant 80 : i32
    %dma_start3A_17 = tpu.memref_slice %arg6[%dma_start3A_16] : memref<2000xi32, #tpu.memory_space<vmem>> -> memref<80xi32, #tpu.memory_space<vmem>>
    %dma_start3A_18 = arith.constant 0 : i32
    %dma_start3A_19 = arith.constant 0 : i32
    %dma_start3A_20 = tpu.memref_slice %arg2[%dma_start3A_18, %dma_start3A_19] : memref<10000x128xf32, #tpu.memory_space<hbm>> -> memref<10000x128xf32, #tpu.memory_space<hbm>>
    tpu.enqueue_indirect_dma source(%dma_start3A_20 : memref<10000x128xf32, #tpu.memory_space<hbm>>) target(%arg9 : memref<80x128xf32, #tpu.memory_space<vmem>>) offsets(%dma_start3A_17 : memref<80xi32, #tpu.memory_space<vmem>>) semaphore(%arg17 : memref<!tpu.dma_semaphore, #tpu.memory_space<semaphore_mem>>)
    %dma_start3A_21 = arith.constant 80 : i32
    %dma_start3A_22 = tpu.memref_slice %arg7[%dma_start3A_21] : memref<2000xi32, #tpu.memory_space<vmem>> -> memref<80xi32, #tpu.memory_space<vmem>>
    %dma_start3A_23 = arith.constant 0 : i32
    %dma_start3A_24 = arith.constant 0 : i32
    %dma_start3A_25 = tpu.memref_slice %arg2[%dma_start3A_23, %dma_start3A_24] : memref<10000x128xf32, #tpu.memory_space<hbm>> -> memref<10000x128xf32, #tpu.memory_space<hbm>>
    tpu.enqueue_indirect_dma source(%dma_start3A_25 : memref<10000x128xf32, #tpu.memory_space<hbm>>) target(%arg13 : memref<80x128xf32, #tpu.memory_space<vmem>>) offsets(%dma_start3A_22 : memref<80xi32, #tpu.memory_space<vmem>>) semaphore(%arg21 : memref<!tpu.dma_semaphore, #tpu.memory_space<semaphore_mem>>)
    %scan3A = arith.constant 0 : i32
    %scan3A_26 = arith.constant 7 : i32
    %scan3A_27 = arith.addi %scan3A, %scan3A_26 : i32
    %scan3A_28 = arith.constant 1 : i32
    scf.for %scan3A_45 = %scan3A to %scan3A_27 step %scan3A_28  : i32 {
      %mul3A_46 = arith.constant 1 : i32
      %mul3A_47 = arith.muli %scan3A_45, %mul3A_46 : i32
      %add3A_48 = arith.constant 0 : i32
      %add3A_49 = arith.addi %add3A_48, %mul3A_47 : i32
      %mul3A_50 = arith.constant 4 : i32
      %mul3A_51 = arith.muli %add3A_49, %mul3A_50 : i32
      %add3A_52 = arith.constant 0 : i32
      %add3A_53 = arith.addi %mul3A_51, %add3A_52 : i32
      %lt3A = arith.constant 25 : i32
      %lt3A_54 = arith.cmpi slt, %add3A_53, %lt3A : i32
      %convert_element_type3A = arith.extui %lt3A_54 : i1 to i32
      %cond3A = arith.constant 0 : i32
      %cond3A_55 = arith.cmpi ne, %convert_element_type3A, %cond3A : i32
      scf.if %cond3A_55 {
        %ge3A = arith.constant 2 : i32
        %ge3A_83 = arith.cmpi sge, %add3A_53, %ge3A : i32
        %convert_element_type3A_84 = arith.extui %ge3A_83 : i1 to i32
        %cond3A_85 = arith.constant 0 : i32
        %cond3A_86 = arith.cmpi ne, %convert_element_type3A_84, %cond3A_85 : i32
        scf.if %cond3A_86 {
          %dma_wait3A_118 = arith.constant 0 : i32
          %dma_wait3A_119 = tpu.memref_slice %arg5[%mul3A_2, %dma_wait3A_118] : memref<64000x256xf32, #tpu.memory_space<hbm>> -> memref<80x128xf32, #tpu.memory_space<hbm>>
          %dma_wait3A_120 = arith.constant 0 : i32
          %dma_wait3A_121 = tpu.memref_slice %arg5[%mul3A_2, %dma_wait3A_120] : memref<64000x256xf32, #tpu.memory_space<hbm>> -> memref<80x128xf32, #tpu.memory_space<hbm>>
          tpu.wait_dma2 semaphore(%arg26 : memref<!tpu.dma_semaphore, #tpu.memory_space<semaphore_mem>>) src(%arg10 : memref<80x128xf32, #tpu.memory_space<vmem>>) dst(%dma_wait3A_121 : memref<80x128xf32, #tpu.memory_space<hbm>>)
          %dma_wait3A_122 = arith.constant 128 : i32
          %dma_wait3A_123 = tpu.memref_slice %arg5[%mul3A_2, %dma_wait3A_122] : memref<64000x256xf32, #tpu.memory_space<hbm>> -> memref<80x128xf32, #tpu.memory_space<hbm>>
          %dma_wait3A_124 = arith.constant 128 : i32
          %dma_wait3A_125 = tpu.memref_slice %arg5[%mul3A_2, %dma_wait3A_124] : memref<64000x256xf32, #tpu.memory_space<hbm>> -> memref<80x128xf32, #tpu.memory_space<hbm>>
          tpu.wait_dma2 semaphore(%arg30 : memref<!tpu.dma_semaphore, #tpu.memory_space<semaphore_mem>>) src(%arg14 : memref<80x128xf32, #tpu.memory_space<vmem>>) dst(%dma_wait3A_125 : memref<80x128xf32, #tpu.memory_space<hbm>>)
        } else {
        }
        %add3A_87 = arith.constant 2 : i32
        %add3A_88 = arith.addi %add3A_53, %add3A_87 : i32
        %lt3A_89 = arith.constant 25 : i32
        %lt3A_90 = arith.cmpi slt, %add3A_88, %lt3A_89 : i32
        %convert_element_type3A_91 = arith.extui %lt3A_90 : i1 to i32
        %cond3A_92 = arith.constant 0 : i32
        %cond3A_93 = arith.cmpi ne, %convert_element_type3A_91, %cond3A_92 : i32
        scf.if %cond3A_93 {
          %add3A_118 = arith.constant 2 : i32
          %add3A_119 = arith.addi %add3A_53, %add3A_118 : i32
          %mul3A_120 = arith.constant 80 : i32
          %mul3A_121 = arith.muli %add3A_119, %mul3A_120 : i32
          %dma_start3A_122 = tpu.memref_slice %arg6[%mul3A_121] : memref<2000xi32, #tpu.memory_space<vmem>> -> memref<80xi32, #tpu.memory_space<vmem>>
          %dma_start3A_123 = arith.constant 0 : i32
          %dma_start3A_124 = arith.constant 0 : i32
          %dma_start3A_125 = tpu.memref_slice %arg2[%dma_start3A_123, %dma_start3A_124] : memref<10000x128xf32, #tpu.memory_space<hbm>> -> memref<10000x128xf32, #tpu.memory_space<hbm>>
          tpu.enqueue_indirect_dma source(%dma_start3A_125 : memref<10000x128xf32, #tpu.memory_space<hbm>>) target(%arg10 : memref<80x128xf32, #tpu.memory_space<vmem>>) offsets(%dma_start3A_122 : memref<80xi32, #tpu.memory_space<vmem>>) semaphore(%arg18 : memref<!tpu.dma_semaphore, #tpu.memory_space<semaphore_mem>>)
          %dma_start3A_126 = tpu.memref_slice %arg7[%mul3A_121] : memref<2000xi32, #tpu.memory_space<vmem>> -> memref<80xi32, #tpu.memory_space<vmem>>
          %dma_start3A_127 = arith.constant 0 : i32
          %dma_start3A_128 = arith.constant 0 : i32
          %dma_start3A_129 = tpu.memref_slice %arg2[%dma_start3A_127, %dma_start3A_128] : memref<10000x128xf32, #tpu.memory_space<hbm>> -> memref<10000x128xf32, #tpu.memory_space<hbm>>
          tpu.enqueue_indirect_dma source(%dma_start3A_129 : memref<10000x128xf32, #tpu.memory_space<hbm>>) target(%arg14 : memref<80x128xf32, #tpu.memory_space<vmem>>) offsets(%dma_start3A_126 : memref<80xi32, #tpu.memory_space<vmem>>) semaphore(%arg22 : memref<!tpu.dma_semaphore, #tpu.memory_space<semaphore_mem>>)
        } else {
        }
        %dma_wait3A_94 = arith.constant 0 : i32
        %dma_wait3A_95 = arith.constant 0 : i32
        %dma_wait3A_96 = tpu.memref_slice %arg2[%dma_wait3A_94, %dma_wait3A_95] : memref<10000x128xf32, #tpu.memory_space<hbm>> -> memref<80x128xf32, #tpu.memory_space<hbm>>
        %dma_wait3A_97 = arith.constant 0 : i32
        %dma_wait3A_98 = arith.constant 0 : i32
        %dma_wait3A_99 = tpu.memref_slice %arg2[%dma_wait3A_97, %dma_wait3A_98] : memref<10000x128xf32, #tpu.memory_space<hbm>> -> memref<80x128xf32, #tpu.memory_space<hbm>>
        tpu.wait_dma2 semaphore(%arg16 : memref<!tpu.dma_semaphore, #tpu.memory_space<semaphore_mem>>) src(%dma_wait3A_99 : memref<80x128xf32, #tpu.memory_space<hbm>>) dst(%arg8 : memref<80x128xf32, #tpu.memory_space<vmem>>)
        %dma_wait3A_100 = arith.constant 0 : i32
        %dma_wait3A_101 = arith.constant 0 : i32
        %dma_wait3A_102 = tpu.memref_slice %arg2[%dma_wait3A_100, %dma_wait3A_101] : memref<10000x128xf32, #tpu.memory_space<hbm>> -> memref<80x128xf32, #tpu.memory_space<hbm>>
        %dma_wait3A_103 = arith.constant 0 : i32
        %dma_wait3A_104 = arith.constant 0 : i32
        %dma_wait3A_105 = tpu.memref_slice %arg2[%dma_wait3A_103, %dma_wait3A_104] : memref<10000x128xf32, #tpu.memory_space<hbm>> -> memref<80x128xf32, #tpu.memory_space<hbm>>
        tpu.wait_dma2 semaphore(%arg20 : memref<!tpu.dma_semaphore, #tpu.memory_space<semaphore_mem>>) src(%dma_wait3A_105 : memref<80x128xf32, #tpu.memory_space<hbm>>) dst(%arg12 : memref<80x128xf32, #tpu.memory_space<vmem>>)
        %mul3A_106 = arith.constant 80 : i32
        %mul3A_107 = arith.muli %add3A_53, %mul3A_106 : i32
        %add3A_108 = arith.addi %mul3A_2, %mul3A_107 : i32
        %dma_start3A_109 = arith.constant 0 : i32
        %dma_start3A_110 = tpu.memref_slice %arg5[%add3A_108, %dma_start3A_109] : memref<64000x256xf32, #tpu.memory_space<hbm>> -> memref<80x128xf32, #tpu.memory_space<hbm>>
        %dma_start3A_111 = arith.constant 0 : i32
        %dma_start3A_112 = tpu.memref_slice %arg5[%add3A_108, %dma_start3A_111] : memref<64000x256xf32, #tpu.memory_space<hbm>> -> memref<80x128xf32, #tpu.memory_space<hbm>>
        tpu.enqueue_dma source(%arg8 : memref<80x128xf32, #tpu.memory_space<vmem>>) target(%dma_start3A_112 : memref<80x128xf32, #tpu.memory_space<hbm>>) target_semaphore(%arg24 : memref<!tpu.dma_semaphore, #tpu.memory_space<semaphore_mem>>)
        %add3A_113 = arith.addi %mul3A_2, %mul3A_107 : i32
        %dma_start3A_114 = arith.constant 128 : i32
        %dma_start3A_115 = tpu.memref_slice %arg5[%add3A_113, %dma_start3A_114] : memref<64000x256xf32, #tpu.memory_space<hbm>> -> memref<80x128xf32, #tpu.memory_space<hbm>>
        %dma_start3A_116 = arith.constant 128 : i32
        %dma_start3A_117 = tpu.memref_slice %arg5[%add3A_113, %dma_start3A_116] : memref<64000x256xf32, #tpu.memory_space<hbm>> -> memref<80x128xf32, #tpu.memory_space<hbm>>
        tpu.enqueue_dma source(%arg12 : memref<80x128xf32, #tpu.memory_space<vmem>>) target(%dma_start3A_117 : memref<80x128xf32, #tpu.memory_space<hbm>>) target_semaphore(%arg28 : memref<!tpu.dma_semaphore, #tpu.memory_space<semaphore_mem>>)
      } else {
      }
      %mul3A_56 = arith.constant 4 : i32
      %mul3A_57 = arith.muli %add3A_49, %mul3A_56 : i32
      %add3A_58 = arith.constant 1 : i32
      %add3A_59 = arith.addi %mul3A_57, %add3A_58 : i32
      %lt3A_60 = arith.constant 25 : i32
      %lt3A_61 = arith.cmpi slt, %add3A_59, %lt3A_60 : i32
      %convert_element_type3A_62 = arith.extui %lt3A_61 : i1 to i32
      %cond3A_63 = arith.constant 0 : i32
      %cond3A_64 = arith.cmpi ne, %convert_element_type3A_62, %cond3A_63 : i32
      scf.if %cond3A_64 {
        %ge3A = arith.constant 2 : i32
        %ge3A_83 = arith.cmpi sge, %add3A_59, %ge3A : i32
        %convert_element_type3A_84 = arith.extui %ge3A_83 : i1 to i32
        %cond3A_85 = arith.constant 0 : i32
        %cond3A_86 = arith.cmpi ne, %convert_element_type3A_84, %cond3A_85 : i32
        scf.if %cond3A_86 {
          %dma_wait3A_118 = arith.constant 0 : i32
          %dma_wait3A_119 = tpu.memref_slice %arg5[%mul3A_2, %dma_wait3A_118] : memref<64000x256xf32, #tpu.memory_space<hbm>> -> memref<80x128xf32, #tpu.memory_space<hbm>>
          %dma_wait3A_120 = arith.constant 0 : i32
          %dma_wait3A_121 = tpu.memref_slice %arg5[%mul3A_2, %dma_wait3A_120] : memref<64000x256xf32, #tpu.memory_space<hbm>> -> memref<80x128xf32, #tpu.memory_space<hbm>>
          tpu.wait_dma2 semaphore(%arg27 : memref<!tpu.dma_semaphore, #tpu.memory_space<semaphore_mem>>) src(%arg11 : memref<80x128xf32, #tpu.memory_space<vmem>>) dst(%dma_wait3A_121 : memref<80x128xf32, #tpu.memory_space<hbm>>)
          %dma_wait3A_122 = arith.constant 128 : i32
          %dma_wait3A_123 = tpu.memref_slice %arg5[%mul3A_2, %dma_wait3A_122] : memref<64000x256xf32, #tpu.memory_space<hbm>> -> memref<80x128xf32, #tpu.memory_space<hbm>>
          %dma_wait3A_124 = arith.constant 128 : i32
          %dma_wait3A_125 = tpu.memref_slice %arg5[%mul3A_2, %dma_wait3A_124] : memref<64000x256xf32, #tpu.memory_space<hbm>> -> memref<80x128xf32, #tpu.memory_space<hbm>>
          tpu.wait_dma2 semaphore(%arg31 : memref<!tpu.dma_semaphore, #tpu.memory_space<semaphore_mem>>) src(%arg15 : memref<80x128xf32, #tpu.memory_space<vmem>>) dst(%dma_wait3A_125 : memref<80x128xf32, #tpu.memory_space<hbm>>)
        } else {
        }
        %add3A_87 = arith.constant 2 : i32
        %add3A_88 = arith.addi %add3A_59, %add3A_87 : i32
        %lt3A_89 = arith.constant 25 : i32
        %lt3A_90 = arith.cmpi slt, %add3A_88, %lt3A_89 : i32
        %convert_element_type3A_91 = arith.extui %lt3A_90 : i1 to i32
        %cond3A_92 = arith.constant 0 : i32
        %cond3A_93 = arith.cmpi ne, %convert_element_type3A_91, %cond3A_92 : i32
        scf.if %cond3A_93 {
          %add3A_118 = arith.constant 2 : i32
          %add3A_119 = arith.addi %add3A_59, %add3A_118 : i32
          %mul3A_120 = arith.constant 80 : i32
          %mul3A_121 = arith.muli %add3A_119, %mul3A_120 : i32
          %dma_start3A_122 = tpu.memref_slice %arg6[%mul3A_121] : memref<2000xi32, #tpu.memory_space<vmem>> -> memref<80xi32, #tpu.memory_space<vmem>>
          %dma_start3A_123 = arith.constant 0 : i32
          %dma_start3A_124 = arith.constant 0 : i32
          %dma_start3A_125 = tpu.memref_slice %arg2[%dma_start3A_123, %dma_start3A_124] : memref<10000x128xf32, #tpu.memory_space<hbm>> -> memref<10000x128xf32, #tpu.memory_space<hbm>>
          tpu.enqueue_indirect_dma source(%dma_start3A_125 : memref<10000x128xf32, #tpu.memory_space<hbm>>) target(%arg11 : memref<80x128xf32, #tpu.memory_space<vmem>>) offsets(%dma_start3A_122 : memref<80xi32, #tpu.memory_space<vmem>>) semaphore(%arg19 : memref<!tpu.dma_semaphore, #tpu.memory_space<semaphore_mem>>)
          %dma_start3A_126 = tpu.memref_slice %arg7[%mul3A_121] : memref<2000xi32, #tpu.memory_space<vmem>> -> memref<80xi32, #tpu.memory_space<vmem>>
          %dma_start3A_127 = arith.constant 0 : i32
          %dma_start3A_128 = arith.constant 0 : i32
          %dma_start3A_129 = tpu.memref_slice %arg2[%dma_start3A_127, %dma_start3A_128] : memref<10000x128xf32, #tpu.memory_space<hbm>> -> memref<10000x128xf32, #tpu.memory_space<hbm>>
          tpu.enqueue_indirect_dma source(%dma_start3A_129 : memref<10000x128xf32, #tpu.memory_space<hbm>>) target(%arg15 : memref<80x128xf32, #tpu.memory_space<vmem>>) offsets(%dma_start3A_126 : memref<80xi32, #tpu.memory_space<vmem>>) semaphore(%arg23 : memref<!tpu.dma_semaphore, #tpu.memory_space<semaphore_mem>>)
        } else {
        }
        %dma_wait3A_94 = arith.constant 0 : i32
        %dma_wait3A_95 = arith.constant 0 : i32
        %dma_wait3A_96 = tpu.memref_slice %arg2[%dma_wait3A_94, %dma_wait3A_95] : memref<10000x128xf32, #tpu.memory_space<hbm>> -> memref<80x128xf32, #tpu.memory_space<hbm>>
        %dma_wait3A_97 = arith.constant 0 : i32
        %dma_wait3A_98 = arith.constant 0 : i32
        %dma_wait3A_99 = tpu.memref_slice %arg2[%dma_wait3A_97, %dma_wait3A_98] : memref<10000x128xf32, #tpu.memory_space<hbm>> -> memref<80x128xf32, #tpu.memory_space<hbm>>
        tpu.wait_dma2 semaphore(%arg17 : memref<!tpu.dma_semaphore, #tpu.memory_space<semaphore_mem>>) src(%dma_wait3A_99 : memref<80x128xf32, #tpu.memory_space<hbm>>) dst(%arg9 : memref<80x128xf32, #tpu.memory_space<vmem>>)
        %dma_wait3A_100 = arith.constant 0 : i32
        %dma_wait3A_101 = arith.constant 0 : i32
        %dma_wait3A_102 = tpu.memref_slice %arg2[%dma_wait3A_100, %dma_wait3A_101] : memref<10000x128xf32, #tpu.memory_space<hbm>> -> memref<80x128xf32, #tpu.memory_space<hbm>>
        %dma_wait3A_103 = arith.constant 0 : i32
        %dma_wait3A_104 = arith.constant 0 : i32
        %dma_wait3A_105 = tpu.memref_slice %arg2[%dma_wait3A_103, %dma_wait3A_104] : memref<10000x128xf32, #tpu.memory_space<hbm>> -> memref<80x128xf32, #tpu.memory_space<hbm>>
        tpu.wait_dma2 semaphore(%arg21 : memref<!tpu.dma_semaphore, #tpu.memory_space<semaphore_mem>>) src(%dma_wait3A_105 : memref<80x128xf32, #tpu.memory_space<hbm>>) dst(%arg13 : memref<80x128xf32, #tpu.memory_space<vmem>>)
        %mul3A_106 = arith.constant 80 : i32
        %mul3A_107 = arith.muli %add3A_59, %mul3A_106 : i32
        %add3A_108 = arith.addi %mul3A_2, %mul3A_107 : i32
        %dma_start3A_109 = arith.constant 0 : i32
        %dma_start3A_110 = tpu.memref_slice %arg5[%add3A_108, %dma_start3A_109] : memref<64000x256xf32, #tpu.memory_space<hbm>> -> memref<80x128xf32, #tpu.memory_space<hbm>>
        %dma_start3A_111 = arith.constant 0 : i32
        %dma_start3A_112 = tpu.memref_slice %arg5[%add3A_108, %dma_start3A_111] : memref<64000x256xf32, #tpu.memory_space<hbm>> -> memref<80x128xf32, #tpu.memory_space<hbm>>
        tpu.enqueue_dma source(%arg9 : memref<80x128xf32, #tpu.memory_space<vmem>>) target(%dma_start3A_112 : memref<80x128xf32, #tpu.memory_space<hbm>>) target_semaphore(%arg25 : memref<!tpu.dma_semaphore, #tpu.memory_space<semaphore_mem>>)
        %add3A_113 = arith.addi %mul3A_2, %mul3A_107 : i32
        %dma_start3A_114 = arith.constant 128 : i32
        %dma_start3A_115 = tpu.memref_slice %arg5[%add3A_113, %dma_start3A_114] : memref<64000x256xf32, #tpu.memory_space<hbm>> -> memref<80x128xf32, #tpu.memory_space<hbm>>
        %dma_start3A_116 = arith.constant 128 : i32
        %dma_start3A_117 = tpu.memref_slice %arg5[%add3A_113, %dma_start3A_116] : memref<64000x256xf32, #tpu.memory_space<hbm>> -> memref<80x128xf32, #tpu.memory_space<hbm>>
        tpu.enqueue_dma source(%arg13 : memref<80x128xf32, #tpu.memory_space<vmem>>) target(%dma_start3A_117 : memref<80x128xf32, #tpu.memory_space<hbm>>) target_semaphore(%arg29 : memref<!tpu.dma_semaphore, #tpu.memory_space<semaphore_mem>>)
      } else {
      }
      %mul3A_65 = arith.constant 4 : i32
      %mul3A_66 = arith.muli %add3A_49, %mul3A_65 : i32
      %add3A_67 = arith.constant 2 : i32
      %add3A_68 = arith.addi %mul3A_66, %add3A_67 : i32
      %lt3A_69 = arith.constant 25 : i32
      %lt3A_70 = arith.cmpi slt, %add3A_68, %lt3A_69 : i32
      %convert_element_type3A_71 = arith.extui %lt3A_70 : i1 to i32
      %cond3A_72 = arith.constant 0 : i32
      %cond3A_73 = arith.cmpi ne, %convert_element_type3A_71, %cond3A_72 : i32
      scf.if %cond3A_73 {
        %ge3A = arith.constant 2 : i32
        %ge3A_83 = arith.cmpi sge, %add3A_68, %ge3A : i32
        %convert_element_type3A_84 = arith.extui %ge3A_83 : i1 to i32
        %cond3A_85 = arith.constant 0 : i32
        %cond3A_86 = arith.cmpi ne, %convert_element_type3A_84, %cond3A_85 : i32
        scf.if %cond3A_86 {
          %dma_wait3A_118 = arith.constant 0 : i32
          %dma_wait3A_119 = tpu.memref_slice %arg5[%mul3A_2, %dma_wait3A_118] : memref<64000x256xf32, #tpu.memory_space<hbm>> -> memref<80x128xf32, #tpu.memory_space<hbm>>
          %dma_wait3A_120 = arith.constant 0 : i32
          %dma_wait3A_121 = tpu.memref_slice %arg5[%mul3A_2, %dma_wait3A_120] : memref<64000x256xf32, #tpu.memory_space<hbm>> -> memref<80x128xf32, #tpu.memory_space<hbm>>
          tpu.wait_dma2 semaphore(%arg24 : memref<!tpu.dma_semaphore, #tpu.memory_space<semaphore_mem>>) src(%arg8 : memref<80x128xf32, #tpu.memory_space<vmem>>) dst(%dma_wait3A_121 : memref<80x128xf32, #tpu.memory_space<hbm>>)
          %dma_wait3A_122 = arith.constant 128 : i32
          %dma_wait3A_123 = tpu.memref_slice %arg5[%mul3A_2, %dma_wait3A_122] : memref<64000x256xf32, #tpu.memory_space<hbm>> -> memref<80x128xf32, #tpu.memory_space<hbm>>
          %dma_wait3A_124 = arith.constant 128 : i32
          %dma_wait3A_125 = tpu.memref_slice %arg5[%mul3A_2, %dma_wait3A_124] : memref<64000x256xf32, #tpu.memory_space<hbm>> -> memref<80x128xf32, #tpu.memory_space<hbm>>
          tpu.wait_dma2 semaphore(%arg28 : memref<!tpu.dma_semaphore, #tpu.memory_space<semaphore_mem>>) src(%arg12 : memref<80x128xf32, #tpu.memory_space<vmem>>) dst(%dma_wait3A_125 : memref<80x128xf32, #tpu.memory_space<hbm>>)
        } else {
        }
        %add3A_87 = arith.constant 2 : i32
        %add3A_88 = arith.addi %add3A_68, %add3A_87 : i32
        %lt3A_89 = arith.constant 25 : i32
        %lt3A_90 = arith.cmpi slt, %add3A_88, %lt3A_89 : i32
        %convert_element_type3A_91 = arith.extui %lt3A_90 : i1 to i32
        %cond3A_92 = arith.constant 0 : i32
        %cond3A_93 = arith.cmpi ne, %convert_element_type3A_91, %cond3A_92 : i32
        scf.if %cond3A_93 {
          %add3A_118 = arith.constant 2 : i32
          %add3A_119 = arith.addi %add3A_68, %add3A_118 : i32
          %mul3A_120 = arith.constant 80 : i32
          %mul3A_121 = arith.muli %add3A_119, %mul3A_120 : i32
          %dma_start3A_122 = tpu.memref_slice %arg6[%mul3A_121] : memref<2000xi32, #tpu.memory_space<vmem>> -> memref<80xi32, #tpu.memory_space<vmem>>
          %dma_start3A_123 = arith.constant 0 : i32
          %dma_start3A_124 = arith.constant 0 : i32
          %dma_start3A_125 = tpu.memref_slice %arg2[%dma_start3A_123, %dma_start3A_124] : memref<10000x128xf32, #tpu.memory_space<hbm>> -> memref<10000x128xf32, #tpu.memory_space<hbm>>
          tpu.enqueue_indirect_dma source(%dma_start3A_125 : memref<10000x128xf32, #tpu.memory_space<hbm>>) target(%arg8 : memref<80x128xf32, #tpu.memory_space<vmem>>) offsets(%dma_start3A_122 : memref<80xi32, #tpu.memory_space<vmem>>) semaphore(%arg16 : memref<!tpu.dma_semaphore, #tpu.memory_space<semaphore_mem>>)
          %dma_start3A_126 = tpu.memref_slice %arg7[%mul3A_121] : memref<2000xi32, #tpu.memory_space<vmem>> -> memref<80xi32, #tpu.memory_space<vmem>>
          %dma_start3A_127 = arith.constant 0 : i32
          %dma_start3A_128 = arith.constant 0 : i32
          %dma_start3A_129 = tpu.memref_slice %arg2[%dma_start3A_127, %dma_start3A_128] : memref<10000x128xf32, #tpu.memory_space<hbm>> -> memref<10000x128xf32, #tpu.memory_space<hbm>>
          tpu.enqueue_indirect_dma source(%dma_start3A_129 : memref<10000x128xf32, #tpu.memory_space<hbm>>) target(%arg12 : memref<80x128xf32, #tpu.memory_space<vmem>>) offsets(%dma_start3A_126 : memref<80xi32, #tpu.memory_space<vmem>>) semaphore(%arg20 : memref<!tpu.dma_semaphore, #tpu.memory_space<semaphore_mem>>)
        } else {
        }
        %dma_wait3A_94 = arith.constant 0 : i32
        %dma_wait3A_95 = arith.constant 0 : i32
        %dma_wait3A_96 = tpu.memref_slice %arg2[%dma_wait3A_94, %dma_wait3A_95] : memref<10000x128xf32, #tpu.memory_space<hbm>> -> memref<80x128xf32, #tpu.memory_space<hbm>>
        %dma_wait3A_97 = arith.constant 0 : i32
        %dma_wait3A_98 = arith.constant 0 : i32
        %dma_wait3A_99 = tpu.memref_slice %arg2[%dma_wait3A_97, %dma_wait3A_98] : memref<10000x128xf32, #tpu.memory_space<hbm>> -> memref<80x128xf32, #tpu.memory_space<hbm>>
        tpu.wait_dma2 semaphore(%arg18 : memref<!tpu.dma_semaphore, #tpu.memory_space<semaphore_mem>>) src(%dma_wait3A_99 : memref<80x128xf32, #tpu.memory_space<hbm>>) dst(%arg10 : memref<80x128xf32, #tpu.memory_space<vmem>>)
        %dma_wait3A_100 = arith.constant 0 : i32
        %dma_wait3A_101 = arith.constant 0 : i32
        %dma_wait3A_102 = tpu.memref_slice %arg2[%dma_wait3A_100, %dma_wait3A_101] : memref<10000x128xf32, #tpu.memory_space<hbm>> -> memref<80x128xf32, #tpu.memory_space<hbm>>
        %dma_wait3A_103 = arith.constant 0 : i32
        %dma_wait3A_104 = arith.constant 0 : i32
        %dma_wait3A_105 = tpu.memref_slice %arg2[%dma_wait3A_103, %dma_wait3A_104] : memref<10000x128xf32, #tpu.memory_space<hbm>> -> memref<80x128xf32, #tpu.memory_space<hbm>>
        tpu.wait_dma2 semaphore(%arg22 : memref<!tpu.dma_semaphore, #tpu.memory_space<semaphore_mem>>) src(%dma_wait3A_105 : memref<80x128xf32, #tpu.memory_space<hbm>>) dst(%arg14 : memref<80x128xf32, #tpu.memory_space<vmem>>)
        %mul3A_106 = arith.constant 80 : i32
        %mul3A_107 = arith.muli %add3A_68, %mul3A_106 : i32
        %add3A_108 = arith.addi %mul3A_2, %mul3A_107 : i32
        %dma_start3A_109 = arith.constant 0 : i32
        %dma_start3A_110 = tpu.memref_slice %arg5[%add3A_108, %dma_start3A_109] : memref<64000x256xf32, #tpu.memory_space<hbm>> -> memref<80x128xf32, #tpu.memory_space<hbm>>
        %dma_start3A_111 = arith.constant 0 : i32
        %dma_start3A_112 = tpu.memref_slice %arg5[%add3A_108, %dma_start3A_111] : memref<64000x256xf32, #tpu.memory_space<hbm>> -> memref<80x128xf32, #tpu.memory_space<hbm>>
        tpu.enqueue_dma source(%arg10 : memref<80x128xf32, #tpu.memory_space<vmem>>) target(%dma_start3A_112 : memref<80x128xf32, #tpu.memory_space<hbm>>) target_semaphore(%arg26 : memref<!tpu.dma_semaphore, #tpu.memory_space<semaphore_mem>>)
        %add3A_113 = arith.addi %mul3A_2, %mul3A_107 : i32
        %dma_start3A_114 = arith.constant 128 : i32
        %dma_start3A_115 = tpu.memref_slice %arg5[%add3A_113, %dma_start3A_114] : memref<64000x256xf32, #tpu.memory_space<hbm>> -> memref<80x128xf32, #tpu.memory_space<hbm>>
        %dma_start3A_116 = arith.constant 128 : i32
        %dma_start3A_117 = tpu.memref_slice %arg5[%add3A_113, %dma_start3A_116] : memref<64000x256xf32, #tpu.memory_space<hbm>> -> memref<80x128xf32, #tpu.memory_space<hbm>>
        tpu.enqueue_dma source(%arg14 : memref<80x128xf32, #tpu.memory_space<vmem>>) target(%dma_start3A_117 : memref<80x128xf32, #tpu.memory_space<hbm>>) target_semaphore(%arg30 : memref<!tpu.dma_semaphore, #tpu.memory_space<semaphore_mem>>)
      } else {
      }
      %mul3A_74 = arith.constant 4 : i32
      %mul3A_75 = arith.muli %add3A_49, %mul3A_74 : i32
      %add3A_76 = arith.constant 3 : i32
      %add3A_77 = arith.addi %mul3A_75, %add3A_76 : i32
      %lt3A_78 = arith.constant 25 : i32
      %lt3A_79 = arith.cmpi slt, %add3A_77, %lt3A_78 : i32
      %convert_element_type3A_80 = arith.extui %lt3A_79 : i1 to i32
      %cond3A_81 = arith.constant 0 : i32
      %cond3A_82 = arith.cmpi ne, %convert_element_type3A_80, %cond3A_81 : i32
      scf.if %cond3A_82 {
        %ge3A = arith.constant 2 : i32
        %ge3A_83 = arith.cmpi sge, %add3A_77, %ge3A : i32
        %convert_element_type3A_84 = arith.extui %ge3A_83 : i1 to i32
        %cond3A_85 = arith.constant 0 : i32
        %cond3A_86 = arith.cmpi ne, %convert_element_type3A_84, %cond3A_85 : i32
        scf.if %cond3A_86 {
          %dma_wait3A_118 = arith.constant 0 : i32
          %dma_wait3A_119 = tpu.memref_slice %arg5[%mul3A_2, %dma_wait3A_118] : memref<64000x256xf32, #tpu.memory_space<hbm>> -> memref<80x128xf32, #tpu.memory_space<hbm>>
          %dma_wait3A_120 = arith.constant 0 : i32
          %dma_wait3A_121 = tpu.memref_slice %arg5[%mul3A_2, %dma_wait3A_120] : memref<64000x256xf32, #tpu.memory_space<hbm>> -> memref<80x128xf32, #tpu.memory_space<hbm>>
          tpu.wait_dma2 semaphore(%arg25 : memref<!tpu.dma_semaphore, #tpu.memory_space<semaphore_mem>>) src(%arg9 : memref<80x128xf32, #tpu.memory_space<vmem>>) dst(%dma_wait3A_121 : memref<80x128xf32, #tpu.memory_space<hbm>>)
          %dma_wait3A_122 = arith.constant 128 : i32
          %dma_wait3A_123 = tpu.memref_slice %arg5[%mul3A_2, %dma_wait3A_122] : memref<64000x256xf32, #tpu.memory_space<hbm>> -> memref<80x128xf32, #tpu.memory_space<hbm>>
          %dma_wait3A_124 = arith.constant 128 : i32
          %dma_wait3A_125 = tpu.memref_slice %arg5[%mul3A_2, %dma_wait3A_124] : memref<64000x256xf32, #tpu.memory_space<hbm>> -> memref<80x128xf32, #tpu.memory_space<hbm>>
          tpu.wait_dma2 semaphore(%arg29 : memref<!tpu.dma_semaphore, #tpu.memory_space<semaphore_mem>>) src(%arg13 : memref<80x128xf32, #tpu.memory_space<vmem>>) dst(%dma_wait3A_125 : memref<80x128xf32, #tpu.memory_space<hbm>>)
        } else {
        }
        %add3A_87 = arith.constant 2 : i32
        %add3A_88 = arith.addi %add3A_77, %add3A_87 : i32
        %lt3A_89 = arith.constant 25 : i32
        %lt3A_90 = arith.cmpi slt, %add3A_88, %lt3A_89 : i32
        %convert_element_type3A_91 = arith.extui %lt3A_90 : i1 to i32
        %cond3A_92 = arith.constant 0 : i32
        %cond3A_93 = arith.cmpi ne, %convert_element_type3A_91, %cond3A_92 : i32
        scf.if %cond3A_93 {
          %add3A_118 = arith.constant 2 : i32
          %add3A_119 = arith.addi %add3A_77, %add3A_118 : i32
          %mul3A_120 = arith.constant 80 : i32
          %mul3A_121 = arith.muli %add3A_119, %mul3A_120 : i32
          %dma_start3A_122 = tpu.memref_slice %arg6[%mul3A_121] : memref<2000xi32, #tpu.memory_space<vmem>> -> memref<80xi32, #tpu.memory_space<vmem>>
          %dma_start3A_123 = arith.constant 0 : i32
          %dma_start3A_124 = arith.constant 0 : i32
          %dma_start3A_125 = tpu.memref_slice %arg2[%dma_start3A_123, %dma_start3A_124] : memref<10000x128xf32, #tpu.memory_space<hbm>> -> memref<10000x128xf32, #tpu.memory_space<hbm>>
          tpu.enqueue_indirect_dma source(%dma_start3A_125 : memref<10000x128xf32, #tpu.memory_space<hbm>>) target(%arg9 : memref<80x128xf32, #tpu.memory_space<vmem>>) offsets(%dma_start3A_122 : memref<80xi32, #tpu.memory_space<vmem>>) semaphore(%arg17 : memref<!tpu.dma_semaphore, #tpu.memory_space<semaphore_mem>>)
          %dma_start3A_126 = tpu.memref_slice %arg7[%mul3A_121] : memref<2000xi32, #tpu.memory_space<vmem>> -> memref<80xi32, #tpu.memory_space<vmem>>
          %dma_start3A_127 = arith.constant 0 : i32
          %dma_start3A_128 = arith.constant 0 : i32
          %dma_start3A_129 = tpu.memref_slice %arg2[%dma_start3A_127, %dma_start3A_128] : memref<10000x128xf32, #tpu.memory_space<hbm>> -> memref<10000x128xf32, #tpu.memory_space<hbm>>
          tpu.enqueue_indirect_dma source(%dma_start3A_129 : memref<10000x128xf32, #tpu.memory_space<hbm>>) target(%arg13 : memref<80x128xf32, #tpu.memory_space<vmem>>) offsets(%dma_start3A_126 : memref<80xi32, #tpu.memory_space<vmem>>) semaphore(%arg21 : memref<!tpu.dma_semaphore, #tpu.memory_space<semaphore_mem>>)
        } else {
        }
        %dma_wait3A_94 = arith.constant 0 : i32
        %dma_wait3A_95 = arith.constant 0 : i32
        %dma_wait3A_96 = tpu.memref_slice %arg2[%dma_wait3A_94, %dma_wait3A_95] : memref<10000x128xf32, #tpu.memory_space<hbm>> -> memref<80x128xf32, #tpu.memory_space<hbm>>
        %dma_wait3A_97 = arith.constant 0 : i32
        %dma_wait3A_98 = arith.constant 0 : i32
        %dma_wait3A_99 = tpu.memref_slice %arg2[%dma_wait3A_97, %dma_wait3A_98] : memref<10000x128xf32, #tpu.memory_space<hbm>> -> memref<80x128xf32, #tpu.memory_space<hbm>>
        tpu.wait_dma2 semaphore(%arg19 : memref<!tpu.dma_semaphore, #tpu.memory_space<semaphore_mem>>) src(%dma_wait3A_99 : memref<80x128xf32, #tpu.memory_space<hbm>>) dst(%arg11 : memref<80x128xf32, #tpu.memory_space<vmem>>)
        %dma_wait3A_100 = arith.constant 0 : i32
        %dma_wait3A_101 = arith.constant 0 : i32
        %dma_wait3A_102 = tpu.memref_slice %arg2[%dma_wait3A_100, %dma_wait3A_101] : memref<10000x128xf32, #tpu.memory_space<hbm>> -> memref<80x128xf32, #tpu.memory_space<hbm>>
        %dma_wait3A_103 = arith.constant 0 : i32
        %dma_wait3A_104 = arith.constant 0 : i32
        %dma_wait3A_105 = tpu.memref_slice %arg2[%dma_wait3A_103, %dma_wait3A_104] : memref<10000x128xf32, #tpu.memory_space<hbm>> -> memref<80x128xf32, #tpu.memory_space<hbm>>
        tpu.wait_dma2 semaphore(%arg23 : memref<!tpu.dma_semaphore, #tpu.memory_space<semaphore_mem>>) src(%dma_wait3A_105 : memref<80x128xf32, #tpu.memory_space<hbm>>) dst(%arg15 : memref<80x128xf32, #tpu.memory_space<vmem>>)
        %mul3A_106 = arith.constant 80 : i32
        %mul3A_107 = arith.muli %add3A_77, %mul3A_106 : i32
        %add3A_108 = arith.addi %mul3A_2, %mul3A_107 : i32
        %dma_start3A_109 = arith.constant 0 : i32
        %dma_start3A_110 = tpu.memref_slice %arg5[%add3A_108, %dma_start3A_109] : memref<64000x256xf32, #tpu.memory_space<hbm>> -> memref<80x128xf32, #tpu.memory_space<hbm>>
        %dma_start3A_111 = arith.constant 0 : i32
        %dma_start3A_112 = tpu.memref_slice %arg5[%add3A_108, %dma_start3A_111] : memref<64000x256xf32, #tpu.memory_space<hbm>> -> memref<80x128xf32, #tpu.memory_space<hbm>>
        tpu.enqueue_dma source(%arg11 : memref<80x128xf32, #tpu.memory_space<vmem>>) target(%dma_start3A_112 : memref<80x128xf32, #tpu.memory_space<hbm>>) target_semaphore(%arg27 : memref<!tpu.dma_semaphore, #tpu.memory_space<semaphore_mem>>)
        %add3A_113 = arith.addi %mul3A_2, %mul3A_107 : i32
        %dma_start3A_114 = arith.constant 128 : i32
        %dma_start3A_115 = tpu.memref_slice %arg5[%add3A_113, %dma_start3A_114] : memref<64000x256xf32, #tpu.memory_space<hbm>> -> memref<80x128xf32, #tpu.memory_space<hbm>>
        %dma_start3A_116 = arith.constant 128 : i32
        %dma_start3A_117 = tpu.memref_slice %arg5[%add3A_113, %dma_start3A_116] : memref<64000x256xf32, #tpu.memory_space<hbm>> -> memref<80x128xf32, #tpu.memory_space<hbm>>
        tpu.enqueue_dma source(%arg15 : memref<80x128xf32, #tpu.memory_space<vmem>>) target(%dma_start3A_117 : memref<80x128xf32, #tpu.memory_space<hbm>>) target_semaphore(%arg31 : memref<!tpu.dma_semaphore, #tpu.memory_space<semaphore_mem>>)
      } else {
      }
    }
    %scan3A_29 = arith.constant 7 : i32
    %dma_wait3A = arith.constant 0 : i32
    %dma_wait3A_30 = tpu.memref_slice %arg5[%mul3A_2, %dma_wait3A] : memref<64000x256xf32, #tpu.memory_space<hbm>> -> memref<80x128xf32, #tpu.memory_space<hbm>>
    %dma_wait3A_31 = arith.constant 0 : i32
    %dma_wait3A_32 = tpu.memref_slice %arg5[%mul3A_2, %dma_wait3A_31] : memref<64000x256xf32, #tpu.memory_space<hbm>> -> memref<80x128xf32, #tpu.memory_space<hbm>>
    tpu.wait_dma2 semaphore(%arg27 : memref<!tpu.dma_semaphore, #tpu.memory_space<semaphore_mem>>) src(%arg11 : memref<80x128xf32, #tpu.memory_space<vmem>>) dst(%dma_wait3A_32 : memref<80x128xf32, #tpu.memory_space<hbm>>)
    %dma_wait3A_33 = arith.constant 128 : i32
    %dma_wait3A_34 = tpu.memref_slice %arg5[%mul3A_2, %dma_wait3A_33] : memref<64000x256xf32, #tpu.memory_space<hbm>> -> memref<80x128xf32, #tpu.memory_space<hbm>>
    %dma_wait3A_35 = arith.constant 128 : i32
    %dma_wait3A_36 = tpu.memref_slice %arg5[%mul3A_2, %dma_wait3A_35] : memref<64000x256xf32, #tpu.memory_space<hbm>> -> memref<80x128xf32, #tpu.memory_space<hbm>>
    tpu.wait_dma2 semaphore(%arg31 : memref<!tpu.dma_semaphore, #tpu.memory_space<semaphore_mem>>) src(%arg15 : memref<80x128xf32, #tpu.memory_space<vmem>>) dst(%dma_wait3A_36 : memref<80x128xf32, #tpu.memory_space<hbm>>)
    %dma_wait3A_37 = arith.constant 0 : i32
    %dma_wait3A_38 = tpu.memref_slice %arg5[%mul3A_2, %dma_wait3A_37] : memref<64000x256xf32, #tpu.memory_space<hbm>> -> memref<80x128xf32, #tpu.memory_space<hbm>>
    %dma_wait3A_39 = arith.constant 0 : i32
    %dma_wait3A_40 = tpu.memref_slice %arg5[%mul3A_2, %dma_wait3A_39] : memref<64000x256xf32, #tpu.memory_space<hbm>> -> memref<80x128xf32, #tpu.memory_space<hbm>>
    tpu.wait_dma2 semaphore(%arg24 : memref<!tpu.dma_semaphore, #tpu.memory_space<semaphore_mem>>) src(%arg8 : memref<80x128xf32, #tpu.memory_space<vmem>>) dst(%dma_wait3A_40 : memref<80x128xf32, #tpu.memory_space<hbm>>)
    %dma_wait3A_41 = arith.constant 128 : i32
    %dma_wait3A_42 = tpu.memref_slice %arg5[%mul3A_2, %dma_wait3A_41] : memref<64000x256xf32, #tpu.memory_space<hbm>> -> memref<80x128xf32, #tpu.memory_space<hbm>>
    %dma_wait3A_43 = arith.constant 128 : i32
    %dma_wait3A_44 = tpu.memref_slice %arg5[%mul3A_2, %dma_wait3A_43] : memref<64000x256xf32, #tpu.memory_space<hbm>> -> memref<80x128xf32, #tpu.memory_space<hbm>>
    tpu.wait_dma2 semaphore(%arg28 : memref<!tpu.dma_semaphore, #tpu.memory_space<semaphore_mem>>) src(%arg12 : memref<80x128xf32, #tpu.memory_space<vmem>>) dst(%dma_wait3A_44 : memref<80x128xf32, #tpu.memory_space<hbm>>)
    return
  }
}

#map = affine_map<(d0, d1) -> (0, 0)>
#map1 = affine_map<(d0, d1) -> (0)>
module attributes {stable_mosaic.version = 14 : i64} {
  func.func @k(%arg0: i32, %arg1: i32, %arg2: memref<10000x128xf32, #tpu.memory_space<hbm>>, %arg3: memref<320000xi32, #tpu.memory_space<hbm>>, %arg4: memref<320000xi32, #tpu.memory_space<hbm>>, %arg5: memref<64000x256xf32, #tpu.memory_space<hbm>>, %arg6: memref<2000xi32, #tpu.memory_space<vmem>>, %arg7: memref<2000xi32, #tpu.memory_space<vmem>>, %arg8: memref<80x128xf32, #tpu.memory_space<vmem>>, %arg9: memref<80x128xf32, #tpu.memory_space<vmem>>, %arg10: memref<80x128xf32, #tpu.memory_space<vmem>>, %arg11: memref<80x128xf32, #tpu.memory_space<vmem>>, %arg12: memref<80x128xf32, #tpu.memory_space<vmem>>, %arg13: memref<80x128xf32, #tpu.memory_space<vmem>>, %arg14: memref<80x128xf32, #tpu.memory_space<vmem>>, %arg15: memref<80x128xf32, #tpu.memory_space<vmem>>, %arg16: memref<!tpu.dma_semaphore, #tpu.memory_space<semaphore_mem>>, %arg17: memref<!tpu.dma_semaphore, #tpu.memory_space<semaphore_mem>>, %arg18: memref<!tpu.dma_semaphore, #tpu.memory_space<semaphore_mem>>, %arg19: memref<!tpu.dma_semaphore, #tpu.memory_space<semaphore_mem>>, %arg20: memref<!tpu.dma_semaphore, #tpu.memory_space<semaphore_mem>>, %arg21: memref<!tpu.dma_semaphore, #tpu.memory_space<semaphore_mem>>, %arg22: memref<!tpu.dma_semaphore, #tpu.memory_space<semaphore_mem>>, %arg23: memref<!tpu.dma_semaphore, #tpu.memory_space<semaphore_mem>>, %arg24: memref<!tpu.dma_semaphore, #tpu.memory_space<semaphore_mem>>, %arg25: memref<!tpu.dma_semaphore, #tpu.memory_space<semaphore_mem>>, %arg26: memref<!tpu.dma_semaphore, #tpu.memory_space<semaphore_mem>>, %arg27: memref<!tpu.dma_semaphore, #tpu.memory_space<semaphore_mem>>, %arg28: memref<!tpu.dma_semaphore, #tpu.memory_space<semaphore_mem>>, %arg29: memref<!tpu.dma_semaphore, #tpu.memory_space<semaphore_mem>>, %arg30: memref<!tpu.dma_semaphore, #tpu.memory_space<semaphore_mem>>, %arg31: memref<!tpu.dma_semaphore, #tpu.memory_space<semaphore_mem>>) attributes {dimension_semantics = [#tpu.dimension_semantics<core_parallel>, #tpu.dimension_semantics<subcore_parallel>], iteration_bounds = array<i64: 2, 16>, scalar_prefetch = 0 : i64, scratch_operands = 26 : i64, tpu.core_type = #tpu.core_type<sc_vector_subcore>, window_params = [{transform_indices = #map}, {transform_indices = #map1}, {transform_indices = #map1}, {transform_indices = #map}]} {
    %mul3A = arith.constant 2 : i32
    %mul3A_0 = arith.muli %arg1, %mul3A : i32
    %add3A = arith.addi %mul3A_0, %arg0 : i32
    %mul3A_1 = arith.constant 2000 : i32
    %mul3A_2 = arith.muli %add3A, %mul3A_1 : i32
    %add3A_3 = arith.constant 96000 : i32
    %add3A_4 = arith.addi %add3A_3, %mul3A_2 : i32
    "tpu.region"() ({
      %run_scoped3A = tpu.sem_alloc : memref<!tpu.dma_semaphore, #tpu.memory_space<semaphore_mem>>
      %dma_start3A_45 = tpu.memref_slice %arg3[%add3A_4] : memref<320000xi32, #tpu.memory_space<hbm>> -> memref<2000xi32, #tpu.memory_space<hbm>>
      %dma_start3A_46 = tpu.memref_slice %arg3[%add3A_4] : memref<320000xi32, #tpu.memory_space<hbm>> -> memref<2000xi32, #tpu.memory_space<hbm>>
      tpu.enqueue_dma source(%dma_start3A_46 : memref<2000xi32, #tpu.memory_space<hbm>>) target(%arg6 : memref<2000xi32, #tpu.memory_space<vmem>>) target_semaphore(%run_scoped3A : memref<!tpu.dma_semaphore, #tpu.memory_space<semaphore_mem>>)
      %dma_wait3A_47 = tpu.memref_slice %arg3[%add3A_4] : memref<320000xi32, #tpu.memory_space<hbm>> -> memref<2000xi32, #tpu.memory_space<hbm>>
      %dma_wait3A_48 = tpu.memref_slice %arg3[%add3A_4] : memref<320000xi32, #tpu.memory_space<hbm>> -> memref<2000xi32, #tpu.memory_space<hbm>>
      tpu.wait_dma2 semaphore(%run_scoped3A : memref<!tpu.dma_semaphore, #tpu.memory_space<semaphore_mem>>) src(%dma_wait3A_48 : memref<2000xi32, #tpu.memory_space<hbm>>) dst(%arg6 : memref<2000xi32, #tpu.memory_space<vmem>>)
      tpu.yield
    }) : () -> ()
    %add3A_5 = arith.constant 96000 : i32
    %add3A_6 = arith.addi %add3A_5, %mul3A_2 : i32
    "tpu.region"() ({
      %run_scoped3A = tpu.sem_alloc : memref<!tpu.dma_semaphore, #tpu.memory_space<semaphore_mem>>
      %dma_start3A_45 = tpu.memref_slice %arg4[%add3A_6] : memref<320000xi32, #tpu.memory_space<hbm>> -> memref<2000xi32, #tpu.memory_space<hbm>>
      %dma_start3A_46 = tpu.memref_slice %arg4[%add3A_6] : memref<320000xi32, #tpu.memory_space<hbm>> -> memref<2000xi32, #tpu.memory_space<hbm>>
      tpu.enqueue_dma source(%dma_start3A_46 : memref<2000xi32, #tpu.memory_space<hbm>>) target(%arg7 : memref<2000xi32, #tpu.memory_space<vmem>>) target_semaphore(%run_scoped3A : memref<!tpu.dma_semaphore, #tpu.memory_space<semaphore_mem>>)
      %dma_wait3A_47 = tpu.memref_slice %arg4[%add3A_6] : memref<320000xi32, #tpu.memory_space<hbm>> -> memref<2000xi32, #tpu.memory_space<hbm>>
      %dma_wait3A_48 = tpu.memref_slice %arg4[%add3A_6] : memref<320000xi32, #tpu.memory_space<hbm>> -> memref<2000xi32, #tpu.memory_space<hbm>>
      tpu.wait_dma2 semaphore(%run_scoped3A : memref<!tpu.dma_semaphore, #tpu.memory_space<semaphore_mem>>) src(%dma_wait3A_48 : memref<2000xi32, #tpu.memory_space<hbm>>) dst(%arg7 : memref<2000xi32, #tpu.memory_space<vmem>>)
      tpu.yield
    }) : () -> ()
    %dma_start3A = arith.constant 0 : i32
    %dma_start3A_7 = tpu.memref_slice %arg6[%dma_start3A] : memref<2000xi32, #tpu.memory_space<vmem>> -> memref<80xi32, #tpu.memory_space<vmem>>
    %dma_start3A_8 = arith.constant 0 : i32
    %dma_start3A_9 = arith.constant 0 : i32
    %dma_start3A_10 = tpu.memref_slice %arg2[%dma_start3A_8, %dma_start3A_9] : memref<10000x128xf32, #tpu.memory_space<hbm>> -> memref<10000x128xf32, #tpu.memory_space<hbm>>
    tpu.enqueue_indirect_dma source(%dma_start3A_10 : memref<10000x128xf32, #tpu.memory_space<hbm>>) target(%arg8 : memref<80x128xf32, #tpu.memory_space<vmem>>) offsets(%dma_start3A_7 : memref<80xi32, #tpu.memory_space<vmem>>) semaphore(%arg16 : memref<!tpu.dma_semaphore, #tpu.memory_space<semaphore_mem>>)
    %dma_start3A_11 = arith.constant 0 : i32
    %dma_start3A_12 = tpu.memref_slice %arg7[%dma_start3A_11] : memref<2000xi32, #tpu.memory_space<vmem>> -> memref<80xi32, #tpu.memory_space<vmem>>
    %dma_start3A_13 = arith.constant 0 : i32
    %dma_start3A_14 = arith.constant 0 : i32
    %dma_start3A_15 = tpu.memref_slice %arg2[%dma_start3A_13, %dma_start3A_14] : memref<10000x128xf32, #tpu.memory_space<hbm>> -> memref<10000x128xf32, #tpu.memory_space<hbm>>
    tpu.enqueue_indirect_dma source(%dma_start3A_15 : memref<10000x128xf32, #tpu.memory_space<hbm>>) target(%arg12 : memref<80x128xf32, #tpu.memory_space<vmem>>) offsets(%dma_start3A_12 : memref<80xi32, #tpu.memory_space<vmem>>) semaphore(%arg20 : memref<!tpu.dma_semaphore, #tpu.memory_space<semaphore_mem>>)
    %dma_start3A_16 = arith.constant 80 : i32
    %dma_start3A_17 = tpu.memref_slice %arg6[%dma_start3A_16] : memref<2000xi32, #tpu.memory_space<vmem>> -> memref<80xi32, #tpu.memory_space<vmem>>
    %dma_start3A_18 = arith.constant 0 : i32
    %dma_start3A_19 = arith.constant 0 : i32
    %dma_start3A_20 = tpu.memref_slice %arg2[%dma_start3A_18, %dma_start3A_19] : memref<10000x128xf32, #tpu.memory_space<hbm>> -> memref<10000x128xf32, #tpu.memory_space<hbm>>
    tpu.enqueue_indirect_dma source(%dma_start3A_20 : memref<10000x128xf32, #tpu.memory_space<hbm>>) target(%arg9 : memref<80x128xf32, #tpu.memory_space<vmem>>) offsets(%dma_start3A_17 : memref<80xi32, #tpu.memory_space<vmem>>) semaphore(%arg17 : memref<!tpu.dma_semaphore, #tpu.memory_space<semaphore_mem>>)
    %dma_start3A_21 = arith.constant 80 : i32
    %dma_start3A_22 = tpu.memref_slice %arg7[%dma_start3A_21] : memref<2000xi32, #tpu.memory_space<vmem>> -> memref<80xi32, #tpu.memory_space<vmem>>
    %dma_start3A_23 = arith.constant 0 : i32
    %dma_start3A_24 = arith.constant 0 : i32
    %dma_start3A_25 = tpu.memref_slice %arg2[%dma_start3A_23, %dma_start3A_24] : memref<10000x128xf32, #tpu.memory_space<hbm>> -> memref<10000x128xf32, #tpu.memory_space<hbm>>
    tpu.enqueue_indirect_dma source(%dma_start3A_25 : memref<10000x128xf32, #tpu.memory_space<hbm>>) target(%arg13 : memref<80x128xf32, #tpu.memory_space<vmem>>) offsets(%dma_start3A_22 : memref<80xi32, #tpu.memory_space<vmem>>) semaphore(%arg21 : memref<!tpu.dma_semaphore, #tpu.memory_space<semaphore_mem>>)
    %scan3A = arith.constant 0 : i32
    %scan3A_26 = arith.constant 7 : i32
    %scan3A_27 = arith.addi %scan3A, %scan3A_26 : i32
    %scan3A_28 = arith.constant 1 : i32
    scf.for %scan3A_45 = %scan3A to %scan3A_27 step %scan3A_28  : i32 {
      %mul3A_46 = arith.constant 1 : i32
      %mul3A_47 = arith.muli %scan3A_45, %mul3A_46 : i32
      %add3A_48 = arith.constant 0 : i32
      %add3A_49 = arith.addi %add3A_48, %mul3A_47 : i32
      %mul3A_50 = arith.constant 4 : i32
      %mul3A_51 = arith.muli %add3A_49, %mul3A_50 : i32
      %add3A_52 = arith.constant 0 : i32
      %add3A_53 = arith.addi %mul3A_51, %add3A_52 : i32
      %lt3A = arith.constant 25 : i32
      %lt3A_54 = arith.cmpi slt, %add3A_53, %lt3A : i32
      %convert_element_type3A = arith.extui %lt3A_54 : i1 to i32
      %cond3A = arith.constant 0 : i32
      %cond3A_55 = arith.cmpi ne, %convert_element_type3A, %cond3A : i32
      scf.if %cond3A_55 {
        %ge3A = arith.constant 2 : i32
        %ge3A_83 = arith.cmpi sge, %add3A_53, %ge3A : i32
        %convert_element_type3A_84 = arith.extui %ge3A_83 : i1 to i32
        %cond3A_85 = arith.constant 0 : i32
        %cond3A_86 = arith.cmpi ne, %convert_element_type3A_84, %cond3A_85 : i32
        scf.if %cond3A_86 {
          %dma_wait3A_118 = arith.constant 0 : i32
          %dma_wait3A_119 = tpu.memref_slice %arg5[%mul3A_2, %dma_wait3A_118] : memref<64000x256xf32, #tpu.memory_space<hbm>> -> memref<80x128xf32, #tpu.memory_space<hbm>>
          %dma_wait3A_120 = arith.constant 0 : i32
          %dma_wait3A_121 = tpu.memref_slice %arg5[%mul3A_2, %dma_wait3A_120] : memref<64000x256xf32, #tpu.memory_space<hbm>> -> memref<80x128xf32, #tpu.memory_space<hbm>>
          tpu.wait_dma2 semaphore(%arg26 : memref<!tpu.dma_semaphore, #tpu.memory_space<semaphore_mem>>) src(%arg10 : memref<80x128xf32, #tpu.memory_space<vmem>>) dst(%dma_wait3A_121 : memref<80x128xf32, #tpu.memory_space<hbm>>)
          %dma_wait3A_122 = arith.constant 128 : i32
          %dma_wait3A_123 = tpu.memref_slice %arg5[%mul3A_2, %dma_wait3A_122] : memref<64000x256xf32, #tpu.memory_space<hbm>> -> memref<80x128xf32, #tpu.memory_space<hbm>>
          %dma_wait3A_124 = arith.constant 128 : i32
          %dma_wait3A_125 = tpu.memref_slice %arg5[%mul3A_2, %dma_wait3A_124] : memref<64000x256xf32, #tpu.memory_space<hbm>> -> memref<80x128xf32, #tpu.memory_space<hbm>>
          tpu.wait_dma2 semaphore(%arg30 : memref<!tpu.dma_semaphore, #tpu.memory_space<semaphore_mem>>) src(%arg14 : memref<80x128xf32, #tpu.memory_space<vmem>>) dst(%dma_wait3A_125 : memref<80x128xf32, #tpu.memory_space<hbm>>)
        } else {
        }
        %add3A_87 = arith.constant 2 : i32
        %add3A_88 = arith.addi %add3A_53, %add3A_87 : i32
        %lt3A_89 = arith.constant 25 : i32
        %lt3A_90 = arith.cmpi slt, %add3A_88, %lt3A_89 : i32
        %convert_element_type3A_91 = arith.extui %lt3A_90 : i1 to i32
        %cond3A_92 = arith.constant 0 : i32
        %cond3A_93 = arith.cmpi ne, %convert_element_type3A_91, %cond3A_92 : i32
        scf.if %cond3A_93 {
          %add3A_118 = arith.constant 2 : i32
          %add3A_119 = arith.addi %add3A_53, %add3A_118 : i32
          %mul3A_120 = arith.constant 80 : i32
          %mul3A_121 = arith.muli %add3A_119, %mul3A_120 : i32
          %dma_start3A_122 = tpu.memref_slice %arg6[%mul3A_121] : memref<2000xi32, #tpu.memory_space<vmem>> -> memref<80xi32, #tpu.memory_space<vmem>>
          %dma_start3A_123 = arith.constant 0 : i32
          %dma_start3A_124 = arith.constant 0 : i32
          %dma_start3A_125 = tpu.memref_slice %arg2[%dma_start3A_123, %dma_start3A_124] : memref<10000x128xf32, #tpu.memory_space<hbm>> -> memref<10000x128xf32, #tpu.memory_space<hbm>>
          tpu.enqueue_indirect_dma source(%dma_start3A_125 : memref<10000x128xf32, #tpu.memory_space<hbm>>) target(%arg10 : memref<80x128xf32, #tpu.memory_space<vmem>>) offsets(%dma_start3A_122 : memref<80xi32, #tpu.memory_space<vmem>>) semaphore(%arg18 : memref<!tpu.dma_semaphore, #tpu.memory_space<semaphore_mem>>)
          %dma_start3A_126 = tpu.memref_slice %arg7[%mul3A_121] : memref<2000xi32, #tpu.memory_space<vmem>> -> memref<80xi32, #tpu.memory_space<vmem>>
          %dma_start3A_127 = arith.constant 0 : i32
          %dma_start3A_128 = arith.constant 0 : i32
          %dma_start3A_129 = tpu.memref_slice %arg2[%dma_start3A_127, %dma_start3A_128] : memref<10000x128xf32, #tpu.memory_space<hbm>> -> memref<10000x128xf32, #tpu.memory_space<hbm>>
          tpu.enqueue_indirect_dma source(%dma_start3A_129 : memref<10000x128xf32, #tpu.memory_space<hbm>>) target(%arg14 : memref<80x128xf32, #tpu.memory_space<vmem>>) offsets(%dma_start3A_126 : memref<80xi32, #tpu.memory_space<vmem>>) semaphore(%arg22 : memref<!tpu.dma_semaphore, #tpu.memory_space<semaphore_mem>>)
        } else {
        }
        %dma_wait3A_94 = arith.constant 0 : i32
        %dma_wait3A_95 = arith.constant 0 : i32
        %dma_wait3A_96 = tpu.memref_slice %arg2[%dma_wait3A_94, %dma_wait3A_95] : memref<10000x128xf32, #tpu.memory_space<hbm>> -> memref<80x128xf32, #tpu.memory_space<hbm>>
        %dma_wait3A_97 = arith.constant 0 : i32
        %dma_wait3A_98 = arith.constant 0 : i32
        %dma_wait3A_99 = tpu.memref_slice %arg2[%dma_wait3A_97, %dma_wait3A_98] : memref<10000x128xf32, #tpu.memory_space<hbm>> -> memref<80x128xf32, #tpu.memory_space<hbm>>
        tpu.wait_dma2 semaphore(%arg16 : memref<!tpu.dma_semaphore, #tpu.memory_space<semaphore_mem>>) src(%dma_wait3A_99 : memref<80x128xf32, #tpu.memory_space<hbm>>) dst(%arg8 : memref<80x128xf32, #tpu.memory_space<vmem>>)
        %dma_wait3A_100 = arith.constant 0 : i32
        %dma_wait3A_101 = arith.constant 0 : i32
        %dma_wait3A_102 = tpu.memref_slice %arg2[%dma_wait3A_100, %dma_wait3A_101] : memref<10000x128xf32, #tpu.memory_space<hbm>> -> memref<80x128xf32, #tpu.memory_space<hbm>>
        %dma_wait3A_103 = arith.constant 0 : i32
        %dma_wait3A_104 = arith.constant 0 : i32
        %dma_wait3A_105 = tpu.memref_slice %arg2[%dma_wait3A_103, %dma_wait3A_104] : memref<10000x128xf32, #tpu.memory_space<hbm>> -> memref<80x128xf32, #tpu.memory_space<hbm>>
        tpu.wait_dma2 semaphore(%arg20 : memref<!tpu.dma_semaphore, #tpu.memory_space<semaphore_mem>>) src(%dma_wait3A_105 : memref<80x128xf32, #tpu.memory_space<hbm>>) dst(%arg12 : memref<80x128xf32, #tpu.memory_space<vmem>>)
        %mul3A_106 = arith.constant 80 : i32
        %mul3A_107 = arith.muli %add3A_53, %mul3A_106 : i32
        %add3A_108 = arith.addi %mul3A_2, %mul3A_107 : i32
        %dma_start3A_109 = arith.constant 0 : i32
        %dma_start3A_110 = tpu.memref_slice %arg5[%add3A_108, %dma_start3A_109] : memref<64000x256xf32, #tpu.memory_space<hbm>> -> memref<80x128xf32, #tpu.memory_space<hbm>>
        %dma_start3A_111 = arith.constant 0 : i32
        %dma_start3A_112 = tpu.memref_slice %arg5[%add3A_108, %dma_start3A_111] : memref<64000x256xf32, #tpu.memory_space<hbm>> -> memref<80x128xf32, #tpu.memory_space<hbm>>
        tpu.enqueue_dma source(%arg8 : memref<80x128xf32, #tpu.memory_space<vmem>>) target(%dma_start3A_112 : memref<80x128xf32, #tpu.memory_space<hbm>>) target_semaphore(%arg24 : memref<!tpu.dma_semaphore, #tpu.memory_space<semaphore_mem>>)
        %add3A_113 = arith.addi %mul3A_2, %mul3A_107 : i32
        %dma_start3A_114 = arith.constant 128 : i32
        %dma_start3A_115 = tpu.memref_slice %arg5[%add3A_113, %dma_start3A_114] : memref<64000x256xf32, #tpu.memory_space<hbm>> -> memref<80x128xf32, #tpu.memory_space<hbm>>
        %dma_start3A_116 = arith.constant 128 : i32
        %dma_start3A_117 = tpu.memref_slice %arg5[%add3A_113, %dma_start3A_116] : memref<64000x256xf32, #tpu.memory_space<hbm>> -> memref<80x128xf32, #tpu.memory_space<hbm>>
        tpu.enqueue_dma source(%arg12 : memref<80x128xf32, #tpu.memory_space<vmem>>) target(%dma_start3A_117 : memref<80x128xf32, #tpu.memory_space<hbm>>) target_semaphore(%arg28 : memref<!tpu.dma_semaphore, #tpu.memory_space<semaphore_mem>>)
      } else {
      }
      %mul3A_56 = arith.constant 4 : i32
      %mul3A_57 = arith.muli %add3A_49, %mul3A_56 : i32
      %add3A_58 = arith.constant 1 : i32
      %add3A_59 = arith.addi %mul3A_57, %add3A_58 : i32
      %lt3A_60 = arith.constant 25 : i32
      %lt3A_61 = arith.cmpi slt, %add3A_59, %lt3A_60 : i32
      %convert_element_type3A_62 = arith.extui %lt3A_61 : i1 to i32
      %cond3A_63 = arith.constant 0 : i32
      %cond3A_64 = arith.cmpi ne, %convert_element_type3A_62, %cond3A_63 : i32
      scf.if %cond3A_64 {
        %ge3A = arith.constant 2 : i32
        %ge3A_83 = arith.cmpi sge, %add3A_59, %ge3A : i32
        %convert_element_type3A_84 = arith.extui %ge3A_83 : i1 to i32
        %cond3A_85 = arith.constant 0 : i32
        %cond3A_86 = arith.cmpi ne, %convert_element_type3A_84, %cond3A_85 : i32
        scf.if %cond3A_86 {
          %dma_wait3A_118 = arith.constant 0 : i32
          %dma_wait3A_119 = tpu.memref_slice %arg5[%mul3A_2, %dma_wait3A_118] : memref<64000x256xf32, #tpu.memory_space<hbm>> -> memref<80x128xf32, #tpu.memory_space<hbm>>
          %dma_wait3A_120 = arith.constant 0 : i32
          %dma_wait3A_121 = tpu.memref_slice %arg5[%mul3A_2, %dma_wait3A_120] : memref<64000x256xf32, #tpu.memory_space<hbm>> -> memref<80x128xf32, #tpu.memory_space<hbm>>
          tpu.wait_dma2 semaphore(%arg27 : memref<!tpu.dma_semaphore, #tpu.memory_space<semaphore_mem>>) src(%arg11 : memref<80x128xf32, #tpu.memory_space<vmem>>) dst(%dma_wait3A_121 : memref<80x128xf32, #tpu.memory_space<hbm>>)
          %dma_wait3A_122 = arith.constant 128 : i32
          %dma_wait3A_123 = tpu.memref_slice %arg5[%mul3A_2, %dma_wait3A_122] : memref<64000x256xf32, #tpu.memory_space<hbm>> -> memref<80x128xf32, #tpu.memory_space<hbm>>
          %dma_wait3A_124 = arith.constant 128 : i32
          %dma_wait3A_125 = tpu.memref_slice %arg5[%mul3A_2, %dma_wait3A_124] : memref<64000x256xf32, #tpu.memory_space<hbm>> -> memref<80x128xf32, #tpu.memory_space<hbm>>
          tpu.wait_dma2 semaphore(%arg31 : memref<!tpu.dma_semaphore, #tpu.memory_space<semaphore_mem>>) src(%arg15 : memref<80x128xf32, #tpu.memory_space<vmem>>) dst(%dma_wait3A_125 : memref<80x128xf32, #tpu.memory_space<hbm>>)
        } else {
        }
        %add3A_87 = arith.constant 2 : i32
        %add3A_88 = arith.addi %add3A_59, %add3A_87 : i32
        %lt3A_89 = arith.constant 25 : i32
        %lt3A_90 = arith.cmpi slt, %add3A_88, %lt3A_89 : i32
        %convert_element_type3A_91 = arith.extui %lt3A_90 : i1 to i32
        %cond3A_92 = arith.constant 0 : i32
        %cond3A_93 = arith.cmpi ne, %convert_element_type3A_91, %cond3A_92 : i32
        scf.if %cond3A_93 {
          %add3A_118 = arith.constant 2 : i32
          %add3A_119 = arith.addi %add3A_59, %add3A_118 : i32
          %mul3A_120 = arith.constant 80 : i32
          %mul3A_121 = arith.muli %add3A_119, %mul3A_120 : i32
          %dma_start3A_122 = tpu.memref_slice %arg6[%mul3A_121] : memref<2000xi32, #tpu.memory_space<vmem>> -> memref<80xi32, #tpu.memory_space<vmem>>
          %dma_start3A_123 = arith.constant 0 : i32
          %dma_start3A_124 = arith.constant 0 : i32
          %dma_start3A_125 = tpu.memref_slice %arg2[%dma_start3A_123, %dma_start3A_124] : memref<10000x128xf32, #tpu.memory_space<hbm>> -> memref<10000x128xf32, #tpu.memory_space<hbm>>
          tpu.enqueue_indirect_dma source(%dma_start3A_125 : memref<10000x128xf32, #tpu.memory_space<hbm>>) target(%arg11 : memref<80x128xf32, #tpu.memory_space<vmem>>) offsets(%dma_start3A_122 : memref<80xi32, #tpu.memory_space<vmem>>) semaphore(%arg19 : memref<!tpu.dma_semaphore, #tpu.memory_space<semaphore_mem>>)
          %dma_start3A_126 = tpu.memref_slice %arg7[%mul3A_121] : memref<2000xi32, #tpu.memory_space<vmem>> -> memref<80xi32, #tpu.memory_space<vmem>>
          %dma_start3A_127 = arith.constant 0 : i32
          %dma_start3A_128 = arith.constant 0 : i32
          %dma_start3A_129 = tpu.memref_slice %arg2[%dma_start3A_127, %dma_start3A_128] : memref<10000x128xf32, #tpu.memory_space<hbm>> -> memref<10000x128xf32, #tpu.memory_space<hbm>>
          tpu.enqueue_indirect_dma source(%dma_start3A_129 : memref<10000x128xf32, #tpu.memory_space<hbm>>) target(%arg15 : memref<80x128xf32, #tpu.memory_space<vmem>>) offsets(%dma_start3A_126 : memref<80xi32, #tpu.memory_space<vmem>>) semaphore(%arg23 : memref<!tpu.dma_semaphore, #tpu.memory_space<semaphore_mem>>)
        } else {
        }
        %dma_wait3A_94 = arith.constant 0 : i32
        %dma_wait3A_95 = arith.constant 0 : i32
        %dma_wait3A_96 = tpu.memref_slice %arg2[%dma_wait3A_94, %dma_wait3A_95] : memref<10000x128xf32, #tpu.memory_space<hbm>> -> memref<80x128xf32, #tpu.memory_space<hbm>>
        %dma_wait3A_97 = arith.constant 0 : i32
        %dma_wait3A_98 = arith.constant 0 : i32
        %dma_wait3A_99 = tpu.memref_slice %arg2[%dma_wait3A_97, %dma_wait3A_98] : memref<10000x128xf32, #tpu.memory_space<hbm>> -> memref<80x128xf32, #tpu.memory_space<hbm>>
        tpu.wait_dma2 semaphore(%arg17 : memref<!tpu.dma_semaphore, #tpu.memory_space<semaphore_mem>>) src(%dma_wait3A_99 : memref<80x128xf32, #tpu.memory_space<hbm>>) dst(%arg9 : memref<80x128xf32, #tpu.memory_space<vmem>>)
        %dma_wait3A_100 = arith.constant 0 : i32
        %dma_wait3A_101 = arith.constant 0 : i32
        %dma_wait3A_102 = tpu.memref_slice %arg2[%dma_wait3A_100, %dma_wait3A_101] : memref<10000x128xf32, #tpu.memory_space<hbm>> -> memref<80x128xf32, #tpu.memory_space<hbm>>
        %dma_wait3A_103 = arith.constant 0 : i32
        %dma_wait3A_104 = arith.constant 0 : i32
        %dma_wait3A_105 = tpu.memref_slice %arg2[%dma_wait3A_103, %dma_wait3A_104] : memref<10000x128xf32, #tpu.memory_space<hbm>> -> memref<80x128xf32, #tpu.memory_space<hbm>>
        tpu.wait_dma2 semaphore(%arg21 : memref<!tpu.dma_semaphore, #tpu.memory_space<semaphore_mem>>) src(%dma_wait3A_105 : memref<80x128xf32, #tpu.memory_space<hbm>>) dst(%arg13 : memref<80x128xf32, #tpu.memory_space<vmem>>)
        %mul3A_106 = arith.constant 80 : i32
        %mul3A_107 = arith.muli %add3A_59, %mul3A_106 : i32
        %add3A_108 = arith.addi %mul3A_2, %mul3A_107 : i32
        %dma_start3A_109 = arith.constant 0 : i32
        %dma_start3A_110 = tpu.memref_slice %arg5[%add3A_108, %dma_start3A_109] : memref<64000x256xf32, #tpu.memory_space<hbm>> -> memref<80x128xf32, #tpu.memory_space<hbm>>
        %dma_start3A_111 = arith.constant 0 : i32
        %dma_start3A_112 = tpu.memref_slice %arg5[%add3A_108, %dma_start3A_111] : memref<64000x256xf32, #tpu.memory_space<hbm>> -> memref<80x128xf32, #tpu.memory_space<hbm>>
        tpu.enqueue_dma source(%arg9 : memref<80x128xf32, #tpu.memory_space<vmem>>) target(%dma_start3A_112 : memref<80x128xf32, #tpu.memory_space<hbm>>) target_semaphore(%arg25 : memref<!tpu.dma_semaphore, #tpu.memory_space<semaphore_mem>>)
        %add3A_113 = arith.addi %mul3A_2, %mul3A_107 : i32
        %dma_start3A_114 = arith.constant 128 : i32
        %dma_start3A_115 = tpu.memref_slice %arg5[%add3A_113, %dma_start3A_114] : memref<64000x256xf32, #tpu.memory_space<hbm>> -> memref<80x128xf32, #tpu.memory_space<hbm>>
        %dma_start3A_116 = arith.constant 128 : i32
        %dma_start3A_117 = tpu.memref_slice %arg5[%add3A_113, %dma_start3A_116] : memref<64000x256xf32, #tpu.memory_space<hbm>> -> memref<80x128xf32, #tpu.memory_space<hbm>>
        tpu.enqueue_dma source(%arg13 : memref<80x128xf32, #tpu.memory_space<vmem>>) target(%dma_start3A_117 : memref<80x128xf32, #tpu.memory_space<hbm>>) target_semaphore(%arg29 : memref<!tpu.dma_semaphore, #tpu.memory_space<semaphore_mem>>)
      } else {
      }
      %mul3A_65 = arith.constant 4 : i32
      %mul3A_66 = arith.muli %add3A_49, %mul3A_65 : i32
      %add3A_67 = arith.constant 2 : i32
      %add3A_68 = arith.addi %mul3A_66, %add3A_67 : i32
      %lt3A_69 = arith.constant 25 : i32
      %lt3A_70 = arith.cmpi slt, %add3A_68, %lt3A_69 : i32
      %convert_element_type3A_71 = arith.extui %lt3A_70 : i1 to i32
      %cond3A_72 = arith.constant 0 : i32
      %cond3A_73 = arith.cmpi ne, %convert_element_type3A_71, %cond3A_72 : i32
      scf.if %cond3A_73 {
        %ge3A = arith.constant 2 : i32
        %ge3A_83 = arith.cmpi sge, %add3A_68, %ge3A : i32
        %convert_element_type3A_84 = arith.extui %ge3A_83 : i1 to i32
        %cond3A_85 = arith.constant 0 : i32
        %cond3A_86 = arith.cmpi ne, %convert_element_type3A_84, %cond3A_85 : i32
        scf.if %cond3A_86 {
          %dma_wait3A_118 = arith.constant 0 : i32
          %dma_wait3A_119 = tpu.memref_slice %arg5[%mul3A_2, %dma_wait3A_118] : memref<64000x256xf32, #tpu.memory_space<hbm>> -> memref<80x128xf32, #tpu.memory_space<hbm>>
          %dma_wait3A_120 = arith.constant 0 : i32
          %dma_wait3A_121 = tpu.memref_slice %arg5[%mul3A_2, %dma_wait3A_120] : memref<64000x256xf32, #tpu.memory_space<hbm>> -> memref<80x128xf32, #tpu.memory_space<hbm>>
          tpu.wait_dma2 semaphore(%arg24 : memref<!tpu.dma_semaphore, #tpu.memory_space<semaphore_mem>>) src(%arg8 : memref<80x128xf32, #tpu.memory_space<vmem>>) dst(%dma_wait3A_121 : memref<80x128xf32, #tpu.memory_space<hbm>>)
          %dma_wait3A_122 = arith.constant 128 : i32
          %dma_wait3A_123 = tpu.memref_slice %arg5[%mul3A_2, %dma_wait3A_122] : memref<64000x256xf32, #tpu.memory_space<hbm>> -> memref<80x128xf32, #tpu.memory_space<hbm>>
          %dma_wait3A_124 = arith.constant 128 : i32
          %dma_wait3A_125 = tpu.memref_slice %arg5[%mul3A_2, %dma_wait3A_124] : memref<64000x256xf32, #tpu.memory_space<hbm>> -> memref<80x128xf32, #tpu.memory_space<hbm>>
          tpu.wait_dma2 semaphore(%arg28 : memref<!tpu.dma_semaphore, #tpu.memory_space<semaphore_mem>>) src(%arg12 : memref<80x128xf32, #tpu.memory_space<vmem>>) dst(%dma_wait3A_125 : memref<80x128xf32, #tpu.memory_space<hbm>>)
        } else {
        }
        %add3A_87 = arith.constant 2 : i32
        %add3A_88 = arith.addi %add3A_68, %add3A_87 : i32
        %lt3A_89 = arith.constant 25 : i32
        %lt3A_90 = arith.cmpi slt, %add3A_88, %lt3A_89 : i32
        %convert_element_type3A_91 = arith.extui %lt3A_90 : i1 to i32
        %cond3A_92 = arith.constant 0 : i32
        %cond3A_93 = arith.cmpi ne, %convert_element_type3A_91, %cond3A_92 : i32
        scf.if %cond3A_93 {
          %add3A_118 = arith.constant 2 : i32
          %add3A_119 = arith.addi %add3A_68, %add3A_118 : i32
          %mul3A_120 = arith.constant 80 : i32
          %mul3A_121 = arith.muli %add3A_119, %mul3A_120 : i32
          %dma_start3A_122 = tpu.memref_slice %arg6[%mul3A_121] : memref<2000xi32, #tpu.memory_space<vmem>> -> memref<80xi32, #tpu.memory_space<vmem>>
          %dma_start3A_123 = arith.constant 0 : i32
          %dma_start3A_124 = arith.constant 0 : i32
          %dma_start3A_125 = tpu.memref_slice %arg2[%dma_start3A_123, %dma_start3A_124] : memref<10000x128xf32, #tpu.memory_space<hbm>> -> memref<10000x128xf32, #tpu.memory_space<hbm>>
          tpu.enqueue_indirect_dma source(%dma_start3A_125 : memref<10000x128xf32, #tpu.memory_space<hbm>>) target(%arg8 : memref<80x128xf32, #tpu.memory_space<vmem>>) offsets(%dma_start3A_122 : memref<80xi32, #tpu.memory_space<vmem>>) semaphore(%arg16 : memref<!tpu.dma_semaphore, #tpu.memory_space<semaphore_mem>>)
          %dma_start3A_126 = tpu.memref_slice %arg7[%mul3A_121] : memref<2000xi32, #tpu.memory_space<vmem>> -> memref<80xi32, #tpu.memory_space<vmem>>
          %dma_start3A_127 = arith.constant 0 : i32
          %dma_start3A_128 = arith.constant 0 : i32
          %dma_start3A_129 = tpu.memref_slice %arg2[%dma_start3A_127, %dma_start3A_128] : memref<10000x128xf32, #tpu.memory_space<hbm>> -> memref<10000x128xf32, #tpu.memory_space<hbm>>
          tpu.enqueue_indirect_dma source(%dma_start3A_129 : memref<10000x128xf32, #tpu.memory_space<hbm>>) target(%arg12 : memref<80x128xf32, #tpu.memory_space<vmem>>) offsets(%dma_start3A_126 : memref<80xi32, #tpu.memory_space<vmem>>) semaphore(%arg20 : memref<!tpu.dma_semaphore, #tpu.memory_space<semaphore_mem>>)
        } else {
        }
        %dma_wait3A_94 = arith.constant 0 : i32
        %dma_wait3A_95 = arith.constant 0 : i32
        %dma_wait3A_96 = tpu.memref_slice %arg2[%dma_wait3A_94, %dma_wait3A_95] : memref<10000x128xf32, #tpu.memory_space<hbm>> -> memref<80x128xf32, #tpu.memory_space<hbm>>
        %dma_wait3A_97 = arith.constant 0 : i32
        %dma_wait3A_98 = arith.constant 0 : i32
        %dma_wait3A_99 = tpu.memref_slice %arg2[%dma_wait3A_97, %dma_wait3A_98] : memref<10000x128xf32, #tpu.memory_space<hbm>> -> memref<80x128xf32, #tpu.memory_space<hbm>>
        tpu.wait_dma2 semaphore(%arg18 : memref<!tpu.dma_semaphore, #tpu.memory_space<semaphore_mem>>) src(%dma_wait3A_99 : memref<80x128xf32, #tpu.memory_space<hbm>>) dst(%arg10 : memref<80x128xf32, #tpu.memory_space<vmem>>)
        %dma_wait3A_100 = arith.constant 0 : i32
        %dma_wait3A_101 = arith.constant 0 : i32
        %dma_wait3A_102 = tpu.memref_slice %arg2[%dma_wait3A_100, %dma_wait3A_101] : memref<10000x128xf32, #tpu.memory_space<hbm>> -> memref<80x128xf32, #tpu.memory_space<hbm>>
        %dma_wait3A_103 = arith.constant 0 : i32
        %dma_wait3A_104 = arith.constant 0 : i32
        %dma_wait3A_105 = tpu.memref_slice %arg2[%dma_wait3A_103, %dma_wait3A_104] : memref<10000x128xf32, #tpu.memory_space<hbm>> -> memref<80x128xf32, #tpu.memory_space<hbm>>
        tpu.wait_dma2 semaphore(%arg22 : memref<!tpu.dma_semaphore, #tpu.memory_space<semaphore_mem>>) src(%dma_wait3A_105 : memref<80x128xf32, #tpu.memory_space<hbm>>) dst(%arg14 : memref<80x128xf32, #tpu.memory_space<vmem>>)
        %mul3A_106 = arith.constant 80 : i32
        %mul3A_107 = arith.muli %add3A_68, %mul3A_106 : i32
        %add3A_108 = arith.addi %mul3A_2, %mul3A_107 : i32
        %dma_start3A_109 = arith.constant 0 : i32
        %dma_start3A_110 = tpu.memref_slice %arg5[%add3A_108, %dma_start3A_109] : memref<64000x256xf32, #tpu.memory_space<hbm>> -> memref<80x128xf32, #tpu.memory_space<hbm>>
        %dma_start3A_111 = arith.constant 0 : i32
        %dma_start3A_112 = tpu.memref_slice %arg5[%add3A_108, %dma_start3A_111] : memref<64000x256xf32, #tpu.memory_space<hbm>> -> memref<80x128xf32, #tpu.memory_space<hbm>>
        tpu.enqueue_dma source(%arg10 : memref<80x128xf32, #tpu.memory_space<vmem>>) target(%dma_start3A_112 : memref<80x128xf32, #tpu.memory_space<hbm>>) target_semaphore(%arg26 : memref<!tpu.dma_semaphore, #tpu.memory_space<semaphore_mem>>)
        %add3A_113 = arith.addi %mul3A_2, %mul3A_107 : i32
        %dma_start3A_114 = arith.constant 128 : i32
        %dma_start3A_115 = tpu.memref_slice %arg5[%add3A_113, %dma_start3A_114] : memref<64000x256xf32, #tpu.memory_space<hbm>> -> memref<80x128xf32, #tpu.memory_space<hbm>>
        %dma_start3A_116 = arith.constant 128 : i32
        %dma_start3A_117 = tpu.memref_slice %arg5[%add3A_113, %dma_start3A_116] : memref<64000x256xf32, #tpu.memory_space<hbm>> -> memref<80x128xf32, #tpu.memory_space<hbm>>
        tpu.enqueue_dma source(%arg14 : memref<80x128xf32, #tpu.memory_space<vmem>>) target(%dma_start3A_117 : memref<80x128xf32, #tpu.memory_space<hbm>>) target_semaphore(%arg30 : memref<!tpu.dma_semaphore, #tpu.memory_space<semaphore_mem>>)
      } else {
      }
      %mul3A_74 = arith.constant 4 : i32
      %mul3A_75 = arith.muli %add3A_49, %mul3A_74 : i32
      %add3A_76 = arith.constant 3 : i32
      %add3A_77 = arith.addi %mul3A_75, %add3A_76 : i32
      %lt3A_78 = arith.constant 25 : i32
      %lt3A_79 = arith.cmpi slt, %add3A_77, %lt3A_78 : i32
      %convert_element_type3A_80 = arith.extui %lt3A_79 : i1 to i32
      %cond3A_81 = arith.constant 0 : i32
      %cond3A_82 = arith.cmpi ne, %convert_element_type3A_80, %cond3A_81 : i32
      scf.if %cond3A_82 {
        %ge3A = arith.constant 2 : i32
        %ge3A_83 = arith.cmpi sge, %add3A_77, %ge3A : i32
        %convert_element_type3A_84 = arith.extui %ge3A_83 : i1 to i32
        %cond3A_85 = arith.constant 0 : i32
        %cond3A_86 = arith.cmpi ne, %convert_element_type3A_84, %cond3A_85 : i32
        scf.if %cond3A_86 {
          %dma_wait3A_118 = arith.constant 0 : i32
          %dma_wait3A_119 = tpu.memref_slice %arg5[%mul3A_2, %dma_wait3A_118] : memref<64000x256xf32, #tpu.memory_space<hbm>> -> memref<80x128xf32, #tpu.memory_space<hbm>>
          %dma_wait3A_120 = arith.constant 0 : i32
          %dma_wait3A_121 = tpu.memref_slice %arg5[%mul3A_2, %dma_wait3A_120] : memref<64000x256xf32, #tpu.memory_space<hbm>> -> memref<80x128xf32, #tpu.memory_space<hbm>>
          tpu.wait_dma2 semaphore(%arg25 : memref<!tpu.dma_semaphore, #tpu.memory_space<semaphore_mem>>) src(%arg9 : memref<80x128xf32, #tpu.memory_space<vmem>>) dst(%dma_wait3A_121 : memref<80x128xf32, #tpu.memory_space<hbm>>)
          %dma_wait3A_122 = arith.constant 128 : i32
          %dma_wait3A_123 = tpu.memref_slice %arg5[%mul3A_2, %dma_wait3A_122] : memref<64000x256xf32, #tpu.memory_space<hbm>> -> memref<80x128xf32, #tpu.memory_space<hbm>>
          %dma_wait3A_124 = arith.constant 128 : i32
          %dma_wait3A_125 = tpu.memref_slice %arg5[%mul3A_2, %dma_wait3A_124] : memref<64000x256xf32, #tpu.memory_space<hbm>> -> memref<80x128xf32, #tpu.memory_space<hbm>>
          tpu.wait_dma2 semaphore(%arg29 : memref<!tpu.dma_semaphore, #tpu.memory_space<semaphore_mem>>) src(%arg13 : memref<80x128xf32, #tpu.memory_space<vmem>>) dst(%dma_wait3A_125 : memref<80x128xf32, #tpu.memory_space<hbm>>)
        } else {
        }
        %add3A_87 = arith.constant 2 : i32
        %add3A_88 = arith.addi %add3A_77, %add3A_87 : i32
        %lt3A_89 = arith.constant 25 : i32
        %lt3A_90 = arith.cmpi slt, %add3A_88, %lt3A_89 : i32
        %convert_element_type3A_91 = arith.extui %lt3A_90 : i1 to i32
        %cond3A_92 = arith.constant 0 : i32
        %cond3A_93 = arith.cmpi ne, %convert_element_type3A_91, %cond3A_92 : i32
        scf.if %cond3A_93 {
          %add3A_118 = arith.constant 2 : i32
          %add3A_119 = arith.addi %add3A_77, %add3A_118 : i32
          %mul3A_120 = arith.constant 80 : i32
          %mul3A_121 = arith.muli %add3A_119, %mul3A_120 : i32
          %dma_start3A_122 = tpu.memref_slice %arg6[%mul3A_121] : memref<2000xi32, #tpu.memory_space<vmem>> -> memref<80xi32, #tpu.memory_space<vmem>>
          %dma_start3A_123 = arith.constant 0 : i32
          %dma_start3A_124 = arith.constant 0 : i32
          %dma_start3A_125 = tpu.memref_slice %arg2[%dma_start3A_123, %dma_start3A_124] : memref<10000x128xf32, #tpu.memory_space<hbm>> -> memref<10000x128xf32, #tpu.memory_space<hbm>>
          tpu.enqueue_indirect_dma source(%dma_start3A_125 : memref<10000x128xf32, #tpu.memory_space<hbm>>) target(%arg9 : memref<80x128xf32, #tpu.memory_space<vmem>>) offsets(%dma_start3A_122 : memref<80xi32, #tpu.memory_space<vmem>>) semaphore(%arg17 : memref<!tpu.dma_semaphore, #tpu.memory_space<semaphore_mem>>)
          %dma_start3A_126 = tpu.memref_slice %arg7[%mul3A_121] : memref<2000xi32, #tpu.memory_space<vmem>> -> memref<80xi32, #tpu.memory_space<vmem>>
          %dma_start3A_127 = arith.constant 0 : i32
          %dma_start3A_128 = arith.constant 0 : i32
          %dma_start3A_129 = tpu.memref_slice %arg2[%dma_start3A_127, %dma_start3A_128] : memref<10000x128xf32, #tpu.memory_space<hbm>> -> memref<10000x128xf32, #tpu.memory_space<hbm>>
          tpu.enqueue_indirect_dma source(%dma_start3A_129 : memref<10000x128xf32, #tpu.memory_space<hbm>>) target(%arg13 : memref<80x128xf32, #tpu.memory_space<vmem>>) offsets(%dma_start3A_126 : memref<80xi32, #tpu.memory_space<vmem>>) semaphore(%arg21 : memref<!tpu.dma_semaphore, #tpu.memory_space<semaphore_mem>>)
        } else {
        }
        %dma_wait3A_94 = arith.constant 0 : i32
        %dma_wait3A_95 = arith.constant 0 : i32
        %dma_wait3A_96 = tpu.memref_slice %arg2[%dma_wait3A_94, %dma_wait3A_95] : memref<10000x128xf32, #tpu.memory_space<hbm>> -> memref<80x128xf32, #tpu.memory_space<hbm>>
        %dma_wait3A_97 = arith.constant 0 : i32
        %dma_wait3A_98 = arith.constant 0 : i32
        %dma_wait3A_99 = tpu.memref_slice %arg2[%dma_wait3A_97, %dma_wait3A_98] : memref<10000x128xf32, #tpu.memory_space<hbm>> -> memref<80x128xf32, #tpu.memory_space<hbm>>
        tpu.wait_dma2 semaphore(%arg19 : memref<!tpu.dma_semaphore, #tpu.memory_space<semaphore_mem>>) src(%dma_wait3A_99 : memref<80x128xf32, #tpu.memory_space<hbm>>) dst(%arg11 : memref<80x128xf32, #tpu.memory_space<vmem>>)
        %dma_wait3A_100 = arith.constant 0 : i32
        %dma_wait3A_101 = arith.constant 0 : i32
        %dma_wait3A_102 = tpu.memref_slice %arg2[%dma_wait3A_100, %dma_wait3A_101] : memref<10000x128xf32, #tpu.memory_space<hbm>> -> memref<80x128xf32, #tpu.memory_space<hbm>>
        %dma_wait3A_103 = arith.constant 0 : i32
        %dma_wait3A_104 = arith.constant 0 : i32
        %dma_wait3A_105 = tpu.memref_slice %arg2[%dma_wait3A_103, %dma_wait3A_104] : memref<10000x128xf32, #tpu.memory_space<hbm>> -> memref<80x128xf32, #tpu.memory_space<hbm>>
        tpu.wait_dma2 semaphore(%arg23 : memref<!tpu.dma_semaphore, #tpu.memory_space<semaphore_mem>>) src(%dma_wait3A_105 : memref<80x128xf32, #tpu.memory_space<hbm>>) dst(%arg15 : memref<80x128xf32, #tpu.memory_space<vmem>>)
        %mul3A_106 = arith.constant 80 : i32
        %mul3A_107 = arith.muli %add3A_77, %mul3A_106 : i32
        %add3A_108 = arith.addi %mul3A_2, %mul3A_107 : i32
        %dma_start3A_109 = arith.constant 0 : i32
        %dma_start3A_110 = tpu.memref_slice %arg5[%add3A_108, %dma_start3A_109] : memref<64000x256xf32, #tpu.memory_space<hbm>> -> memref<80x128xf32, #tpu.memory_space<hbm>>
        %dma_start3A_111 = arith.constant 0 : i32
        %dma_start3A_112 = tpu.memref_slice %arg5[%add3A_108, %dma_start3A_111] : memref<64000x256xf32, #tpu.memory_space<hbm>> -> memref<80x128xf32, #tpu.memory_space<hbm>>
        tpu.enqueue_dma source(%arg11 : memref<80x128xf32, #tpu.memory_space<vmem>>) target(%dma_start3A_112 : memref<80x128xf32, #tpu.memory_space<hbm>>) target_semaphore(%arg27 : memref<!tpu.dma_semaphore, #tpu.memory_space<semaphore_mem>>)
        %add3A_113 = arith.addi %mul3A_2, %mul3A_107 : i32
        %dma_start3A_114 = arith.constant 128 : i32
        %dma_start3A_115 = tpu.memref_slice %arg5[%add3A_113, %dma_start3A_114] : memref<64000x256xf32, #tpu.memory_space<hbm>> -> memref<80x128xf32, #tpu.memory_space<hbm>>
        %dma_start3A_116 = arith.constant 128 : i32
        %dma_start3A_117 = tpu.memref_slice %arg5[%add3A_113, %dma_start3A_116] : memref<64000x256xf32, #tpu.memory_space<hbm>> -> memref<80x128xf32, #tpu.memory_space<hbm>>
        tpu.enqueue_dma source(%arg15 : memref<80x128xf32, #tpu.memory_space<vmem>>) target(%dma_start3A_117 : memref<80x128xf32, #tpu.memory_space<hbm>>) target_semaphore(%arg31 : memref<!tpu.dma_semaphore, #tpu.memory_space<semaphore_mem>>)
      } else {
      }
    }
    %scan3A_29 = arith.constant 7 : i32
    %dma_wait3A = arith.constant 0 : i32
    %dma_wait3A_30 = tpu.memref_slice %arg5[%mul3A_2, %dma_wait3A] : memref<64000x256xf32, #tpu.memory_space<hbm>> -> memref<80x128xf32, #tpu.memory_space<hbm>>
    %dma_wait3A_31 = arith.constant 0 : i32
    %dma_wait3A_32 = tpu.memref_slice %arg5[%mul3A_2, %dma_wait3A_31] : memref<64000x256xf32, #tpu.memory_space<hbm>> -> memref<80x128xf32, #tpu.memory_space<hbm>>
    tpu.wait_dma2 semaphore(%arg27 : memref<!tpu.dma_semaphore, #tpu.memory_space<semaphore_mem>>) src(%arg11 : memref<80x128xf32, #tpu.memory_space<vmem>>) dst(%dma_wait3A_32 : memref<80x128xf32, #tpu.memory_space<hbm>>)
    %dma_wait3A_33 = arith.constant 128 : i32
    %dma_wait3A_34 = tpu.memref_slice %arg5[%mul3A_2, %dma_wait3A_33] : memref<64000x256xf32, #tpu.memory_space<hbm>> -> memref<80x128xf32, #tpu.memory_space<hbm>>
    %dma_wait3A_35 = arith.constant 128 : i32
    %dma_wait3A_36 = tpu.memref_slice %arg5[%mul3A_2, %dma_wait3A_35] : memref<64000x256xf32, #tpu.memory_space<hbm>> -> memref<80x128xf32, #tpu.memory_space<hbm>>
    tpu.wait_dma2 semaphore(%arg31 : memref<!tpu.dma_semaphore, #tpu.memory_space<semaphore_mem>>) src(%arg15 : memref<80x128xf32, #tpu.memory_space<vmem>>) dst(%dma_wait3A_36 : memref<80x128xf32, #tpu.memory_space<hbm>>)
    %dma_wait3A_37 = arith.constant 0 : i32
    %dma_wait3A_38 = tpu.memref_slice %arg5[%mul3A_2, %dma_wait3A_37] : memref<64000x256xf32, #tpu.memory_space<hbm>> -> memref<80x128xf32, #tpu.memory_space<hbm>>
    %dma_wait3A_39 = arith.constant 0 : i32
    %dma_wait3A_40 = tpu.memref_slice %arg5[%mul3A_2, %dma_wait3A_39] : memref<64000x256xf32, #tpu.memory_space<hbm>> -> memref<80x128xf32, #tpu.memory_space<hbm>>
    tpu.wait_dma2 semaphore(%arg24 : memref<!tpu.dma_semaphore, #tpu.memory_space<semaphore_mem>>) src(%arg8 : memref<80x128xf32, #tpu.memory_space<vmem>>) dst(%dma_wait3A_40 : memref<80x128xf32, #tpu.memory_space<hbm>>)
    %dma_wait3A_41 = arith.constant 128 : i32
    %dma_wait3A_42 = tpu.memref_slice %arg5[%mul3A_2, %dma_wait3A_41] : memref<64000x256xf32, #tpu.memory_space<hbm>> -> memref<80x128xf32, #tpu.memory_space<hbm>>
    %dma_wait3A_43 = arith.constant 128 : i32
    %dma_wait3A_44 = tpu.memref_slice %arg5[%mul3A_2, %dma_wait3A_43] : memref<64000x256xf32, #tpu.memory_space<hbm>> -> memref<80x128xf32, #tpu.memory_space<hbm>>
    tpu.wait_dma2 semaphore(%arg28 : memref<!tpu.dma_semaphore, #tpu.memory_space<semaphore_mem>>) src(%arg12 : memref<80x128xf32, #tpu.memory_space<vmem>>) dst(%dma_wait3A_44 : memref<80x128xf32, #tpu.memory_space<hbm>>)
    return
  }
}

#map = affine_map<(d0, d1) -> (0, 0)>
#map1 = affine_map<(d0, d1) -> (0)>
module attributes {stable_mosaic.version = 14 : i64} {
  func.func @k(%arg0: i32, %arg1: i32, %arg2: memref<10000x128xf32, #tpu.memory_space<hbm>>, %arg3: memref<320000xi32, #tpu.memory_space<hbm>>, %arg4: memref<320000xi32, #tpu.memory_space<hbm>>, %arg5: memref<64000x256xf32, #tpu.memory_space<hbm>>, %arg6: memref<2000xi32, #tpu.memory_space<vmem>>, %arg7: memref<2000xi32, #tpu.memory_space<vmem>>, %arg8: memref<80x128xf32, #tpu.memory_space<vmem>>, %arg9: memref<80x128xf32, #tpu.memory_space<vmem>>, %arg10: memref<80x128xf32, #tpu.memory_space<vmem>>, %arg11: memref<80x128xf32, #tpu.memory_space<vmem>>, %arg12: memref<80x128xf32, #tpu.memory_space<vmem>>, %arg13: memref<80x128xf32, #tpu.memory_space<vmem>>, %arg14: memref<80x128xf32, #tpu.memory_space<vmem>>, %arg15: memref<80x128xf32, #tpu.memory_space<vmem>>, %arg16: memref<!tpu.dma_semaphore, #tpu.memory_space<semaphore_mem>>, %arg17: memref<!tpu.dma_semaphore, #tpu.memory_space<semaphore_mem>>, %arg18: memref<!tpu.dma_semaphore, #tpu.memory_space<semaphore_mem>>, %arg19: memref<!tpu.dma_semaphore, #tpu.memory_space<semaphore_mem>>, %arg20: memref<!tpu.dma_semaphore, #tpu.memory_space<semaphore_mem>>, %arg21: memref<!tpu.dma_semaphore, #tpu.memory_space<semaphore_mem>>, %arg22: memref<!tpu.dma_semaphore, #tpu.memory_space<semaphore_mem>>, %arg23: memref<!tpu.dma_semaphore, #tpu.memory_space<semaphore_mem>>, %arg24: memref<!tpu.dma_semaphore, #tpu.memory_space<semaphore_mem>>, %arg25: memref<!tpu.dma_semaphore, #tpu.memory_space<semaphore_mem>>, %arg26: memref<!tpu.dma_semaphore, #tpu.memory_space<semaphore_mem>>, %arg27: memref<!tpu.dma_semaphore, #tpu.memory_space<semaphore_mem>>, %arg28: memref<!tpu.dma_semaphore, #tpu.memory_space<semaphore_mem>>, %arg29: memref<!tpu.dma_semaphore, #tpu.memory_space<semaphore_mem>>, %arg30: memref<!tpu.dma_semaphore, #tpu.memory_space<semaphore_mem>>, %arg31: memref<!tpu.dma_semaphore, #tpu.memory_space<semaphore_mem>>) attributes {dimension_semantics = [#tpu.dimension_semantics<core_parallel>, #tpu.dimension_semantics<subcore_parallel>], iteration_bounds = array<i64: 2, 16>, scalar_prefetch = 0 : i64, scratch_operands = 26 : i64, tpu.core_type = #tpu.core_type<sc_vector_subcore>, window_params = [{transform_indices = #map}, {transform_indices = #map1}, {transform_indices = #map1}, {transform_indices = #map}]} {
    %mul3A = arith.constant 2 : i32
    %mul3A_0 = arith.muli %arg1, %mul3A : i32
    %add3A = arith.addi %mul3A_0, %arg0 : i32
    %mul3A_1 = arith.constant 2000 : i32
    %mul3A_2 = arith.muli %add3A, %mul3A_1 : i32
    %add3A_3 = arith.constant 32000 : i32
    %add3A_4 = arith.addi %add3A_3, %mul3A_2 : i32
    "tpu.region"() ({
      %run_scoped3A = tpu.sem_alloc : memref<!tpu.dma_semaphore, #tpu.memory_space<semaphore_mem>>
      %dma_start3A_45 = tpu.memref_slice %arg3[%add3A_4] : memref<320000xi32, #tpu.memory_space<hbm>> -> memref<2000xi32, #tpu.memory_space<hbm>>
      %dma_start3A_46 = tpu.memref_slice %arg3[%add3A_4] : memref<320000xi32, #tpu.memory_space<hbm>> -> memref<2000xi32, #tpu.memory_space<hbm>>
      tpu.enqueue_dma source(%dma_start3A_46 : memref<2000xi32, #tpu.memory_space<hbm>>) target(%arg6 : memref<2000xi32, #tpu.memory_space<vmem>>) target_semaphore(%run_scoped3A : memref<!tpu.dma_semaphore, #tpu.memory_space<semaphore_mem>>)
      %dma_wait3A_47 = tpu.memref_slice %arg3[%add3A_4] : memref<320000xi32, #tpu.memory_space<hbm>> -> memref<2000xi32, #tpu.memory_space<hbm>>
      %dma_wait3A_48 = tpu.memref_slice %arg3[%add3A_4] : memref<320000xi32, #tpu.memory_space<hbm>> -> memref<2000xi32, #tpu.memory_space<hbm>>
      tpu.wait_dma2 semaphore(%run_scoped3A : memref<!tpu.dma_semaphore, #tpu.memory_space<semaphore_mem>>) src(%dma_wait3A_48 : memref<2000xi32, #tpu.memory_space<hbm>>) dst(%arg6 : memref<2000xi32, #tpu.memory_space<vmem>>)
      tpu.yield
    }) : () -> ()
    %add3A_5 = arith.constant 32000 : i32
    %add3A_6 = arith.addi %add3A_5, %mul3A_2 : i32
    "tpu.region"() ({
      %run_scoped3A = tpu.sem_alloc : memref<!tpu.dma_semaphore, #tpu.memory_space<semaphore_mem>>
      %dma_start3A_45 = tpu.memref_slice %arg4[%add3A_6] : memref<320000xi32, #tpu.memory_space<hbm>> -> memref<2000xi32, #tpu.memory_space<hbm>>
      %dma_start3A_46 = tpu.memref_slice %arg4[%add3A_6] : memref<320000xi32, #tpu.memory_space<hbm>> -> memref<2000xi32, #tpu.memory_space<hbm>>
      tpu.enqueue_dma source(%dma_start3A_46 : memref<2000xi32, #tpu.memory_space<hbm>>) target(%arg7 : memref<2000xi32, #tpu.memory_space<vmem>>) target_semaphore(%run_scoped3A : memref<!tpu.dma_semaphore, #tpu.memory_space<semaphore_mem>>)
      %dma_wait3A_47 = tpu.memref_slice %arg4[%add3A_6] : memref<320000xi32, #tpu.memory_space<hbm>> -> memref<2000xi32, #tpu.memory_space<hbm>>
      %dma_wait3A_48 = tpu.memref_slice %arg4[%add3A_6] : memref<320000xi32, #tpu.memory_space<hbm>> -> memref<2000xi32, #tpu.memory_space<hbm>>
      tpu.wait_dma2 semaphore(%run_scoped3A : memref<!tpu.dma_semaphore, #tpu.memory_space<semaphore_mem>>) src(%dma_wait3A_48 : memref<2000xi32, #tpu.memory_space<hbm>>) dst(%arg7 : memref<2000xi32, #tpu.memory_space<vmem>>)
      tpu.yield
    }) : () -> ()
    %dma_start3A = arith.constant 0 : i32
    %dma_start3A_7 = tpu.memref_slice %arg6[%dma_start3A] : memref<2000xi32, #tpu.memory_space<vmem>> -> memref<80xi32, #tpu.memory_space<vmem>>
    %dma_start3A_8 = arith.constant 0 : i32
    %dma_start3A_9 = arith.constant 0 : i32
    %dma_start3A_10 = tpu.memref_slice %arg2[%dma_start3A_8, %dma_start3A_9] : memref<10000x128xf32, #tpu.memory_space<hbm>> -> memref<10000x128xf32, #tpu.memory_space<hbm>>
    tpu.enqueue_indirect_dma source(%dma_start3A_10 : memref<10000x128xf32, #tpu.memory_space<hbm>>) target(%arg8 : memref<80x128xf32, #tpu.memory_space<vmem>>) offsets(%dma_start3A_7 : memref<80xi32, #tpu.memory_space<vmem>>) semaphore(%arg16 : memref<!tpu.dma_semaphore, #tpu.memory_space<semaphore_mem>>)
    %dma_start3A_11 = arith.constant 0 : i32
    %dma_start3A_12 = tpu.memref_slice %arg7[%dma_start3A_11] : memref<2000xi32, #tpu.memory_space<vmem>> -> memref<80xi32, #tpu.memory_space<vmem>>
    %dma_start3A_13 = arith.constant 0 : i32
    %dma_start3A_14 = arith.constant 0 : i32
    %dma_start3A_15 = tpu.memref_slice %arg2[%dma_start3A_13, %dma_start3A_14] : memref<10000x128xf32, #tpu.memory_space<hbm>> -> memref<10000x128xf32, #tpu.memory_space<hbm>>
    tpu.enqueue_indirect_dma source(%dma_start3A_15 : memref<10000x128xf32, #tpu.memory_space<hbm>>) target(%arg12 : memref<80x128xf32, #tpu.memory_space<vmem>>) offsets(%dma_start3A_12 : memref<80xi32, #tpu.memory_space<vmem>>) semaphore(%arg20 : memref<!tpu.dma_semaphore, #tpu.memory_space<semaphore_mem>>)
    %dma_start3A_16 = arith.constant 80 : i32
    %dma_start3A_17 = tpu.memref_slice %arg6[%dma_start3A_16] : memref<2000xi32, #tpu.memory_space<vmem>> -> memref<80xi32, #tpu.memory_space<vmem>>
    %dma_start3A_18 = arith.constant 0 : i32
    %dma_start3A_19 = arith.constant 0 : i32
    %dma_start3A_20 = tpu.memref_slice %arg2[%dma_start3A_18, %dma_start3A_19] : memref<10000x128xf32, #tpu.memory_space<hbm>> -> memref<10000x128xf32, #tpu.memory_space<hbm>>
    tpu.enqueue_indirect_dma source(%dma_start3A_20 : memref<10000x128xf32, #tpu.memory_space<hbm>>) target(%arg9 : memref<80x128xf32, #tpu.memory_space<vmem>>) offsets(%dma_start3A_17 : memref<80xi32, #tpu.memory_space<vmem>>) semaphore(%arg17 : memref<!tpu.dma_semaphore, #tpu.memory_space<semaphore_mem>>)
    %dma_start3A_21 = arith.constant 80 : i32
    %dma_start3A_22 = tpu.memref_slice %arg7[%dma_start3A_21] : memref<2000xi32, #tpu.memory_space<vmem>> -> memref<80xi32, #tpu.memory_space<vmem>>
    %dma_start3A_23 = arith.constant 0 : i32
    %dma_start3A_24 = arith.constant 0 : i32
    %dma_start3A_25 = tpu.memref_slice %arg2[%dma_start3A_23, %dma_start3A_24] : memref<10000x128xf32, #tpu.memory_space<hbm>> -> memref<10000x128xf32, #tpu.memory_space<hbm>>
    tpu.enqueue_indirect_dma source(%dma_start3A_25 : memref<10000x128xf32, #tpu.memory_space<hbm>>) target(%arg13 : memref<80x128xf32, #tpu.memory_space<vmem>>) offsets(%dma_start3A_22 : memref<80xi32, #tpu.memory_space<vmem>>) semaphore(%arg21 : memref<!tpu.dma_semaphore, #tpu.memory_space<semaphore_mem>>)
    %scan3A = arith.constant 0 : i32
    %scan3A_26 = arith.constant 7 : i32
    %scan3A_27 = arith.addi %scan3A, %scan3A_26 : i32
    %scan3A_28 = arith.constant 1 : i32
    scf.for %scan3A_45 = %scan3A to %scan3A_27 step %scan3A_28  : i32 {
      %mul3A_46 = arith.constant 1 : i32
      %mul3A_47 = arith.muli %scan3A_45, %mul3A_46 : i32
      %add3A_48 = arith.constant 0 : i32
      %add3A_49 = arith.addi %add3A_48, %mul3A_47 : i32
      %mul3A_50 = arith.constant 4 : i32
      %mul3A_51 = arith.muli %add3A_49, %mul3A_50 : i32
      %add3A_52 = arith.constant 0 : i32
      %add3A_53 = arith.addi %mul3A_51, %add3A_52 : i32
      %lt3A = arith.constant 25 : i32
      %lt3A_54 = arith.cmpi slt, %add3A_53, %lt3A : i32
      %convert_element_type3A = arith.extui %lt3A_54 : i1 to i32
      %cond3A = arith.constant 0 : i32
      %cond3A_55 = arith.cmpi ne, %convert_element_type3A, %cond3A : i32
      scf.if %cond3A_55 {
        %ge3A = arith.constant 2 : i32
        %ge3A_83 = arith.cmpi sge, %add3A_53, %ge3A : i32
        %convert_element_type3A_84 = arith.extui %ge3A_83 : i1 to i32
        %cond3A_85 = arith.constant 0 : i32
        %cond3A_86 = arith.cmpi ne, %convert_element_type3A_84, %cond3A_85 : i32
        scf.if %cond3A_86 {
          %dma_wait3A_118 = arith.constant 0 : i32
          %dma_wait3A_119 = tpu.memref_slice %arg5[%mul3A_2, %dma_wait3A_118] : memref<64000x256xf32, #tpu.memory_space<hbm>> -> memref<80x128xf32, #tpu.memory_space<hbm>>
          %dma_wait3A_120 = arith.constant 0 : i32
          %dma_wait3A_121 = tpu.memref_slice %arg5[%mul3A_2, %dma_wait3A_120] : memref<64000x256xf32, #tpu.memory_space<hbm>> -> memref<80x128xf32, #tpu.memory_space<hbm>>
          tpu.wait_dma2 semaphore(%arg26 : memref<!tpu.dma_semaphore, #tpu.memory_space<semaphore_mem>>) src(%arg10 : memref<80x128xf32, #tpu.memory_space<vmem>>) dst(%dma_wait3A_121 : memref<80x128xf32, #tpu.memory_space<hbm>>)
          %dma_wait3A_122 = arith.constant 128 : i32
          %dma_wait3A_123 = tpu.memref_slice %arg5[%mul3A_2, %dma_wait3A_122] : memref<64000x256xf32, #tpu.memory_space<hbm>> -> memref<80x128xf32, #tpu.memory_space<hbm>>
          %dma_wait3A_124 = arith.constant 128 : i32
          %dma_wait3A_125 = tpu.memref_slice %arg5[%mul3A_2, %dma_wait3A_124] : memref<64000x256xf32, #tpu.memory_space<hbm>> -> memref<80x128xf32, #tpu.memory_space<hbm>>
          tpu.wait_dma2 semaphore(%arg30 : memref<!tpu.dma_semaphore, #tpu.memory_space<semaphore_mem>>) src(%arg14 : memref<80x128xf32, #tpu.memory_space<vmem>>) dst(%dma_wait3A_125 : memref<80x128xf32, #tpu.memory_space<hbm>>)
        } else {
        }
        %add3A_87 = arith.constant 2 : i32
        %add3A_88 = arith.addi %add3A_53, %add3A_87 : i32
        %lt3A_89 = arith.constant 25 : i32
        %lt3A_90 = arith.cmpi slt, %add3A_88, %lt3A_89 : i32
        %convert_element_type3A_91 = arith.extui %lt3A_90 : i1 to i32
        %cond3A_92 = arith.constant 0 : i32
        %cond3A_93 = arith.cmpi ne, %convert_element_type3A_91, %cond3A_92 : i32
        scf.if %cond3A_93 {
          %add3A_118 = arith.constant 2 : i32
          %add3A_119 = arith.addi %add3A_53, %add3A_118 : i32
          %mul3A_120 = arith.constant 80 : i32
          %mul3A_121 = arith.muli %add3A_119, %mul3A_120 : i32
          %dma_start3A_122 = tpu.memref_slice %arg6[%mul3A_121] : memref<2000xi32, #tpu.memory_space<vmem>> -> memref<80xi32, #tpu.memory_space<vmem>>
          %dma_start3A_123 = arith.constant 0 : i32
          %dma_start3A_124 = arith.constant 0 : i32
          %dma_start3A_125 = tpu.memref_slice %arg2[%dma_start3A_123, %dma_start3A_124] : memref<10000x128xf32, #tpu.memory_space<hbm>> -> memref<10000x128xf32, #tpu.memory_space<hbm>>
          tpu.enqueue_indirect_dma source(%dma_start3A_125 : memref<10000x128xf32, #tpu.memory_space<hbm>>) target(%arg10 : memref<80x128xf32, #tpu.memory_space<vmem>>) offsets(%dma_start3A_122 : memref<80xi32, #tpu.memory_space<vmem>>) semaphore(%arg18 : memref<!tpu.dma_semaphore, #tpu.memory_space<semaphore_mem>>)
          %dma_start3A_126 = tpu.memref_slice %arg7[%mul3A_121] : memref<2000xi32, #tpu.memory_space<vmem>> -> memref<80xi32, #tpu.memory_space<vmem>>
          %dma_start3A_127 = arith.constant 0 : i32
          %dma_start3A_128 = arith.constant 0 : i32
          %dma_start3A_129 = tpu.memref_slice %arg2[%dma_start3A_127, %dma_start3A_128] : memref<10000x128xf32, #tpu.memory_space<hbm>> -> memref<10000x128xf32, #tpu.memory_space<hbm>>
          tpu.enqueue_indirect_dma source(%dma_start3A_129 : memref<10000x128xf32, #tpu.memory_space<hbm>>) target(%arg14 : memref<80x128xf32, #tpu.memory_space<vmem>>) offsets(%dma_start3A_126 : memref<80xi32, #tpu.memory_space<vmem>>) semaphore(%arg22 : memref<!tpu.dma_semaphore, #tpu.memory_space<semaphore_mem>>)
        } else {
        }
        %dma_wait3A_94 = arith.constant 0 : i32
        %dma_wait3A_95 = arith.constant 0 : i32
        %dma_wait3A_96 = tpu.memref_slice %arg2[%dma_wait3A_94, %dma_wait3A_95] : memref<10000x128xf32, #tpu.memory_space<hbm>> -> memref<80x128xf32, #tpu.memory_space<hbm>>
        %dma_wait3A_97 = arith.constant 0 : i32
        %dma_wait3A_98 = arith.constant 0 : i32
        %dma_wait3A_99 = tpu.memref_slice %arg2[%dma_wait3A_97, %dma_wait3A_98] : memref<10000x128xf32, #tpu.memory_space<hbm>> -> memref<80x128xf32, #tpu.memory_space<hbm>>
        tpu.wait_dma2 semaphore(%arg16 : memref<!tpu.dma_semaphore, #tpu.memory_space<semaphore_mem>>) src(%dma_wait3A_99 : memref<80x128xf32, #tpu.memory_space<hbm>>) dst(%arg8 : memref<80x128xf32, #tpu.memory_space<vmem>>)
        %dma_wait3A_100 = arith.constant 0 : i32
        %dma_wait3A_101 = arith.constant 0 : i32
        %dma_wait3A_102 = tpu.memref_slice %arg2[%dma_wait3A_100, %dma_wait3A_101] : memref<10000x128xf32, #tpu.memory_space<hbm>> -> memref<80x128xf32, #tpu.memory_space<hbm>>
        %dma_wait3A_103 = arith.constant 0 : i32
        %dma_wait3A_104 = arith.constant 0 : i32
        %dma_wait3A_105 = tpu.memref_slice %arg2[%dma_wait3A_103, %dma_wait3A_104] : memref<10000x128xf32, #tpu.memory_space<hbm>> -> memref<80x128xf32, #tpu.memory_space<hbm>>
        tpu.wait_dma2 semaphore(%arg20 : memref<!tpu.dma_semaphore, #tpu.memory_space<semaphore_mem>>) src(%dma_wait3A_105 : memref<80x128xf32, #tpu.memory_space<hbm>>) dst(%arg12 : memref<80x128xf32, #tpu.memory_space<vmem>>)
        %mul3A_106 = arith.constant 80 : i32
        %mul3A_107 = arith.muli %add3A_53, %mul3A_106 : i32
        %add3A_108 = arith.addi %mul3A_2, %mul3A_107 : i32
        %dma_start3A_109 = arith.constant 0 : i32
        %dma_start3A_110 = tpu.memref_slice %arg5[%add3A_108, %dma_start3A_109] : memref<64000x256xf32, #tpu.memory_space<hbm>> -> memref<80x128xf32, #tpu.memory_space<hbm>>
        %dma_start3A_111 = arith.constant 0 : i32
        %dma_start3A_112 = tpu.memref_slice %arg5[%add3A_108, %dma_start3A_111] : memref<64000x256xf32, #tpu.memory_space<hbm>> -> memref<80x128xf32, #tpu.memory_space<hbm>>
        tpu.enqueue_dma source(%arg8 : memref<80x128xf32, #tpu.memory_space<vmem>>) target(%dma_start3A_112 : memref<80x128xf32, #tpu.memory_space<hbm>>) target_semaphore(%arg24 : memref<!tpu.dma_semaphore, #tpu.memory_space<semaphore_mem>>)
        %add3A_113 = arith.addi %mul3A_2, %mul3A_107 : i32
        %dma_start3A_114 = arith.constant 128 : i32
        %dma_start3A_115 = tpu.memref_slice %arg5[%add3A_113, %dma_start3A_114] : memref<64000x256xf32, #tpu.memory_space<hbm>> -> memref<80x128xf32, #tpu.memory_space<hbm>>
        %dma_start3A_116 = arith.constant 128 : i32
        %dma_start3A_117 = tpu.memref_slice %arg5[%add3A_113, %dma_start3A_116] : memref<64000x256xf32, #tpu.memory_space<hbm>> -> memref<80x128xf32, #tpu.memory_space<hbm>>
        tpu.enqueue_dma source(%arg12 : memref<80x128xf32, #tpu.memory_space<vmem>>) target(%dma_start3A_117 : memref<80x128xf32, #tpu.memory_space<hbm>>) target_semaphore(%arg28 : memref<!tpu.dma_semaphore, #tpu.memory_space<semaphore_mem>>)
      } else {
      }
      %mul3A_56 = arith.constant 4 : i32
      %mul3A_57 = arith.muli %add3A_49, %mul3A_56 : i32
      %add3A_58 = arith.constant 1 : i32
      %add3A_59 = arith.addi %mul3A_57, %add3A_58 : i32
      %lt3A_60 = arith.constant 25 : i32
      %lt3A_61 = arith.cmpi slt, %add3A_59, %lt3A_60 : i32
      %convert_element_type3A_62 = arith.extui %lt3A_61 : i1 to i32
      %cond3A_63 = arith.constant 0 : i32
      %cond3A_64 = arith.cmpi ne, %convert_element_type3A_62, %cond3A_63 : i32
      scf.if %cond3A_64 {
        %ge3A = arith.constant 2 : i32
        %ge3A_83 = arith.cmpi sge, %add3A_59, %ge3A : i32
        %convert_element_type3A_84 = arith.extui %ge3A_83 : i1 to i32
        %cond3A_85 = arith.constant 0 : i32
        %cond3A_86 = arith.cmpi ne, %convert_element_type3A_84, %cond3A_85 : i32
        scf.if %cond3A_86 {
          %dma_wait3A_118 = arith.constant 0 : i32
          %dma_wait3A_119 = tpu.memref_slice %arg5[%mul3A_2, %dma_wait3A_118] : memref<64000x256xf32, #tpu.memory_space<hbm>> -> memref<80x128xf32, #tpu.memory_space<hbm>>
          %dma_wait3A_120 = arith.constant 0 : i32
          %dma_wait3A_121 = tpu.memref_slice %arg5[%mul3A_2, %dma_wait3A_120] : memref<64000x256xf32, #tpu.memory_space<hbm>> -> memref<80x128xf32, #tpu.memory_space<hbm>>
          tpu.wait_dma2 semaphore(%arg27 : memref<!tpu.dma_semaphore, #tpu.memory_space<semaphore_mem>>) src(%arg11 : memref<80x128xf32, #tpu.memory_space<vmem>>) dst(%dma_wait3A_121 : memref<80x128xf32, #tpu.memory_space<hbm>>)
          %dma_wait3A_122 = arith.constant 128 : i32
          %dma_wait3A_123 = tpu.memref_slice %arg5[%mul3A_2, %dma_wait3A_122] : memref<64000x256xf32, #tpu.memory_space<hbm>> -> memref<80x128xf32, #tpu.memory_space<hbm>>
          %dma_wait3A_124 = arith.constant 128 : i32
          %dma_wait3A_125 = tpu.memref_slice %arg5[%mul3A_2, %dma_wait3A_124] : memref<64000x256xf32, #tpu.memory_space<hbm>> -> memref<80x128xf32, #tpu.memory_space<hbm>>
          tpu.wait_dma2 semaphore(%arg31 : memref<!tpu.dma_semaphore, #tpu.memory_space<semaphore_mem>>) src(%arg15 : memref<80x128xf32, #tpu.memory_space<vmem>>) dst(%dma_wait3A_125 : memref<80x128xf32, #tpu.memory_space<hbm>>)
        } else {
        }
        %add3A_87 = arith.constant 2 : i32
        %add3A_88 = arith.addi %add3A_59, %add3A_87 : i32
        %lt3A_89 = arith.constant 25 : i32
        %lt3A_90 = arith.cmpi slt, %add3A_88, %lt3A_89 : i32
        %convert_element_type3A_91 = arith.extui %lt3A_90 : i1 to i32
        %cond3A_92 = arith.constant 0 : i32
        %cond3A_93 = arith.cmpi ne, %convert_element_type3A_91, %cond3A_92 : i32
        scf.if %cond3A_93 {
          %add3A_118 = arith.constant 2 : i32
          %add3A_119 = arith.addi %add3A_59, %add3A_118 : i32
          %mul3A_120 = arith.constant 80 : i32
          %mul3A_121 = arith.muli %add3A_119, %mul3A_120 : i32
          %dma_start3A_122 = tpu.memref_slice %arg6[%mul3A_121] : memref<2000xi32, #tpu.memory_space<vmem>> -> memref<80xi32, #tpu.memory_space<vmem>>
          %dma_start3A_123 = arith.constant 0 : i32
          %dma_start3A_124 = arith.constant 0 : i32
          %dma_start3A_125 = tpu.memref_slice %arg2[%dma_start3A_123, %dma_start3A_124] : memref<10000x128xf32, #tpu.memory_space<hbm>> -> memref<10000x128xf32, #tpu.memory_space<hbm>>
          tpu.enqueue_indirect_dma source(%dma_start3A_125 : memref<10000x128xf32, #tpu.memory_space<hbm>>) target(%arg11 : memref<80x128xf32, #tpu.memory_space<vmem>>) offsets(%dma_start3A_122 : memref<80xi32, #tpu.memory_space<vmem>>) semaphore(%arg19 : memref<!tpu.dma_semaphore, #tpu.memory_space<semaphore_mem>>)
          %dma_start3A_126 = tpu.memref_slice %arg7[%mul3A_121] : memref<2000xi32, #tpu.memory_space<vmem>> -> memref<80xi32, #tpu.memory_space<vmem>>
          %dma_start3A_127 = arith.constant 0 : i32
          %dma_start3A_128 = arith.constant 0 : i32
          %dma_start3A_129 = tpu.memref_slice %arg2[%dma_start3A_127, %dma_start3A_128] : memref<10000x128xf32, #tpu.memory_space<hbm>> -> memref<10000x128xf32, #tpu.memory_space<hbm>>
          tpu.enqueue_indirect_dma source(%dma_start3A_129 : memref<10000x128xf32, #tpu.memory_space<hbm>>) target(%arg15 : memref<80x128xf32, #tpu.memory_space<vmem>>) offsets(%dma_start3A_126 : memref<80xi32, #tpu.memory_space<vmem>>) semaphore(%arg23 : memref<!tpu.dma_semaphore, #tpu.memory_space<semaphore_mem>>)
        } else {
        }
        %dma_wait3A_94 = arith.constant 0 : i32
        %dma_wait3A_95 = arith.constant 0 : i32
        %dma_wait3A_96 = tpu.memref_slice %arg2[%dma_wait3A_94, %dma_wait3A_95] : memref<10000x128xf32, #tpu.memory_space<hbm>> -> memref<80x128xf32, #tpu.memory_space<hbm>>
        %dma_wait3A_97 = arith.constant 0 : i32
        %dma_wait3A_98 = arith.constant 0 : i32
        %dma_wait3A_99 = tpu.memref_slice %arg2[%dma_wait3A_97, %dma_wait3A_98] : memref<10000x128xf32, #tpu.memory_space<hbm>> -> memref<80x128xf32, #tpu.memory_space<hbm>>
        tpu.wait_dma2 semaphore(%arg17 : memref<!tpu.dma_semaphore, #tpu.memory_space<semaphore_mem>>) src(%dma_wait3A_99 : memref<80x128xf32, #tpu.memory_space<hbm>>) dst(%arg9 : memref<80x128xf32, #tpu.memory_space<vmem>>)
        %dma_wait3A_100 = arith.constant 0 : i32
        %dma_wait3A_101 = arith.constant 0 : i32
        %dma_wait3A_102 = tpu.memref_slice %arg2[%dma_wait3A_100, %dma_wait3A_101] : memref<10000x128xf32, #tpu.memory_space<hbm>> -> memref<80x128xf32, #tpu.memory_space<hbm>>
        %dma_wait3A_103 = arith.constant 0 : i32
        %dma_wait3A_104 = arith.constant 0 : i32
        %dma_wait3A_105 = tpu.memref_slice %arg2[%dma_wait3A_103, %dma_wait3A_104] : memref<10000x128xf32, #tpu.memory_space<hbm>> -> memref<80x128xf32, #tpu.memory_space<hbm>>
        tpu.wait_dma2 semaphore(%arg21 : memref<!tpu.dma_semaphore, #tpu.memory_space<semaphore_mem>>) src(%dma_wait3A_105 : memref<80x128xf32, #tpu.memory_space<hbm>>) dst(%arg13 : memref<80x128xf32, #tpu.memory_space<vmem>>)
        %mul3A_106 = arith.constant 80 : i32
        %mul3A_107 = arith.muli %add3A_59, %mul3A_106 : i32
        %add3A_108 = arith.addi %mul3A_2, %mul3A_107 : i32
        %dma_start3A_109 = arith.constant 0 : i32
        %dma_start3A_110 = tpu.memref_slice %arg5[%add3A_108, %dma_start3A_109] : memref<64000x256xf32, #tpu.memory_space<hbm>> -> memref<80x128xf32, #tpu.memory_space<hbm>>
        %dma_start3A_111 = arith.constant 0 : i32
        %dma_start3A_112 = tpu.memref_slice %arg5[%add3A_108, %dma_start3A_111] : memref<64000x256xf32, #tpu.memory_space<hbm>> -> memref<80x128xf32, #tpu.memory_space<hbm>>
        tpu.enqueue_dma source(%arg9 : memref<80x128xf32, #tpu.memory_space<vmem>>) target(%dma_start3A_112 : memref<80x128xf32, #tpu.memory_space<hbm>>) target_semaphore(%arg25 : memref<!tpu.dma_semaphore, #tpu.memory_space<semaphore_mem>>)
        %add3A_113 = arith.addi %mul3A_2, %mul3A_107 : i32
        %dma_start3A_114 = arith.constant 128 : i32
        %dma_start3A_115 = tpu.memref_slice %arg5[%add3A_113, %dma_start3A_114] : memref<64000x256xf32, #tpu.memory_space<hbm>> -> memref<80x128xf32, #tpu.memory_space<hbm>>
        %dma_start3A_116 = arith.constant 128 : i32
        %dma_start3A_117 = tpu.memref_slice %arg5[%add3A_113, %dma_start3A_116] : memref<64000x256xf32, #tpu.memory_space<hbm>> -> memref<80x128xf32, #tpu.memory_space<hbm>>
        tpu.enqueue_dma source(%arg13 : memref<80x128xf32, #tpu.memory_space<vmem>>) target(%dma_start3A_117 : memref<80x128xf32, #tpu.memory_space<hbm>>) target_semaphore(%arg29 : memref<!tpu.dma_semaphore, #tpu.memory_space<semaphore_mem>>)
      } else {
      }
      %mul3A_65 = arith.constant 4 : i32
      %mul3A_66 = arith.muli %add3A_49, %mul3A_65 : i32
      %add3A_67 = arith.constant 2 : i32
      %add3A_68 = arith.addi %mul3A_66, %add3A_67 : i32
      %lt3A_69 = arith.constant 25 : i32
      %lt3A_70 = arith.cmpi slt, %add3A_68, %lt3A_69 : i32
      %convert_element_type3A_71 = arith.extui %lt3A_70 : i1 to i32
      %cond3A_72 = arith.constant 0 : i32
      %cond3A_73 = arith.cmpi ne, %convert_element_type3A_71, %cond3A_72 : i32
      scf.if %cond3A_73 {
        %ge3A = arith.constant 2 : i32
        %ge3A_83 = arith.cmpi sge, %add3A_68, %ge3A : i32
        %convert_element_type3A_84 = arith.extui %ge3A_83 : i1 to i32
        %cond3A_85 = arith.constant 0 : i32
        %cond3A_86 = arith.cmpi ne, %convert_element_type3A_84, %cond3A_85 : i32
        scf.if %cond3A_86 {
          %dma_wait3A_118 = arith.constant 0 : i32
          %dma_wait3A_119 = tpu.memref_slice %arg5[%mul3A_2, %dma_wait3A_118] : memref<64000x256xf32, #tpu.memory_space<hbm>> -> memref<80x128xf32, #tpu.memory_space<hbm>>
          %dma_wait3A_120 = arith.constant 0 : i32
          %dma_wait3A_121 = tpu.memref_slice %arg5[%mul3A_2, %dma_wait3A_120] : memref<64000x256xf32, #tpu.memory_space<hbm>> -> memref<80x128xf32, #tpu.memory_space<hbm>>
          tpu.wait_dma2 semaphore(%arg24 : memref<!tpu.dma_semaphore, #tpu.memory_space<semaphore_mem>>) src(%arg8 : memref<80x128xf32, #tpu.memory_space<vmem>>) dst(%dma_wait3A_121 : memref<80x128xf32, #tpu.memory_space<hbm>>)
          %dma_wait3A_122 = arith.constant 128 : i32
          %dma_wait3A_123 = tpu.memref_slice %arg5[%mul3A_2, %dma_wait3A_122] : memref<64000x256xf32, #tpu.memory_space<hbm>> -> memref<80x128xf32, #tpu.memory_space<hbm>>
          %dma_wait3A_124 = arith.constant 128 : i32
          %dma_wait3A_125 = tpu.memref_slice %arg5[%mul3A_2, %dma_wait3A_124] : memref<64000x256xf32, #tpu.memory_space<hbm>> -> memref<80x128xf32, #tpu.memory_space<hbm>>
          tpu.wait_dma2 semaphore(%arg28 : memref<!tpu.dma_semaphore, #tpu.memory_space<semaphore_mem>>) src(%arg12 : memref<80x128xf32, #tpu.memory_space<vmem>>) dst(%dma_wait3A_125 : memref<80x128xf32, #tpu.memory_space<hbm>>)
        } else {
        }
        %add3A_87 = arith.constant 2 : i32
        %add3A_88 = arith.addi %add3A_68, %add3A_87 : i32
        %lt3A_89 = arith.constant 25 : i32
        %lt3A_90 = arith.cmpi slt, %add3A_88, %lt3A_89 : i32
        %convert_element_type3A_91 = arith.extui %lt3A_90 : i1 to i32
        %cond3A_92 = arith.constant 0 : i32
        %cond3A_93 = arith.cmpi ne, %convert_element_type3A_91, %cond3A_92 : i32
        scf.if %cond3A_93 {
          %add3A_118 = arith.constant 2 : i32
          %add3A_119 = arith.addi %add3A_68, %add3A_118 : i32
          %mul3A_120 = arith.constant 80 : i32
          %mul3A_121 = arith.muli %add3A_119, %mul3A_120 : i32
          %dma_start3A_122 = tpu.memref_slice %arg6[%mul3A_121] : memref<2000xi32, #tpu.memory_space<vmem>> -> memref<80xi32, #tpu.memory_space<vmem>>
          %dma_start3A_123 = arith.constant 0 : i32
          %dma_start3A_124 = arith.constant 0 : i32
          %dma_start3A_125 = tpu.memref_slice %arg2[%dma_start3A_123, %dma_start3A_124] : memref<10000x128xf32, #tpu.memory_space<hbm>> -> memref<10000x128xf32, #tpu.memory_space<hbm>>
          tpu.enqueue_indirect_dma source(%dma_start3A_125 : memref<10000x128xf32, #tpu.memory_space<hbm>>) target(%arg8 : memref<80x128xf32, #tpu.memory_space<vmem>>) offsets(%dma_start3A_122 : memref<80xi32, #tpu.memory_space<vmem>>) semaphore(%arg16 : memref<!tpu.dma_semaphore, #tpu.memory_space<semaphore_mem>>)
          %dma_start3A_126 = tpu.memref_slice %arg7[%mul3A_121] : memref<2000xi32, #tpu.memory_space<vmem>> -> memref<80xi32, #tpu.memory_space<vmem>>
          %dma_start3A_127 = arith.constant 0 : i32
          %dma_start3A_128 = arith.constant 0 : i32
          %dma_start3A_129 = tpu.memref_slice %arg2[%dma_start3A_127, %dma_start3A_128] : memref<10000x128xf32, #tpu.memory_space<hbm>> -> memref<10000x128xf32, #tpu.memory_space<hbm>>
          tpu.enqueue_indirect_dma source(%dma_start3A_129 : memref<10000x128xf32, #tpu.memory_space<hbm>>) target(%arg12 : memref<80x128xf32, #tpu.memory_space<vmem>>) offsets(%dma_start3A_126 : memref<80xi32, #tpu.memory_space<vmem>>) semaphore(%arg20 : memref<!tpu.dma_semaphore, #tpu.memory_space<semaphore_mem>>)
        } else {
        }
        %dma_wait3A_94 = arith.constant 0 : i32
        %dma_wait3A_95 = arith.constant 0 : i32
        %dma_wait3A_96 = tpu.memref_slice %arg2[%dma_wait3A_94, %dma_wait3A_95] : memref<10000x128xf32, #tpu.memory_space<hbm>> -> memref<80x128xf32, #tpu.memory_space<hbm>>
        %dma_wait3A_97 = arith.constant 0 : i32
        %dma_wait3A_98 = arith.constant 0 : i32
        %dma_wait3A_99 = tpu.memref_slice %arg2[%dma_wait3A_97, %dma_wait3A_98] : memref<10000x128xf32, #tpu.memory_space<hbm>> -> memref<80x128xf32, #tpu.memory_space<hbm>>
        tpu.wait_dma2 semaphore(%arg18 : memref<!tpu.dma_semaphore, #tpu.memory_space<semaphore_mem>>) src(%dma_wait3A_99 : memref<80x128xf32, #tpu.memory_space<hbm>>) dst(%arg10 : memref<80x128xf32, #tpu.memory_space<vmem>>)
        %dma_wait3A_100 = arith.constant 0 : i32
        %dma_wait3A_101 = arith.constant 0 : i32
        %dma_wait3A_102 = tpu.memref_slice %arg2[%dma_wait3A_100, %dma_wait3A_101] : memref<10000x128xf32, #tpu.memory_space<hbm>> -> memref<80x128xf32, #tpu.memory_space<hbm>>
        %dma_wait3A_103 = arith.constant 0 : i32
        %dma_wait3A_104 = arith.constant 0 : i32
        %dma_wait3A_105 = tpu.memref_slice %arg2[%dma_wait3A_103, %dma_wait3A_104] : memref<10000x128xf32, #tpu.memory_space<hbm>> -> memref<80x128xf32, #tpu.memory_space<hbm>>
        tpu.wait_dma2 semaphore(%arg22 : memref<!tpu.dma_semaphore, #tpu.memory_space<semaphore_mem>>) src(%dma_wait3A_105 : memref<80x128xf32, #tpu.memory_space<hbm>>) dst(%arg14 : memref<80x128xf32, #tpu.memory_space<vmem>>)
        %mul3A_106 = arith.constant 80 : i32
        %mul3A_107 = arith.muli %add3A_68, %mul3A_106 : i32
        %add3A_108 = arith.addi %mul3A_2, %mul3A_107 : i32
        %dma_start3A_109 = arith.constant 0 : i32
        %dma_start3A_110 = tpu.memref_slice %arg5[%add3A_108, %dma_start3A_109] : memref<64000x256xf32, #tpu.memory_space<hbm>> -> memref<80x128xf32, #tpu.memory_space<hbm>>
        %dma_start3A_111 = arith.constant 0 : i32
        %dma_start3A_112 = tpu.memref_slice %arg5[%add3A_108, %dma_start3A_111] : memref<64000x256xf32, #tpu.memory_space<hbm>> -> memref<80x128xf32, #tpu.memory_space<hbm>>
        tpu.enqueue_dma source(%arg10 : memref<80x128xf32, #tpu.memory_space<vmem>>) target(%dma_start3A_112 : memref<80x128xf32, #tpu.memory_space<hbm>>) target_semaphore(%arg26 : memref<!tpu.dma_semaphore, #tpu.memory_space<semaphore_mem>>)
        %add3A_113 = arith.addi %mul3A_2, %mul3A_107 : i32
        %dma_start3A_114 = arith.constant 128 : i32
        %dma_start3A_115 = tpu.memref_slice %arg5[%add3A_113, %dma_start3A_114] : memref<64000x256xf32, #tpu.memory_space<hbm>> -> memref<80x128xf32, #tpu.memory_space<hbm>>
        %dma_start3A_116 = arith.constant 128 : i32
        %dma_start3A_117 = tpu.memref_slice %arg5[%add3A_113, %dma_start3A_116] : memref<64000x256xf32, #tpu.memory_space<hbm>> -> memref<80x128xf32, #tpu.memory_space<hbm>>
        tpu.enqueue_dma source(%arg14 : memref<80x128xf32, #tpu.memory_space<vmem>>) target(%dma_start3A_117 : memref<80x128xf32, #tpu.memory_space<hbm>>) target_semaphore(%arg30 : memref<!tpu.dma_semaphore, #tpu.memory_space<semaphore_mem>>)
      } else {
      }
      %mul3A_74 = arith.constant 4 : i32
      %mul3A_75 = arith.muli %add3A_49, %mul3A_74 : i32
      %add3A_76 = arith.constant 3 : i32
      %add3A_77 = arith.addi %mul3A_75, %add3A_76 : i32
      %lt3A_78 = arith.constant 25 : i32
      %lt3A_79 = arith.cmpi slt, %add3A_77, %lt3A_78 : i32
      %convert_element_type3A_80 = arith.extui %lt3A_79 : i1 to i32
      %cond3A_81 = arith.constant 0 : i32
      %cond3A_82 = arith.cmpi ne, %convert_element_type3A_80, %cond3A_81 : i32
      scf.if %cond3A_82 {
        %ge3A = arith.constant 2 : i32
        %ge3A_83 = arith.cmpi sge, %add3A_77, %ge3A : i32
        %convert_element_type3A_84 = arith.extui %ge3A_83 : i1 to i32
        %cond3A_85 = arith.constant 0 : i32
        %cond3A_86 = arith.cmpi ne, %convert_element_type3A_84, %cond3A_85 : i32
        scf.if %cond3A_86 {
          %dma_wait3A_118 = arith.constant 0 : i32
          %dma_wait3A_119 = tpu.memref_slice %arg5[%mul3A_2, %dma_wait3A_118] : memref<64000x256xf32, #tpu.memory_space<hbm>> -> memref<80x128xf32, #tpu.memory_space<hbm>>
          %dma_wait3A_120 = arith.constant 0 : i32
          %dma_wait3A_121 = tpu.memref_slice %arg5[%mul3A_2, %dma_wait3A_120] : memref<64000x256xf32, #tpu.memory_space<hbm>> -> memref<80x128xf32, #tpu.memory_space<hbm>>
          tpu.wait_dma2 semaphore(%arg25 : memref<!tpu.dma_semaphore, #tpu.memory_space<semaphore_mem>>) src(%arg9 : memref<80x128xf32, #tpu.memory_space<vmem>>) dst(%dma_wait3A_121 : memref<80x128xf32, #tpu.memory_space<hbm>>)
          %dma_wait3A_122 = arith.constant 128 : i32
          %dma_wait3A_123 = tpu.memref_slice %arg5[%mul3A_2, %dma_wait3A_122] : memref<64000x256xf32, #tpu.memory_space<hbm>> -> memref<80x128xf32, #tpu.memory_space<hbm>>
          %dma_wait3A_124 = arith.constant 128 : i32
          %dma_wait3A_125 = tpu.memref_slice %arg5[%mul3A_2, %dma_wait3A_124] : memref<64000x256xf32, #tpu.memory_space<hbm>> -> memref<80x128xf32, #tpu.memory_space<hbm>>
          tpu.wait_dma2 semaphore(%arg29 : memref<!tpu.dma_semaphore, #tpu.memory_space<semaphore_mem>>) src(%arg13 : memref<80x128xf32, #tpu.memory_space<vmem>>) dst(%dma_wait3A_125 : memref<80x128xf32, #tpu.memory_space<hbm>>)
        } else {
        }
        %add3A_87 = arith.constant 2 : i32
        %add3A_88 = arith.addi %add3A_77, %add3A_87 : i32
        %lt3A_89 = arith.constant 25 : i32
        %lt3A_90 = arith.cmpi slt, %add3A_88, %lt3A_89 : i32
        %convert_element_type3A_91 = arith.extui %lt3A_90 : i1 to i32
        %cond3A_92 = arith.constant 0 : i32
        %cond3A_93 = arith.cmpi ne, %convert_element_type3A_91, %cond3A_92 : i32
        scf.if %cond3A_93 {
          %add3A_118 = arith.constant 2 : i32
          %add3A_119 = arith.addi %add3A_77, %add3A_118 : i32
          %mul3A_120 = arith.constant 80 : i32
          %mul3A_121 = arith.muli %add3A_119, %mul3A_120 : i32
          %dma_start3A_122 = tpu.memref_slice %arg6[%mul3A_121] : memref<2000xi32, #tpu.memory_space<vmem>> -> memref<80xi32, #tpu.memory_space<vmem>>
          %dma_start3A_123 = arith.constant 0 : i32
          %dma_start3A_124 = arith.constant 0 : i32
          %dma_start3A_125 = tpu.memref_slice %arg2[%dma_start3A_123, %dma_start3A_124] : memref<10000x128xf32, #tpu.memory_space<hbm>> -> memref<10000x128xf32, #tpu.memory_space<hbm>>
          tpu.enqueue_indirect_dma source(%dma_start3A_125 : memref<10000x128xf32, #tpu.memory_space<hbm>>) target(%arg9 : memref<80x128xf32, #tpu.memory_space<vmem>>) offsets(%dma_start3A_122 : memref<80xi32, #tpu.memory_space<vmem>>) semaphore(%arg17 : memref<!tpu.dma_semaphore, #tpu.memory_space<semaphore_mem>>)
          %dma_start3A_126 = tpu.memref_slice %arg7[%mul3A_121] : memref<2000xi32, #tpu.memory_space<vmem>> -> memref<80xi32, #tpu.memory_space<vmem>>
          %dma_start3A_127 = arith.constant 0 : i32
          %dma_start3A_128 = arith.constant 0 : i32
          %dma_start3A_129 = tpu.memref_slice %arg2[%dma_start3A_127, %dma_start3A_128] : memref<10000x128xf32, #tpu.memory_space<hbm>> -> memref<10000x128xf32, #tpu.memory_space<hbm>>
          tpu.enqueue_indirect_dma source(%dma_start3A_129 : memref<10000x128xf32, #tpu.memory_space<hbm>>) target(%arg13 : memref<80x128xf32, #tpu.memory_space<vmem>>) offsets(%dma_start3A_126 : memref<80xi32, #tpu.memory_space<vmem>>) semaphore(%arg21 : memref<!tpu.dma_semaphore, #tpu.memory_space<semaphore_mem>>)
        } else {
        }
        %dma_wait3A_94 = arith.constant 0 : i32
        %dma_wait3A_95 = arith.constant 0 : i32
        %dma_wait3A_96 = tpu.memref_slice %arg2[%dma_wait3A_94, %dma_wait3A_95] : memref<10000x128xf32, #tpu.memory_space<hbm>> -> memref<80x128xf32, #tpu.memory_space<hbm>>
        %dma_wait3A_97 = arith.constant 0 : i32
        %dma_wait3A_98 = arith.constant 0 : i32
        %dma_wait3A_99 = tpu.memref_slice %arg2[%dma_wait3A_97, %dma_wait3A_98] : memref<10000x128xf32, #tpu.memory_space<hbm>> -> memref<80x128xf32, #tpu.memory_space<hbm>>
        tpu.wait_dma2 semaphore(%arg19 : memref<!tpu.dma_semaphore, #tpu.memory_space<semaphore_mem>>) src(%dma_wait3A_99 : memref<80x128xf32, #tpu.memory_space<hbm>>) dst(%arg11 : memref<80x128xf32, #tpu.memory_space<vmem>>)
        %dma_wait3A_100 = arith.constant 0 : i32
        %dma_wait3A_101 = arith.constant 0 : i32
        %dma_wait3A_102 = tpu.memref_slice %arg2[%dma_wait3A_100, %dma_wait3A_101] : memref<10000x128xf32, #tpu.memory_space<hbm>> -> memref<80x128xf32, #tpu.memory_space<hbm>>
        %dma_wait3A_103 = arith.constant 0 : i32
        %dma_wait3A_104 = arith.constant 0 : i32
        %dma_wait3A_105 = tpu.memref_slice %arg2[%dma_wait3A_103, %dma_wait3A_104] : memref<10000x128xf32, #tpu.memory_space<hbm>> -> memref<80x128xf32, #tpu.memory_space<hbm>>
        tpu.wait_dma2 semaphore(%arg23 : memref<!tpu.dma_semaphore, #tpu.memory_space<semaphore_mem>>) src(%dma_wait3A_105 : memref<80x128xf32, #tpu.memory_space<hbm>>) dst(%arg15 : memref<80x128xf32, #tpu.memory_space<vmem>>)
        %mul3A_106 = arith.constant 80 : i32
        %mul3A_107 = arith.muli %add3A_77, %mul3A_106 : i32
        %add3A_108 = arith.addi %mul3A_2, %mul3A_107 : i32
        %dma_start3A_109 = arith.constant 0 : i32
        %dma_start3A_110 = tpu.memref_slice %arg5[%add3A_108, %dma_start3A_109] : memref<64000x256xf32, #tpu.memory_space<hbm>> -> memref<80x128xf32, #tpu.memory_space<hbm>>
        %dma_start3A_111 = arith.constant 0 : i32
        %dma_start3A_112 = tpu.memref_slice %arg5[%add3A_108, %dma_start3A_111] : memref<64000x256xf32, #tpu.memory_space<hbm>> -> memref<80x128xf32, #tpu.memory_space<hbm>>
        tpu.enqueue_dma source(%arg11 : memref<80x128xf32, #tpu.memory_space<vmem>>) target(%dma_start3A_112 : memref<80x128xf32, #tpu.memory_space<hbm>>) target_semaphore(%arg27 : memref<!tpu.dma_semaphore, #tpu.memory_space<semaphore_mem>>)
        %add3A_113 = arith.addi %mul3A_2, %mul3A_107 : i32
        %dma_start3A_114 = arith.constant 128 : i32
        %dma_start3A_115 = tpu.memref_slice %arg5[%add3A_113, %dma_start3A_114] : memref<64000x256xf32, #tpu.memory_space<hbm>> -> memref<80x128xf32, #tpu.memory_space<hbm>>
        %dma_start3A_116 = arith.constant 128 : i32
        %dma_start3A_117 = tpu.memref_slice %arg5[%add3A_113, %dma_start3A_116] : memref<64000x256xf32, #tpu.memory_space<hbm>> -> memref<80x128xf32, #tpu.memory_space<hbm>>
        tpu.enqueue_dma source(%arg15 : memref<80x128xf32, #tpu.memory_space<vmem>>) target(%dma_start3A_117 : memref<80x128xf32, #tpu.memory_space<hbm>>) target_semaphore(%arg31 : memref<!tpu.dma_semaphore, #tpu.memory_space<semaphore_mem>>)
      } else {
      }
    }
    %scan3A_29 = arith.constant 7 : i32
    %dma_wait3A = arith.constant 0 : i32
    %dma_wait3A_30 = tpu.memref_slice %arg5[%mul3A_2, %dma_wait3A] : memref<64000x256xf32, #tpu.memory_space<hbm>> -> memref<80x128xf32, #tpu.memory_space<hbm>>
    %dma_wait3A_31 = arith.constant 0 : i32
    %dma_wait3A_32 = tpu.memref_slice %arg5[%mul3A_2, %dma_wait3A_31] : memref<64000x256xf32, #tpu.memory_space<hbm>> -> memref<80x128xf32, #tpu.memory_space<hbm>>
    tpu.wait_dma2 semaphore(%arg27 : memref<!tpu.dma_semaphore, #tpu.memory_space<semaphore_mem>>) src(%arg11 : memref<80x128xf32, #tpu.memory_space<vmem>>) dst(%dma_wait3A_32 : memref<80x128xf32, #tpu.memory_space<hbm>>)
    %dma_wait3A_33 = arith.constant 128 : i32
    %dma_wait3A_34 = tpu.memref_slice %arg5[%mul3A_2, %dma_wait3A_33] : memref<64000x256xf32, #tpu.memory_space<hbm>> -> memref<80x128xf32, #tpu.memory_space<hbm>>
    %dma_wait3A_35 = arith.constant 128 : i32
    %dma_wait3A_36 = tpu.memref_slice %arg5[%mul3A_2, %dma_wait3A_35] : memref<64000x256xf32, #tpu.memory_space<hbm>> -> memref<80x128xf32, #tpu.memory_space<hbm>>
    tpu.wait_dma2 semaphore(%arg31 : memref<!tpu.dma_semaphore, #tpu.memory_space<semaphore_mem>>) src(%arg15 : memref<80x128xf32, #tpu.memory_space<vmem>>) dst(%dma_wait3A_36 : memref<80x128xf32, #tpu.memory_space<hbm>>)
    %dma_wait3A_37 = arith.constant 0 : i32
    %dma_wait3A_38 = tpu.memref_slice %arg5[%mul3A_2, %dma_wait3A_37] : memref<64000x256xf32, #tpu.memory_space<hbm>> -> memref<80x128xf32, #tpu.memory_space<hbm>>
    %dma_wait3A_39 = arith.constant 0 : i32
    %dma_wait3A_40 = tpu.memref_slice %arg5[%mul3A_2, %dma_wait3A_39] : memref<64000x256xf32, #tpu.memory_space<hbm>> -> memref<80x128xf32, #tpu.memory_space<hbm>>
    tpu.wait_dma2 semaphore(%arg24 : memref<!tpu.dma_semaphore, #tpu.memory_space<semaphore_mem>>) src(%arg8 : memref<80x128xf32, #tpu.memory_space<vmem>>) dst(%dma_wait3A_40 : memref<80x128xf32, #tpu.memory_space<hbm>>)
    %dma_wait3A_41 = arith.constant 128 : i32
    %dma_wait3A_42 = tpu.memref_slice %arg5[%mul3A_2, %dma_wait3A_41] : memref<64000x256xf32, #tpu.memory_space<hbm>> -> memref<80x128xf32, #tpu.memory_space<hbm>>
    %dma_wait3A_43 = arith.constant 128 : i32
    %dma_wait3A_44 = tpu.memref_slice %arg5[%mul3A_2, %dma_wait3A_43] : memref<64000x256xf32, #tpu.memory_space<hbm>> -> memref<80x128xf32, #tpu.memory_space<hbm>>
    tpu.wait_dma2 semaphore(%arg28 : memref<!tpu.dma_semaphore, #tpu.memory_space<semaphore_mem>>) src(%arg12 : memref<80x128xf32, #tpu.memory_space<vmem>>) dst(%dma_wait3A_44 : memref<80x128xf32, #tpu.memory_space<hbm>>)
    return
  }
}

#map = affine_map<(d0, d1) -> (0, 0)>
#map1 = affine_map<(d0, d1) -> (0)>
module attributes {stable_mosaic.version = 14 : i64} {
  func.func @k(%arg0: i32, %arg1: i32, %arg2: memref<10000x128xf32, #tpu.memory_space<hbm>>, %arg3: memref<320000xi32, #tpu.memory_space<hbm>>, %arg4: memref<320000xi32, #tpu.memory_space<hbm>>, %arg5: memref<32000x256xf32, #tpu.memory_space<hbm>>, %arg6: memref<1000xi32, #tpu.memory_space<vmem>>, %arg7: memref<1000xi32, #tpu.memory_space<vmem>>, %arg8: memref<40x128xf32, #tpu.memory_space<vmem>>, %arg9: memref<40x128xf32, #tpu.memory_space<vmem>>, %arg10: memref<40x128xf32, #tpu.memory_space<vmem>>, %arg11: memref<40x128xf32, #tpu.memory_space<vmem>>, %arg12: memref<40x128xf32, #tpu.memory_space<vmem>>, %arg13: memref<40x128xf32, #tpu.memory_space<vmem>>, %arg14: memref<40x128xf32, #tpu.memory_space<vmem>>, %arg15: memref<40x128xf32, #tpu.memory_space<vmem>>, %arg16: memref<!tpu.dma_semaphore, #tpu.memory_space<semaphore_mem>>, %arg17: memref<!tpu.dma_semaphore, #tpu.memory_space<semaphore_mem>>, %arg18: memref<!tpu.dma_semaphore, #tpu.memory_space<semaphore_mem>>, %arg19: memref<!tpu.dma_semaphore, #tpu.memory_space<semaphore_mem>>, %arg20: memref<!tpu.dma_semaphore, #tpu.memory_space<semaphore_mem>>, %arg21: memref<!tpu.dma_semaphore, #tpu.memory_space<semaphore_mem>>, %arg22: memref<!tpu.dma_semaphore, #tpu.memory_space<semaphore_mem>>, %arg23: memref<!tpu.dma_semaphore, #tpu.memory_space<semaphore_mem>>, %arg24: memref<!tpu.dma_semaphore, #tpu.memory_space<semaphore_mem>>, %arg25: memref<!tpu.dma_semaphore, #tpu.memory_space<semaphore_mem>>, %arg26: memref<!tpu.dma_semaphore, #tpu.memory_space<semaphore_mem>>, %arg27: memref<!tpu.dma_semaphore, #tpu.memory_space<semaphore_mem>>, %arg28: memref<!tpu.dma_semaphore, #tpu.memory_space<semaphore_mem>>, %arg29: memref<!tpu.dma_semaphore, #tpu.memory_space<semaphore_mem>>, %arg30: memref<!tpu.dma_semaphore, #tpu.memory_space<semaphore_mem>>, %arg31: memref<!tpu.dma_semaphore, #tpu.memory_space<semaphore_mem>>) attributes {dimension_semantics = [#tpu.dimension_semantics<core_parallel>, #tpu.dimension_semantics<subcore_parallel>], iteration_bounds = array<i64: 2, 16>, scalar_prefetch = 0 : i64, scratch_operands = 26 : i64, tpu.core_type = #tpu.core_type<sc_vector_subcore>, window_params = [{transform_indices = #map}, {transform_indices = #map1}, {transform_indices = #map1}, {transform_indices = #map}]} {
    %mul3A = arith.constant 2 : i32
    %mul3A_0 = arith.muli %arg1, %mul3A : i32
    %add3A = arith.addi %mul3A_0, %arg0 : i32
    %mul3A_1 = arith.constant 1000 : i32
    %mul3A_2 = arith.muli %add3A, %mul3A_1 : i32
    %add3A_3 = arith.constant 0 : i32
    %add3A_4 = arith.addi %add3A_3, %mul3A_2 : i32
    "tpu.region"() ({
      %run_scoped3A = tpu.sem_alloc : memref<!tpu.dma_semaphore, #tpu.memory_space<semaphore_mem>>
      %dma_start3A_45 = tpu.memref_slice %arg3[%add3A_4] : memref<320000xi32, #tpu.memory_space<hbm>> -> memref<1000xi32, #tpu.memory_space<hbm>>
      %dma_start3A_46 = tpu.memref_slice %arg3[%add3A_4] : memref<320000xi32, #tpu.memory_space<hbm>> -> memref<1000xi32, #tpu.memory_space<hbm>>
      tpu.enqueue_dma source(%dma_start3A_46 : memref<1000xi32, #tpu.memory_space<hbm>>) target(%arg6 : memref<1000xi32, #tpu.memory_space<vmem>>) target_semaphore(%run_scoped3A : memref<!tpu.dma_semaphore, #tpu.memory_space<semaphore_mem>>)
      %dma_wait3A_47 = tpu.memref_slice %arg3[%add3A_4] : memref<320000xi32, #tpu.memory_space<hbm>> -> memref<1000xi32, #tpu.memory_space<hbm>>
      %dma_wait3A_48 = tpu.memref_slice %arg3[%add3A_4] : memref<320000xi32, #tpu.memory_space<hbm>> -> memref<1000xi32, #tpu.memory_space<hbm>>
      tpu.wait_dma2 semaphore(%run_scoped3A : memref<!tpu.dma_semaphore, #tpu.memory_space<semaphore_mem>>) src(%dma_wait3A_48 : memref<1000xi32, #tpu.memory_space<hbm>>) dst(%arg6 : memref<1000xi32, #tpu.memory_space<vmem>>)
      tpu.yield
    }) : () -> ()
    %add3A_5 = arith.constant 0 : i32
    %add3A_6 = arith.addi %add3A_5, %mul3A_2 : i32
    "tpu.region"() ({
      %run_scoped3A = tpu.sem_alloc : memref<!tpu.dma_semaphore, #tpu.memory_space<semaphore_mem>>
      %dma_start3A_45 = tpu.memref_slice %arg4[%add3A_6] : memref<320000xi32, #tpu.memory_space<hbm>> -> memref<1000xi32, #tpu.memory_space<hbm>>
      %dma_start3A_46 = tpu.memref_slice %arg4[%add3A_6] : memref<320000xi32, #tpu.memory_space<hbm>> -> memref<1000xi32, #tpu.memory_space<hbm>>
      tpu.enqueue_dma source(%dma_start3A_46 : memref<1000xi32, #tpu.memory_space<hbm>>) target(%arg7 : memref<1000xi32, #tpu.memory_space<vmem>>) target_semaphore(%run_scoped3A : memref<!tpu.dma_semaphore, #tpu.memory_space<semaphore_mem>>)
      %dma_wait3A_47 = tpu.memref_slice %arg4[%add3A_6] : memref<320000xi32, #tpu.memory_space<hbm>> -> memref<1000xi32, #tpu.memory_space<hbm>>
      %dma_wait3A_48 = tpu.memref_slice %arg4[%add3A_6] : memref<320000xi32, #tpu.memory_space<hbm>> -> memref<1000xi32, #tpu.memory_space<hbm>>
      tpu.wait_dma2 semaphore(%run_scoped3A : memref<!tpu.dma_semaphore, #tpu.memory_space<semaphore_mem>>) src(%dma_wait3A_48 : memref<1000xi32, #tpu.memory_space<hbm>>) dst(%arg7 : memref<1000xi32, #tpu.memory_space<vmem>>)
      tpu.yield
    }) : () -> ()
    %dma_start3A = arith.constant 0 : i32
    %dma_start3A_7 = tpu.memref_slice %arg6[%dma_start3A] : memref<1000xi32, #tpu.memory_space<vmem>> -> memref<40xi32, #tpu.memory_space<vmem>>
    %dma_start3A_8 = arith.constant 0 : i32
    %dma_start3A_9 = arith.constant 0 : i32
    %dma_start3A_10 = tpu.memref_slice %arg2[%dma_start3A_8, %dma_start3A_9] : memref<10000x128xf32, #tpu.memory_space<hbm>> -> memref<10000x128xf32, #tpu.memory_space<hbm>>
    tpu.enqueue_indirect_dma source(%dma_start3A_10 : memref<10000x128xf32, #tpu.memory_space<hbm>>) target(%arg8 : memref<40x128xf32, #tpu.memory_space<vmem>>) offsets(%dma_start3A_7 : memref<40xi32, #tpu.memory_space<vmem>>) semaphore(%arg16 : memref<!tpu.dma_semaphore, #tpu.memory_space<semaphore_mem>>)
    %dma_start3A_11 = arith.constant 0 : i32
    %dma_start3A_12 = tpu.memref_slice %arg7[%dma_start3A_11] : memref<1000xi32, #tpu.memory_space<vmem>> -> memref<40xi32, #tpu.memory_space<vmem>>
    %dma_start3A_13 = arith.constant 0 : i32
    %dma_start3A_14 = arith.constant 0 : i32
    %dma_start3A_15 = tpu.memref_slice %arg2[%dma_start3A_13, %dma_start3A_14] : memref<10000x128xf32, #tpu.memory_space<hbm>> -> memref<10000x128xf32, #tpu.memory_space<hbm>>
    tpu.enqueue_indirect_dma source(%dma_start3A_15 : memref<10000x128xf32, #tpu.memory_space<hbm>>) target(%arg12 : memref<40x128xf32, #tpu.memory_space<vmem>>) offsets(%dma_start3A_12 : memref<40xi32, #tpu.memory_space<vmem>>) semaphore(%arg20 : memref<!tpu.dma_semaphore, #tpu.memory_space<semaphore_mem>>)
    %dma_start3A_16 = arith.constant 40 : i32
    %dma_start3A_17 = tpu.memref_slice %arg6[%dma_start3A_16] : memref<1000xi32, #tpu.memory_space<vmem>> -> memref<40xi32, #tpu.memory_space<vmem>>
    %dma_start3A_18 = arith.constant 0 : i32
    %dma_start3A_19 = arith.constant 0 : i32
    %dma_start3A_20 = tpu.memref_slice %arg2[%dma_start3A_18, %dma_start3A_19] : memref<10000x128xf32, #tpu.memory_space<hbm>> -> memref<10000x128xf32, #tpu.memory_space<hbm>>
    tpu.enqueue_indirect_dma source(%dma_start3A_20 : memref<10000x128xf32, #tpu.memory_space<hbm>>) target(%arg9 : memref<40x128xf32, #tpu.memory_space<vmem>>) offsets(%dma_start3A_17 : memref<40xi32, #tpu.memory_space<vmem>>) semaphore(%arg17 : memref<!tpu.dma_semaphore, #tpu.memory_space<semaphore_mem>>)
    %dma_start3A_21 = arith.constant 40 : i32
    %dma_start3A_22 = tpu.memref_slice %arg7[%dma_start3A_21] : memref<1000xi32, #tpu.memory_space<vmem>> -> memref<40xi32, #tpu.memory_space<vmem>>
    %dma_start3A_23 = arith.constant 0 : i32
    %dma_start3A_24 = arith.constant 0 : i32
    %dma_start3A_25 = tpu.memref_slice %arg2[%dma_start3A_23, %dma_start3A_24] : memref<10000x128xf32, #tpu.memory_space<hbm>> -> memref<10000x128xf32, #tpu.memory_space<hbm>>
    tpu.enqueue_indirect_dma source(%dma_start3A_25 : memref<10000x128xf32, #tpu.memory_space<hbm>>) target(%arg13 : memref<40x128xf32, #tpu.memory_space<vmem>>) offsets(%dma_start3A_22 : memref<40xi32, #tpu.memory_space<vmem>>) semaphore(%arg21 : memref<!tpu.dma_semaphore, #tpu.memory_space<semaphore_mem>>)
    %scan3A = arith.constant 0 : i32
    %scan3A_26 = arith.constant 7 : i32
    %scan3A_27 = arith.addi %scan3A, %scan3A_26 : i32
    %scan3A_28 = arith.constant 1 : i32
    scf.for %scan3A_45 = %scan3A to %scan3A_27 step %scan3A_28  : i32 {
      %mul3A_46 = arith.constant 1 : i32
      %mul3A_47 = arith.muli %scan3A_45, %mul3A_46 : i32
      %add3A_48 = arith.constant 0 : i32
      %add3A_49 = arith.addi %add3A_48, %mul3A_47 : i32
      %mul3A_50 = arith.constant 4 : i32
      %mul3A_51 = arith.muli %add3A_49, %mul3A_50 : i32
      %add3A_52 = arith.constant 0 : i32
      %add3A_53 = arith.addi %mul3A_51, %add3A_52 : i32
      %lt3A = arith.constant 25 : i32
      %lt3A_54 = arith.cmpi slt, %add3A_53, %lt3A : i32
      %convert_element_type3A = arith.extui %lt3A_54 : i1 to i32
      %cond3A = arith.constant 0 : i32
      %cond3A_55 = arith.cmpi ne, %convert_element_type3A, %cond3A : i32
      scf.if %cond3A_55 {
        %ge3A = arith.constant 2 : i32
        %ge3A_83 = arith.cmpi sge, %add3A_53, %ge3A : i32
        %convert_element_type3A_84 = arith.extui %ge3A_83 : i1 to i32
        %cond3A_85 = arith.constant 0 : i32
        %cond3A_86 = arith.cmpi ne, %convert_element_type3A_84, %cond3A_85 : i32
        scf.if %cond3A_86 {
          %dma_wait3A_118 = arith.constant 0 : i32
          %dma_wait3A_119 = tpu.memref_slice %arg5[%mul3A_2, %dma_wait3A_118] : memref<32000x256xf32, #tpu.memory_space<hbm>> -> memref<40x128xf32, #tpu.memory_space<hbm>>
          %dma_wait3A_120 = arith.constant 0 : i32
          %dma_wait3A_121 = tpu.memref_slice %arg5[%mul3A_2, %dma_wait3A_120] : memref<32000x256xf32, #tpu.memory_space<hbm>> -> memref<40x128xf32, #tpu.memory_space<hbm>>
          tpu.wait_dma2 semaphore(%arg26 : memref<!tpu.dma_semaphore, #tpu.memory_space<semaphore_mem>>) src(%arg10 : memref<40x128xf32, #tpu.memory_space<vmem>>) dst(%dma_wait3A_121 : memref<40x128xf32, #tpu.memory_space<hbm>>)
          %dma_wait3A_122 = arith.constant 128 : i32
          %dma_wait3A_123 = tpu.memref_slice %arg5[%mul3A_2, %dma_wait3A_122] : memref<32000x256xf32, #tpu.memory_space<hbm>> -> memref<40x128xf32, #tpu.memory_space<hbm>>
          %dma_wait3A_124 = arith.constant 128 : i32
          %dma_wait3A_125 = tpu.memref_slice %arg5[%mul3A_2, %dma_wait3A_124] : memref<32000x256xf32, #tpu.memory_space<hbm>> -> memref<40x128xf32, #tpu.memory_space<hbm>>
          tpu.wait_dma2 semaphore(%arg30 : memref<!tpu.dma_semaphore, #tpu.memory_space<semaphore_mem>>) src(%arg14 : memref<40x128xf32, #tpu.memory_space<vmem>>) dst(%dma_wait3A_125 : memref<40x128xf32, #tpu.memory_space<hbm>>)
        } else {
        }
        %add3A_87 = arith.constant 2 : i32
        %add3A_88 = arith.addi %add3A_53, %add3A_87 : i32
        %lt3A_89 = arith.constant 25 : i32
        %lt3A_90 = arith.cmpi slt, %add3A_88, %lt3A_89 : i32
        %convert_element_type3A_91 = arith.extui %lt3A_90 : i1 to i32
        %cond3A_92 = arith.constant 0 : i32
        %cond3A_93 = arith.cmpi ne, %convert_element_type3A_91, %cond3A_92 : i32
        scf.if %cond3A_93 {
          %add3A_118 = arith.constant 2 : i32
          %add3A_119 = arith.addi %add3A_53, %add3A_118 : i32
          %mul3A_120 = arith.constant 40 : i32
          %mul3A_121 = arith.muli %add3A_119, %mul3A_120 : i32
          %dma_start3A_122 = tpu.memref_slice %arg6[%mul3A_121] : memref<1000xi32, #tpu.memory_space<vmem>> -> memref<40xi32, #tpu.memory_space<vmem>>
          %dma_start3A_123 = arith.constant 0 : i32
          %dma_start3A_124 = arith.constant 0 : i32
          %dma_start3A_125 = tpu.memref_slice %arg2[%dma_start3A_123, %dma_start3A_124] : memref<10000x128xf32, #tpu.memory_space<hbm>> -> memref<10000x128xf32, #tpu.memory_space<hbm>>
          tpu.enqueue_indirect_dma source(%dma_start3A_125 : memref<10000x128xf32, #tpu.memory_space<hbm>>) target(%arg10 : memref<40x128xf32, #tpu.memory_space<vmem>>) offsets(%dma_start3A_122 : memref<40xi32, #tpu.memory_space<vmem>>) semaphore(%arg18 : memref<!tpu.dma_semaphore, #tpu.memory_space<semaphore_mem>>)
          %dma_start3A_126 = tpu.memref_slice %arg7[%mul3A_121] : memref<1000xi32, #tpu.memory_space<vmem>> -> memref<40xi32, #tpu.memory_space<vmem>>
          %dma_start3A_127 = arith.constant 0 : i32
          %dma_start3A_128 = arith.constant 0 : i32
          %dma_start3A_129 = tpu.memref_slice %arg2[%dma_start3A_127, %dma_start3A_128] : memref<10000x128xf32, #tpu.memory_space<hbm>> -> memref<10000x128xf32, #tpu.memory_space<hbm>>
          tpu.enqueue_indirect_dma source(%dma_start3A_129 : memref<10000x128xf32, #tpu.memory_space<hbm>>) target(%arg14 : memref<40x128xf32, #tpu.memory_space<vmem>>) offsets(%dma_start3A_126 : memref<40xi32, #tpu.memory_space<vmem>>) semaphore(%arg22 : memref<!tpu.dma_semaphore, #tpu.memory_space<semaphore_mem>>)
        } else {
        }
        %dma_wait3A_94 = arith.constant 0 : i32
        %dma_wait3A_95 = arith.constant 0 : i32
        %dma_wait3A_96 = tpu.memref_slice %arg2[%dma_wait3A_94, %dma_wait3A_95] : memref<10000x128xf32, #tpu.memory_space<hbm>> -> memref<40x128xf32, #tpu.memory_space<hbm>>
        %dma_wait3A_97 = arith.constant 0 : i32
        %dma_wait3A_98 = arith.constant 0 : i32
        %dma_wait3A_99 = tpu.memref_slice %arg2[%dma_wait3A_97, %dma_wait3A_98] : memref<10000x128xf32, #tpu.memory_space<hbm>> -> memref<40x128xf32, #tpu.memory_space<hbm>>
        tpu.wait_dma2 semaphore(%arg16 : memref<!tpu.dma_semaphore, #tpu.memory_space<semaphore_mem>>) src(%dma_wait3A_99 : memref<40x128xf32, #tpu.memory_space<hbm>>) dst(%arg8 : memref<40x128xf32, #tpu.memory_space<vmem>>)
        %dma_wait3A_100 = arith.constant 0 : i32
        %dma_wait3A_101 = arith.constant 0 : i32
        %dma_wait3A_102 = tpu.memref_slice %arg2[%dma_wait3A_100, %dma_wait3A_101] : memref<10000x128xf32, #tpu.memory_space<hbm>> -> memref<40x128xf32, #tpu.memory_space<hbm>>
        %dma_wait3A_103 = arith.constant 0 : i32
        %dma_wait3A_104 = arith.constant 0 : i32
        %dma_wait3A_105 = tpu.memref_slice %arg2[%dma_wait3A_103, %dma_wait3A_104] : memref<10000x128xf32, #tpu.memory_space<hbm>> -> memref<40x128xf32, #tpu.memory_space<hbm>>
        tpu.wait_dma2 semaphore(%arg20 : memref<!tpu.dma_semaphore, #tpu.memory_space<semaphore_mem>>) src(%dma_wait3A_105 : memref<40x128xf32, #tpu.memory_space<hbm>>) dst(%arg12 : memref<40x128xf32, #tpu.memory_space<vmem>>)
        %mul3A_106 = arith.constant 40 : i32
        %mul3A_107 = arith.muli %add3A_53, %mul3A_106 : i32
        %add3A_108 = arith.addi %mul3A_2, %mul3A_107 : i32
        %dma_start3A_109 = arith.constant 0 : i32
        %dma_start3A_110 = tpu.memref_slice %arg5[%add3A_108, %dma_start3A_109] : memref<32000x256xf32, #tpu.memory_space<hbm>> -> memref<40x128xf32, #tpu.memory_space<hbm>>
        %dma_start3A_111 = arith.constant 0 : i32
        %dma_start3A_112 = tpu.memref_slice %arg5[%add3A_108, %dma_start3A_111] : memref<32000x256xf32, #tpu.memory_space<hbm>> -> memref<40x128xf32, #tpu.memory_space<hbm>>
        tpu.enqueue_dma source(%arg8 : memref<40x128xf32, #tpu.memory_space<vmem>>) target(%dma_start3A_112 : memref<40x128xf32, #tpu.memory_space<hbm>>) target_semaphore(%arg24 : memref<!tpu.dma_semaphore, #tpu.memory_space<semaphore_mem>>)
        %add3A_113 = arith.addi %mul3A_2, %mul3A_107 : i32
        %dma_start3A_114 = arith.constant 128 : i32
        %dma_start3A_115 = tpu.memref_slice %arg5[%add3A_113, %dma_start3A_114] : memref<32000x256xf32, #tpu.memory_space<hbm>> -> memref<40x128xf32, #tpu.memory_space<hbm>>
        %dma_start3A_116 = arith.constant 128 : i32
        %dma_start3A_117 = tpu.memref_slice %arg5[%add3A_113, %dma_start3A_116] : memref<32000x256xf32, #tpu.memory_space<hbm>> -> memref<40x128xf32, #tpu.memory_space<hbm>>
        tpu.enqueue_dma source(%arg12 : memref<40x128xf32, #tpu.memory_space<vmem>>) target(%dma_start3A_117 : memref<40x128xf32, #tpu.memory_space<hbm>>) target_semaphore(%arg28 : memref<!tpu.dma_semaphore, #tpu.memory_space<semaphore_mem>>)
      } else {
      }
      %mul3A_56 = arith.constant 4 : i32
      %mul3A_57 = arith.muli %add3A_49, %mul3A_56 : i32
      %add3A_58 = arith.constant 1 : i32
      %add3A_59 = arith.addi %mul3A_57, %add3A_58 : i32
      %lt3A_60 = arith.constant 25 : i32
      %lt3A_61 = arith.cmpi slt, %add3A_59, %lt3A_60 : i32
      %convert_element_type3A_62 = arith.extui %lt3A_61 : i1 to i32
      %cond3A_63 = arith.constant 0 : i32
      %cond3A_64 = arith.cmpi ne, %convert_element_type3A_62, %cond3A_63 : i32
      scf.if %cond3A_64 {
        %ge3A = arith.constant 2 : i32
        %ge3A_83 = arith.cmpi sge, %add3A_59, %ge3A : i32
        %convert_element_type3A_84 = arith.extui %ge3A_83 : i1 to i32
        %cond3A_85 = arith.constant 0 : i32
        %cond3A_86 = arith.cmpi ne, %convert_element_type3A_84, %cond3A_85 : i32
        scf.if %cond3A_86 {
          %dma_wait3A_118 = arith.constant 0 : i32
          %dma_wait3A_119 = tpu.memref_slice %arg5[%mul3A_2, %dma_wait3A_118] : memref<32000x256xf32, #tpu.memory_space<hbm>> -> memref<40x128xf32, #tpu.memory_space<hbm>>
          %dma_wait3A_120 = arith.constant 0 : i32
          %dma_wait3A_121 = tpu.memref_slice %arg5[%mul3A_2, %dma_wait3A_120] : memref<32000x256xf32, #tpu.memory_space<hbm>> -> memref<40x128xf32, #tpu.memory_space<hbm>>
          tpu.wait_dma2 semaphore(%arg27 : memref<!tpu.dma_semaphore, #tpu.memory_space<semaphore_mem>>) src(%arg11 : memref<40x128xf32, #tpu.memory_space<vmem>>) dst(%dma_wait3A_121 : memref<40x128xf32, #tpu.memory_space<hbm>>)
          %dma_wait3A_122 = arith.constant 128 : i32
          %dma_wait3A_123 = tpu.memref_slice %arg5[%mul3A_2, %dma_wait3A_122] : memref<32000x256xf32, #tpu.memory_space<hbm>> -> memref<40x128xf32, #tpu.memory_space<hbm>>
          %dma_wait3A_124 = arith.constant 128 : i32
          %dma_wait3A_125 = tpu.memref_slice %arg5[%mul3A_2, %dma_wait3A_124] : memref<32000x256xf32, #tpu.memory_space<hbm>> -> memref<40x128xf32, #tpu.memory_space<hbm>>
          tpu.wait_dma2 semaphore(%arg31 : memref<!tpu.dma_semaphore, #tpu.memory_space<semaphore_mem>>) src(%arg15 : memref<40x128xf32, #tpu.memory_space<vmem>>) dst(%dma_wait3A_125 : memref<40x128xf32, #tpu.memory_space<hbm>>)
        } else {
        }
        %add3A_87 = arith.constant 2 : i32
        %add3A_88 = arith.addi %add3A_59, %add3A_87 : i32
        %lt3A_89 = arith.constant 25 : i32
        %lt3A_90 = arith.cmpi slt, %add3A_88, %lt3A_89 : i32
        %convert_element_type3A_91 = arith.extui %lt3A_90 : i1 to i32
        %cond3A_92 = arith.constant 0 : i32
        %cond3A_93 = arith.cmpi ne, %convert_element_type3A_91, %cond3A_92 : i32
        scf.if %cond3A_93 {
          %add3A_118 = arith.constant 2 : i32
          %add3A_119 = arith.addi %add3A_59, %add3A_118 : i32
          %mul3A_120 = arith.constant 40 : i32
          %mul3A_121 = arith.muli %add3A_119, %mul3A_120 : i32
          %dma_start3A_122 = tpu.memref_slice %arg6[%mul3A_121] : memref<1000xi32, #tpu.memory_space<vmem>> -> memref<40xi32, #tpu.memory_space<vmem>>
          %dma_start3A_123 = arith.constant 0 : i32
          %dma_start3A_124 = arith.constant 0 : i32
          %dma_start3A_125 = tpu.memref_slice %arg2[%dma_start3A_123, %dma_start3A_124] : memref<10000x128xf32, #tpu.memory_space<hbm>> -> memref<10000x128xf32, #tpu.memory_space<hbm>>
          tpu.enqueue_indirect_dma source(%dma_start3A_125 : memref<10000x128xf32, #tpu.memory_space<hbm>>) target(%arg11 : memref<40x128xf32, #tpu.memory_space<vmem>>) offsets(%dma_start3A_122 : memref<40xi32, #tpu.memory_space<vmem>>) semaphore(%arg19 : memref<!tpu.dma_semaphore, #tpu.memory_space<semaphore_mem>>)
          %dma_start3A_126 = tpu.memref_slice %arg7[%mul3A_121] : memref<1000xi32, #tpu.memory_space<vmem>> -> memref<40xi32, #tpu.memory_space<vmem>>
          %dma_start3A_127 = arith.constant 0 : i32
          %dma_start3A_128 = arith.constant 0 : i32
          %dma_start3A_129 = tpu.memref_slice %arg2[%dma_start3A_127, %dma_start3A_128] : memref<10000x128xf32, #tpu.memory_space<hbm>> -> memref<10000x128xf32, #tpu.memory_space<hbm>>
          tpu.enqueue_indirect_dma source(%dma_start3A_129 : memref<10000x128xf32, #tpu.memory_space<hbm>>) target(%arg15 : memref<40x128xf32, #tpu.memory_space<vmem>>) offsets(%dma_start3A_126 : memref<40xi32, #tpu.memory_space<vmem>>) semaphore(%arg23 : memref<!tpu.dma_semaphore, #tpu.memory_space<semaphore_mem>>)
        } else {
        }
        %dma_wait3A_94 = arith.constant 0 : i32
        %dma_wait3A_95 = arith.constant 0 : i32
        %dma_wait3A_96 = tpu.memref_slice %arg2[%dma_wait3A_94, %dma_wait3A_95] : memref<10000x128xf32, #tpu.memory_space<hbm>> -> memref<40x128xf32, #tpu.memory_space<hbm>>
        %dma_wait3A_97 = arith.constant 0 : i32
        %dma_wait3A_98 = arith.constant 0 : i32
        %dma_wait3A_99 = tpu.memref_slice %arg2[%dma_wait3A_97, %dma_wait3A_98] : memref<10000x128xf32, #tpu.memory_space<hbm>> -> memref<40x128xf32, #tpu.memory_space<hbm>>
        tpu.wait_dma2 semaphore(%arg17 : memref<!tpu.dma_semaphore, #tpu.memory_space<semaphore_mem>>) src(%dma_wait3A_99 : memref<40x128xf32, #tpu.memory_space<hbm>>) dst(%arg9 : memref<40x128xf32, #tpu.memory_space<vmem>>)
        %dma_wait3A_100 = arith.constant 0 : i32
        %dma_wait3A_101 = arith.constant 0 : i32
        %dma_wait3A_102 = tpu.memref_slice %arg2[%dma_wait3A_100, %dma_wait3A_101] : memref<10000x128xf32, #tpu.memory_space<hbm>> -> memref<40x128xf32, #tpu.memory_space<hbm>>
        %dma_wait3A_103 = arith.constant 0 : i32
        %dma_wait3A_104 = arith.constant 0 : i32
        %dma_wait3A_105 = tpu.memref_slice %arg2[%dma_wait3A_103, %dma_wait3A_104] : memref<10000x128xf32, #tpu.memory_space<hbm>> -> memref<40x128xf32, #tpu.memory_space<hbm>>
        tpu.wait_dma2 semaphore(%arg21 : memref<!tpu.dma_semaphore, #tpu.memory_space<semaphore_mem>>) src(%dma_wait3A_105 : memref<40x128xf32, #tpu.memory_space<hbm>>) dst(%arg13 : memref<40x128xf32, #tpu.memory_space<vmem>>)
        %mul3A_106 = arith.constant 40 : i32
        %mul3A_107 = arith.muli %add3A_59, %mul3A_106 : i32
        %add3A_108 = arith.addi %mul3A_2, %mul3A_107 : i32
        %dma_start3A_109 = arith.constant 0 : i32
        %dma_start3A_110 = tpu.memref_slice %arg5[%add3A_108, %dma_start3A_109] : memref<32000x256xf32, #tpu.memory_space<hbm>> -> memref<40x128xf32, #tpu.memory_space<hbm>>
        %dma_start3A_111 = arith.constant 0 : i32
        %dma_start3A_112 = tpu.memref_slice %arg5[%add3A_108, %dma_start3A_111] : memref<32000x256xf32, #tpu.memory_space<hbm>> -> memref<40x128xf32, #tpu.memory_space<hbm>>
        tpu.enqueue_dma source(%arg9 : memref<40x128xf32, #tpu.memory_space<vmem>>) target(%dma_start3A_112 : memref<40x128xf32, #tpu.memory_space<hbm>>) target_semaphore(%arg25 : memref<!tpu.dma_semaphore, #tpu.memory_space<semaphore_mem>>)
        %add3A_113 = arith.addi %mul3A_2, %mul3A_107 : i32
        %dma_start3A_114 = arith.constant 128 : i32
        %dma_start3A_115 = tpu.memref_slice %arg5[%add3A_113, %dma_start3A_114] : memref<32000x256xf32, #tpu.memory_space<hbm>> -> memref<40x128xf32, #tpu.memory_space<hbm>>
        %dma_start3A_116 = arith.constant 128 : i32
        %dma_start3A_117 = tpu.memref_slice %arg5[%add3A_113, %dma_start3A_116] : memref<32000x256xf32, #tpu.memory_space<hbm>> -> memref<40x128xf32, #tpu.memory_space<hbm>>
        tpu.enqueue_dma source(%arg13 : memref<40x128xf32, #tpu.memory_space<vmem>>) target(%dma_start3A_117 : memref<40x128xf32, #tpu.memory_space<hbm>>) target_semaphore(%arg29 : memref<!tpu.dma_semaphore, #tpu.memory_space<semaphore_mem>>)
      } else {
      }
      %mul3A_65 = arith.constant 4 : i32
      %mul3A_66 = arith.muli %add3A_49, %mul3A_65 : i32
      %add3A_67 = arith.constant 2 : i32
      %add3A_68 = arith.addi %mul3A_66, %add3A_67 : i32
      %lt3A_69 = arith.constant 25 : i32
      %lt3A_70 = arith.cmpi slt, %add3A_68, %lt3A_69 : i32
      %convert_element_type3A_71 = arith.extui %lt3A_70 : i1 to i32
      %cond3A_72 = arith.constant 0 : i32
      %cond3A_73 = arith.cmpi ne, %convert_element_type3A_71, %cond3A_72 : i32
      scf.if %cond3A_73 {
        %ge3A = arith.constant 2 : i32
        %ge3A_83 = arith.cmpi sge, %add3A_68, %ge3A : i32
        %convert_element_type3A_84 = arith.extui %ge3A_83 : i1 to i32
        %cond3A_85 = arith.constant 0 : i32
        %cond3A_86 = arith.cmpi ne, %convert_element_type3A_84, %cond3A_85 : i32
        scf.if %cond3A_86 {
          %dma_wait3A_118 = arith.constant 0 : i32
          %dma_wait3A_119 = tpu.memref_slice %arg5[%mul3A_2, %dma_wait3A_118] : memref<32000x256xf32, #tpu.memory_space<hbm>> -> memref<40x128xf32, #tpu.memory_space<hbm>>
          %dma_wait3A_120 = arith.constant 0 : i32
          %dma_wait3A_121 = tpu.memref_slice %arg5[%mul3A_2, %dma_wait3A_120] : memref<32000x256xf32, #tpu.memory_space<hbm>> -> memref<40x128xf32, #tpu.memory_space<hbm>>
          tpu.wait_dma2 semaphore(%arg24 : memref<!tpu.dma_semaphore, #tpu.memory_space<semaphore_mem>>) src(%arg8 : memref<40x128xf32, #tpu.memory_space<vmem>>) dst(%dma_wait3A_121 : memref<40x128xf32, #tpu.memory_space<hbm>>)
          %dma_wait3A_122 = arith.constant 128 : i32
          %dma_wait3A_123 = tpu.memref_slice %arg5[%mul3A_2, %dma_wait3A_122] : memref<32000x256xf32, #tpu.memory_space<hbm>> -> memref<40x128xf32, #tpu.memory_space<hbm>>
          %dma_wait3A_124 = arith.constant 128 : i32
          %dma_wait3A_125 = tpu.memref_slice %arg5[%mul3A_2, %dma_wait3A_124] : memref<32000x256xf32, #tpu.memory_space<hbm>> -> memref<40x128xf32, #tpu.memory_space<hbm>>
          tpu.wait_dma2 semaphore(%arg28 : memref<!tpu.dma_semaphore, #tpu.memory_space<semaphore_mem>>) src(%arg12 : memref<40x128xf32, #tpu.memory_space<vmem>>) dst(%dma_wait3A_125 : memref<40x128xf32, #tpu.memory_space<hbm>>)
        } else {
        }
        %add3A_87 = arith.constant 2 : i32
        %add3A_88 = arith.addi %add3A_68, %add3A_87 : i32
        %lt3A_89 = arith.constant 25 : i32
        %lt3A_90 = arith.cmpi slt, %add3A_88, %lt3A_89 : i32
        %convert_element_type3A_91 = arith.extui %lt3A_90 : i1 to i32
        %cond3A_92 = arith.constant 0 : i32
        %cond3A_93 = arith.cmpi ne, %convert_element_type3A_91, %cond3A_92 : i32
        scf.if %cond3A_93 {
          %add3A_118 = arith.constant 2 : i32
          %add3A_119 = arith.addi %add3A_68, %add3A_118 : i32
          %mul3A_120 = arith.constant 40 : i32
          %mul3A_121 = arith.muli %add3A_119, %mul3A_120 : i32
          %dma_start3A_122 = tpu.memref_slice %arg6[%mul3A_121] : memref<1000xi32, #tpu.memory_space<vmem>> -> memref<40xi32, #tpu.memory_space<vmem>>
          %dma_start3A_123 = arith.constant 0 : i32
          %dma_start3A_124 = arith.constant 0 : i32
          %dma_start3A_125 = tpu.memref_slice %arg2[%dma_start3A_123, %dma_start3A_124] : memref<10000x128xf32, #tpu.memory_space<hbm>> -> memref<10000x128xf32, #tpu.memory_space<hbm>>
          tpu.enqueue_indirect_dma source(%dma_start3A_125 : memref<10000x128xf32, #tpu.memory_space<hbm>>) target(%arg8 : memref<40x128xf32, #tpu.memory_space<vmem>>) offsets(%dma_start3A_122 : memref<40xi32, #tpu.memory_space<vmem>>) semaphore(%arg16 : memref<!tpu.dma_semaphore, #tpu.memory_space<semaphore_mem>>)
          %dma_start3A_126 = tpu.memref_slice %arg7[%mul3A_121] : memref<1000xi32, #tpu.memory_space<vmem>> -> memref<40xi32, #tpu.memory_space<vmem>>
          %dma_start3A_127 = arith.constant 0 : i32
          %dma_start3A_128 = arith.constant 0 : i32
          %dma_start3A_129 = tpu.memref_slice %arg2[%dma_start3A_127, %dma_start3A_128] : memref<10000x128xf32, #tpu.memory_space<hbm>> -> memref<10000x128xf32, #tpu.memory_space<hbm>>
          tpu.enqueue_indirect_dma source(%dma_start3A_129 : memref<10000x128xf32, #tpu.memory_space<hbm>>) target(%arg12 : memref<40x128xf32, #tpu.memory_space<vmem>>) offsets(%dma_start3A_126 : memref<40xi32, #tpu.memory_space<vmem>>) semaphore(%arg20 : memref<!tpu.dma_semaphore, #tpu.memory_space<semaphore_mem>>)
        } else {
        }
        %dma_wait3A_94 = arith.constant 0 : i32
        %dma_wait3A_95 = arith.constant 0 : i32
        %dma_wait3A_96 = tpu.memref_slice %arg2[%dma_wait3A_94, %dma_wait3A_95] : memref<10000x128xf32, #tpu.memory_space<hbm>> -> memref<40x128xf32, #tpu.memory_space<hbm>>
        %dma_wait3A_97 = arith.constant 0 : i32
        %dma_wait3A_98 = arith.constant 0 : i32
        %dma_wait3A_99 = tpu.memref_slice %arg2[%dma_wait3A_97, %dma_wait3A_98] : memref<10000x128xf32, #tpu.memory_space<hbm>> -> memref<40x128xf32, #tpu.memory_space<hbm>>
        tpu.wait_dma2 semaphore(%arg18 : memref<!tpu.dma_semaphore, #tpu.memory_space<semaphore_mem>>) src(%dma_wait3A_99 : memref<40x128xf32, #tpu.memory_space<hbm>>) dst(%arg10 : memref<40x128xf32, #tpu.memory_space<vmem>>)
        %dma_wait3A_100 = arith.constant 0 : i32
        %dma_wait3A_101 = arith.constant 0 : i32
        %dma_wait3A_102 = tpu.memref_slice %arg2[%dma_wait3A_100, %dma_wait3A_101] : memref<10000x128xf32, #tpu.memory_space<hbm>> -> memref<40x128xf32, #tpu.memory_space<hbm>>
        %dma_wait3A_103 = arith.constant 0 : i32
        %dma_wait3A_104 = arith.constant 0 : i32
        %dma_wait3A_105 = tpu.memref_slice %arg2[%dma_wait3A_103, %dma_wait3A_104] : memref<10000x128xf32, #tpu.memory_space<hbm>> -> memref<40x128xf32, #tpu.memory_space<hbm>>
        tpu.wait_dma2 semaphore(%arg22 : memref<!tpu.dma_semaphore, #tpu.memory_space<semaphore_mem>>) src(%dma_wait3A_105 : memref<40x128xf32, #tpu.memory_space<hbm>>) dst(%arg14 : memref<40x128xf32, #tpu.memory_space<vmem>>)
        %mul3A_106 = arith.constant 40 : i32
        %mul3A_107 = arith.muli %add3A_68, %mul3A_106 : i32
        %add3A_108 = arith.addi %mul3A_2, %mul3A_107 : i32
        %dma_start3A_109 = arith.constant 0 : i32
        %dma_start3A_110 = tpu.memref_slice %arg5[%add3A_108, %dma_start3A_109] : memref<32000x256xf32, #tpu.memory_space<hbm>> -> memref<40x128xf32, #tpu.memory_space<hbm>>
        %dma_start3A_111 = arith.constant 0 : i32
        %dma_start3A_112 = tpu.memref_slice %arg5[%add3A_108, %dma_start3A_111] : memref<32000x256xf32, #tpu.memory_space<hbm>> -> memref<40x128xf32, #tpu.memory_space<hbm>>
        tpu.enqueue_dma source(%arg10 : memref<40x128xf32, #tpu.memory_space<vmem>>) target(%dma_start3A_112 : memref<40x128xf32, #tpu.memory_space<hbm>>) target_semaphore(%arg26 : memref<!tpu.dma_semaphore, #tpu.memory_space<semaphore_mem>>)
        %add3A_113 = arith.addi %mul3A_2, %mul3A_107 : i32
        %dma_start3A_114 = arith.constant 128 : i32
        %dma_start3A_115 = tpu.memref_slice %arg5[%add3A_113, %dma_start3A_114] : memref<32000x256xf32, #tpu.memory_space<hbm>> -> memref<40x128xf32, #tpu.memory_space<hbm>>
        %dma_start3A_116 = arith.constant 128 : i32
        %dma_start3A_117 = tpu.memref_slice %arg5[%add3A_113, %dma_start3A_116] : memref<32000x256xf32, #tpu.memory_space<hbm>> -> memref<40x128xf32, #tpu.memory_space<hbm>>
        tpu.enqueue_dma source(%arg14 : memref<40x128xf32, #tpu.memory_space<vmem>>) target(%dma_start3A_117 : memref<40x128xf32, #tpu.memory_space<hbm>>) target_semaphore(%arg30 : memref<!tpu.dma_semaphore, #tpu.memory_space<semaphore_mem>>)
      } else {
      }
      %mul3A_74 = arith.constant 4 : i32
      %mul3A_75 = arith.muli %add3A_49, %mul3A_74 : i32
      %add3A_76 = arith.constant 3 : i32
      %add3A_77 = arith.addi %mul3A_75, %add3A_76 : i32
      %lt3A_78 = arith.constant 25 : i32
      %lt3A_79 = arith.cmpi slt, %add3A_77, %lt3A_78 : i32
      %convert_element_type3A_80 = arith.extui %lt3A_79 : i1 to i32
      %cond3A_81 = arith.constant 0 : i32
      %cond3A_82 = arith.cmpi ne, %convert_element_type3A_80, %cond3A_81 : i32
      scf.if %cond3A_82 {
        %ge3A = arith.constant 2 : i32
        %ge3A_83 = arith.cmpi sge, %add3A_77, %ge3A : i32
        %convert_element_type3A_84 = arith.extui %ge3A_83 : i1 to i32
        %cond3A_85 = arith.constant 0 : i32
        %cond3A_86 = arith.cmpi ne, %convert_element_type3A_84, %cond3A_85 : i32
        scf.if %cond3A_86 {
          %dma_wait3A_118 = arith.constant 0 : i32
          %dma_wait3A_119 = tpu.memref_slice %arg5[%mul3A_2, %dma_wait3A_118] : memref<32000x256xf32, #tpu.memory_space<hbm>> -> memref<40x128xf32, #tpu.memory_space<hbm>>
          %dma_wait3A_120 = arith.constant 0 : i32
          %dma_wait3A_121 = tpu.memref_slice %arg5[%mul3A_2, %dma_wait3A_120] : memref<32000x256xf32, #tpu.memory_space<hbm>> -> memref<40x128xf32, #tpu.memory_space<hbm>>
          tpu.wait_dma2 semaphore(%arg25 : memref<!tpu.dma_semaphore, #tpu.memory_space<semaphore_mem>>) src(%arg9 : memref<40x128xf32, #tpu.memory_space<vmem>>) dst(%dma_wait3A_121 : memref<40x128xf32, #tpu.memory_space<hbm>>)
          %dma_wait3A_122 = arith.constant 128 : i32
          %dma_wait3A_123 = tpu.memref_slice %arg5[%mul3A_2, %dma_wait3A_122] : memref<32000x256xf32, #tpu.memory_space<hbm>> -> memref<40x128xf32, #tpu.memory_space<hbm>>
          %dma_wait3A_124 = arith.constant 128 : i32
          %dma_wait3A_125 = tpu.memref_slice %arg5[%mul3A_2, %dma_wait3A_124] : memref<32000x256xf32, #tpu.memory_space<hbm>> -> memref<40x128xf32, #tpu.memory_space<hbm>>
          tpu.wait_dma2 semaphore(%arg29 : memref<!tpu.dma_semaphore, #tpu.memory_space<semaphore_mem>>) src(%arg13 : memref<40x128xf32, #tpu.memory_space<vmem>>) dst(%dma_wait3A_125 : memref<40x128xf32, #tpu.memory_space<hbm>>)
        } else {
        }
        %add3A_87 = arith.constant 2 : i32
        %add3A_88 = arith.addi %add3A_77, %add3A_87 : i32
        %lt3A_89 = arith.constant 25 : i32
        %lt3A_90 = arith.cmpi slt, %add3A_88, %lt3A_89 : i32
        %convert_element_type3A_91 = arith.extui %lt3A_90 : i1 to i32
        %cond3A_92 = arith.constant 0 : i32
        %cond3A_93 = arith.cmpi ne, %convert_element_type3A_91, %cond3A_92 : i32
        scf.if %cond3A_93 {
          %add3A_118 = arith.constant 2 : i32
          %add3A_119 = arith.addi %add3A_77, %add3A_118 : i32
          %mul3A_120 = arith.constant 40 : i32
          %mul3A_121 = arith.muli %add3A_119, %mul3A_120 : i32
          %dma_start3A_122 = tpu.memref_slice %arg6[%mul3A_121] : memref<1000xi32, #tpu.memory_space<vmem>> -> memref<40xi32, #tpu.memory_space<vmem>>
          %dma_start3A_123 = arith.constant 0 : i32
          %dma_start3A_124 = arith.constant 0 : i32
          %dma_start3A_125 = tpu.memref_slice %arg2[%dma_start3A_123, %dma_start3A_124] : memref<10000x128xf32, #tpu.memory_space<hbm>> -> memref<10000x128xf32, #tpu.memory_space<hbm>>
          tpu.enqueue_indirect_dma source(%dma_start3A_125 : memref<10000x128xf32, #tpu.memory_space<hbm>>) target(%arg9 : memref<40x128xf32, #tpu.memory_space<vmem>>) offsets(%dma_start3A_122 : memref<40xi32, #tpu.memory_space<vmem>>) semaphore(%arg17 : memref<!tpu.dma_semaphore, #tpu.memory_space<semaphore_mem>>)
          %dma_start3A_126 = tpu.memref_slice %arg7[%mul3A_121] : memref<1000xi32, #tpu.memory_space<vmem>> -> memref<40xi32, #tpu.memory_space<vmem>>
          %dma_start3A_127 = arith.constant 0 : i32
          %dma_start3A_128 = arith.constant 0 : i32
          %dma_start3A_129 = tpu.memref_slice %arg2[%dma_start3A_127, %dma_start3A_128] : memref<10000x128xf32, #tpu.memory_space<hbm>> -> memref<10000x128xf32, #tpu.memory_space<hbm>>
          tpu.enqueue_indirect_dma source(%dma_start3A_129 : memref<10000x128xf32, #tpu.memory_space<hbm>>) target(%arg13 : memref<40x128xf32, #tpu.memory_space<vmem>>) offsets(%dma_start3A_126 : memref<40xi32, #tpu.memory_space<vmem>>) semaphore(%arg21 : memref<!tpu.dma_semaphore, #tpu.memory_space<semaphore_mem>>)
        } else {
        }
        %dma_wait3A_94 = arith.constant 0 : i32
        %dma_wait3A_95 = arith.constant 0 : i32
        %dma_wait3A_96 = tpu.memref_slice %arg2[%dma_wait3A_94, %dma_wait3A_95] : memref<10000x128xf32, #tpu.memory_space<hbm>> -> memref<40x128xf32, #tpu.memory_space<hbm>>
        %dma_wait3A_97 = arith.constant 0 : i32
        %dma_wait3A_98 = arith.constant 0 : i32
        %dma_wait3A_99 = tpu.memref_slice %arg2[%dma_wait3A_97, %dma_wait3A_98] : memref<10000x128xf32, #tpu.memory_space<hbm>> -> memref<40x128xf32, #tpu.memory_space<hbm>>
        tpu.wait_dma2 semaphore(%arg19 : memref<!tpu.dma_semaphore, #tpu.memory_space<semaphore_mem>>) src(%dma_wait3A_99 : memref<40x128xf32, #tpu.memory_space<hbm>>) dst(%arg11 : memref<40x128xf32, #tpu.memory_space<vmem>>)
        %dma_wait3A_100 = arith.constant 0 : i32
        %dma_wait3A_101 = arith.constant 0 : i32
        %dma_wait3A_102 = tpu.memref_slice %arg2[%dma_wait3A_100, %dma_wait3A_101] : memref<10000x128xf32, #tpu.memory_space<hbm>> -> memref<40x128xf32, #tpu.memory_space<hbm>>
        %dma_wait3A_103 = arith.constant 0 : i32
        %dma_wait3A_104 = arith.constant 0 : i32
        %dma_wait3A_105 = tpu.memref_slice %arg2[%dma_wait3A_103, %dma_wait3A_104] : memref<10000x128xf32, #tpu.memory_space<hbm>> -> memref<40x128xf32, #tpu.memory_space<hbm>>
        tpu.wait_dma2 semaphore(%arg23 : memref<!tpu.dma_semaphore, #tpu.memory_space<semaphore_mem>>) src(%dma_wait3A_105 : memref<40x128xf32, #tpu.memory_space<hbm>>) dst(%arg15 : memref<40x128xf32, #tpu.memory_space<vmem>>)
        %mul3A_106 = arith.constant 40 : i32
        %mul3A_107 = arith.muli %add3A_77, %mul3A_106 : i32
        %add3A_108 = arith.addi %mul3A_2, %mul3A_107 : i32
        %dma_start3A_109 = arith.constant 0 : i32
        %dma_start3A_110 = tpu.memref_slice %arg5[%add3A_108, %dma_start3A_109] : memref<32000x256xf32, #tpu.memory_space<hbm>> -> memref<40x128xf32, #tpu.memory_space<hbm>>
        %dma_start3A_111 = arith.constant 0 : i32
        %dma_start3A_112 = tpu.memref_slice %arg5[%add3A_108, %dma_start3A_111] : memref<32000x256xf32, #tpu.memory_space<hbm>> -> memref<40x128xf32, #tpu.memory_space<hbm>>
        tpu.enqueue_dma source(%arg11 : memref<40x128xf32, #tpu.memory_space<vmem>>) target(%dma_start3A_112 : memref<40x128xf32, #tpu.memory_space<hbm>>) target_semaphore(%arg27 : memref<!tpu.dma_semaphore, #tpu.memory_space<semaphore_mem>>)
        %add3A_113 = arith.addi %mul3A_2, %mul3A_107 : i32
        %dma_start3A_114 = arith.constant 128 : i32
        %dma_start3A_115 = tpu.memref_slice %arg5[%add3A_113, %dma_start3A_114] : memref<32000x256xf32, #tpu.memory_space<hbm>> -> memref<40x128xf32, #tpu.memory_space<hbm>>
        %dma_start3A_116 = arith.constant 128 : i32
        %dma_start3A_117 = tpu.memref_slice %arg5[%add3A_113, %dma_start3A_116] : memref<32000x256xf32, #tpu.memory_space<hbm>> -> memref<40x128xf32, #tpu.memory_space<hbm>>
        tpu.enqueue_dma source(%arg15 : memref<40x128xf32, #tpu.memory_space<vmem>>) target(%dma_start3A_117 : memref<40x128xf32, #tpu.memory_space<hbm>>) target_semaphore(%arg31 : memref<!tpu.dma_semaphore, #tpu.memory_space<semaphore_mem>>)
      } else {
      }
    }
    %scan3A_29 = arith.constant 7 : i32
    %dma_wait3A = arith.constant 0 : i32
    %dma_wait3A_30 = tpu.memref_slice %arg5[%mul3A_2, %dma_wait3A] : memref<32000x256xf32, #tpu.memory_space<hbm>> -> memref<40x128xf32, #tpu.memory_space<hbm>>
    %dma_wait3A_31 = arith.constant 0 : i32
    %dma_wait3A_32 = tpu.memref_slice %arg5[%mul3A_2, %dma_wait3A_31] : memref<32000x256xf32, #tpu.memory_space<hbm>> -> memref<40x128xf32, #tpu.memory_space<hbm>>
    tpu.wait_dma2 semaphore(%arg27 : memref<!tpu.dma_semaphore, #tpu.memory_space<semaphore_mem>>) src(%arg11 : memref<40x128xf32, #tpu.memory_space<vmem>>) dst(%dma_wait3A_32 : memref<40x128xf32, #tpu.memory_space<hbm>>)
    %dma_wait3A_33 = arith.constant 128 : i32
    %dma_wait3A_34 = tpu.memref_slice %arg5[%mul3A_2, %dma_wait3A_33] : memref<32000x256xf32, #tpu.memory_space<hbm>> -> memref<40x128xf32, #tpu.memory_space<hbm>>
    %dma_wait3A_35 = arith.constant 128 : i32
    %dma_wait3A_36 = tpu.memref_slice %arg5[%mul3A_2, %dma_wait3A_35] : memref<32000x256xf32, #tpu.memory_space<hbm>> -> memref<40x128xf32, #tpu.memory_space<hbm>>
    tpu.wait_dma2 semaphore(%arg31 : memref<!tpu.dma_semaphore, #tpu.memory_space<semaphore_mem>>) src(%arg15 : memref<40x128xf32, #tpu.memory_space<vmem>>) dst(%dma_wait3A_36 : memref<40x128xf32, #tpu.memory_space<hbm>>)
    %dma_wait3A_37 = arith.constant 0 : i32
    %dma_wait3A_38 = tpu.memref_slice %arg5[%mul3A_2, %dma_wait3A_37] : memref<32000x256xf32, #tpu.memory_space<hbm>> -> memref<40x128xf32, #tpu.memory_space<hbm>>
    %dma_wait3A_39 = arith.constant 0 : i32
    %dma_wait3A_40 = tpu.memref_slice %arg5[%mul3A_2, %dma_wait3A_39] : memref<32000x256xf32, #tpu.memory_space<hbm>> -> memref<40x128xf32, #tpu.memory_space<hbm>>
    tpu.wait_dma2 semaphore(%arg24 : memref<!tpu.dma_semaphore, #tpu.memory_space<semaphore_mem>>) src(%arg8 : memref<40x128xf32, #tpu.memory_space<vmem>>) dst(%dma_wait3A_40 : memref<40x128xf32, #tpu.memory_space<hbm>>)
    %dma_wait3A_41 = arith.constant 128 : i32
    %dma_wait3A_42 = tpu.memref_slice %arg5[%mul3A_2, %dma_wait3A_41] : memref<32000x256xf32, #tpu.memory_space<hbm>> -> memref<40x128xf32, #tpu.memory_space<hbm>>
    %dma_wait3A_43 = arith.constant 128 : i32
    %dma_wait3A_44 = tpu.memref_slice %arg5[%mul3A_2, %dma_wait3A_43] : memref<32000x256xf32, #tpu.memory_space<hbm>> -> memref<40x128xf32, #tpu.memory_space<hbm>>
    tpu.wait_dma2 semaphore(%arg28 : memref<!tpu.dma_semaphore, #tpu.memory_space<semaphore_mem>>) src(%arg12 : memref<40x128xf32, #tpu.memory_space<vmem>>) dst(%dma_wait3A_44 : memref<40x128xf32, #tpu.memory_space<hbm>>)
    return
  }
}

#map = affine_map<(d0, d1) -> (0, 0)>
#map1 = affine_map<(d0, d1) -> (0)>
module attributes {stable_mosaic.version = 14 : i64} {
  func.func @k(%arg0: i32, %arg1: i32, %arg2: memref<10000x128xf32, #tpu.memory_space<hbm>>, %arg3: memref<320000xi32, #tpu.memory_space<hbm>>, %arg4: memref<320000xi32, #tpu.memory_space<hbm>>, %arg5: memref<96000x256xf32, #tpu.memory_space<hbm>>, %arg6: memref<3000xi32, #tpu.memory_space<vmem>>, %arg7: memref<3000xi32, #tpu.memory_space<vmem>>, %arg8: memref<40x128xf32, #tpu.memory_space<vmem>>, %arg9: memref<40x128xf32, #tpu.memory_space<vmem>>, %arg10: memref<40x128xf32, #tpu.memory_space<vmem>>, %arg11: memref<40x128xf32, #tpu.memory_space<vmem>>, %arg12: memref<40x128xf32, #tpu.memory_space<vmem>>, %arg13: memref<40x128xf32, #tpu.memory_space<vmem>>, %arg14: memref<40x128xf32, #tpu.memory_space<vmem>>, %arg15: memref<40x128xf32, #tpu.memory_space<vmem>>, %arg16: memref<!tpu.dma_semaphore, #tpu.memory_space<semaphore_mem>>, %arg17: memref<!tpu.dma_semaphore, #tpu.memory_space<semaphore_mem>>, %arg18: memref<!tpu.dma_semaphore, #tpu.memory_space<semaphore_mem>>, %arg19: memref<!tpu.dma_semaphore, #tpu.memory_space<semaphore_mem>>, %arg20: memref<!tpu.dma_semaphore, #tpu.memory_space<semaphore_mem>>, %arg21: memref<!tpu.dma_semaphore, #tpu.memory_space<semaphore_mem>>, %arg22: memref<!tpu.dma_semaphore, #tpu.memory_space<semaphore_mem>>, %arg23: memref<!tpu.dma_semaphore, #tpu.memory_space<semaphore_mem>>, %arg24: memref<!tpu.dma_semaphore, #tpu.memory_space<semaphore_mem>>, %arg25: memref<!tpu.dma_semaphore, #tpu.memory_space<semaphore_mem>>, %arg26: memref<!tpu.dma_semaphore, #tpu.memory_space<semaphore_mem>>, %arg27: memref<!tpu.dma_semaphore, #tpu.memory_space<semaphore_mem>>, %arg28: memref<!tpu.dma_semaphore, #tpu.memory_space<semaphore_mem>>, %arg29: memref<!tpu.dma_semaphore, #tpu.memory_space<semaphore_mem>>, %arg30: memref<!tpu.dma_semaphore, #tpu.memory_space<semaphore_mem>>, %arg31: memref<!tpu.dma_semaphore, #tpu.memory_space<semaphore_mem>>) attributes {dimension_semantics = [#tpu.dimension_semantics<core_parallel>, #tpu.dimension_semantics<subcore_parallel>], iteration_bounds = array<i64: 2, 16>, scalar_prefetch = 0 : i64, scratch_operands = 26 : i64, tpu.core_type = #tpu.core_type<sc_vector_subcore>, window_params = [{transform_indices = #map}, {transform_indices = #map1}, {transform_indices = #map1}, {transform_indices = #map}]} {
    %mul3A = arith.constant 2 : i32
    %mul3A_0 = arith.muli %arg1, %mul3A : i32
    %add3A = arith.addi %mul3A_0, %arg0 : i32
    %mul3A_1 = arith.constant 3000 : i32
    %mul3A_2 = arith.muli %add3A, %mul3A_1 : i32
    %add3A_3 = arith.constant 224000 : i32
    %add3A_4 = arith.addi %add3A_3, %mul3A_2 : i32
    "tpu.region"() ({
      %run_scoped3A = tpu.sem_alloc : memref<!tpu.dma_semaphore, #tpu.memory_space<semaphore_mem>>
      %dma_start3A_45 = tpu.memref_slice %arg3[%add3A_4] : memref<320000xi32, #tpu.memory_space<hbm>> -> memref<3000xi32, #tpu.memory_space<hbm>>
      %dma_start3A_46 = tpu.memref_slice %arg3[%add3A_4] : memref<320000xi32, #tpu.memory_space<hbm>> -> memref<3000xi32, #tpu.memory_space<hbm>>
      tpu.enqueue_dma source(%dma_start3A_46 : memref<3000xi32, #tpu.memory_space<hbm>>) target(%arg6 : memref<3000xi32, #tpu.memory_space<vmem>>) target_semaphore(%run_scoped3A : memref<!tpu.dma_semaphore, #tpu.memory_space<semaphore_mem>>)
      %dma_wait3A_47 = tpu.memref_slice %arg3[%add3A_4] : memref<320000xi32, #tpu.memory_space<hbm>> -> memref<3000xi32, #tpu.memory_space<hbm>>
      %dma_wait3A_48 = tpu.memref_slice %arg3[%add3A_4] : memref<320000xi32, #tpu.memory_space<hbm>> -> memref<3000xi32, #tpu.memory_space<hbm>>
      tpu.wait_dma2 semaphore(%run_scoped3A : memref<!tpu.dma_semaphore, #tpu.memory_space<semaphore_mem>>) src(%dma_wait3A_48 : memref<3000xi32, #tpu.memory_space<hbm>>) dst(%arg6 : memref<3000xi32, #tpu.memory_space<vmem>>)
      tpu.yield
    }) : () -> ()
    %add3A_5 = arith.constant 224000 : i32
    %add3A_6 = arith.addi %add3A_5, %mul3A_2 : i32
    "tpu.region"() ({
      %run_scoped3A = tpu.sem_alloc : memref<!tpu.dma_semaphore, #tpu.memory_space<semaphore_mem>>
      %dma_start3A_45 = tpu.memref_slice %arg4[%add3A_6] : memref<320000xi32, #tpu.memory_space<hbm>> -> memref<3000xi32, #tpu.memory_space<hbm>>
      %dma_start3A_46 = tpu.memref_slice %arg4[%add3A_6] : memref<320000xi32, #tpu.memory_space<hbm>> -> memref<3000xi32, #tpu.memory_space<hbm>>
      tpu.enqueue_dma source(%dma_start3A_46 : memref<3000xi32, #tpu.memory_space<hbm>>) target(%arg7 : memref<3000xi32, #tpu.memory_space<vmem>>) target_semaphore(%run_scoped3A : memref<!tpu.dma_semaphore, #tpu.memory_space<semaphore_mem>>)
      %dma_wait3A_47 = tpu.memref_slice %arg4[%add3A_6] : memref<320000xi32, #tpu.memory_space<hbm>> -> memref<3000xi32, #tpu.memory_space<hbm>>
      %dma_wait3A_48 = tpu.memref_slice %arg4[%add3A_6] : memref<320000xi32, #tpu.memory_space<hbm>> -> memref<3000xi32, #tpu.memory_space<hbm>>
      tpu.wait_dma2 semaphore(%run_scoped3A : memref<!tpu.dma_semaphore, #tpu.memory_space<semaphore_mem>>) src(%dma_wait3A_48 : memref<3000xi32, #tpu.memory_space<hbm>>) dst(%arg7 : memref<3000xi32, #tpu.memory_space<vmem>>)
      tpu.yield
    }) : () -> ()
    %dma_start3A = arith.constant 0 : i32
    %dma_start3A_7 = tpu.memref_slice %arg6[%dma_start3A] : memref<3000xi32, #tpu.memory_space<vmem>> -> memref<40xi32, #tpu.memory_space<vmem>>
    %dma_start3A_8 = arith.constant 0 : i32
    %dma_start3A_9 = arith.constant 0 : i32
    %dma_start3A_10 = tpu.memref_slice %arg2[%dma_start3A_8, %dma_start3A_9] : memref<10000x128xf32, #tpu.memory_space<hbm>> -> memref<10000x128xf32, #tpu.memory_space<hbm>>
    tpu.enqueue_indirect_dma source(%dma_start3A_10 : memref<10000x128xf32, #tpu.memory_space<hbm>>) target(%arg8 : memref<40x128xf32, #tpu.memory_space<vmem>>) offsets(%dma_start3A_7 : memref<40xi32, #tpu.memory_space<vmem>>) semaphore(%arg16 : memref<!tpu.dma_semaphore, #tpu.memory_space<semaphore_mem>>)
    %dma_start3A_11 = arith.constant 0 : i32
    %dma_start3A_12 = tpu.memref_slice %arg7[%dma_start3A_11] : memref<3000xi32, #tpu.memory_space<vmem>> -> memref<40xi32, #tpu.memory_space<vmem>>
    %dma_start3A_13 = arith.constant 0 : i32
    %dma_start3A_14 = arith.constant 0 : i32
    %dma_start3A_15 = tpu.memref_slice %arg2[%dma_start3A_13, %dma_start3A_14] : memref<10000x128xf32, #tpu.memory_space<hbm>> -> memref<10000x128xf32, #tpu.memory_space<hbm>>
    tpu.enqueue_indirect_dma source(%dma_start3A_15 : memref<10000x128xf32, #tpu.memory_space<hbm>>) target(%arg12 : memref<40x128xf32, #tpu.memory_space<vmem>>) offsets(%dma_start3A_12 : memref<40xi32, #tpu.memory_space<vmem>>) semaphore(%arg20 : memref<!tpu.dma_semaphore, #tpu.memory_space<semaphore_mem>>)
    %dma_start3A_16 = arith.constant 40 : i32
    %dma_start3A_17 = tpu.memref_slice %arg6[%dma_start3A_16] : memref<3000xi32, #tpu.memory_space<vmem>> -> memref<40xi32, #tpu.memory_space<vmem>>
    %dma_start3A_18 = arith.constant 0 : i32
    %dma_start3A_19 = arith.constant 0 : i32
    %dma_start3A_20 = tpu.memref_slice %arg2[%dma_start3A_18, %dma_start3A_19] : memref<10000x128xf32, #tpu.memory_space<hbm>> -> memref<10000x128xf32, #tpu.memory_space<hbm>>
    tpu.enqueue_indirect_dma source(%dma_start3A_20 : memref<10000x128xf32, #tpu.memory_space<hbm>>) target(%arg9 : memref<40x128xf32, #tpu.memory_space<vmem>>) offsets(%dma_start3A_17 : memref<40xi32, #tpu.memory_space<vmem>>) semaphore(%arg17 : memref<!tpu.dma_semaphore, #tpu.memory_space<semaphore_mem>>)
    %dma_start3A_21 = arith.constant 40 : i32
    %dma_start3A_22 = tpu.memref_slice %arg7[%dma_start3A_21] : memref<3000xi32, #tpu.memory_space<vmem>> -> memref<40xi32, #tpu.memory_space<vmem>>
    %dma_start3A_23 = arith.constant 0 : i32
    %dma_start3A_24 = arith.constant 0 : i32
    %dma_start3A_25 = tpu.memref_slice %arg2[%dma_start3A_23, %dma_start3A_24] : memref<10000x128xf32, #tpu.memory_space<hbm>> -> memref<10000x128xf32, #tpu.memory_space<hbm>>
    tpu.enqueue_indirect_dma source(%dma_start3A_25 : memref<10000x128xf32, #tpu.memory_space<hbm>>) target(%arg13 : memref<40x128xf32, #tpu.memory_space<vmem>>) offsets(%dma_start3A_22 : memref<40xi32, #tpu.memory_space<vmem>>) semaphore(%arg21 : memref<!tpu.dma_semaphore, #tpu.memory_space<semaphore_mem>>)
    %scan3A = arith.constant 0 : i32
    %scan3A_26 = arith.constant 19 : i32
    %scan3A_27 = arith.addi %scan3A, %scan3A_26 : i32
    %scan3A_28 = arith.constant 1 : i32
    scf.for %scan3A_45 = %scan3A to %scan3A_27 step %scan3A_28  : i32 {
      %mul3A_46 = arith.constant 1 : i32
      %mul3A_47 = arith.muli %scan3A_45, %mul3A_46 : i32
      %add3A_48 = arith.constant 0 : i32
      %add3A_49 = arith.addi %add3A_48, %mul3A_47 : i32
      %mul3A_50 = arith.constant 4 : i32
      %mul3A_51 = arith.muli %add3A_49, %mul3A_50 : i32
      %add3A_52 = arith.constant 0 : i32
      %add3A_53 = arith.addi %mul3A_51, %add3A_52 : i32
      %lt3A = arith.constant 75 : i32
      %lt3A_54 = arith.cmpi slt, %add3A_53, %lt3A : i32
      %convert_element_type3A = arith.extui %lt3A_54 : i1 to i32
      %cond3A = arith.constant 0 : i32
      %cond3A_55 = arith.cmpi ne, %convert_element_type3A, %cond3A : i32
      scf.if %cond3A_55 {
        %ge3A = arith.constant 2 : i32
        %ge3A_83 = arith.cmpi sge, %add3A_53, %ge3A : i32
        %convert_element_type3A_84 = arith.extui %ge3A_83 : i1 to i32
        %cond3A_85 = arith.constant 0 : i32
        %cond3A_86 = arith.cmpi ne, %convert_element_type3A_84, %cond3A_85 : i32
        scf.if %cond3A_86 {
          %dma_wait3A_118 = arith.constant 0 : i32
          %dma_wait3A_119 = tpu.memref_slice %arg5[%mul3A_2, %dma_wait3A_118] : memref<96000x256xf32, #tpu.memory_space<hbm>> -> memref<40x128xf32, #tpu.memory_space<hbm>>
          %dma_wait3A_120 = arith.constant 0 : i32
          %dma_wait3A_121 = tpu.memref_slice %arg5[%mul3A_2, %dma_wait3A_120] : memref<96000x256xf32, #tpu.memory_space<hbm>> -> memref<40x128xf32, #tpu.memory_space<hbm>>
          tpu.wait_dma2 semaphore(%arg26 : memref<!tpu.dma_semaphore, #tpu.memory_space<semaphore_mem>>) src(%arg10 : memref<40x128xf32, #tpu.memory_space<vmem>>) dst(%dma_wait3A_121 : memref<40x128xf32, #tpu.memory_space<hbm>>)
          %dma_wait3A_122 = arith.constant 128 : i32
          %dma_wait3A_123 = tpu.memref_slice %arg5[%mul3A_2, %dma_wait3A_122] : memref<96000x256xf32, #tpu.memory_space<hbm>> -> memref<40x128xf32, #tpu.memory_space<hbm>>
          %dma_wait3A_124 = arith.constant 128 : i32
          %dma_wait3A_125 = tpu.memref_slice %arg5[%mul3A_2, %dma_wait3A_124] : memref<96000x256xf32, #tpu.memory_space<hbm>> -> memref<40x128xf32, #tpu.memory_space<hbm>>
          tpu.wait_dma2 semaphore(%arg30 : memref<!tpu.dma_semaphore, #tpu.memory_space<semaphore_mem>>) src(%arg14 : memref<40x128xf32, #tpu.memory_space<vmem>>) dst(%dma_wait3A_125 : memref<40x128xf32, #tpu.memory_space<hbm>>)
        } else {
        }
        %add3A_87 = arith.constant 2 : i32
        %add3A_88 = arith.addi %add3A_53, %add3A_87 : i32
        %lt3A_89 = arith.constant 75 : i32
        %lt3A_90 = arith.cmpi slt, %add3A_88, %lt3A_89 : i32
        %convert_element_type3A_91 = arith.extui %lt3A_90 : i1 to i32
        %cond3A_92 = arith.constant 0 : i32
        %cond3A_93 = arith.cmpi ne, %convert_element_type3A_91, %cond3A_92 : i32
        scf.if %cond3A_93 {
          %add3A_118 = arith.constant 2 : i32
          %add3A_119 = arith.addi %add3A_53, %add3A_118 : i32
          %mul3A_120 = arith.constant 40 : i32
          %mul3A_121 = arith.muli %add3A_119, %mul3A_120 : i32
          %dma_start3A_122 = tpu.memref_slice %arg6[%mul3A_121] : memref<3000xi32, #tpu.memory_space<vmem>> -> memref<40xi32, #tpu.memory_space<vmem>>
          %dma_start3A_123 = arith.constant 0 : i32
          %dma_start3A_124 = arith.constant 0 : i32
          %dma_start3A_125 = tpu.memref_slice %arg2[%dma_start3A_123, %dma_start3A_124] : memref<10000x128xf32, #tpu.memory_space<hbm>> -> memref<10000x128xf32, #tpu.memory_space<hbm>>
          tpu.enqueue_indirect_dma source(%dma_start3A_125 : memref<10000x128xf32, #tpu.memory_space<hbm>>) target(%arg10 : memref<40x128xf32, #tpu.memory_space<vmem>>) offsets(%dma_start3A_122 : memref<40xi32, #tpu.memory_space<vmem>>) semaphore(%arg18 : memref<!tpu.dma_semaphore, #tpu.memory_space<semaphore_mem>>)
          %dma_start3A_126 = tpu.memref_slice %arg7[%mul3A_121] : memref<3000xi32, #tpu.memory_space<vmem>> -> memref<40xi32, #tpu.memory_space<vmem>>
          %dma_start3A_127 = arith.constant 0 : i32
          %dma_start3A_128 = arith.constant 0 : i32
          %dma_start3A_129 = tpu.memref_slice %arg2[%dma_start3A_127, %dma_start3A_128] : memref<10000x128xf32, #tpu.memory_space<hbm>> -> memref<10000x128xf32, #tpu.memory_space<hbm>>
          tpu.enqueue_indirect_dma source(%dma_start3A_129 : memref<10000x128xf32, #tpu.memory_space<hbm>>) target(%arg14 : memref<40x128xf32, #tpu.memory_space<vmem>>) offsets(%dma_start3A_126 : memref<40xi32, #tpu.memory_space<vmem>>) semaphore(%arg22 : memref<!tpu.dma_semaphore, #tpu.memory_space<semaphore_mem>>)
        } else {
        }
        %dma_wait3A_94 = arith.constant 0 : i32
        %dma_wait3A_95 = arith.constant 0 : i32
        %dma_wait3A_96 = tpu.memref_slice %arg2[%dma_wait3A_94, %dma_wait3A_95] : memref<10000x128xf32, #tpu.memory_space<hbm>> -> memref<40x128xf32, #tpu.memory_space<hbm>>
        %dma_wait3A_97 = arith.constant 0 : i32
        %dma_wait3A_98 = arith.constant 0 : i32
        %dma_wait3A_99 = tpu.memref_slice %arg2[%dma_wait3A_97, %dma_wait3A_98] : memref<10000x128xf32, #tpu.memory_space<hbm>> -> memref<40x128xf32, #tpu.memory_space<hbm>>
        tpu.wait_dma2 semaphore(%arg16 : memref<!tpu.dma_semaphore, #tpu.memory_space<semaphore_mem>>) src(%dma_wait3A_99 : memref<40x128xf32, #tpu.memory_space<hbm>>) dst(%arg8 : memref<40x128xf32, #tpu.memory_space<vmem>>)
        %dma_wait3A_100 = arith.constant 0 : i32
        %dma_wait3A_101 = arith.constant 0 : i32
        %dma_wait3A_102 = tpu.memref_slice %arg2[%dma_wait3A_100, %dma_wait3A_101] : memref<10000x128xf32, #tpu.memory_space<hbm>> -> memref<40x128xf32, #tpu.memory_space<hbm>>
        %dma_wait3A_103 = arith.constant 0 : i32
        %dma_wait3A_104 = arith.constant 0 : i32
        %dma_wait3A_105 = tpu.memref_slice %arg2[%dma_wait3A_103, %dma_wait3A_104] : memref<10000x128xf32, #tpu.memory_space<hbm>> -> memref<40x128xf32, #tpu.memory_space<hbm>>
        tpu.wait_dma2 semaphore(%arg20 : memref<!tpu.dma_semaphore, #tpu.memory_space<semaphore_mem>>) src(%dma_wait3A_105 : memref<40x128xf32, #tpu.memory_space<hbm>>) dst(%arg12 : memref<40x128xf32, #tpu.memory_space<vmem>>)
        %mul3A_106 = arith.constant 40 : i32
        %mul3A_107 = arith.muli %add3A_53, %mul3A_106 : i32
        %add3A_108 = arith.addi %mul3A_2, %mul3A_107 : i32
        %dma_start3A_109 = arith.constant 0 : i32
        %dma_start3A_110 = tpu.memref_slice %arg5[%add3A_108, %dma_start3A_109] : memref<96000x256xf32, #tpu.memory_space<hbm>> -> memref<40x128xf32, #tpu.memory_space<hbm>>
        %dma_start3A_111 = arith.constant 0 : i32
        %dma_start3A_112 = tpu.memref_slice %arg5[%add3A_108, %dma_start3A_111] : memref<96000x256xf32, #tpu.memory_space<hbm>> -> memref<40x128xf32, #tpu.memory_space<hbm>>
        tpu.enqueue_dma source(%arg8 : memref<40x128xf32, #tpu.memory_space<vmem>>) target(%dma_start3A_112 : memref<40x128xf32, #tpu.memory_space<hbm>>) target_semaphore(%arg24 : memref<!tpu.dma_semaphore, #tpu.memory_space<semaphore_mem>>)
        %add3A_113 = arith.addi %mul3A_2, %mul3A_107 : i32
        %dma_start3A_114 = arith.constant 128 : i32
        %dma_start3A_115 = tpu.memref_slice %arg5[%add3A_113, %dma_start3A_114] : memref<96000x256xf32, #tpu.memory_space<hbm>> -> memref<40x128xf32, #tpu.memory_space<hbm>>
        %dma_start3A_116 = arith.constant 128 : i32
        %dma_start3A_117 = tpu.memref_slice %arg5[%add3A_113, %dma_start3A_116] : memref<96000x256xf32, #tpu.memory_space<hbm>> -> memref<40x128xf32, #tpu.memory_space<hbm>>
        tpu.enqueue_dma source(%arg12 : memref<40x128xf32, #tpu.memory_space<vmem>>) target(%dma_start3A_117 : memref<40x128xf32, #tpu.memory_space<hbm>>) target_semaphore(%arg28 : memref<!tpu.dma_semaphore, #tpu.memory_space<semaphore_mem>>)
      } else {
      }
      %mul3A_56 = arith.constant 4 : i32
      %mul3A_57 = arith.muli %add3A_49, %mul3A_56 : i32
      %add3A_58 = arith.constant 1 : i32
      %add3A_59 = arith.addi %mul3A_57, %add3A_58 : i32
      %lt3A_60 = arith.constant 75 : i32
      %lt3A_61 = arith.cmpi slt, %add3A_59, %lt3A_60 : i32
      %convert_element_type3A_62 = arith.extui %lt3A_61 : i1 to i32
      %cond3A_63 = arith.constant 0 : i32
      %cond3A_64 = arith.cmpi ne, %convert_element_type3A_62, %cond3A_63 : i32
      scf.if %cond3A_64 {
        %ge3A = arith.constant 2 : i32
        %ge3A_83 = arith.cmpi sge, %add3A_59, %ge3A : i32
        %convert_element_type3A_84 = arith.extui %ge3A_83 : i1 to i32
        %cond3A_85 = arith.constant 0 : i32
        %cond3A_86 = arith.cmpi ne, %convert_element_type3A_84, %cond3A_85 : i32
        scf.if %cond3A_86 {
          %dma_wait3A_118 = arith.constant 0 : i32
          %dma_wait3A_119 = tpu.memref_slice %arg5[%mul3A_2, %dma_wait3A_118] : memref<96000x256xf32, #tpu.memory_space<hbm>> -> memref<40x128xf32, #tpu.memory_space<hbm>>
          %dma_wait3A_120 = arith.constant 0 : i32
          %dma_wait3A_121 = tpu.memref_slice %arg5[%mul3A_2, %dma_wait3A_120] : memref<96000x256xf32, #tpu.memory_space<hbm>> -> memref<40x128xf32, #tpu.memory_space<hbm>>
          tpu.wait_dma2 semaphore(%arg27 : memref<!tpu.dma_semaphore, #tpu.memory_space<semaphore_mem>>) src(%arg11 : memref<40x128xf32, #tpu.memory_space<vmem>>) dst(%dma_wait3A_121 : memref<40x128xf32, #tpu.memory_space<hbm>>)
          %dma_wait3A_122 = arith.constant 128 : i32
          %dma_wait3A_123 = tpu.memref_slice %arg5[%mul3A_2, %dma_wait3A_122] : memref<96000x256xf32, #tpu.memory_space<hbm>> -> memref<40x128xf32, #tpu.memory_space<hbm>>
          %dma_wait3A_124 = arith.constant 128 : i32
          %dma_wait3A_125 = tpu.memref_slice %arg5[%mul3A_2, %dma_wait3A_124] : memref<96000x256xf32, #tpu.memory_space<hbm>> -> memref<40x128xf32, #tpu.memory_space<hbm>>
          tpu.wait_dma2 semaphore(%arg31 : memref<!tpu.dma_semaphore, #tpu.memory_space<semaphore_mem>>) src(%arg15 : memref<40x128xf32, #tpu.memory_space<vmem>>) dst(%dma_wait3A_125 : memref<40x128xf32, #tpu.memory_space<hbm>>)
        } else {
        }
        %add3A_87 = arith.constant 2 : i32
        %add3A_88 = arith.addi %add3A_59, %add3A_87 : i32
        %lt3A_89 = arith.constant 75 : i32
        %lt3A_90 = arith.cmpi slt, %add3A_88, %lt3A_89 : i32
        %convert_element_type3A_91 = arith.extui %lt3A_90 : i1 to i32
        %cond3A_92 = arith.constant 0 : i32
        %cond3A_93 = arith.cmpi ne, %convert_element_type3A_91, %cond3A_92 : i32
        scf.if %cond3A_93 {
          %add3A_118 = arith.constant 2 : i32
          %add3A_119 = arith.addi %add3A_59, %add3A_118 : i32
          %mul3A_120 = arith.constant 40 : i32
          %mul3A_121 = arith.muli %add3A_119, %mul3A_120 : i32
          %dma_start3A_122 = tpu.memref_slice %arg6[%mul3A_121] : memref<3000xi32, #tpu.memory_space<vmem>> -> memref<40xi32, #tpu.memory_space<vmem>>
          %dma_start3A_123 = arith.constant 0 : i32
          %dma_start3A_124 = arith.constant 0 : i32
          %dma_start3A_125 = tpu.memref_slice %arg2[%dma_start3A_123, %dma_start3A_124] : memref<10000x128xf32, #tpu.memory_space<hbm>> -> memref<10000x128xf32, #tpu.memory_space<hbm>>
          tpu.enqueue_indirect_dma source(%dma_start3A_125 : memref<10000x128xf32, #tpu.memory_space<hbm>>) target(%arg11 : memref<40x128xf32, #tpu.memory_space<vmem>>) offsets(%dma_start3A_122 : memref<40xi32, #tpu.memory_space<vmem>>) semaphore(%arg19 : memref<!tpu.dma_semaphore, #tpu.memory_space<semaphore_mem>>)
          %dma_start3A_126 = tpu.memref_slice %arg7[%mul3A_121] : memref<3000xi32, #tpu.memory_space<vmem>> -> memref<40xi32, #tpu.memory_space<vmem>>
          %dma_start3A_127 = arith.constant 0 : i32
          %dma_start3A_128 = arith.constant 0 : i32
          %dma_start3A_129 = tpu.memref_slice %arg2[%dma_start3A_127, %dma_start3A_128] : memref<10000x128xf32, #tpu.memory_space<hbm>> -> memref<10000x128xf32, #tpu.memory_space<hbm>>
          tpu.enqueue_indirect_dma source(%dma_start3A_129 : memref<10000x128xf32, #tpu.memory_space<hbm>>) target(%arg15 : memref<40x128xf32, #tpu.memory_space<vmem>>) offsets(%dma_start3A_126 : memref<40xi32, #tpu.memory_space<vmem>>) semaphore(%arg23 : memref<!tpu.dma_semaphore, #tpu.memory_space<semaphore_mem>>)
        } else {
        }
        %dma_wait3A_94 = arith.constant 0 : i32
        %dma_wait3A_95 = arith.constant 0 : i32
        %dma_wait3A_96 = tpu.memref_slice %arg2[%dma_wait3A_94, %dma_wait3A_95] : memref<10000x128xf32, #tpu.memory_space<hbm>> -> memref<40x128xf32, #tpu.memory_space<hbm>>
        %dma_wait3A_97 = arith.constant 0 : i32
        %dma_wait3A_98 = arith.constant 0 : i32
        %dma_wait3A_99 = tpu.memref_slice %arg2[%dma_wait3A_97, %dma_wait3A_98] : memref<10000x128xf32, #tpu.memory_space<hbm>> -> memref<40x128xf32, #tpu.memory_space<hbm>>
        tpu.wait_dma2 semaphore(%arg17 : memref<!tpu.dma_semaphore, #tpu.memory_space<semaphore_mem>>) src(%dma_wait3A_99 : memref<40x128xf32, #tpu.memory_space<hbm>>) dst(%arg9 : memref<40x128xf32, #tpu.memory_space<vmem>>)
        %dma_wait3A_100 = arith.constant 0 : i32
        %dma_wait3A_101 = arith.constant 0 : i32
        %dma_wait3A_102 = tpu.memref_slice %arg2[%dma_wait3A_100, %dma_wait3A_101] : memref<10000x128xf32, #tpu.memory_space<hbm>> -> memref<40x128xf32, #tpu.memory_space<hbm>>
        %dma_wait3A_103 = arith.constant 0 : i32
        %dma_wait3A_104 = arith.constant 0 : i32
        %dma_wait3A_105 = tpu.memref_slice %arg2[%dma_wait3A_103, %dma_wait3A_104] : memref<10000x128xf32, #tpu.memory_space<hbm>> -> memref<40x128xf32, #tpu.memory_space<hbm>>
        tpu.wait_dma2 semaphore(%arg21 : memref<!tpu.dma_semaphore, #tpu.memory_space<semaphore_mem>>) src(%dma_wait3A_105 : memref<40x128xf32, #tpu.memory_space<hbm>>) dst(%arg13 : memref<40x128xf32, #tpu.memory_space<vmem>>)
        %mul3A_106 = arith.constant 40 : i32
        %mul3A_107 = arith.muli %add3A_59, %mul3A_106 : i32
        %add3A_108 = arith.addi %mul3A_2, %mul3A_107 : i32
        %dma_start3A_109 = arith.constant 0 : i32
        %dma_start3A_110 = tpu.memref_slice %arg5[%add3A_108, %dma_start3A_109] : memref<96000x256xf32, #tpu.memory_space<hbm>> -> memref<40x128xf32, #tpu.memory_space<hbm>>
        %dma_start3A_111 = arith.constant 0 : i32
        %dma_start3A_112 = tpu.memref_slice %arg5[%add3A_108, %dma_start3A_111] : memref<96000x256xf32, #tpu.memory_space<hbm>> -> memref<40x128xf32, #tpu.memory_space<hbm>>
        tpu.enqueue_dma source(%arg9 : memref<40x128xf32, #tpu.memory_space<vmem>>) target(%dma_start3A_112 : memref<40x128xf32, #tpu.memory_space<hbm>>) target_semaphore(%arg25 : memref<!tpu.dma_semaphore, #tpu.memory_space<semaphore_mem>>)
        %add3A_113 = arith.addi %mul3A_2, %mul3A_107 : i32
        %dma_start3A_114 = arith.constant 128 : i32
        %dma_start3A_115 = tpu.memref_slice %arg5[%add3A_113, %dma_start3A_114] : memref<96000x256xf32, #tpu.memory_space<hbm>> -> memref<40x128xf32, #tpu.memory_space<hbm>>
        %dma_start3A_116 = arith.constant 128 : i32
        %dma_start3A_117 = tpu.memref_slice %arg5[%add3A_113, %dma_start3A_116] : memref<96000x256xf32, #tpu.memory_space<hbm>> -> memref<40x128xf32, #tpu.memory_space<hbm>>
        tpu.enqueue_dma source(%arg13 : memref<40x128xf32, #tpu.memory_space<vmem>>) target(%dma_start3A_117 : memref<40x128xf32, #tpu.memory_space<hbm>>) target_semaphore(%arg29 : memref<!tpu.dma_semaphore, #tpu.memory_space<semaphore_mem>>)
      } else {
      }
      %mul3A_65 = arith.constant 4 : i32
      %mul3A_66 = arith.muli %add3A_49, %mul3A_65 : i32
      %add3A_67 = arith.constant 2 : i32
      %add3A_68 = arith.addi %mul3A_66, %add3A_67 : i32
      %lt3A_69 = arith.constant 75 : i32
      %lt3A_70 = arith.cmpi slt, %add3A_68, %lt3A_69 : i32
      %convert_element_type3A_71 = arith.extui %lt3A_70 : i1 to i32
      %cond3A_72 = arith.constant 0 : i32
      %cond3A_73 = arith.cmpi ne, %convert_element_type3A_71, %cond3A_72 : i32
      scf.if %cond3A_73 {
        %ge3A = arith.constant 2 : i32
        %ge3A_83 = arith.cmpi sge, %add3A_68, %ge3A : i32
        %convert_element_type3A_84 = arith.extui %ge3A_83 : i1 to i32
        %cond3A_85 = arith.constant 0 : i32
        %cond3A_86 = arith.cmpi ne, %convert_element_type3A_84, %cond3A_85 : i32
        scf.if %cond3A_86 {
          %dma_wait3A_118 = arith.constant 0 : i32
          %dma_wait3A_119 = tpu.memref_slice %arg5[%mul3A_2, %dma_wait3A_118] : memref<96000x256xf32, #tpu.memory_space<hbm>> -> memref<40x128xf32, #tpu.memory_space<hbm>>
          %dma_wait3A_120 = arith.constant 0 : i32
          %dma_wait3A_121 = tpu.memref_slice %arg5[%mul3A_2, %dma_wait3A_120] : memref<96000x256xf32, #tpu.memory_space<hbm>> -> memref<40x128xf32, #tpu.memory_space<hbm>>
          tpu.wait_dma2 semaphore(%arg24 : memref<!tpu.dma_semaphore, #tpu.memory_space<semaphore_mem>>) src(%arg8 : memref<40x128xf32, #tpu.memory_space<vmem>>) dst(%dma_wait3A_121 : memref<40x128xf32, #tpu.memory_space<hbm>>)
          %dma_wait3A_122 = arith.constant 128 : i32
          %dma_wait3A_123 = tpu.memref_slice %arg5[%mul3A_2, %dma_wait3A_122] : memref<96000x256xf32, #tpu.memory_space<hbm>> -> memref<40x128xf32, #tpu.memory_space<hbm>>
          %dma_wait3A_124 = arith.constant 128 : i32
          %dma_wait3A_125 = tpu.memref_slice %arg5[%mul3A_2, %dma_wait3A_124] : memref<96000x256xf32, #tpu.memory_space<hbm>> -> memref<40x128xf32, #tpu.memory_space<hbm>>
          tpu.wait_dma2 semaphore(%arg28 : memref<!tpu.dma_semaphore, #tpu.memory_space<semaphore_mem>>) src(%arg12 : memref<40x128xf32, #tpu.memory_space<vmem>>) dst(%dma_wait3A_125 : memref<40x128xf32, #tpu.memory_space<hbm>>)
        } else {
        }
        %add3A_87 = arith.constant 2 : i32
        %add3A_88 = arith.addi %add3A_68, %add3A_87 : i32
        %lt3A_89 = arith.constant 75 : i32
        %lt3A_90 = arith.cmpi slt, %add3A_88, %lt3A_89 : i32
        %convert_element_type3A_91 = arith.extui %lt3A_90 : i1 to i32
        %cond3A_92 = arith.constant 0 : i32
        %cond3A_93 = arith.cmpi ne, %convert_element_type3A_91, %cond3A_92 : i32
        scf.if %cond3A_93 {
          %add3A_118 = arith.constant 2 : i32
          %add3A_119 = arith.addi %add3A_68, %add3A_118 : i32
          %mul3A_120 = arith.constant 40 : i32
          %mul3A_121 = arith.muli %add3A_119, %mul3A_120 : i32
          %dma_start3A_122 = tpu.memref_slice %arg6[%mul3A_121] : memref<3000xi32, #tpu.memory_space<vmem>> -> memref<40xi32, #tpu.memory_space<vmem>>
          %dma_start3A_123 = arith.constant 0 : i32
          %dma_start3A_124 = arith.constant 0 : i32
          %dma_start3A_125 = tpu.memref_slice %arg2[%dma_start3A_123, %dma_start3A_124] : memref<10000x128xf32, #tpu.memory_space<hbm>> -> memref<10000x128xf32, #tpu.memory_space<hbm>>
          tpu.enqueue_indirect_dma source(%dma_start3A_125 : memref<10000x128xf32, #tpu.memory_space<hbm>>) target(%arg8 : memref<40x128xf32, #tpu.memory_space<vmem>>) offsets(%dma_start3A_122 : memref<40xi32, #tpu.memory_space<vmem>>) semaphore(%arg16 : memref<!tpu.dma_semaphore, #tpu.memory_space<semaphore_mem>>)
          %dma_start3A_126 = tpu.memref_slice %arg7[%mul3A_121] : memref<3000xi32, #tpu.memory_space<vmem>> -> memref<40xi32, #tpu.memory_space<vmem>>
          %dma_start3A_127 = arith.constant 0 : i32
          %dma_start3A_128 = arith.constant 0 : i32
          %dma_start3A_129 = tpu.memref_slice %arg2[%dma_start3A_127, %dma_start3A_128] : memref<10000x128xf32, #tpu.memory_space<hbm>> -> memref<10000x128xf32, #tpu.memory_space<hbm>>
          tpu.enqueue_indirect_dma source(%dma_start3A_129 : memref<10000x128xf32, #tpu.memory_space<hbm>>) target(%arg12 : memref<40x128xf32, #tpu.memory_space<vmem>>) offsets(%dma_start3A_126 : memref<40xi32, #tpu.memory_space<vmem>>) semaphore(%arg20 : memref<!tpu.dma_semaphore, #tpu.memory_space<semaphore_mem>>)
        } else {
        }
        %dma_wait3A_94 = arith.constant 0 : i32
        %dma_wait3A_95 = arith.constant 0 : i32
        %dma_wait3A_96 = tpu.memref_slice %arg2[%dma_wait3A_94, %dma_wait3A_95] : memref<10000x128xf32, #tpu.memory_space<hbm>> -> memref<40x128xf32, #tpu.memory_space<hbm>>
        %dma_wait3A_97 = arith.constant 0 : i32
        %dma_wait3A_98 = arith.constant 0 : i32
        %dma_wait3A_99 = tpu.memref_slice %arg2[%dma_wait3A_97, %dma_wait3A_98] : memref<10000x128xf32, #tpu.memory_space<hbm>> -> memref<40x128xf32, #tpu.memory_space<hbm>>
        tpu.wait_dma2 semaphore(%arg18 : memref<!tpu.dma_semaphore, #tpu.memory_space<semaphore_mem>>) src(%dma_wait3A_99 : memref<40x128xf32, #tpu.memory_space<hbm>>) dst(%arg10 : memref<40x128xf32, #tpu.memory_space<vmem>>)
        %dma_wait3A_100 = arith.constant 0 : i32
        %dma_wait3A_101 = arith.constant 0 : i32
        %dma_wait3A_102 = tpu.memref_slice %arg2[%dma_wait3A_100, %dma_wait3A_101] : memref<10000x128xf32, #tpu.memory_space<hbm>> -> memref<40x128xf32, #tpu.memory_space<hbm>>
        %dma_wait3A_103 = arith.constant 0 : i32
        %dma_wait3A_104 = arith.constant 0 : i32
        %dma_wait3A_105 = tpu.memref_slice %arg2[%dma_wait3A_103, %dma_wait3A_104] : memref<10000x128xf32, #tpu.memory_space<hbm>> -> memref<40x128xf32, #tpu.memory_space<hbm>>
        tpu.wait_dma2 semaphore(%arg22 : memref<!tpu.dma_semaphore, #tpu.memory_space<semaphore_mem>>) src(%dma_wait3A_105 : memref<40x128xf32, #tpu.memory_space<hbm>>) dst(%arg14 : memref<40x128xf32, #tpu.memory_space<vmem>>)
        %mul3A_106 = arith.constant 40 : i32
        %mul3A_107 = arith.muli %add3A_68, %mul3A_106 : i32
        %add3A_108 = arith.addi %mul3A_2, %mul3A_107 : i32
        %dma_start3A_109 = arith.constant 0 : i32
        %dma_start3A_110 = tpu.memref_slice %arg5[%add3A_108, %dma_start3A_109] : memref<96000x256xf32, #tpu.memory_space<hbm>> -> memref<40x128xf32, #tpu.memory_space<hbm>>
        %dma_start3A_111 = arith.constant 0 : i32
        %dma_start3A_112 = tpu.memref_slice %arg5[%add3A_108, %dma_start3A_111] : memref<96000x256xf32, #tpu.memory_space<hbm>> -> memref<40x128xf32, #tpu.memory_space<hbm>>
        tpu.enqueue_dma source(%arg10 : memref<40x128xf32, #tpu.memory_space<vmem>>) target(%dma_start3A_112 : memref<40x128xf32, #tpu.memory_space<hbm>>) target_semaphore(%arg26 : memref<!tpu.dma_semaphore, #tpu.memory_space<semaphore_mem>>)
        %add3A_113 = arith.addi %mul3A_2, %mul3A_107 : i32
        %dma_start3A_114 = arith.constant 128 : i32
        %dma_start3A_115 = tpu.memref_slice %arg5[%add3A_113, %dma_start3A_114] : memref<96000x256xf32, #tpu.memory_space<hbm>> -> memref<40x128xf32, #tpu.memory_space<hbm>>
        %dma_start3A_116 = arith.constant 128 : i32
        %dma_start3A_117 = tpu.memref_slice %arg5[%add3A_113, %dma_start3A_116] : memref<96000x256xf32, #tpu.memory_space<hbm>> -> memref<40x128xf32, #tpu.memory_space<hbm>>
        tpu.enqueue_dma source(%arg14 : memref<40x128xf32, #tpu.memory_space<vmem>>) target(%dma_start3A_117 : memref<40x128xf32, #tpu.memory_space<hbm>>) target_semaphore(%arg30 : memref<!tpu.dma_semaphore, #tpu.memory_space<semaphore_mem>>)
      } else {
      }
      %mul3A_74 = arith.constant 4 : i32
      %mul3A_75 = arith.muli %add3A_49, %mul3A_74 : i32
      %add3A_76 = arith.constant 3 : i32
      %add3A_77 = arith.addi %mul3A_75, %add3A_76 : i32
      %lt3A_78 = arith.constant 75 : i32
      %lt3A_79 = arith.cmpi slt, %add3A_77, %lt3A_78 : i32
      %convert_element_type3A_80 = arith.extui %lt3A_79 : i1 to i32
      %cond3A_81 = arith.constant 0 : i32
      %cond3A_82 = arith.cmpi ne, %convert_element_type3A_80, %cond3A_81 : i32
      scf.if %cond3A_82 {
        %ge3A = arith.constant 2 : i32
        %ge3A_83 = arith.cmpi sge, %add3A_77, %ge3A : i32
        %convert_element_type3A_84 = arith.extui %ge3A_83 : i1 to i32
        %cond3A_85 = arith.constant 0 : i32
        %cond3A_86 = arith.cmpi ne, %convert_element_type3A_84, %cond3A_85 : i32
        scf.if %cond3A_86 {
          %dma_wait3A_118 = arith.constant 0 : i32
          %dma_wait3A_119 = tpu.memref_slice %arg5[%mul3A_2, %dma_wait3A_118] : memref<96000x256xf32, #tpu.memory_space<hbm>> -> memref<40x128xf32, #tpu.memory_space<hbm>>
          %dma_wait3A_120 = arith.constant 0 : i32
          %dma_wait3A_121 = tpu.memref_slice %arg5[%mul3A_2, %dma_wait3A_120] : memref<96000x256xf32, #tpu.memory_space<hbm>> -> memref<40x128xf32, #tpu.memory_space<hbm>>
          tpu.wait_dma2 semaphore(%arg25 : memref<!tpu.dma_semaphore, #tpu.memory_space<semaphore_mem>>) src(%arg9 : memref<40x128xf32, #tpu.memory_space<vmem>>) dst(%dma_wait3A_121 : memref<40x128xf32, #tpu.memory_space<hbm>>)
          %dma_wait3A_122 = arith.constant 128 : i32
          %dma_wait3A_123 = tpu.memref_slice %arg5[%mul3A_2, %dma_wait3A_122] : memref<96000x256xf32, #tpu.memory_space<hbm>> -> memref<40x128xf32, #tpu.memory_space<hbm>>
          %dma_wait3A_124 = arith.constant 128 : i32
          %dma_wait3A_125 = tpu.memref_slice %arg5[%mul3A_2, %dma_wait3A_124] : memref<96000x256xf32, #tpu.memory_space<hbm>> -> memref<40x128xf32, #tpu.memory_space<hbm>>
          tpu.wait_dma2 semaphore(%arg29 : memref<!tpu.dma_semaphore, #tpu.memory_space<semaphore_mem>>) src(%arg13 : memref<40x128xf32, #tpu.memory_space<vmem>>) dst(%dma_wait3A_125 : memref<40x128xf32, #tpu.memory_space<hbm>>)
        } else {
        }
        %add3A_87 = arith.constant 2 : i32
        %add3A_88 = arith.addi %add3A_77, %add3A_87 : i32
        %lt3A_89 = arith.constant 75 : i32
        %lt3A_90 = arith.cmpi slt, %add3A_88, %lt3A_89 : i32
        %convert_element_type3A_91 = arith.extui %lt3A_90 : i1 to i32
        %cond3A_92 = arith.constant 0 : i32
        %cond3A_93 = arith.cmpi ne, %convert_element_type3A_91, %cond3A_92 : i32
        scf.if %cond3A_93 {
          %add3A_118 = arith.constant 2 : i32
          %add3A_119 = arith.addi %add3A_77, %add3A_118 : i32
          %mul3A_120 = arith.constant 40 : i32
          %mul3A_121 = arith.muli %add3A_119, %mul3A_120 : i32
          %dma_start3A_122 = tpu.memref_slice %arg6[%mul3A_121] : memref<3000xi32, #tpu.memory_space<vmem>> -> memref<40xi32, #tpu.memory_space<vmem>>
          %dma_start3A_123 = arith.constant 0 : i32
          %dma_start3A_124 = arith.constant 0 : i32
          %dma_start3A_125 = tpu.memref_slice %arg2[%dma_start3A_123, %dma_start3A_124] : memref<10000x128xf32, #tpu.memory_space<hbm>> -> memref<10000x128xf32, #tpu.memory_space<hbm>>
          tpu.enqueue_indirect_dma source(%dma_start3A_125 : memref<10000x128xf32, #tpu.memory_space<hbm>>) target(%arg9 : memref<40x128xf32, #tpu.memory_space<vmem>>) offsets(%dma_start3A_122 : memref<40xi32, #tpu.memory_space<vmem>>) semaphore(%arg17 : memref<!tpu.dma_semaphore, #tpu.memory_space<semaphore_mem>>)
          %dma_start3A_126 = tpu.memref_slice %arg7[%mul3A_121] : memref<3000xi32, #tpu.memory_space<vmem>> -> memref<40xi32, #tpu.memory_space<vmem>>
          %dma_start3A_127 = arith.constant 0 : i32
          %dma_start3A_128 = arith.constant 0 : i32
          %dma_start3A_129 = tpu.memref_slice %arg2[%dma_start3A_127, %dma_start3A_128] : memref<10000x128xf32, #tpu.memory_space<hbm>> -> memref<10000x128xf32, #tpu.memory_space<hbm>>
          tpu.enqueue_indirect_dma source(%dma_start3A_129 : memref<10000x128xf32, #tpu.memory_space<hbm>>) target(%arg13 : memref<40x128xf32, #tpu.memory_space<vmem>>) offsets(%dma_start3A_126 : memref<40xi32, #tpu.memory_space<vmem>>) semaphore(%arg21 : memref<!tpu.dma_semaphore, #tpu.memory_space<semaphore_mem>>)
        } else {
        }
        %dma_wait3A_94 = arith.constant 0 : i32
        %dma_wait3A_95 = arith.constant 0 : i32
        %dma_wait3A_96 = tpu.memref_slice %arg2[%dma_wait3A_94, %dma_wait3A_95] : memref<10000x128xf32, #tpu.memory_space<hbm>> -> memref<40x128xf32, #tpu.memory_space<hbm>>
        %dma_wait3A_97 = arith.constant 0 : i32
        %dma_wait3A_98 = arith.constant 0 : i32
        %dma_wait3A_99 = tpu.memref_slice %arg2[%dma_wait3A_97, %dma_wait3A_98] : memref<10000x128xf32, #tpu.memory_space<hbm>> -> memref<40x128xf32, #tpu.memory_space<hbm>>
        tpu.wait_dma2 semaphore(%arg19 : memref<!tpu.dma_semaphore, #tpu.memory_space<semaphore_mem>>) src(%dma_wait3A_99 : memref<40x128xf32, #tpu.memory_space<hbm>>) dst(%arg11 : memref<40x128xf32, #tpu.memory_space<vmem>>)
        %dma_wait3A_100 = arith.constant 0 : i32
        %dma_wait3A_101 = arith.constant 0 : i32
        %dma_wait3A_102 = tpu.memref_slice %arg2[%dma_wait3A_100, %dma_wait3A_101] : memref<10000x128xf32, #tpu.memory_space<hbm>> -> memref<40x128xf32, #tpu.memory_space<hbm>>
        %dma_wait3A_103 = arith.constant 0 : i32
        %dma_wait3A_104 = arith.constant 0 : i32
        %dma_wait3A_105 = tpu.memref_slice %arg2[%dma_wait3A_103, %dma_wait3A_104] : memref<10000x128xf32, #tpu.memory_space<hbm>> -> memref<40x128xf32, #tpu.memory_space<hbm>>
        tpu.wait_dma2 semaphore(%arg23 : memref<!tpu.dma_semaphore, #tpu.memory_space<semaphore_mem>>) src(%dma_wait3A_105 : memref<40x128xf32, #tpu.memory_space<hbm>>) dst(%arg15 : memref<40x128xf32, #tpu.memory_space<vmem>>)
        %mul3A_106 = arith.constant 40 : i32
        %mul3A_107 = arith.muli %add3A_77, %mul3A_106 : i32
        %add3A_108 = arith.addi %mul3A_2, %mul3A_107 : i32
        %dma_start3A_109 = arith.constant 0 : i32
        %dma_start3A_110 = tpu.memref_slice %arg5[%add3A_108, %dma_start3A_109] : memref<96000x256xf32, #tpu.memory_space<hbm>> -> memref<40x128xf32, #tpu.memory_space<hbm>>
        %dma_start3A_111 = arith.constant 0 : i32
        %dma_start3A_112 = tpu.memref_slice %arg5[%add3A_108, %dma_start3A_111] : memref<96000x256xf32, #tpu.memory_space<hbm>> -> memref<40x128xf32, #tpu.memory_space<hbm>>
        tpu.enqueue_dma source(%arg11 : memref<40x128xf32, #tpu.memory_space<vmem>>) target(%dma_start3A_112 : memref<40x128xf32, #tpu.memory_space<hbm>>) target_semaphore(%arg27 : memref<!tpu.dma_semaphore, #tpu.memory_space<semaphore_mem>>)
        %add3A_113 = arith.addi %mul3A_2, %mul3A_107 : i32
        %dma_start3A_114 = arith.constant 128 : i32
        %dma_start3A_115 = tpu.memref_slice %arg5[%add3A_113, %dma_start3A_114] : memref<96000x256xf32, #tpu.memory_space<hbm>> -> memref<40x128xf32, #tpu.memory_space<hbm>>
        %dma_start3A_116 = arith.constant 128 : i32
        %dma_start3A_117 = tpu.memref_slice %arg5[%add3A_113, %dma_start3A_116] : memref<96000x256xf32, #tpu.memory_space<hbm>> -> memref<40x128xf32, #tpu.memory_space<hbm>>
        tpu.enqueue_dma source(%arg15 : memref<40x128xf32, #tpu.memory_space<vmem>>) target(%dma_start3A_117 : memref<40x128xf32, #tpu.memory_space<hbm>>) target_semaphore(%arg31 : memref<!tpu.dma_semaphore, #tpu.memory_space<semaphore_mem>>)
      } else {
      }
    }
    %scan3A_29 = arith.constant 19 : i32
    %dma_wait3A = arith.constant 0 : i32
    %dma_wait3A_30 = tpu.memref_slice %arg5[%mul3A_2, %dma_wait3A] : memref<96000x256xf32, #tpu.memory_space<hbm>> -> memref<40x128xf32, #tpu.memory_space<hbm>>
    %dma_wait3A_31 = arith.constant 0 : i32
    %dma_wait3A_32 = tpu.memref_slice %arg5[%mul3A_2, %dma_wait3A_31] : memref<96000x256xf32, #tpu.memory_space<hbm>> -> memref<40x128xf32, #tpu.memory_space<hbm>>
    tpu.wait_dma2 semaphore(%arg25 : memref<!tpu.dma_semaphore, #tpu.memory_space<semaphore_mem>>) src(%arg9 : memref<40x128xf32, #tpu.memory_space<vmem>>) dst(%dma_wait3A_32 : memref<40x128xf32, #tpu.memory_space<hbm>>)
    %dma_wait3A_33 = arith.constant 128 : i32
    %dma_wait3A_34 = tpu.memref_slice %arg5[%mul3A_2, %dma_wait3A_33] : memref<96000x256xf32, #tpu.memory_space<hbm>> -> memref<40x128xf32, #tpu.memory_space<hbm>>
    %dma_wait3A_35 = arith.constant 128 : i32
    %dma_wait3A_36 = tpu.memref_slice %arg5[%mul3A_2, %dma_wait3A_35] : memref<96000x256xf32, #tpu.memory_space<hbm>> -> memref<40x128xf32, #tpu.memory_space<hbm>>
    tpu.wait_dma2 semaphore(%arg29 : memref<!tpu.dma_semaphore, #tpu.memory_space<semaphore_mem>>) src(%arg13 : memref<40x128xf32, #tpu.memory_space<vmem>>) dst(%dma_wait3A_36 : memref<40x128xf32, #tpu.memory_space<hbm>>)
    %dma_wait3A_37 = arith.constant 0 : i32
    %dma_wait3A_38 = tpu.memref_slice %arg5[%mul3A_2, %dma_wait3A_37] : memref<96000x256xf32, #tpu.memory_space<hbm>> -> memref<40x128xf32, #tpu.memory_space<hbm>>
    %dma_wait3A_39 = arith.constant 0 : i32
    %dma_wait3A_40 = tpu.memref_slice %arg5[%mul3A_2, %dma_wait3A_39] : memref<96000x256xf32, #tpu.memory_space<hbm>> -> memref<40x128xf32, #tpu.memory_space<hbm>>
    tpu.wait_dma2 semaphore(%arg26 : memref<!tpu.dma_semaphore, #tpu.memory_space<semaphore_mem>>) src(%arg10 : memref<40x128xf32, #tpu.memory_space<vmem>>) dst(%dma_wait3A_40 : memref<40x128xf32, #tpu.memory_space<hbm>>)
    %dma_wait3A_41 = arith.constant 128 : i32
    %dma_wait3A_42 = tpu.memref_slice %arg5[%mul3A_2, %dma_wait3A_41] : memref<96000x256xf32, #tpu.memory_space<hbm>> -> memref<40x128xf32, #tpu.memory_space<hbm>>
    %dma_wait3A_43 = arith.constant 128 : i32
    %dma_wait3A_44 = tpu.memref_slice %arg5[%mul3A_2, %dma_wait3A_43] : memref<96000x256xf32, #tpu.memory_space<hbm>> -> memref<40x128xf32, #tpu.memory_space<hbm>>
    tpu.wait_dma2 semaphore(%arg30 : memref<!tpu.dma_semaphore, #tpu.memory_space<semaphore_mem>>) src(%arg14 : memref<40x128xf32, #tpu.memory_space<vmem>>) dst(%dma_wait3A_44 : memref<40x128xf32, #tpu.memory_space<hbm>>)
    return
  }
}

#map = affine_map<(d0, d1) -> (0)>
#map1 = affine_map<(d0, d1) -> (0, 0)>
module attributes {stable_mosaic.version = 14 : i64} {
  func.func @k(%arg0: i32, %arg1: i32, %arg2: memref<320000xf32, #tpu.memory_space<hbm>>, %arg3: memref<320000xf32, #tpu.memory_space<hbm>>, %arg4: memref<320000xf32, #tpu.memory_space<hbm>>, %arg5: memref<320000xf32, #tpu.memory_space<hbm>>, %arg6: memref<320000xi32, #tpu.memory_space<hbm>>, %arg7: memref<10000xi32, #tpu.memory_space<hbm>>, %arg8: memref<40000xf32, #tpu.memory_space<hbm>>, %arg9: memref<32x40000xf32, #tpu.memory_space<hbm>>, %arg10: memref<32x64xf32, #tpu.memory_space<hbm>>, %arg11: memref<10000xi32, #tpu.memory_space<vmem>>, %arg12: memref<10000xi32, #tpu.memory_space<vmem>>, %arg13: memref<10000xf32, #tpu.memory_space<vmem>>, %arg14: memref<10000xf32, #tpu.memory_space<vmem>>, %arg15: memref<10000xf32, #tpu.memory_space<vmem>>, %arg16: memref<10000xf32, #tpu.memory_space<vmem>>, %arg17: memref<40000xf32, #tpu.memory_space<vmem>>, %arg18: memref<64xf32, #tpu.memory_space<vmem>>) attributes {dimension_semantics = [#tpu.dimension_semantics<core_parallel>, #tpu.dimension_semantics<subcore_parallel>], iteration_bounds = array<i64: 2, 16>, scalar_prefetch = 0 : i64, scratch_operands = 8 : i64, tpu.core_type = #tpu.core_type<sc_vector_subcore>, window_params = [{transform_indices = #map}, {transform_indices = #map}, {transform_indices = #map}, {transform_indices = #map}, {transform_indices = #map}, {transform_indices = #map}, {transform_indices = #map}, {transform_indices = #map1}, {transform_indices = #map1}]} {
    %mul3A = arith.constant 2 : i32
    %mul3A_0 = arith.muli %arg1, %mul3A : i32
    %add3A = arith.addi %mul3A_0, %arg0 : i32
    %mul3A_1 = arith.constant 10000 : i32
    %mul3A_2 = arith.muli %add3A, %mul3A_1 : i32
    %add3A_3 = arith.constant 0 : i32
    %add3A_4 = arith.addi %add3A_3, %mul3A_2 : i32
    "tpu.region"() ({
      %run_scoped3A = tpu.sem_alloc : memref<!tpu.dma_semaphore, #tpu.memory_space<semaphore_mem>>
      %dma_start3A = tpu.memref_slice %arg6[%add3A_4] : memref<320000xi32, #tpu.memory_space<hbm>> -> memref<10000xi32, #tpu.memory_space<hbm>>
      %dma_start3A_17 = tpu.memref_slice %arg6[%add3A_4] : memref<320000xi32, #tpu.memory_space<hbm>> -> memref<10000xi32, #tpu.memory_space<hbm>>
      tpu.enqueue_dma source(%dma_start3A_17 : memref<10000xi32, #tpu.memory_space<hbm>>) target(%arg11 : memref<10000xi32, #tpu.memory_space<vmem>>) target_semaphore(%run_scoped3A : memref<!tpu.dma_semaphore, #tpu.memory_space<semaphore_mem>>)
      %dma_wait3A = tpu.memref_slice %arg6[%add3A_4] : memref<320000xi32, #tpu.memory_space<hbm>> -> memref<10000xi32, #tpu.memory_space<hbm>>
      %dma_wait3A_18 = tpu.memref_slice %arg6[%add3A_4] : memref<320000xi32, #tpu.memory_space<hbm>> -> memref<10000xi32, #tpu.memory_space<hbm>>
      tpu.wait_dma2 semaphore(%run_scoped3A : memref<!tpu.dma_semaphore, #tpu.memory_space<semaphore_mem>>) src(%dma_wait3A_18 : memref<10000xi32, #tpu.memory_space<hbm>>) dst(%arg11 : memref<10000xi32, #tpu.memory_space<vmem>>)
      tpu.yield
    }) : () -> ()
    "tpu.region"() ({
      %run_scoped3A = tpu.sem_alloc : memref<!tpu.dma_semaphore, #tpu.memory_space<semaphore_mem>>
      tpu.enqueue_dma source(%arg7 : memref<10000xi32, #tpu.memory_space<hbm>>) target(%arg12 : memref<10000xi32, #tpu.memory_space<vmem>>) target_semaphore(%run_scoped3A : memref<!tpu.dma_semaphore, #tpu.memory_space<semaphore_mem>>)
      tpu.wait_dma2 semaphore(%run_scoped3A : memref<!tpu.dma_semaphore, #tpu.memory_space<semaphore_mem>>) src(%arg7 : memref<10000xi32, #tpu.memory_space<hbm>>) dst(%arg12 : memref<10000xi32, #tpu.memory_space<vmem>>)
      tpu.yield
    }) : () -> ()
    "tpu.region"() ({
      %run_scoped3A = tpu.sem_alloc : memref<!tpu.dma_semaphore, #tpu.memory_space<semaphore_mem>>
      %dma_start3A = tpu.memref_slice %arg2[%mul3A_2] : memref<320000xf32, #tpu.memory_space<hbm>> -> memref<10000xf32, #tpu.memory_space<hbm>>
      %dma_start3A_17 = tpu.memref_slice %arg2[%mul3A_2] : memref<320000xf32, #tpu.memory_space<hbm>> -> memref<10000xf32, #tpu.memory_space<hbm>>
      tpu.enqueue_dma source(%dma_start3A_17 : memref<10000xf32, #tpu.memory_space<hbm>>) target(%arg13 : memref<10000xf32, #tpu.memory_space<vmem>>) target_semaphore(%run_scoped3A : memref<!tpu.dma_semaphore, #tpu.memory_space<semaphore_mem>>)
      %dma_wait3A = tpu.memref_slice %arg2[%mul3A_2] : memref<320000xf32, #tpu.memory_space<hbm>> -> memref<10000xf32, #tpu.memory_space<hbm>>
      %dma_wait3A_18 = tpu.memref_slice %arg2[%mul3A_2] : memref<320000xf32, #tpu.memory_space<hbm>> -> memref<10000xf32, #tpu.memory_space<hbm>>
      tpu.wait_dma2 semaphore(%run_scoped3A : memref<!tpu.dma_semaphore, #tpu.memory_space<semaphore_mem>>) src(%dma_wait3A_18 : memref<10000xf32, #tpu.memory_space<hbm>>) dst(%arg13 : memref<10000xf32, #tpu.memory_space<vmem>>)
      tpu.yield
    }) : () -> ()
    "tpu.region"() ({
      %run_scoped3A = tpu.sem_alloc : memref<!tpu.dma_semaphore, #tpu.memory_space<semaphore_mem>>
      %dma_start3A = tpu.memref_slice %arg3[%mul3A_2] : memref<320000xf32, #tpu.memory_space<hbm>> -> memref<10000xf32, #tpu.memory_space<hbm>>
      %dma_start3A_17 = tpu.memref_slice %arg3[%mul3A_2] : memref<320000xf32, #tpu.memory_space<hbm>> -> memref<10000xf32, #tpu.memory_space<hbm>>
      tpu.enqueue_dma source(%dma_start3A_17 : memref<10000xf32, #tpu.memory_space<hbm>>) target(%arg14 : memref<10000xf32, #tpu.memory_space<vmem>>) target_semaphore(%run_scoped3A : memref<!tpu.dma_semaphore, #tpu.memory_space<semaphore_mem>>)
      %dma_wait3A = tpu.memref_slice %arg3[%mul3A_2] : memref<320000xf32, #tpu.memory_space<hbm>> -> memref<10000xf32, #tpu.memory_space<hbm>>
      %dma_wait3A_18 = tpu.memref_slice %arg3[%mul3A_2] : memref<320000xf32, #tpu.memory_space<hbm>> -> memref<10000xf32, #tpu.memory_space<hbm>>
      tpu.wait_dma2 semaphore(%run_scoped3A : memref<!tpu.dma_semaphore, #tpu.memory_space<semaphore_mem>>) src(%dma_wait3A_18 : memref<10000xf32, #tpu.memory_space<hbm>>) dst(%arg14 : memref<10000xf32, #tpu.memory_space<vmem>>)
      tpu.yield
    }) : () -> ()
    "tpu.region"() ({
      %run_scoped3A = tpu.sem_alloc : memref<!tpu.dma_semaphore, #tpu.memory_space<semaphore_mem>>
      %dma_start3A = tpu.memref_slice %arg4[%mul3A_2] : memref<320000xf32, #tpu.memory_space<hbm>> -> memref<10000xf32, #tpu.memory_space<hbm>>
      %dma_start3A_17 = tpu.memref_slice %arg4[%mul3A_2] : memref<320000xf32, #tpu.memory_space<hbm>> -> memref<10000xf32, #tpu.memory_space<hbm>>
      tpu.enqueue_dma source(%dma_start3A_17 : memref<10000xf32, #tpu.memory_space<hbm>>) target(%arg15 : memref<10000xf32, #tpu.memory_space<vmem>>) target_semaphore(%run_scoped3A : memref<!tpu.dma_semaphore, #tpu.memory_space<semaphore_mem>>)
      %dma_wait3A = tpu.memref_slice %arg4[%mul3A_2] : memref<320000xf32, #tpu.memory_space<hbm>> -> memref<10000xf32, #tpu.memory_space<hbm>>
      %dma_wait3A_18 = tpu.memref_slice %arg4[%mul3A_2] : memref<320000xf32, #tpu.memory_space<hbm>> -> memref<10000xf32, #tpu.memory_space<hbm>>
      tpu.wait_dma2 semaphore(%run_scoped3A : memref<!tpu.dma_semaphore, #tpu.memory_space<semaphore_mem>>) src(%dma_wait3A_18 : memref<10000xf32, #tpu.memory_space<hbm>>) dst(%arg15 : memref<10000xf32, #tpu.memory_space<vmem>>)
      tpu.yield
    }) : () -> ()
    "tpu.region"() ({
      %run_scoped3A = tpu.sem_alloc : memref<!tpu.dma_semaphore, #tpu.memory_space<semaphore_mem>>
      %dma_start3A = tpu.memref_slice %arg5[%mul3A_2] : memref<320000xf32, #tpu.memory_space<hbm>> -> memref<10000xf32, #tpu.memory_space<hbm>>
      %dma_start3A_17 = tpu.memref_slice %arg5[%mul3A_2] : memref<320000xf32, #tpu.memory_space<hbm>> -> memref<10000xf32, #tpu.memory_space<hbm>>
      tpu.enqueue_dma source(%dma_start3A_17 : memref<10000xf32, #tpu.memory_space<hbm>>) target(%arg16 : memref<10000xf32, #tpu.memory_space<vmem>>) target_semaphore(%run_scoped3A : memref<!tpu.dma_semaphore, #tpu.memory_space<semaphore_mem>>)
      %dma_wait3A = tpu.memref_slice %arg5[%mul3A_2] : memref<320000xf32, #tpu.memory_space<hbm>> -> memref<10000xf32, #tpu.memory_space<hbm>>
      %dma_wait3A_18 = tpu.memref_slice %arg5[%mul3A_2] : memref<320000xf32, #tpu.memory_space<hbm>> -> memref<10000xf32, #tpu.memory_space<hbm>>
      tpu.wait_dma2 semaphore(%run_scoped3A : memref<!tpu.dma_semaphore, #tpu.memory_space<semaphore_mem>>) src(%dma_wait3A_18 : memref<10000xf32, #tpu.memory_space<hbm>>) dst(%arg16 : memref<10000xf32, #tpu.memory_space<vmem>>)
      tpu.yield
    }) : () -> ()
    "tpu.region"() ({
      %run_scoped3A = tpu.sem_alloc : memref<!tpu.dma_semaphore, #tpu.memory_space<semaphore_mem>>
      tpu.enqueue_dma source(%arg8 : memref<40000xf32, #tpu.memory_space<hbm>>) target(%arg17 : memref<40000xf32, #tpu.memory_space<vmem>>) target_semaphore(%run_scoped3A : memref<!tpu.dma_semaphore, #tpu.memory_space<semaphore_mem>>)
      tpu.wait_dma2 semaphore(%run_scoped3A : memref<!tpu.dma_semaphore, #tpu.memory_space<semaphore_mem>>) src(%arg8 : memref<40000xf32, #tpu.memory_space<hbm>>) dst(%arg17 : memref<40000xf32, #tpu.memory_space<vmem>>)
      tpu.yield
    }) : () -> ()
    %broadcast_in_dim3A = arith.constant 0.000000e+00 : f32
    %broadcast_in_dim3A_5 = vector.broadcast %broadcast_in_dim3A : f32 to vector<16xf32>
    %swap3A = arith.constant 0 : index
    %swap3A_6 = tpu.vector_load %arg18[%swap3A] {strides = array<i32>} : memref<64xf32, #tpu.memory_space<vmem>>, vector<16xf32>,
    tpu.vector_store %arg18[%swap3A], %broadcast_in_dim3A_5 {strides = array<i32>} : memref<64xf32, #tpu.memory_space<vmem>>, vector<16xf32>,
    %swap3A_7 = arith.constant 16 : index
    %swap3A_8 = tpu.vector_load %arg18[%swap3A_7] {strides = array<i32>} : memref<64xf32, #tpu.memory_space<vmem>>, vector<16xf32>,
    tpu.vector_store %arg18[%swap3A_7], %broadcast_in_dim3A_5 {strides = array<i32>} : memref<64xf32, #tpu.memory_space<vmem>>, vector<16xf32>,
    %swap3A_9 = arith.constant 32 : index
    %swap3A_10 = tpu.vector_load %arg18[%swap3A_9] {strides = array<i32>} : memref<64xf32, #tpu.memory_space<vmem>>, vector<16xf32>,
    tpu.vector_store %arg18[%swap3A_9], %broadcast_in_dim3A_5 {strides = array<i32>} : memref<64xf32, #tpu.memory_space<vmem>>, vector<16xf32>,
    %swap3A_11 = arith.constant 48 : index
    %swap3A_12 = tpu.vector_load %arg18[%swap3A_11] {strides = array<i32>} : memref<64xf32, #tpu.memory_space<vmem>>, vector<16xf32>,
    tpu.vector_store %arg18[%swap3A_11], %broadcast_in_dim3A_5 {strides = array<i32>} : memref<64xf32, #tpu.memory_space<vmem>>, vector<16xf32>,
    %scan3A = arith.constant 0 : i32
    %scan3A_13 = arith.constant 625 : i32
    %scan3A_14 = arith.addi %scan3A, %scan3A_13 : i32
    %scan3A_15 = arith.constant 1 : i32
    scf.for %scan3A_17 = %scan3A to %scan3A_14 step %scan3A_15  : i32 {
      %mul3A_18 = arith.constant 1 : i32
      %mul3A_19 = arith.muli %scan3A_17, %mul3A_18 : i32
      %add3A_20 = arith.constant 0 : i32
      %add3A_21 = arith.addi %add3A_20, %mul3A_19 : i32
      %mul3A_22 = arith.constant 16 : i32
      %mul3A_23 = arith.muli %add3A_21, %mul3A_22 : i32
      %get3A = arith.index_cast %mul3A_23 : i32 to index
      %get3A_24 = tpu.vector_load %arg11[%get3A] {strides = array<i32>} : memref<10000xi32, #tpu.memory_space<vmem>>, vector<16xi32>,
      %gather3A = tpu.vector_load_idx %arg12[%get3A_24] : memref<10000xi32, #tpu.memory_space<vmem>>[vector<16xi32>], vector<16xi32>,
      %get3A_25 = arith.index_cast %mul3A_23 : i32 to index
      %get3A_26 = tpu.vector_load %arg13[%get3A_25] {strides = array<i32>} : memref<10000xf32, #tpu.memory_space<vmem>>, vector<16xf32>,
      tpu.vector_store_idx %arg18[%gather3A], %get3A_26 {add = true} : memref<64xf32, #tpu.memory_space<vmem>>[vector<16xi32>], vector<16xf32>,
      %mul3A_27 = arith.constant 4 : i32
      %mul3A_28 = vector.broadcast %mul3A_27 : i32 to vector<16xi32>
      %mul3A_29 = arith.muli %get3A_24, %mul3A_28 : vector<16xi32>
      %get3A_30 = arith.index_cast %mul3A_23 : i32 to index
      %get3A_31 = tpu.vector_load %arg14[%get3A_30] {strides = array<i32>} : memref<10000xf32, #tpu.memory_space<vmem>>, vector<16xf32>,
      tpu.vector_store_idx %arg17[%mul3A_29], %get3A_31 {add = true} : memref<40000xf32, #tpu.memory_space<vmem>>[vector<16xi32>], vector<16xf32>,
      %add3A_32 = arith.constant 1 : i32
      %add3A_33 = vector.broadcast %add3A_32 : i32 to vector<16xi32>
      %add3A_34 = arith.addi %mul3A_29, %add3A_33 : vector<16xi32>
      %get3A_35 = arith.index_cast %mul3A_23 : i32 to index
      %get3A_36 = tpu.vector_load %arg15[%get3A_35] {strides = array<i32>} : memref<10000xf32, #tpu.memory_space<vmem>>, vector<16xf32>,
      tpu.vector_store_idx %arg17[%add3A_34], %get3A_36 {add = true} : memref<40000xf32, #tpu.memory_space<vmem>>[vector<16xi32>], vector<16xf32>,
      %add3A_37 = arith.constant 2 : i32
      %add3A_38 = vector.broadcast %add3A_37 : i32 to vector<16xi32>
      %add3A_39 = arith.addi %mul3A_29, %add3A_38 : vector<16xi32>
      %get3A_40 = arith.index_cast %mul3A_23 : i32 to index
      %get3A_41 = tpu.vector_load %arg16[%get3A_40] {strides = array<i32>} : memref<10000xf32, #tpu.memory_space<vmem>>, vector<16xf32>,
      tpu.vector_store_idx %arg17[%add3A_39], %get3A_41 {add = true} : memref<40000xf32, #tpu.memory_space<vmem>>[vector<16xi32>], vector<16xf32>,
    }
    %scan3A_16 = arith.constant 625 : i32
    "tpu.region"() ({
      %run_scoped3A = tpu.sem_alloc : memref<!tpu.dma_semaphore, #tpu.memory_space<semaphore_mem>>
      %dma_start3A = arith.constant 0 : i32
      %dma_start3A_17 = tpu.memref_slice %arg9[%add3A, %dma_start3A] : memref<32x40000xf32, #tpu.memory_space<hbm>> -> memref<1x40000xf32, #tpu.memory_space<hbm>>
      %dma_start3A_18 = tpu.memref_squeeze %dma_start3A_17 : memref<1x40000xf32, #tpu.memory_space<hbm>> -> memref<40000xf32, #tpu.memory_space<hbm>>
      %dma_start3A_19 = arith.constant 0 : i32
      %dma_start3A_20 = tpu.memref_slice %arg9[%add3A, %dma_start3A_19] : memref<32x40000xf32, #tpu.memory_space<hbm>> -> memref<1x40000xf32, #tpu.memory_space<hbm>>
      %dma_start3A_21 = tpu.memref_squeeze %dma_start3A_20 : memref<1x40000xf32, #tpu.memory_space<hbm>> -> memref<40000xf32, #tpu.memory_space<hbm>>
      tpu.enqueue_dma source(%arg17 : memref<40000xf32, #tpu.memory_space<vmem>>) target(%dma_start3A_21 : memref<40000xf32, #tpu.memory_space<hbm>>) target_semaphore(%run_scoped3A : memref<!tpu.dma_semaphore, #tpu.memory_space<semaphore_mem>>)
      %dma_wait3A = arith.constant 0 : i32
      %dma_wait3A_22 = tpu.memref_slice %arg9[%add3A, %dma_wait3A] : memref<32x40000xf32, #tpu.memory_space<hbm>> -> memref<1x40000xf32, #tpu.memory_space<hbm>>
      %dma_wait3A_23 = tpu.memref_squeeze %dma_wait3A_22 : memref<1x40000xf32, #tpu.memory_space<hbm>> -> memref<40000xf32, #tpu.memory_space<hbm>>
      %dma_wait3A_24 = arith.constant 0 : i32
      %dma_wait3A_25 = tpu.memref_slice %arg9[%add3A, %dma_wait3A_24] : memref<32x40000xf32, #tpu.memory_space<hbm>> -> memref<1x40000xf32, #tpu.memory_space<hbm>>
      %dma_wait3A_26 = tpu.memref_squeeze %dma_wait3A_25 : memref<1x40000xf32, #tpu.memory_space<hbm>> -> memref<40000xf32, #tpu.memory_space<hbm>>
      tpu.wait_dma2 semaphore(%run_scoped3A : memref<!tpu.dma_semaphore, #tpu.memory_space<semaphore_mem>>) src(%arg17 : memref<40000xf32, #tpu.memory_space<vmem>>) dst(%dma_wait3A_26 : memref<40000xf32, #tpu.memory_space<hbm>>)
      tpu.yield
    }) : () -> ()
    "tpu.region"() ({
      %run_scoped3A = tpu.sem_alloc : memref<!tpu.dma_semaphore, #tpu.memory_space<semaphore_mem>>
      %dma_start3A = arith.constant 0 : i32
      %dma_start3A_17 = tpu.memref_slice %arg10[%add3A, %dma_start3A] : memref<32x64xf32, #tpu.memory_space<hbm>> -> memref<1x64xf32, #tpu.memory_space<hbm>>
      %dma_start3A_18 = tpu.memref_squeeze %dma_start3A_17 : memref<1x64xf32, #tpu.memory_space<hbm>> -> memref<64xf32, #tpu.memory_space<hbm>>
      %dma_start3A_19 = arith.constant 0 : i32
      %dma_start3A_20 = tpu.memref_slice %arg10[%add3A, %dma_start3A_19] : memref<32x64xf32, #tpu.memory_space<hbm>> -> memref<1x64xf32, #tpu.memory_space<hbm>>
      %dma_start3A_21 = tpu.memref_squeeze %dma_start3A_20 : memref<1x64xf32, #tpu.memory_space<hbm>> -> memref<64xf32, #tpu.memory_space<hbm>>
      tpu.enqueue_dma source(%arg18 : memref<64xf32, #tpu.memory_space<vmem>>) target(%dma_start3A_21 : memref<64xf32, #tpu.memory_space<hbm>>) target_semaphore(%run_scoped3A : memref<!tpu.dma_semaphore, #tpu.memory_space<semaphore_mem>>)
      %dma_wait3A = arith.constant 0 : i32
      %dma_wait3A_22 = tpu.memref_slice %arg10[%add3A, %dma_wait3A] : memref<32x64xf32, #tpu.memory_space<hbm>> -> memref<1x64xf32, #tpu.memory_space<hbm>>
      %dma_wait3A_23 = tpu.memref_squeeze %dma_wait3A_22 : memref<1x64xf32, #tpu.memory_space<hbm>> -> memref<64xf32, #tpu.memory_space<hbm>>
      %dma_wait3A_24 = arith.constant 0 : i32
      %dma_wait3A_25 = tpu.memref_slice %arg10[%add3A, %dma_wait3A_24] : memref<32x64xf32, #tpu.memory_space<hbm>> -> memref<1x64xf32, #tpu.memory_space<hbm>>
      %dma_wait3A_26 = tpu.memref_squeeze %dma_wait3A_25 : memref<1x64xf32, #tpu.memory_space<hbm>> -> memref<64xf32, #tpu.memory_space<hbm>>
      tpu.wait_dma2 semaphore(%run_scoped3A : memref<!tpu.dma_semaphore, #tpu.memory_space<semaphore_mem>>) src(%arg18 : memref<64xf32, #tpu.memory_space<vmem>>) dst(%dma_wait3A_26 : memref<64xf32, #tpu.memory_space<hbm>>)
      tpu.yield
    }) : () -> ()
    return
  }
}

module attributes {stable_mosaic.version = 14 : i64} {
  func.func @_mlp_body(%arg0: i32, %arg1: memref<2000x256xf32, #tpu.memory_space<vmem>>, %arg2: memref<2000x128xf32, #tpu.memory_space<vmem>>, %arg3: memref<1x1x2000xf32, #tpu.memory_space<vmem>>, %arg4: memref<1x3x2000xf32, #tpu.memory_space<vmem>>, %arg5: memref<384x256xf32, #tpu.memory_space<vmem>>, %arg6: memref<256xf32, #tpu.memory_space<vmem>>, %arg7: memref<256x256xf32, #tpu.memory_space<vmem>>, %arg8: memref<256xf32, #tpu.memory_space<vmem>>, %arg9: memref<256x128xf32, #tpu.memory_space<vmem>>, %arg10: memref<128xf32, #tpu.memory_space<vmem>>, %arg11: memref<50x128xf32, #tpu.memory_space<vmem>>, %arg12: memref<128x1xf32, #tpu.memory_space<vmem>>, %arg13: memref<384x256xf32, #tpu.memory_space<vmem>>, %arg14: memref<256xf32, #tpu.memory_space<vmem>>, %arg15: memref<256x256xf32, #tpu.memory_space<vmem>>, %arg16: memref<256xf32, #tpu.memory_space<vmem>>, %arg17: memref<256x128xf32, #tpu.memory_space<vmem>>, %arg18: memref<128xf32, #tpu.memory_space<vmem>>, %arg19: memref<50x128xf32, #tpu.memory_space<vmem>>, %arg20: memref<128x1xf32, #tpu.memory_space<vmem>>, %arg21: memref<1x1x2000xf32, #tpu.memory_space<vmem>>, %arg22: memref<1x1x2000xf32, #tpu.memory_space<vmem>>, %arg23: memref<1x1x2000xf32, #tpu.memory_space<vmem>>, %arg24: memref<1x1x2000xf32, #tpu.memory_space<vmem>>) attributes {dimension_semantics = [#tpu.dimension_semantics<arbitrary>], iteration_bounds = array<i64: 16>, scalar_prefetch = 0 : i64, scratch_operands = 0 : i64, tpu.core_type = #tpu.core_type<tc>, window_params = [{transform_indices = @transform_0, window_bounds = array<i64: 2000, 256>}, {transform_indices = @transform_1, window_bounds = array<i64: 2000, 128>}, {transform_indices = @transform_2, window_bounds = array<i64: 1, 1, 2000>}, {transform_indices = @transform_3, window_bounds = array<i64: 1, 3, 2000>}, {pipeline_mode = #tpu.pipeline_mode<synchronous>, transform_indices = @transform_4, window_bounds = array<i64: 384, 256>}, {pipeline_mode = #tpu.pipeline_mode<synchronous>, transform_indices = @transform_5, window_bounds = array<i64: 256>}, {pipeline_mode = #tpu.pipeline_mode<synchronous>, transform_indices = @transform_6, window_bounds = array<i64: 256, 256>}, {pipeline_mode = #tpu.pipeline_mode<synchronous>, transform_indices = @transform_7, window_bounds = array<i64: 256>}, {pipeline_mode = #tpu.pipeline_mode<synchronous>, transform_indices = @transform_8, window_bounds = array<i64: 256, 128>}, {pipeline_mode = #tpu.pipeline_mode<synchronous>, transform_indices = @transform_9, window_bounds = array<i64: 128>}, {pipeline_mode = #tpu.pipeline_mode<synchronous>, transform_indices = @transform_10, window_bounds = array<i64: 50, 128>}, {pipeline_mode = #tpu.pipeline_mode<synchronous>, transform_indices = @transform_11, window_bounds = array<i64: 128, 1>}, {pipeline_mode = #tpu.pipeline_mode<synchronous>, transform_indices = @transform_12, window_bounds = array<i64: 384, 256>}, {pipeline_mode = #tpu.pipeline_mode<synchronous>, transform_indices = @transform_13, window_bounds = array<i64: 256>}, {pipeline_mode = #tpu.pipeline_mode<synchronous>, transform_indices = @transform_14, window_bounds = array<i64: 256, 256>}, {pipeline_mode = #tpu.pipeline_mode<synchronous>, transform_indices = @transform_15, window_bounds = array<i64: 256>}, {pipeline_mode = #tpu.pipeline_mode<synchronous>, transform_indices = @transform_16, window_bounds = array<i64: 256, 128>}, {pipeline_mode = #tpu.pipeline_mode<synchronous>, transform_indices = @transform_17, window_bounds = array<i64: 128>}, {pipeline_mode = #tpu.pipeline_mode<synchronous>, transform_indices = @transform_18, window_bounds = array<i64: 50, 128>}, {pipeline_mode = #tpu.pipeline_mode<synchronous>, transform_indices = @transform_19, window_bounds = array<i64: 128, 1>}, {transform_indices = @transform_20, window_bounds = array<i64: 1, 1, 2000>}, {transform_indices = @transform_21, window_bounds = array<i64: 1, 1, 2000>}, {transform_indices = @transform_22, window_bounds = array<i64: 1, 1, 2000>}, {transform_indices = @transform_23, window_bounds = array<i64: 1, 1, 2000>}]} {
    %get3A = arith.constant 0 : index
    %get3A_0 = arith.constant 0 : index
    %get3A_1 = vector.load %arg1[%get3A, %get3A_0] : memref<2000x256xf32, #tpu.memory_space<vmem>>, vector<2000x256xf32>
    %get3A_2 = arith.constant 0 : index
    %get3A_3 = arith.constant 0 : index
    %get3A_4 = vector.load %arg2[%get3A_2, %get3A_3] : memref<2000x128xf32, #tpu.memory_space<vmem>>, vector<2000x128xf32>
    %get3A_5 = arith.constant 0 : index
    %get3A_6 = arith.constant 0 : index
    %get3A_7 = arith.constant 0 : index
    %get3A_8 = vector.load %arg3[%get3A_5, %get3A_6, %get3A_7] : memref<1x1x2000xf32, #tpu.memory_space<vmem>>, vector<1x1x2000xf32>
    %reshape3A = vector.shape_cast %get3A_8 : vector<1x1x2000xf32> to vector<1x2000xf32>
    %transpose3A = tpu.transpose %reshape3A, [1, 0] : vector<1x2000xf32> -> vector<2000x1xf32>
    %iota3A = tpu.iota {dimensions = array<i32: 1>} : vector<1x50xi32>
    %convert_element_type3A = arith.sitofp %iota3A : vector<1x50xi32> to vector<1x50xf32>
    %mul3A = arith.constant 0.244897962 : f32
    %mul3A_9 = vector.broadcast %mul3A : f32 to vector<1x50xf32>
    %mul3A_10 = arith.mulf %convert_element_type3A, %mul3A_9 : vector<1x50xf32>
    %sub3A = vector.broadcast %transpose3A : vector<2000x1xf32> to vector<2000x50xf32>
    %sub3A_11 = vector.broadcast %mul3A_10 : vector<1x50xf32> to vector<2000x50xf32>
    %sub3A_12 = arith.subf %sub3A, %sub3A_11 : vector<2000x50xf32>
    %mul3A_13 = arith.constant -8.33680534 : f32
    %mul3A_14 = vector.broadcast %mul3A_13 : f32 to vector<2000x50xf32>
    %mul3A_15 = arith.mulf %mul3A_14, %sub3A_12 : vector<2000x50xf32>
    %mul3A_16 = arith.mulf %mul3A_15, %sub3A_12 : vector<2000x50xf32>
    %exp3A = math.exp %mul3A_16 : vector<2000x50xf32>
    %get3A_17 = arith.constant 0 : index
    %get3A_18 = arith.constant 0 : index
    %get3A_19 = vector.load %arg5[%get3A_17, %get3A_18] : memref<384x256xf32, #tpu.memory_space<vmem>>, vector<384x256xf32>
    %slice3A = vector.extract_strided_slice %get3A_19 {offsets = [0, 0], sizes = [256, 256], strides = [1, 1]} : vector<384x256xf32> to vector<256x256xf32>
    %dot_general3A = arith.constant dense<0.000000e+00> : vector<2000x256xf32>
    %dot_general3A_20 = tpu.matmul %get3A_1, %slice3A, %dot_general3A {dimension_numbers = #tpu.dot_dimension_numbers<[1], [0], [0], [1], [0, 0, 1, 1], [], []>, transpose_lhs_hint = false} : vector<2000x256xf32>, vector<256x256xf32>, vector<2000x256xf32> -> vector<2000x256xf32>
    %slice3A_21 = vector.extract_strided_slice %get3A_19 {offsets = [256, 0], sizes = [128, 256], strides = [1, 1]} : vector<384x256xf32> to vector<128x256xf32>
    %dot_general3A_22 = arith.constant dense<0.000000e+00> : vector<2000x256xf32>
    %dot_general3A_23 = tpu.matmul %get3A_4, %slice3A_21, %dot_general3A_22 {dimension_numbers = #tpu.dot_dimension_numbers<[1], [0], [0], [1], [0, 0, 1, 1], [], []>, transpose_lhs_hint = false} : vector<2000x128xf32>, vector<128x256xf32>, vector<2000x256xf32> -> vector<2000x256xf32>
    %add3A = arith.addf %dot_general3A_20, %dot_general3A_23 : vector<2000x256xf32>
    %get3A_24 = arith.constant 0 : index
    %get3A_25 = vector.load %arg6[%get3A_24] : memref<256xf32, #tpu.memory_space<vmem>>, vector<256xf32>
    %broadcast_in_dim3A = vector.shape_cast %get3A_25 : vector<256xf32> to vector<1x256xf32>
    %add3A_26 = vector.broadcast %broadcast_in_dim3A : vector<1x256xf32> to vector<2000x256xf32>
    %add3A_27 = arith.addf %add3A, %add3A_26 : vector<2000x256xf32>
    %mul3A_28 = arith.constant 5.000000e-01 : f32
    %mul3A_29 = vector.broadcast %mul3A_28 : f32 to vector<2000x256xf32>
    %mul3A_30 = arith.mulf %mul3A_29, %add3A_27 : vector<2000x256xf32>
    %tanh3A = math.tanh %mul3A_30 : vector<2000x256xf32>
    %mul3A_31 = arith.constant 5.000000e-01 : f32
    %mul3A_32 = vector.broadcast %mul3A_31 : f32 to vector<2000x256xf32>
    %mul3A_33 = arith.mulf %mul3A_32, %tanh3A : vector<2000x256xf32>
    %add3A_34 = arith.constant 5.000000e-01 : f32
    %add3A_35 = vector.broadcast %add3A_34 : f32 to vector<2000x256xf32>
    %add3A_36 = arith.addf %add3A_35, %mul3A_33 : vector<2000x256xf32>
    %mul3A_37 = arith.mulf %add3A_27, %add3A_36 : vector<2000x256xf32>
    %get3A_38 = arith.constant 0 : index
    %get3A_39 = arith.constant 0 : index
    %get3A_40 = vector.load %arg7[%get3A_38, %get3A_39] : memref<256x256xf32, #tpu.memory_space<vmem>>, vector<256x256xf32>
    %dot_general3A_41 = arith.constant dense<0.000000e+00> : vector<2000x256xf32>
    %dot_general3A_42 = tpu.matmul %mul3A_37, %get3A_40, %dot_general3A_41 {dimension_numbers = #tpu.dot_dimension_numbers<[1], [0], [0], [1], [0, 0, 1, 1], [], []>, transpose_lhs_hint = false} : vector<2000x256xf32>, vector<256x256xf32>, vector<2000x256xf32> -> vector<2000x256xf32>
    %get3A_43 = arith.constant 0 : index
    %get3A_44 = vector.load %arg8[%get3A_43] : memref<256xf32, #tpu.memory_space<vmem>>, vector<256xf32>
    %broadcast_in_dim3A_45 = vector.shape_cast %get3A_44 : vector<256xf32> to vector<1x256xf32>
    %add3A_46 = vector.broadcast %broadcast_in_dim3A_45 : vector<1x256xf32> to vector<2000x256xf32>
    %add3A_47 = arith.addf %dot_general3A_42, %add3A_46 : vector<2000x256xf32>
    %mul3A_48 = arith.constant 5.000000e-01 : f32
    %mul3A_49 = vector.broadcast %mul3A_48 : f32 to vector<2000x256xf32>
    %mul3A_50 = arith.mulf %mul3A_49, %add3A_47 : vector<2000x256xf32>
    %tanh3A_51 = math.tanh %mul3A_50 : vector<2000x256xf32>
    %mul3A_52 = arith.constant 5.000000e-01 : f32
    %mul3A_53 = vector.broadcast %mul3A_52 : f32 to vector<2000x256xf32>
    %mul3A_54 = arith.mulf %mul3A_53, %tanh3A_51 : vector<2000x256xf32>
    %add3A_55 = arith.constant 5.000000e-01 : f32
    %add3A_56 = vector.broadcast %add3A_55 : f32 to vector<2000x256xf32>
    %add3A_57 = arith.addf %add3A_56, %mul3A_54 : vector<2000x256xf32>
    %mul3A_58 = arith.mulf %add3A_47, %add3A_57 : vector<2000x256xf32>
    %add3A_59 = arith.addf %mul3A_37, %mul3A_58 : vector<2000x256xf32>
    %get3A_60 = arith.constant 0 : index
    %get3A_61 = arith.constant 0 : index
    %get3A_62 = vector.load %arg9[%get3A_60, %get3A_61] : memref<256x128xf32, #tpu.memory_space<vmem>>, vector<256x128xf32>
    %dot_general3A_63 = arith.constant dense<0.000000e+00> : vector<2000x128xf32>
    %dot_general3A_64 = tpu.matmul %add3A_59, %get3A_62, %dot_general3A_63 {dimension_numbers = #tpu.dot_dimension_numbers<[1], [0], [0], [1], [0, 0, 1, 1], [], []>, transpose_lhs_hint = false} : vector<2000x256xf32>, vector<256x128xf32>, vector<2000x128xf32> -> vector<2000x128xf32>
    %get3A_65 = arith.constant 0 : index
    %get3A_66 = vector.load %arg10[%get3A_65] : memref<128xf32, #tpu.memory_space<vmem>>, vector<128xf32>
    %broadcast_in_dim3A_67 = vector.shape_cast %get3A_66 : vector<128xf32> to vector<1x128xf32>
    %add3A_68 = vector.broadcast %broadcast_in_dim3A_67 : vector<1x128xf32> to vector<2000x128xf32>
    %add3A_69 = arith.addf %dot_general3A_64, %add3A_68 : vector<2000x128xf32>
    %get3A_70 = arith.constant 0 : index
    %get3A_71 = arith.constant 0 : index
    %get3A_72 = vector.load %arg11[%get3A_70, %get3A_71] : memref<50x128xf32, #tpu.memory_space<vmem>>, vector<50x128xf32>
    %dot_general3A_73 = arith.constant dense<0.000000e+00> : vector<2000x128xf32>
    %dot_general3A_74 = tpu.matmul %exp3A, %get3A_72, %dot_general3A_73 {dimension_numbers = #tpu.dot_dimension_numbers<[1], [0], [0], [1], [0, 0, 1, 1], [], []>, transpose_lhs_hint = false} : vector<2000x50xf32>, vector<50x128xf32>, vector<2000x128xf32> -> vector<2000x128xf32>
    %mul3A_75 = arith.mulf %add3A_69, %dot_general3A_74 : vector<2000x128xf32>
    %get3A_76 = arith.constant 0 : index
    %get3A_77 = arith.constant 0 : index
    %get3A_78 = vector.load %arg12[%get3A_76, %get3A_77] : memref<128x1xf32, #tpu.memory_space<vmem>>, vector<128x1xf32>
    %dot_general3A_79 = arith.constant dense<0.000000e+00> : vector<2000x1xf32>
    %dot_general3A_80 = tpu.matmul %mul3A_75, %get3A_78, %dot_general3A_79 {dimension_numbers = #tpu.dot_dimension_numbers<[1], [0], [0], [1], [0, 0, 1, 1], [], []>, transpose_lhs_hint = false} : vector<2000x128xf32>, vector<128x1xf32>, vector<2000x1xf32> -> vector<2000x1xf32>
    %get3A_81 = arith.constant 0 : index
    %get3A_82 = arith.constant 0 : index
    %get3A_83 = vector.load %arg13[%get3A_81, %get3A_82] : memref<384x256xf32, #tpu.memory_space<vmem>>, vector<384x256xf32>
    %slice3A_84 = vector.extract_strided_slice %get3A_83 {offsets = [0, 0], sizes = [256, 256], strides = [1, 1]} : vector<384x256xf32> to vector<256x256xf32>
    %dot_general3A_85 = arith.constant dense<0.000000e+00> : vector<2000x256xf32>
    %dot_general3A_86 = tpu.matmul %get3A_1, %slice3A_84, %dot_general3A_85 {dimension_numbers = #tpu.dot_dimension_numbers<[1], [0], [0], [1], [0, 0, 1, 1], [], []>, transpose_lhs_hint = false} : vector<2000x256xf32>, vector<256x256xf32>, vector<2000x256xf32> -> vector<2000x256xf32>
    %slice3A_87 = vector.extract_strided_slice %get3A_83 {offsets = [256, 0], sizes = [128, 256], strides = [1, 1]} : vector<384x256xf32> to vector<128x256xf32>
    %dot_general3A_88 = arith.constant dense<0.000000e+00> : vector<2000x256xf32>
    %dot_general3A_89 = tpu.matmul %get3A_4, %slice3A_87, %dot_general3A_88 {dimension_numbers = #tpu.dot_dimension_numbers<[1], [0], [0], [1], [0, 0, 1, 1], [], []>, transpose_lhs_hint = false} : vector<2000x128xf32>, vector<128x256xf32>, vector<2000x256xf32> -> vector<2000x256xf32>
    %add3A_90 = arith.addf %dot_general3A_86, %dot_general3A_89 : vector<2000x256xf32>
    %get3A_91 = arith.constant 0 : index
    %get3A_92 = vector.load %arg14[%get3A_91] : memref<256xf32, #tpu.memory_space<vmem>>, vector<256xf32>
    %broadcast_in_dim3A_93 = vector.shape_cast %get3A_92 : vector<256xf32> to vector<1x256xf32>
    %add3A_94 = vector.broadcast %broadcast_in_dim3A_93 : vector<1x256xf32> to vector<2000x256xf32>
    %add3A_95 = arith.addf %add3A_90, %add3A_94 : vector<2000x256xf32>
    %mul3A_96 = arith.constant 5.000000e-01 : f32
    %mul3A_97 = vector.broadcast %mul3A_96 : f32 to vector<2000x256xf32>
    %mul3A_98 = arith.mulf %mul3A_97, %add3A_95 : vector<2000x256xf32>
    %tanh3A_99 = math.tanh %mul3A_98 : vector<2000x256xf32>
    %mul3A_100 = arith.constant 5.000000e-01 : f32
    %mul3A_101 = vector.broadcast %mul3A_100 : f32 to vector<2000x256xf32>
    %mul3A_102 = arith.mulf %mul3A_101, %tanh3A_99 : vector<2000x256xf32>
    %add3A_103 = arith.constant 5.000000e-01 : f32
    %add3A_104 = vector.broadcast %add3A_103 : f32 to vector<2000x256xf32>
    %add3A_105 = arith.addf %add3A_104, %mul3A_102 : vector<2000x256xf32>
    %mul3A_106 = arith.mulf %add3A_95, %add3A_105 : vector<2000x256xf32>
    %get3A_107 = arith.constant 0 : index
    %get3A_108 = arith.constant 0 : index
    %get3A_109 = vector.load %arg15[%get3A_107, %get3A_108] : memref<256x256xf32, #tpu.memory_space<vmem>>, vector<256x256xf32>
    %dot_general3A_110 = arith.constant dense<0.000000e+00> : vector<2000x256xf32>
    %dot_general3A_111 = tpu.matmul %mul3A_106, %get3A_109, %dot_general3A_110 {dimension_numbers = #tpu.dot_dimension_numbers<[1], [0], [0], [1], [0, 0, 1, 1], [], []>, transpose_lhs_hint = false} : vector<2000x256xf32>, vector<256x256xf32>, vector<2000x256xf32> -> vector<2000x256xf32>
    %get3A_112 = arith.constant 0 : index
    %get3A_113 = vector.load %arg16[%get3A_112] : memref<256xf32, #tpu.memory_space<vmem>>, vector<256xf32>
    %broadcast_in_dim3A_114 = vector.shape_cast %get3A_113 : vector<256xf32> to vector<1x256xf32>
    %add3A_115 = vector.broadcast %broadcast_in_dim3A_114 : vector<1x256xf32> to vector<2000x256xf32>
    %add3A_116 = arith.addf %dot_general3A_111, %add3A_115 : vector<2000x256xf32>
    %mul3A_117 = arith.constant 5.000000e-01 : f32
    %mul3A_118 = vector.broadcast %mul3A_117 : f32 to vector<2000x256xf32>
    %mul3A_119 = arith.mulf %mul3A_118, %add3A_116 : vector<2000x256xf32>
    %tanh3A_120 = math.tanh %mul3A_119 : vector<2000x256xf32>
    %mul3A_121 = arith.constant 5.000000e-01 : f32
    %mul3A_122 = vector.broadcast %mul3A_121 : f32 to vector<2000x256xf32>
    %mul3A_123 = arith.mulf %mul3A_122, %tanh3A_120 : vector<2000x256xf32>
    %add3A_124 = arith.constant 5.000000e-01 : f32
    %add3A_125 = vector.broadcast %add3A_124 : f32 to vector<2000x256xf32>
    %add3A_126 = arith.addf %add3A_125, %mul3A_123 : vector<2000x256xf32>
    %mul3A_127 = arith.mulf %add3A_116, %add3A_126 : vector<2000x256xf32>
    %add3A_128 = arith.addf %mul3A_106, %mul3A_127 : vector<2000x256xf32>
    %get3A_129 = arith.constant 0 : index
    %get3A_130 = arith.constant 0 : index
    %get3A_131 = vector.load %arg17[%get3A_129, %get3A_130] : memref<256x128xf32, #tpu.memory_space<vmem>>, vector<256x128xf32>
    %dot_general3A_132 = arith.constant dense<0.000000e+00> : vector<2000x128xf32>
    %dot_general3A_133 = tpu.matmul %add3A_128, %get3A_131, %dot_general3A_132 {dimension_numbers = #tpu.dot_dimension_numbers<[1], [0], [0], [1], [0, 0, 1, 1], [], []>, transpose_lhs_hint = false} : vector<2000x256xf32>, vector<256x128xf32>, vector<2000x128xf32> -> vector<2000x128xf32>
    %get3A_134 = arith.constant 0 : index
    %get3A_135 = vector.load %arg18[%get3A_134] : memref<128xf32, #tpu.memory_space<vmem>>, vector<128xf32>
    %broadcast_in_dim3A_136 = vector.shape_cast %get3A_135 : vector<128xf32> to vector<1x128xf32>
    %add3A_137 = vector.broadcast %broadcast_in_dim3A_136 : vector<1x128xf32> to vector<2000x128xf32>
    %add3A_138 = arith.addf %dot_general3A_133, %add3A_137 : vector<2000x128xf32>
    %get3A_139 = arith.constant 0 : index
    %get3A_140 = arith.constant 0 : index
    %get3A_141 = vector.load %arg19[%get3A_139, %get3A_140] : memref<50x128xf32, #tpu.memory_space<vmem>>, vector<50x128xf32>
    %dot_general3A_142 = arith.constant dense<0.000000e+00> : vector<2000x128xf32>
    %dot_general3A_143 = tpu.matmul %exp3A, %get3A_141, %dot_general3A_142 {dimension_numbers = #tpu.dot_dimension_numbers<[1], [0], [0], [1], [0, 0, 1, 1], [], []>, transpose_lhs_hint = false} : vector<2000x50xf32>, vector<50x128xf32>, vector<2000x128xf32> -> vector<2000x128xf32>
    %mul3A_144 = arith.mulf %add3A_138, %dot_general3A_143 : vector<2000x128xf32>
    %get3A_145 = arith.constant 0 : index
    %get3A_146 = arith.constant 0 : index
    %get3A_147 = vector.load %arg20[%get3A_145, %get3A_146] : memref<128x1xf32, #tpu.memory_space<vmem>>, vector<128x1xf32>
    %dot_general3A_148 = arith.constant dense<0.000000e+00> : vector<2000x1xf32>
    %dot_general3A_149 = tpu.matmul %mul3A_144, %get3A_147, %dot_general3A_148 {dimension_numbers = #tpu.dot_dimension_numbers<[1], [0], [0], [1], [0, 0, 1, 1], [], []>, transpose_lhs_hint = false} : vector<2000x128xf32>, vector<128x1xf32>, vector<2000x1xf32> -> vector<2000x1xf32>
    %get3A_150 = arith.constant 0 : index
    %get3A_151 = arith.constant 0 : index
    %get3A_152 = arith.constant 0 : index
    %get3A_153 = vector.load %arg4[%get3A_150, %get3A_151, %get3A_152] : memref<1x3x2000xf32, #tpu.memory_space<vmem>>, vector<1x3x2000xf32>
    %reshape3A_154 = vector.shape_cast %get3A_153 : vector<1x3x2000xf32> to vector<3x2000xf32>
    %transpose3A_155 = tpu.transpose %dot_general3A_80, [1, 0] : vector<2000x1xf32> -> vector<1x2000xf32>
    %transpose3A_156 = tpu.transpose %dot_general3A_149, [1, 0] : vector<2000x1xf32> -> vector<1x2000xf32>
    %reshape3A_157 = vector.shape_cast %transpose3A_155 : vector<1x2000xf32> to vector<1x1x2000xf32>
    %swap3A = arith.constant 0 : index
    %swap3A_158 = arith.constant 0 : index
    %swap3A_159 = arith.constant 0 : index
    %swap3A_160 = vector.load %arg21[%swap3A, %swap3A_158, %swap3A_159] : memref<1x1x2000xf32, #tpu.memory_space<vmem>>, vector<1x1x2000xf32>
    tpu.vector_store %arg21[%swap3A, %swap3A_158, %swap3A_159], %reshape3A_157 {strides = array<i32>} : memref<1x1x2000xf32, #tpu.memory_space<vmem>>, vector<1x1x2000xf32>,
    %slice3A_161 = vector.extract_strided_slice %reshape3A_154 {offsets = [0, 0], sizes = [1, 2000], strides = [1, 1]} : vector<3x2000xf32> to vector<1x2000xf32>
    %mul3A_162 = arith.mulf %transpose3A_156, %slice3A_161 : vector<1x2000xf32>
    %reshape3A_163 = vector.shape_cast %mul3A_162 : vector<1x2000xf32> to vector<1x1x2000xf32>
    %swap3A_164 = arith.constant 0 : index
    %swap3A_165 = arith.constant 0 : index
    %swap3A_166 = arith.constant 0 : index
    %swap3A_167 = vector.load %arg22[%swap3A_164, %swap3A_165, %swap3A_166] : memref<1x1x2000xf32, #tpu.memory_space<vmem>>, vector<1x1x2000xf32>
    tpu.vector_store %arg22[%swap3A_164, %swap3A_165, %swap3A_166], %reshape3A_163 {strides = array<i32>} : memref<1x1x2000xf32, #tpu.memory_space<vmem>>, vector<1x1x2000xf32>,
    %slice3A_168 = vector.extract_strided_slice %reshape3A_154 {offsets = [1, 0], sizes = [1, 2000], strides = [1, 1]} : vector<3x2000xf32> to vector<1x2000xf32>
    %mul3A_169 = arith.mulf %transpose3A_156, %slice3A_168 : vector<1x2000xf32>
    %reshape3A_170 = vector.shape_cast %mul3A_169 : vector<1x2000xf32> to vector<1x1x2000xf32>
    %swap3A_171 = arith.constant 0 : index
    %swap3A_172 = arith.constant 0 : index
    %swap3A_173 = arith.constant 0 : index
    %swap3A_174 = vector.load %arg23[%swap3A_171, %swap3A_172, %swap3A_173] : memref<1x1x2000xf32, #tpu.memory_space<vmem>>, vector<1x1x2000xf32>
    tpu.vector_store %arg23[%swap3A_171, %swap3A_172, %swap3A_173], %reshape3A_170 {strides = array<i32>} : memref<1x1x2000xf32, #tpu.memory_space<vmem>>, vector<1x1x2000xf32>,
    %slice3A_175 = vector.extract_strided_slice %reshape3A_154 {offsets = [2, 0], sizes = [1, 2000], strides = [1, 1]} : vector<3x2000xf32> to vector<1x2000xf32>
    %mul3A_176 = arith.mulf %transpose3A_156, %slice3A_175 : vector<1x2000xf32>
    %reshape3A_177 = vector.shape_cast %mul3A_176 : vector<1x2000xf32> to vector<1x1x2000xf32>
    %swap3A_178 = arith.constant 0 : index
    %swap3A_179 = arith.constant 0 : index
    %swap3A_180 = arith.constant 0 : index
    %swap3A_181 = vector.load %arg24[%swap3A_178, %swap3A_179, %swap3A_180] : memref<1x1x2000xf32, #tpu.memory_space<vmem>>, vector<1x1x2000xf32>
    tpu.vector_store %arg24[%swap3A_178, %swap3A_179, %swap3A_180], %reshape3A_177 {strides = array<i32>} : memref<1x1x2000xf32, #tpu.memory_space<vmem>>, vector<1x1x2000xf32>,
    return
  }
  func.func @transform_0(%arg0: i32) -> (i32, i32) {
    %c0_i32 = arith.constant 0 : i32
    %c0_i32_0 = arith.constant 0 : i32
    return %arg0, %c0_i32 : i32, i32
  }
  func.func @transform_1(%arg0: i32) -> (i32, i32) {
    %add3A = arith.constant 5 : i32
    %add3A_0 = arith.addi %add3A, %arg0 : i32
    %c0_i32 = arith.constant 0 : i32
    %c0_i32_1 = arith.constant 0 : i32
    return %add3A_0, %c0_i32 : i32, i32
  }
  func.func @transform_2(%arg0: i32) -> (i32, i32, i32) {
    %add3A = arith.constant 0 : i32
    %add3A_0 = arith.addi %add3A, %arg0 : i32
    %c0_i32 = arith.constant 0 : i32
    %c0_i32_1 = arith.constant 0 : i32
    %c0_i32_2 = arith.constant 0 : i32
    return %add3A_0, %c0_i32, %c0_i32_1 : i32, i32, i32
  }
  func.func @transform_3(%arg0: i32) -> (i32, i32, i32) {
    %add3A = arith.constant 0 : i32
    %add3A_0 = arith.addi %add3A, %arg0 : i32
    %c0_i32 = arith.constant 0 : i32
    %c0_i32_1 = arith.constant 0 : i32
    %c0_i32_2 = arith.constant 0 : i32
    return %add3A_0, %c0_i32, %c0_i32_1 : i32, i32, i32
  }
  func.func @transform_4(%arg0: i32) -> (i32, i32) {
    %c0_i32 = arith.constant 0 : i32
    %c0_i32_0 = arith.constant 0 : i32
    %c0_i32_1 = arith.constant 0 : i32
    return %c0_i32, %c0_i32_0 : i32, i32
  }
  func.func @transform_5(%arg0: i32) -> i32 {
    %c0_i32 = arith.constant 0 : i32
    %c0_i32_0 = arith.constant 0 : i32
    return %c0_i32 : i32
  }
  func.func @transform_6(%arg0: i32) -> (i32, i32) {
    %c0_i32 = arith.constant 0 : i32
    %c0_i32_0 = arith.constant 0 : i32
    %c0_i32_1 = arith.constant 0 : i32
    return %c0_i32, %c0_i32_0 : i32, i32
  }
  func.func @transform_7(%arg0: i32) -> i32 {
    %c0_i32 = arith.constant 0 : i32
    %c0_i32_0 = arith.constant 0 : i32
    return %c0_i32 : i32
  }
  func.func @transform_8(%arg0: i32) -> (i32, i32) {
    %c0_i32 = arith.constant 0 : i32
    %c0_i32_0 = arith.constant 0 : i32
    %c0_i32_1 = arith.constant 0 : i32
    return %c0_i32, %c0_i32_0 : i32, i32
  }
  func.func @transform_9(%arg0: i32) -> i32 {
    %c0_i32 = arith.constant 0 : i32
    %c0_i32_0 = arith.constant 0 : i32
    return %c0_i32 : i32
  }
  func.func @transform_10(%arg0: i32) -> (i32, i32) {
    %c0_i32 = arith.constant 0 : i32
    %c0_i32_0 = arith.constant 0 : i32
    %c0_i32_1 = arith.constant 0 : i32
    return %c0_i32, %c0_i32_0 : i32, i32
  }
  func.func @transform_11(%arg0: i32) -> (i32, i32) {
    %c0_i32 = arith.constant 0 : i32
    %c0_i32_0 = arith.constant 0 : i32
    %c0_i32_1 = arith.constant 0 : i32
    return %c0_i32, %c0_i32_0 : i32, i32
  }
  func.func @transform_12(%arg0: i32) -> (i32, i32) {
    %c0_i32 = arith.constant 0 : i32
    %c0_i32_0 = arith.constant 0 : i32
    %c0_i32_1 = arith.constant 0 : i32
    return %c0_i32, %c0_i32_0 : i32, i32
  }
  func.func @transform_13(%arg0: i32) -> i32 {
    %c0_i32 = arith.constant 0 : i32
    %c0_i32_0 = arith.constant 0 : i32
    return %c0_i32 : i32
  }
  func.func @transform_14(%arg0: i32) -> (i32, i32) {
    %c0_i32 = arith.constant 0 : i32
    %c0_i32_0 = arith.constant 0 : i32
    %c0_i32_1 = arith.constant 0 : i32
    return %c0_i32, %c0_i32_0 : i32, i32
  }
  func.func @transform_15(%arg0: i32) -> i32 {
    %c0_i32 = arith.constant 0 : i32
    %c0_i32_0 = arith.constant 0 : i32
    return %c0_i32 : i32
  }
  func.func @transform_16(%arg0: i32) -> (i32, i32) {
    %c0_i32 = arith.constant 0 : i32
    %c0_i32_0 = arith.constant 0 : i32
    %c0_i32_1 = arith.constant 0 : i32
    return %c0_i32, %c0_i32_0 : i32, i32
  }
  func.func @transform_17(%arg0: i32) -> i32 {
    %c0_i32 = arith.constant 0 : i32
    %c0_i32_0 = arith.constant 0 : i32
    return %c0_i32 : i32
  }
  func.func @transform_18(%arg0: i32) -> (i32, i32) {
    %c0_i32 = arith.constant 0 : i32
    %c0_i32_0 = arith.constant 0 : i32
    %c0_i32_1 = arith.constant 0 : i32
    return %c0_i32, %c0_i32_0 : i32, i32
  }
  func.func @transform_19(%arg0: i32) -> (i32, i32) {
    %c0_i32 = arith.constant 0 : i32
    %c0_i32_0 = arith.constant 0 : i32
    %c0_i32_1 = arith.constant 0 : i32
    return %c0_i32, %c0_i32_0 : i32, i32
  }
  func.func @transform_20(%arg0: i32) -> (i32, i32, i32) {
    %c0_i32 = arith.constant 0 : i32
    %c0_i32_0 = arith.constant 0 : i32
    %c0_i32_1 = arith.constant 0 : i32
    return %arg0, %c0_i32, %c0_i32_0 : i32, i32, i32
  }
  func.func @transform_21(%arg0: i32) -> (i32, i32, i32) {
    %c0_i32 = arith.constant 0 : i32
    %c0_i32_0 = arith.constant 0 : i32
    %c0_i32_1 = arith.constant 0 : i32
    return %arg0, %c0_i32, %c0_i32_0 : i32, i32, i32
  }
  func.func @transform_22(%arg0: i32) -> (i32, i32, i32) {
    %c0_i32 = arith.constant 0 : i32
    %c0_i32_0 = arith.constant 0 : i32
    %c0_i32_1 = arith.constant 0 : i32
    return %arg0, %c0_i32, %c0_i32_0 : i32, i32, i32
  }
  func.func @transform_23(%arg0: i32) -> (i32, i32, i32) {
    %c0_i32 = arith.constant 0 : i32
    %c0_i32_0 = arith.constant 0 : i32
    %c0_i32_1 = arith.constant 0 : i32
    return %arg0, %c0_i32, %c0_i32_0 : i32, i32, i32
  }
}

module attributes {stable_mosaic.version = 14 : i64} {
  func.func @_mlp_body(%arg0: i32, %arg1: memref<2000x256xf32, #tpu.memory_space<vmem>>, %arg2: memref<2000x128xf32, #tpu.memory_space<vmem>>, %arg3: memref<1x1x2000xf32, #tpu.memory_space<vmem>>, %arg4: memref<1x3x2000xf32, #tpu.memory_space<vmem>>, %arg5: memref<384x256xf32, #tpu.memory_space<vmem>>, %arg6: memref<256xf32, #tpu.memory_space<vmem>>, %arg7: memref<256x256xf32, #tpu.memory_space<vmem>>, %arg8: memref<256xf32, #tpu.memory_space<vmem>>, %arg9: memref<256x128xf32, #tpu.memory_space<vmem>>, %arg10: memref<128xf32, #tpu.memory_space<vmem>>, %arg11: memref<50x128xf32, #tpu.memory_space<vmem>>, %arg12: memref<128x1xf32, #tpu.memory_space<vmem>>, %arg13: memref<384x256xf32, #tpu.memory_space<vmem>>, %arg14: memref<256xf32, #tpu.memory_space<vmem>>, %arg15: memref<256x256xf32, #tpu.memory_space<vmem>>, %arg16: memref<256xf32, #tpu.memory_space<vmem>>, %arg17: memref<256x128xf32, #tpu.memory_space<vmem>>, %arg18: memref<128xf32, #tpu.memory_space<vmem>>, %arg19: memref<50x128xf32, #tpu.memory_space<vmem>>, %arg20: memref<128x1xf32, #tpu.memory_space<vmem>>, %arg21: memref<1x1x2000xf32, #tpu.memory_space<vmem>>, %arg22: memref<1x1x2000xf32, #tpu.memory_space<vmem>>, %arg23: memref<1x1x2000xf32, #tpu.memory_space<vmem>>, %arg24: memref<1x1x2000xf32, #tpu.memory_space<vmem>>) attributes {dimension_semantics = [#tpu.dimension_semantics<arbitrary>], iteration_bounds = array<i64: 32>, scalar_prefetch = 0 : i64, scratch_operands = 0 : i64, tpu.core_type = #tpu.core_type<tc>, window_params = [{transform_indices = @transform_0, window_bounds = array<i64: 2000, 256>}, {transform_indices = @transform_1, window_bounds = array<i64: 2000, 128>}, {transform_indices = @transform_2, window_bounds = array<i64: 1, 1, 2000>}, {transform_indices = @transform_3, window_bounds = array<i64: 1, 3, 2000>}, {pipeline_mode = #tpu.pipeline_mode<synchronous>, transform_indices = @transform_4, window_bounds = array<i64: 384, 256>}, {pipeline_mode = #tpu.pipeline_mode<synchronous>, transform_indices = @transform_5, window_bounds = array<i64: 256>}, {pipeline_mode = #tpu.pipeline_mode<synchronous>, transform_indices = @transform_6, window_bounds = array<i64: 256, 256>}, {pipeline_mode = #tpu.pipeline_mode<synchronous>, transform_indices = @transform_7, window_bounds = array<i64: 256>}, {pipeline_mode = #tpu.pipeline_mode<synchronous>, transform_indices = @transform_8, window_bounds = array<i64: 256, 128>}, {pipeline_mode = #tpu.pipeline_mode<synchronous>, transform_indices = @transform_9, window_bounds = array<i64: 128>}, {pipeline_mode = #tpu.pipeline_mode<synchronous>, transform_indices = @transform_10, window_bounds = array<i64: 50, 128>}, {pipeline_mode = #tpu.pipeline_mode<synchronous>, transform_indices = @transform_11, window_bounds = array<i64: 128, 1>}, {pipeline_mode = #tpu.pipeline_mode<synchronous>, transform_indices = @transform_12, window_bounds = array<i64: 384, 256>}, {pipeline_mode = #tpu.pipeline_mode<synchronous>, transform_indices = @transform_13, window_bounds = array<i64: 256>}, {pipeline_mode = #tpu.pipeline_mode<synchronous>, transform_indices = @transform_14, window_bounds = array<i64: 256, 256>}, {pipeline_mode = #tpu.pipeline_mode<synchronous>, transform_indices = @transform_15, window_bounds = array<i64: 256>}, {pipeline_mode = #tpu.pipeline_mode<synchronous>, transform_indices = @transform_16, window_bounds = array<i64: 256, 128>}, {pipeline_mode = #tpu.pipeline_mode<synchronous>, transform_indices = @transform_17, window_bounds = array<i64: 128>}, {pipeline_mode = #tpu.pipeline_mode<synchronous>, transform_indices = @transform_18, window_bounds = array<i64: 50, 128>}, {pipeline_mode = #tpu.pipeline_mode<synchronous>, transform_indices = @transform_19, window_bounds = array<i64: 128, 1>}, {transform_indices = @transform_20, window_bounds = array<i64: 1, 1, 2000>}, {transform_indices = @transform_21, window_bounds = array<i64: 1, 1, 2000>}, {transform_indices = @transform_22, window_bounds = array<i64: 1, 1, 2000>}, {transform_indices = @transform_23, window_bounds = array<i64: 1, 1, 2000>}]} {
    %get3A = arith.constant 0 : index
    %get3A_0 = arith.constant 0 : index
    %get3A_1 = vector.load %arg1[%get3A, %get3A_0] : memref<2000x256xf32, #tpu.memory_space<vmem>>, vector<2000x256xf32>
    %get3A_2 = arith.constant 0 : index
    %get3A_3 = arith.constant 0 : index
    %get3A_4 = vector.load %arg2[%get3A_2, %get3A_3] : memref<2000x128xf32, #tpu.memory_space<vmem>>, vector<2000x128xf32>
    %get3A_5 = arith.constant 0 : index
    %get3A_6 = arith.constant 0 : index
    %get3A_7 = arith.constant 0 : index
    %get3A_8 = vector.load %arg3[%get3A_5, %get3A_6, %get3A_7] : memref<1x1x2000xf32, #tpu.memory_space<vmem>>, vector<1x1x2000xf32>
    %reshape3A = vector.shape_cast %get3A_8 : vector<1x1x2000xf32> to vector<1x2000xf32>
    %transpose3A = tpu.transpose %reshape3A, [1, 0] : vector<1x2000xf32> -> vector<2000x1xf32>
    %iota3A = tpu.iota {dimensions = array<i32: 1>} : vector<1x50xi32>
    %convert_element_type3A = arith.sitofp %iota3A : vector<1x50xi32> to vector<1x50xf32>
    %mul3A = arith.constant 0.244897962 : f32
    %mul3A_9 = vector.broadcast %mul3A : f32 to vector<1x50xf32>
    %mul3A_10 = arith.mulf %convert_element_type3A, %mul3A_9 : vector<1x50xf32>
    %sub3A = vector.broadcast %transpose3A : vector<2000x1xf32> to vector<2000x50xf32>
    %sub3A_11 = vector.broadcast %mul3A_10 : vector<1x50xf32> to vector<2000x50xf32>
    %sub3A_12 = arith.subf %sub3A, %sub3A_11 : vector<2000x50xf32>
    %mul3A_13 = arith.constant -8.33680534 : f32
    %mul3A_14 = vector.broadcast %mul3A_13 : f32 to vector<2000x50xf32>
    %mul3A_15 = arith.mulf %mul3A_14, %sub3A_12 : vector<2000x50xf32>
    %mul3A_16 = arith.mulf %mul3A_15, %sub3A_12 : vector<2000x50xf32>
    %exp3A = math.exp %mul3A_16 : vector<2000x50xf32>
    %get3A_17 = arith.constant 0 : index
    %get3A_18 = arith.constant 0 : index
    %get3A_19 = vector.load %arg5[%get3A_17, %get3A_18] : memref<384x256xf32, #tpu.memory_space<vmem>>, vector<384x256xf32>
    %slice3A = vector.extract_strided_slice %get3A_19 {offsets = [0, 0], sizes = [256, 256], strides = [1, 1]} : vector<384x256xf32> to vector<256x256xf32>
    %dot_general3A = arith.constant dense<0.000000e+00> : vector<2000x256xf32>
    %dot_general3A_20 = tpu.matmul %get3A_1, %slice3A, %dot_general3A {dimension_numbers = #tpu.dot_dimension_numbers<[1], [0], [0], [1], [0, 0, 1, 1], [], []>, transpose_lhs_hint = false} : vector<2000x256xf32>, vector<256x256xf32>, vector<2000x256xf32> -> vector<2000x256xf32>
    %slice3A_21 = vector.extract_strided_slice %get3A_19 {offsets = [256, 0], sizes = [128, 256], strides = [1, 1]} : vector<384x256xf32> to vector<128x256xf32>
    %dot_general3A_22 = arith.constant dense<0.000000e+00> : vector<2000x256xf32>
    %dot_general3A_23 = tpu.matmul %get3A_4, %slice3A_21, %dot_general3A_22 {dimension_numbers = #tpu.dot_dimension_numbers<[1], [0], [0], [1], [0, 0, 1, 1], [], []>, transpose_lhs_hint = false} : vector<2000x128xf32>, vector<128x256xf32>, vector<2000x256xf32> -> vector<2000x256xf32>
    %add3A = arith.addf %dot_general3A_20, %dot_general3A_23 : vector<2000x256xf32>
    %get3A_24 = arith.constant 0 : index
    %get3A_25 = vector.load %arg6[%get3A_24] : memref<256xf32, #tpu.memory_space<vmem>>, vector<256xf32>
    %broadcast_in_dim3A = vector.shape_cast %get3A_25 : vector<256xf32> to vector<1x256xf32>
    %add3A_26 = vector.broadcast %broadcast_in_dim3A : vector<1x256xf32> to vector<2000x256xf32>
    %add3A_27 = arith.addf %add3A, %add3A_26 : vector<2000x256xf32>
    %mul3A_28 = arith.constant 5.000000e-01 : f32
    %mul3A_29 = vector.broadcast %mul3A_28 : f32 to vector<2000x256xf32>
    %mul3A_30 = arith.mulf %mul3A_29, %add3A_27 : vector<2000x256xf32>
    %tanh3A = math.tanh %mul3A_30 : vector<2000x256xf32>
    %mul3A_31 = arith.constant 5.000000e-01 : f32
    %mul3A_32 = vector.broadcast %mul3A_31 : f32 to vector<2000x256xf32>
    %mul3A_33 = arith.mulf %mul3A_32, %tanh3A : vector<2000x256xf32>
    %add3A_34 = arith.constant 5.000000e-01 : f32
    %add3A_35 = vector.broadcast %add3A_34 : f32 to vector<2000x256xf32>
    %add3A_36 = arith.addf %add3A_35, %mul3A_33 : vector<2000x256xf32>
    %mul3A_37 = arith.mulf %add3A_27, %add3A_36 : vector<2000x256xf32>
    %get3A_38 = arith.constant 0 : index
    %get3A_39 = arith.constant 0 : index
    %get3A_40 = vector.load %arg7[%get3A_38, %get3A_39] : memref<256x256xf32, #tpu.memory_space<vmem>>, vector<256x256xf32>
    %dot_general3A_41 = arith.constant dense<0.000000e+00> : vector<2000x256xf32>
    %dot_general3A_42 = tpu.matmul %mul3A_37, %get3A_40, %dot_general3A_41 {dimension_numbers = #tpu.dot_dimension_numbers<[1], [0], [0], [1], [0, 0, 1, 1], [], []>, transpose_lhs_hint = false} : vector<2000x256xf32>, vector<256x256xf32>, vector<2000x256xf32> -> vector<2000x256xf32>
    %get3A_43 = arith.constant 0 : index
    %get3A_44 = vector.load %arg8[%get3A_43] : memref<256xf32, #tpu.memory_space<vmem>>, vector<256xf32>
    %broadcast_in_dim3A_45 = vector.shape_cast %get3A_44 : vector<256xf32> to vector<1x256xf32>
    %add3A_46 = vector.broadcast %broadcast_in_dim3A_45 : vector<1x256xf32> to vector<2000x256xf32>
    %add3A_47 = arith.addf %dot_general3A_42, %add3A_46 : vector<2000x256xf32>
    %mul3A_48 = arith.constant 5.000000e-01 : f32
    %mul3A_49 = vector.broadcast %mul3A_48 : f32 to vector<2000x256xf32>
    %mul3A_50 = arith.mulf %mul3A_49, %add3A_47 : vector<2000x256xf32>
    %tanh3A_51 = math.tanh %mul3A_50 : vector<2000x256xf32>
    %mul3A_52 = arith.constant 5.000000e-01 : f32
    %mul3A_53 = vector.broadcast %mul3A_52 : f32 to vector<2000x256xf32>
    %mul3A_54 = arith.mulf %mul3A_53, %tanh3A_51 : vector<2000x256xf32>
    %add3A_55 = arith.constant 5.000000e-01 : f32
    %add3A_56 = vector.broadcast %add3A_55 : f32 to vector<2000x256xf32>
    %add3A_57 = arith.addf %add3A_56, %mul3A_54 : vector<2000x256xf32>
    %mul3A_58 = arith.mulf %add3A_47, %add3A_57 : vector<2000x256xf32>
    %add3A_59 = arith.addf %mul3A_37, %mul3A_58 : vector<2000x256xf32>
    %get3A_60 = arith.constant 0 : index
    %get3A_61 = arith.constant 0 : index
    %get3A_62 = vector.load %arg9[%get3A_60, %get3A_61] : memref<256x128xf32, #tpu.memory_space<vmem>>, vector<256x128xf32>
    %dot_general3A_63 = arith.constant dense<0.000000e+00> : vector<2000x128xf32>
    %dot_general3A_64 = tpu.matmul %add3A_59, %get3A_62, %dot_general3A_63 {dimension_numbers = #tpu.dot_dimension_numbers<[1], [0], [0], [1], [0, 0, 1, 1], [], []>, transpose_lhs_hint = false} : vector<2000x256xf32>, vector<256x128xf32>, vector<2000x128xf32> -> vector<2000x128xf32>
    %get3A_65 = arith.constant 0 : index
    %get3A_66 = vector.load %arg10[%get3A_65] : memref<128xf32, #tpu.memory_space<vmem>>, vector<128xf32>
    %broadcast_in_dim3A_67 = vector.shape_cast %get3A_66 : vector<128xf32> to vector<1x128xf32>
    %add3A_68 = vector.broadcast %broadcast_in_dim3A_67 : vector<1x128xf32> to vector<2000x128xf32>
    %add3A_69 = arith.addf %dot_general3A_64, %add3A_68 : vector<2000x128xf32>
    %get3A_70 = arith.constant 0 : index
    %get3A_71 = arith.constant 0 : index
    %get3A_72 = vector.load %arg11[%get3A_70, %get3A_71] : memref<50x128xf32, #tpu.memory_space<vmem>>, vector<50x128xf32>
    %dot_general3A_73 = arith.constant dense<0.000000e+00> : vector<2000x128xf32>
    %dot_general3A_74 = tpu.matmul %exp3A, %get3A_72, %dot_general3A_73 {dimension_numbers = #tpu.dot_dimension_numbers<[1], [0], [0], [1], [0, 0, 1, 1], [], []>, transpose_lhs_hint = false} : vector<2000x50xf32>, vector<50x128xf32>, vector<2000x128xf32> -> vector<2000x128xf32>
    %mul3A_75 = arith.mulf %add3A_69, %dot_general3A_74 : vector<2000x128xf32>
    %get3A_76 = arith.constant 0 : index
    %get3A_77 = arith.constant 0 : index
    %get3A_78 = vector.load %arg12[%get3A_76, %get3A_77] : memref<128x1xf32, #tpu.memory_space<vmem>>, vector<128x1xf32>
    %dot_general3A_79 = arith.constant dense<0.000000e+00> : vector<2000x1xf32>
    %dot_general3A_80 = tpu.matmul %mul3A_75, %get3A_78, %dot_general3A_79 {dimension_numbers = #tpu.dot_dimension_numbers<[1], [0], [0], [1], [0, 0, 1, 1], [], []>, transpose_lhs_hint = false} : vector<2000x128xf32>, vector<128x1xf32>, vector<2000x1xf32> -> vector<2000x1xf32>
    %get3A_81 = arith.constant 0 : index
    %get3A_82 = arith.constant 0 : index
    %get3A_83 = vector.load %arg13[%get3A_81, %get3A_82] : memref<384x256xf32, #tpu.memory_space<vmem>>, vector<384x256xf32>
    %slice3A_84 = vector.extract_strided_slice %get3A_83 {offsets = [0, 0], sizes = [256, 256], strides = [1, 1]} : vector<384x256xf32> to vector<256x256xf32>
    %dot_general3A_85 = arith.constant dense<0.000000e+00> : vector<2000x256xf32>
    %dot_general3A_86 = tpu.matmul %get3A_1, %slice3A_84, %dot_general3A_85 {dimension_numbers = #tpu.dot_dimension_numbers<[1], [0], [0], [1], [0, 0, 1, 1], [], []>, transpose_lhs_hint = false} : vector<2000x256xf32>, vector<256x256xf32>, vector<2000x256xf32> -> vector<2000x256xf32>
    %slice3A_87 = vector.extract_strided_slice %get3A_83 {offsets = [256, 0], sizes = [128, 256], strides = [1, 1]} : vector<384x256xf32> to vector<128x256xf32>
    %dot_general3A_88 = arith.constant dense<0.000000e+00> : vector<2000x256xf32>
    %dot_general3A_89 = tpu.matmul %get3A_4, %slice3A_87, %dot_general3A_88 {dimension_numbers = #tpu.dot_dimension_numbers<[1], [0], [0], [1], [0, 0, 1, 1], [], []>, transpose_lhs_hint = false} : vector<2000x128xf32>, vector<128x256xf32>, vector<2000x256xf32> -> vector<2000x256xf32>
    %add3A_90 = arith.addf %dot_general3A_86, %dot_general3A_89 : vector<2000x256xf32>
    %get3A_91 = arith.constant 0 : index
    %get3A_92 = vector.load %arg14[%get3A_91] : memref<256xf32, #tpu.memory_space<vmem>>, vector<256xf32>
    %broadcast_in_dim3A_93 = vector.shape_cast %get3A_92 : vector<256xf32> to vector<1x256xf32>
    %add3A_94 = vector.broadcast %broadcast_in_dim3A_93 : vector<1x256xf32> to vector<2000x256xf32>
    %add3A_95 = arith.addf %add3A_90, %add3A_94 : vector<2000x256xf32>
    %mul3A_96 = arith.constant 5.000000e-01 : f32
    %mul3A_97 = vector.broadcast %mul3A_96 : f32 to vector<2000x256xf32>
    %mul3A_98 = arith.mulf %mul3A_97, %add3A_95 : vector<2000x256xf32>
    %tanh3A_99 = math.tanh %mul3A_98 : vector<2000x256xf32>
    %mul3A_100 = arith.constant 5.000000e-01 : f32
    %mul3A_101 = vector.broadcast %mul3A_100 : f32 to vector<2000x256xf32>
    %mul3A_102 = arith.mulf %mul3A_101, %tanh3A_99 : vector<2000x256xf32>
    %add3A_103 = arith.constant 5.000000e-01 : f32
    %add3A_104 = vector.broadcast %add3A_103 : f32 to vector<2000x256xf32>
    %add3A_105 = arith.addf %add3A_104, %mul3A_102 : vector<2000x256xf32>
    %mul3A_106 = arith.mulf %add3A_95, %add3A_105 : vector<2000x256xf32>
    %get3A_107 = arith.constant 0 : index
    %get3A_108 = arith.constant 0 : index
    %get3A_109 = vector.load %arg15[%get3A_107, %get3A_108] : memref<256x256xf32, #tpu.memory_space<vmem>>, vector<256x256xf32>
    %dot_general3A_110 = arith.constant dense<0.000000e+00> : vector<2000x256xf32>
    %dot_general3A_111 = tpu.matmul %mul3A_106, %get3A_109, %dot_general3A_110 {dimension_numbers = #tpu.dot_dimension_numbers<[1], [0], [0], [1], [0, 0, 1, 1], [], []>, transpose_lhs_hint = false} : vector<2000x256xf32>, vector<256x256xf32>, vector<2000x256xf32> -> vector<2000x256xf32>
    %get3A_112 = arith.constant 0 : index
    %get3A_113 = vector.load %arg16[%get3A_112] : memref<256xf32, #tpu.memory_space<vmem>>, vector<256xf32>
    %broadcast_in_dim3A_114 = vector.shape_cast %get3A_113 : vector<256xf32> to vector<1x256xf32>
    %add3A_115 = vector.broadcast %broadcast_in_dim3A_114 : vector<1x256xf32> to vector<2000x256xf32>
    %add3A_116 = arith.addf %dot_general3A_111, %add3A_115 : vector<2000x256xf32>
    %mul3A_117 = arith.constant 5.000000e-01 : f32
    %mul3A_118 = vector.broadcast %mul3A_117 : f32 to vector<2000x256xf32>
    %mul3A_119 = arith.mulf %mul3A_118, %add3A_116 : vector<2000x256xf32>
    %tanh3A_120 = math.tanh %mul3A_119 : vector<2000x256xf32>
    %mul3A_121 = arith.constant 5.000000e-01 : f32
    %mul3A_122 = vector.broadcast %mul3A_121 : f32 to vector<2000x256xf32>
    %mul3A_123 = arith.mulf %mul3A_122, %tanh3A_120 : vector<2000x256xf32>
    %add3A_124 = arith.constant 5.000000e-01 : f32
    %add3A_125 = vector.broadcast %add3A_124 : f32 to vector<2000x256xf32>
    %add3A_126 = arith.addf %add3A_125, %mul3A_123 : vector<2000x256xf32>
    %mul3A_127 = arith.mulf %add3A_116, %add3A_126 : vector<2000x256xf32>
    %add3A_128 = arith.addf %mul3A_106, %mul3A_127 : vector<2000x256xf32>
    %get3A_129 = arith.constant 0 : index
    %get3A_130 = arith.constant 0 : index
    %get3A_131 = vector.load %arg17[%get3A_129, %get3A_130] : memref<256x128xf32, #tpu.memory_space<vmem>>, vector<256x128xf32>
    %dot_general3A_132 = arith.constant dense<0.000000e+00> : vector<2000x128xf32>
    %dot_general3A_133 = tpu.matmul %add3A_128, %get3A_131, %dot_general3A_132 {dimension_numbers = #tpu.dot_dimension_numbers<[1], [0], [0], [1], [0, 0, 1, 1], [], []>, transpose_lhs_hint = false} : vector<2000x256xf32>, vector<256x128xf32>, vector<2000x128xf32> -> vector<2000x128xf32>
    %get3A_134 = arith.constant 0 : index
    %get3A_135 = vector.load %arg18[%get3A_134] : memref<128xf32, #tpu.memory_space<vmem>>, vector<128xf32>
    %broadcast_in_dim3A_136 = vector.shape_cast %get3A_135 : vector<128xf32> to vector<1x128xf32>
    %add3A_137 = vector.broadcast %broadcast_in_dim3A_136 : vector<1x128xf32> to vector<2000x128xf32>
    %add3A_138 = arith.addf %dot_general3A_133, %add3A_137 : vector<2000x128xf32>
    %get3A_139 = arith.constant 0 : index
    %get3A_140 = arith.constant 0 : index
    %get3A_141 = vector.load %arg19[%get3A_139, %get3A_140] : memref<50x128xf32, #tpu.memory_space<vmem>>, vector<50x128xf32>
    %dot_general3A_142 = arith.constant dense<0.000000e+00> : vector<2000x128xf32>
    %dot_general3A_143 = tpu.matmul %exp3A, %get3A_141, %dot_general3A_142 {dimension_numbers = #tpu.dot_dimension_numbers<[1], [0], [0], [1], [0, 0, 1, 1], [], []>, transpose_lhs_hint = false} : vector<2000x50xf32>, vector<50x128xf32>, vector<2000x128xf32> -> vector<2000x128xf32>
    %mul3A_144 = arith.mulf %add3A_138, %dot_general3A_143 : vector<2000x128xf32>
    %get3A_145 = arith.constant 0 : index
    %get3A_146 = arith.constant 0 : index
    %get3A_147 = vector.load %arg20[%get3A_145, %get3A_146] : memref<128x1xf32, #tpu.memory_space<vmem>>, vector<128x1xf32>
    %dot_general3A_148 = arith.constant dense<0.000000e+00> : vector<2000x1xf32>
    %dot_general3A_149 = tpu.matmul %mul3A_144, %get3A_147, %dot_general3A_148 {dimension_numbers = #tpu.dot_dimension_numbers<[1], [0], [0], [1], [0, 0, 1, 1], [], []>, transpose_lhs_hint = false} : vector<2000x128xf32>, vector<128x1xf32>, vector<2000x1xf32> -> vector<2000x1xf32>
    %get3A_150 = arith.constant 0 : index
    %get3A_151 = arith.constant 0 : index
    %get3A_152 = arith.constant 0 : index
    %get3A_153 = vector.load %arg4[%get3A_150, %get3A_151, %get3A_152] : memref<1x3x2000xf32, #tpu.memory_space<vmem>>, vector<1x3x2000xf32>
    %reshape3A_154 = vector.shape_cast %get3A_153 : vector<1x3x2000xf32> to vector<3x2000xf32>
    %transpose3A_155 = tpu.transpose %dot_general3A_80, [1, 0] : vector<2000x1xf32> -> vector<1x2000xf32>
    %transpose3A_156 = tpu.transpose %dot_general3A_149, [1, 0] : vector<2000x1xf32> -> vector<1x2000xf32>
    %reshape3A_157 = vector.shape_cast %transpose3A_155 : vector<1x2000xf32> to vector<1x1x2000xf32>
    %swap3A = arith.constant 0 : index
    %swap3A_158 = arith.constant 0 : index
    %swap3A_159 = arith.constant 0 : index
    %swap3A_160 = vector.load %arg21[%swap3A, %swap3A_158, %swap3A_159] : memref<1x1x2000xf32, #tpu.memory_space<vmem>>, vector<1x1x2000xf32>
    tpu.vector_store %arg21[%swap3A, %swap3A_158, %swap3A_159], %reshape3A_157 {strides = array<i32>} : memref<1x1x2000xf32, #tpu.memory_space<vmem>>, vector<1x1x2000xf32>,
    %slice3A_161 = vector.extract_strided_slice %reshape3A_154 {offsets = [0, 0], sizes = [1, 2000], strides = [1, 1]} : vector<3x2000xf32> to vector<1x2000xf32>
    %mul3A_162 = arith.mulf %transpose3A_156, %slice3A_161 : vector<1x2000xf32>
    %reshape3A_163 = vector.shape_cast %mul3A_162 : vector<1x2000xf32> to vector<1x1x2000xf32>
    %swap3A_164 = arith.constant 0 : index
    %swap3A_165 = arith.constant 0 : index
    %swap3A_166 = arith.constant 0 : index
    %swap3A_167 = vector.load %arg22[%swap3A_164, %swap3A_165, %swap3A_166] : memref<1x1x2000xf32, #tpu.memory_space<vmem>>, vector<1x1x2000xf32>
    tpu.vector_store %arg22[%swap3A_164, %swap3A_165, %swap3A_166], %reshape3A_163 {strides = array<i32>} : memref<1x1x2000xf32, #tpu.memory_space<vmem>>, vector<1x1x2000xf32>,
    %slice3A_168 = vector.extract_strided_slice %reshape3A_154 {offsets = [1, 0], sizes = [1, 2000], strides = [1, 1]} : vector<3x2000xf32> to vector<1x2000xf32>
    %mul3A_169 = arith.mulf %transpose3A_156, %slice3A_168 : vector<1x2000xf32>
    %reshape3A_170 = vector.shape_cast %mul3A_169 : vector<1x2000xf32> to vector<1x1x2000xf32>
    %swap3A_171 = arith.constant 0 : index
    %swap3A_172 = arith.constant 0 : index
    %swap3A_173 = arith.constant 0 : index
    %swap3A_174 = vector.load %arg23[%swap3A_171, %swap3A_172, %swap3A_173] : memref<1x1x2000xf32, #tpu.memory_space<vmem>>, vector<1x1x2000xf32>
    tpu.vector_store %arg23[%swap3A_171, %swap3A_172, %swap3A_173], %reshape3A_170 {strides = array<i32>} : memref<1x1x2000xf32, #tpu.memory_space<vmem>>, vector<1x1x2000xf32>,
    %slice3A_175 = vector.extract_strided_slice %reshape3A_154 {offsets = [2, 0], sizes = [1, 2000], strides = [1, 1]} : vector<3x2000xf32> to vector<1x2000xf32>
    %mul3A_176 = arith.mulf %transpose3A_156, %slice3A_175 : vector<1x2000xf32>
    %reshape3A_177 = vector.shape_cast %mul3A_176 : vector<1x2000xf32> to vector<1x1x2000xf32>
    %swap3A_178 = arith.constant 0 : index
    %swap3A_179 = arith.constant 0 : index
    %swap3A_180 = arith.constant 0 : index
    %swap3A_181 = vector.load %arg24[%swap3A_178, %swap3A_179, %swap3A_180] : memref<1x1x2000xf32, #tpu.memory_space<vmem>>, vector<1x1x2000xf32>
    tpu.vector_store %arg24[%swap3A_178, %swap3A_179, %swap3A_180], %reshape3A_177 {strides = array<i32>} : memref<1x1x2000xf32, #tpu.memory_space<vmem>>, vector<1x1x2000xf32>,
    return
  }
  func.func @transform_0(%arg0: i32) -> (i32, i32) {
    %c0_i32 = arith.constant 0 : i32
    %c0_i32_0 = arith.constant 0 : i32
    return %arg0, %c0_i32 : i32, i32
  }
  func.func @transform_1(%arg0: i32) -> (i32, i32) {
    %add3A = arith.constant 21 : i32
    %add3A_0 = arith.addi %add3A, %arg0 : i32
    %c0_i32 = arith.constant 0 : i32
    %c0_i32_1 = arith.constant 0 : i32
    return %add3A_0, %c0_i32 : i32, i32
  }
  func.func @transform_2(%arg0: i32) -> (i32, i32, i32) {
    %add3A = arith.constant 16 : i32
    %add3A_0 = arith.addi %add3A, %arg0 : i32
    %c0_i32 = arith.constant 0 : i32
    %c0_i32_1 = arith.constant 0 : i32
    %c0_i32_2 = arith.constant 0 : i32
    return %add3A_0, %c0_i32, %c0_i32_1 : i32, i32, i32
  }
  func.func @transform_3(%arg0: i32) -> (i32, i32, i32) {
    %add3A = arith.constant 16 : i32
    %add3A_0 = arith.addi %add3A, %arg0 : i32
    %c0_i32 = arith.constant 0 : i32
    %c0_i32_1 = arith.constant 0 : i32
    %c0_i32_2 = arith.constant 0 : i32
    return %add3A_0, %c0_i32, %c0_i32_1 : i32, i32, i32
  }
  func.func @transform_4(%arg0: i32) -> (i32, i32) {
    %c0_i32 = arith.constant 0 : i32
    %c0_i32_0 = arith.constant 0 : i32
    %c0_i32_1 = arith.constant 0 : i32
    return %c0_i32, %c0_i32_0 : i32, i32
  }
  func.func @transform_5(%arg0: i32) -> i32 {
    %c0_i32 = arith.constant 0 : i32
    %c0_i32_0 = arith.constant 0 : i32
    return %c0_i32 : i32
  }
  func.func @transform_6(%arg0: i32) -> (i32, i32) {
    %c0_i32 = arith.constant 0 : i32
    %c0_i32_0 = arith.constant 0 : i32
    %c0_i32_1 = arith.constant 0 : i32
    return %c0_i32, %c0_i32_0 : i32, i32
  }
  func.func @transform_7(%arg0: i32) -> i32 {
    %c0_i32 = arith.constant 0 : i32
    %c0_i32_0 = arith.constant 0 : i32
    return %c0_i32 : i32
  }
  func.func @transform_8(%arg0: i32) -> (i32, i32) {
    %c0_i32 = arith.constant 0 : i32
    %c0_i32_0 = arith.constant 0 : i32
    %c0_i32_1 = arith.constant 0 : i32
    return %c0_i32, %c0_i32_0 : i32, i32
  }
  func.func @transform_9(%arg0: i32) -> i32 {
    %c0_i32 = arith.constant 0 : i32
    %c0_i32_0 = arith.constant 0 : i32
    return %c0_i32 : i32
  }
  func.func @transform_10(%arg0: i32) -> (i32, i32) {
    %c0_i32 = arith.constant 0 : i32
    %c0_i32_0 = arith.constant 0 : i32
    %c0_i32_1 = arith.constant 0 : i32
    return %c0_i32, %c0_i32_0 : i32, i32
  }
  func.func @transform_11(%arg0: i32) -> (i32, i32) {
    %c0_i32 = arith.constant 0 : i32
    %c0_i32_0 = arith.constant 0 : i32
    %c0_i32_1 = arith.constant 0 : i32
    return %c0_i32, %c0_i32_0 : i32, i32
  }
  func.func @transform_12(%arg0: i32) -> (i32, i32) {
    %c0_i32 = arith.constant 0 : i32
    %c0_i32_0 = arith.constant 0 : i32
    %c0_i32_1 = arith.constant 0 : i32
    return %c0_i32, %c0_i32_0 : i32, i32
  }
  func.func @transform_13(%arg0: i32) -> i32 {
    %c0_i32 = arith.constant 0 : i32
    %c0_i32_0 = arith.constant 0 : i32
    return %c0_i32 : i32
  }
  func.func @transform_14(%arg0: i32) -> (i32, i32) {
    %c0_i32 = arith.constant 0 : i32
    %c0_i32_0 = arith.constant 0 : i32
    %c0_i32_1 = arith.constant 0 : i32
    return %c0_i32, %c0_i32_0 : i32, i32
  }
  func.func @transform_15(%arg0: i32) -> i32 {
    %c0_i32 = arith.constant 0 : i32
    %c0_i32_0 = arith.constant 0 : i32
    return %c0_i32 : i32
  }
  func.func @transform_16(%arg0: i32) -> (i32, i32) {
    %c0_i32 = arith.constant 0 : i32
    %c0_i32_0 = arith.constant 0 : i32
    %c0_i32_1 = arith.constant 0 : i32
    return %c0_i32, %c0_i32_0 : i32, i32
  }
  func.func @transform_17(%arg0: i32) -> i32 {
    %c0_i32 = arith.constant 0 : i32
    %c0_i32_0 = arith.constant 0 : i32
    return %c0_i32 : i32
  }
  func.func @transform_18(%arg0: i32) -> (i32, i32) {
    %c0_i32 = arith.constant 0 : i32
    %c0_i32_0 = arith.constant 0 : i32
    %c0_i32_1 = arith.constant 0 : i32
    return %c0_i32, %c0_i32_0 : i32, i32
  }
  func.func @transform_19(%arg0: i32) -> (i32, i32) {
    %c0_i32 = arith.constant 0 : i32
    %c0_i32_0 = arith.constant 0 : i32
    %c0_i32_1 = arith.constant 0 : i32
    return %c0_i32, %c0_i32_0 : i32, i32
  }
  func.func @transform_20(%arg0: i32) -> (i32, i32, i32) {
    %c0_i32 = arith.constant 0 : i32
    %c0_i32_0 = arith.constant 0 : i32
    %c0_i32_1 = arith.constant 0 : i32
    return %arg0, %c0_i32, %c0_i32_0 : i32, i32, i32
  }
  func.func @transform_21(%arg0: i32) -> (i32, i32, i32) {
    %c0_i32 = arith.constant 0 : i32
    %c0_i32_0 = arith.constant 0 : i32
    %c0_i32_1 = arith.constant 0 : i32
    return %arg0, %c0_i32, %c0_i32_0 : i32, i32, i32
  }
  func.func @transform_22(%arg0: i32) -> (i32, i32, i32) {
    %c0_i32 = arith.constant 0 : i32
    %c0_i32_0 = arith.constant 0 : i32
    %c0_i32_1 = arith.constant 0 : i32
    return %arg0, %c0_i32, %c0_i32_0 : i32, i32, i32
  }
  func.func @transform_23(%arg0: i32) -> (i32, i32, i32) {
    %c0_i32 = arith.constant 0 : i32
    %c0_i32_0 = arith.constant 0 : i32
    %c0_i32_1 = arith.constant 0 : i32
    return %arg0, %c0_i32, %c0_i32_0 : i32, i32, i32
  }
}

module attributes {stable_mosaic.version = 14 : i64} {
  func.func @_mlp_body(%arg0: i32, %arg1: memref<2000x256xf32, #tpu.memory_space<vmem>>, %arg2: memref<2000x128xf32, #tpu.memory_space<vmem>>, %arg3: memref<1x1x2000xf32, #tpu.memory_space<vmem>>, %arg4: memref<1x3x2000xf32, #tpu.memory_space<vmem>>, %arg5: memref<384x256xf32, #tpu.memory_space<vmem>>, %arg6: memref<256xf32, #tpu.memory_space<vmem>>, %arg7: memref<256x256xf32, #tpu.memory_space<vmem>>, %arg8: memref<256xf32, #tpu.memory_space<vmem>>, %arg9: memref<256x128xf32, #tpu.memory_space<vmem>>, %arg10: memref<128xf32, #tpu.memory_space<vmem>>, %arg11: memref<50x128xf32, #tpu.memory_space<vmem>>, %arg12: memref<128x1xf32, #tpu.memory_space<vmem>>, %arg13: memref<384x256xf32, #tpu.memory_space<vmem>>, %arg14: memref<256xf32, #tpu.memory_space<vmem>>, %arg15: memref<256x256xf32, #tpu.memory_space<vmem>>, %arg16: memref<256xf32, #tpu.memory_space<vmem>>, %arg17: memref<256x128xf32, #tpu.memory_space<vmem>>, %arg18: memref<128xf32, #tpu.memory_space<vmem>>, %arg19: memref<50x128xf32, #tpu.memory_space<vmem>>, %arg20: memref<128x1xf32, #tpu.memory_space<vmem>>, %arg21: memref<1x1x2000xf32, #tpu.memory_space<vmem>>, %arg22: memref<1x1x2000xf32, #tpu.memory_space<vmem>>, %arg23: memref<1x1x2000xf32, #tpu.memory_space<vmem>>, %arg24: memref<1x1x2000xf32, #tpu.memory_space<vmem>>) attributes {dimension_semantics = [#tpu.dimension_semantics<arbitrary>], iteration_bounds = array<i64: 32>, scalar_prefetch = 0 : i64, scratch_operands = 0 : i64, tpu.core_type = #tpu.core_type<tc>, window_params = [{transform_indices = @transform_0, window_bounds = array<i64: 2000, 256>}, {transform_indices = @transform_1, window_bounds = array<i64: 2000, 128>}, {transform_indices = @transform_2, window_bounds = array<i64: 1, 1, 2000>}, {transform_indices = @transform_3, window_bounds = array<i64: 1, 3, 2000>}, {pipeline_mode = #tpu.pipeline_mode<synchronous>, transform_indices = @transform_4, window_bounds = array<i64: 384, 256>}, {pipeline_mode = #tpu.pipeline_mode<synchronous>, transform_indices = @transform_5, window_bounds = array<i64: 256>}, {pipeline_mode = #tpu.pipeline_mode<synchronous>, transform_indices = @transform_6, window_bounds = array<i64: 256, 256>}, {pipeline_mode = #tpu.pipeline_mode<synchronous>, transform_indices = @transform_7, window_bounds = array<i64: 256>}, {pipeline_mode = #tpu.pipeline_mode<synchronous>, transform_indices = @transform_8, window_bounds = array<i64: 256, 128>}, {pipeline_mode = #tpu.pipeline_mode<synchronous>, transform_indices = @transform_9, window_bounds = array<i64: 128>}, {pipeline_mode = #tpu.pipeline_mode<synchronous>, transform_indices = @transform_10, window_bounds = array<i64: 50, 128>}, {pipeline_mode = #tpu.pipeline_mode<synchronous>, transform_indices = @transform_11, window_bounds = array<i64: 128, 1>}, {pipeline_mode = #tpu.pipeline_mode<synchronous>, transform_indices = @transform_12, window_bounds = array<i64: 384, 256>}, {pipeline_mode = #tpu.pipeline_mode<synchronous>, transform_indices = @transform_13, window_bounds = array<i64: 256>}, {pipeline_mode = #tpu.pipeline_mode<synchronous>, transform_indices = @transform_14, window_bounds = array<i64: 256, 256>}, {pipeline_mode = #tpu.pipeline_mode<synchronous>, transform_indices = @transform_15, window_bounds = array<i64: 256>}, {pipeline_mode = #tpu.pipeline_mode<synchronous>, transform_indices = @transform_16, window_bounds = array<i64: 256, 128>}, {pipeline_mode = #tpu.pipeline_mode<synchronous>, transform_indices = @transform_17, window_bounds = array<i64: 128>}, {pipeline_mode = #tpu.pipeline_mode<synchronous>, transform_indices = @transform_18, window_bounds = array<i64: 50, 128>}, {pipeline_mode = #tpu.pipeline_mode<synchronous>, transform_indices = @transform_19, window_bounds = array<i64: 128, 1>}, {transform_indices = @transform_20, window_bounds = array<i64: 1, 1, 2000>}, {transform_indices = @transform_21, window_bounds = array<i64: 1, 1, 2000>}, {transform_indices = @transform_22, window_bounds = array<i64: 1, 1, 2000>}, {transform_indices = @transform_23, window_bounds = array<i64: 1, 1, 2000>}]} {
    %get3A = arith.constant 0 : index
    %get3A_0 = arith.constant 0 : index
    %get3A_1 = vector.load %arg1[%get3A, %get3A_0] : memref<2000x256xf32, #tpu.memory_space<vmem>>, vector<2000x256xf32>
    %get3A_2 = arith.constant 0 : index
    %get3A_3 = arith.constant 0 : index
    %get3A_4 = vector.load %arg2[%get3A_2, %get3A_3] : memref<2000x128xf32, #tpu.memory_space<vmem>>, vector<2000x128xf32>
    %get3A_5 = arith.constant 0 : index
    %get3A_6 = arith.constant 0 : index
    %get3A_7 = arith.constant 0 : index
    %get3A_8 = vector.load %arg3[%get3A_5, %get3A_6, %get3A_7] : memref<1x1x2000xf32, #tpu.memory_space<vmem>>, vector<1x1x2000xf32>
    %reshape3A = vector.shape_cast %get3A_8 : vector<1x1x2000xf32> to vector<1x2000xf32>
    %transpose3A = tpu.transpose %reshape3A, [1, 0] : vector<1x2000xf32> -> vector<2000x1xf32>
    %iota3A = tpu.iota {dimensions = array<i32: 1>} : vector<1x50xi32>
    %convert_element_type3A = arith.sitofp %iota3A : vector<1x50xi32> to vector<1x50xf32>
    %mul3A = arith.constant 0.244897962 : f32
    %mul3A_9 = vector.broadcast %mul3A : f32 to vector<1x50xf32>
    %mul3A_10 = arith.mulf %convert_element_type3A, %mul3A_9 : vector<1x50xf32>
    %sub3A = vector.broadcast %transpose3A : vector<2000x1xf32> to vector<2000x50xf32>
    %sub3A_11 = vector.broadcast %mul3A_10 : vector<1x50xf32> to vector<2000x50xf32>
    %sub3A_12 = arith.subf %sub3A, %sub3A_11 : vector<2000x50xf32>
    %mul3A_13 = arith.constant -8.33680534 : f32
    %mul3A_14 = vector.broadcast %mul3A_13 : f32 to vector<2000x50xf32>
    %mul3A_15 = arith.mulf %mul3A_14, %sub3A_12 : vector<2000x50xf32>
    %mul3A_16 = arith.mulf %mul3A_15, %sub3A_12 : vector<2000x50xf32>
    %exp3A = math.exp %mul3A_16 : vector<2000x50xf32>
    %get3A_17 = arith.constant 0 : index
    %get3A_18 = arith.constant 0 : index
    %get3A_19 = vector.load %arg5[%get3A_17, %get3A_18] : memref<384x256xf32, #tpu.memory_space<vmem>>, vector<384x256xf32>
    %slice3A = vector.extract_strided_slice %get3A_19 {offsets = [0, 0], sizes = [256, 256], strides = [1, 1]} : vector<384x256xf32> to vector<256x256xf32>
    %dot_general3A = arith.constant dense<0.000000e+00> : vector<2000x256xf32>
    %dot_general3A_20 = tpu.matmul %get3A_1, %slice3A, %dot_general3A {dimension_numbers = #tpu.dot_dimension_numbers<[1], [0], [0], [1], [0, 0, 1, 1], [], []>, transpose_lhs_hint = false} : vector<2000x256xf32>, vector<256x256xf32>, vector<2000x256xf32> -> vector<2000x256xf32>
    %slice3A_21 = vector.extract_strided_slice %get3A_19 {offsets = [256, 0], sizes = [128, 256], strides = [1, 1]} : vector<384x256xf32> to vector<128x256xf32>
    %dot_general3A_22 = arith.constant dense<0.000000e+00> : vector<2000x256xf32>
    %dot_general3A_23 = tpu.matmul %get3A_4, %slice3A_21, %dot_general3A_22 {dimension_numbers = #tpu.dot_dimension_numbers<[1], [0], [0], [1], [0, 0, 1, 1], [], []>, transpose_lhs_hint = false} : vector<2000x128xf32>, vector<128x256xf32>, vector<2000x256xf32> -> vector<2000x256xf32>
    %add3A = arith.addf %dot_general3A_20, %dot_general3A_23 : vector<2000x256xf32>
    %get3A_24 = arith.constant 0 : index
    %get3A_25 = vector.load %arg6[%get3A_24] : memref<256xf32, #tpu.memory_space<vmem>>, vector<256xf32>
    %broadcast_in_dim3A = vector.shape_cast %get3A_25 : vector<256xf32> to vector<1x256xf32>
    %add3A_26 = vector.broadcast %broadcast_in_dim3A : vector<1x256xf32> to vector<2000x256xf32>
    %add3A_27 = arith.addf %add3A, %add3A_26 : vector<2000x256xf32>
    %mul3A_28 = arith.constant 5.000000e-01 : f32
    %mul3A_29 = vector.broadcast %mul3A_28 : f32 to vector<2000x256xf32>
    %mul3A_30 = arith.mulf %mul3A_29, %add3A_27 : vector<2000x256xf32>
    %tanh3A = math.tanh %mul3A_30 : vector<2000x256xf32>
    %mul3A_31 = arith.constant 5.000000e-01 : f32
    %mul3A_32 = vector.broadcast %mul3A_31 : f32 to vector<2000x256xf32>
    %mul3A_33 = arith.mulf %mul3A_32, %tanh3A : vector<2000x256xf32>
    %add3A_34 = arith.constant 5.000000e-01 : f32
    %add3A_35 = vector.broadcast %add3A_34 : f32 to vector<2000x256xf32>
    %add3A_36 = arith.addf %add3A_35, %mul3A_33 : vector<2000x256xf32>
    %mul3A_37 = arith.mulf %add3A_27, %add3A_36 : vector<2000x256xf32>
    %get3A_38 = arith.constant 0 : index
    %get3A_39 = arith.constant 0 : index
    %get3A_40 = vector.load %arg7[%get3A_38, %get3A_39] : memref<256x256xf32, #tpu.memory_space<vmem>>, vector<256x256xf32>
    %dot_general3A_41 = arith.constant dense<0.000000e+00> : vector<2000x256xf32>
    %dot_general3A_42 = tpu.matmul %mul3A_37, %get3A_40, %dot_general3A_41 {dimension_numbers = #tpu.dot_dimension_numbers<[1], [0], [0], [1], [0, 0, 1, 1], [], []>, transpose_lhs_hint = false} : vector<2000x256xf32>, vector<256x256xf32>, vector<2000x256xf32> -> vector<2000x256xf32>
    %get3A_43 = arith.constant 0 : index
    %get3A_44 = vector.load %arg8[%get3A_43] : memref<256xf32, #tpu.memory_space<vmem>>, vector<256xf32>
    %broadcast_in_dim3A_45 = vector.shape_cast %get3A_44 : vector<256xf32> to vector<1x256xf32>
    %add3A_46 = vector.broadcast %broadcast_in_dim3A_45 : vector<1x256xf32> to vector<2000x256xf32>
    %add3A_47 = arith.addf %dot_general3A_42, %add3A_46 : vector<2000x256xf32>
    %mul3A_48 = arith.constant 5.000000e-01 : f32
    %mul3A_49 = vector.broadcast %mul3A_48 : f32 to vector<2000x256xf32>
    %mul3A_50 = arith.mulf %mul3A_49, %add3A_47 : vector<2000x256xf32>
    %tanh3A_51 = math.tanh %mul3A_50 : vector<2000x256xf32>
    %mul3A_52 = arith.constant 5.000000e-01 : f32
    %mul3A_53 = vector.broadcast %mul3A_52 : f32 to vector<2000x256xf32>
    %mul3A_54 = arith.mulf %mul3A_53, %tanh3A_51 : vector<2000x256xf32>
    %add3A_55 = arith.constant 5.000000e-01 : f32
    %add3A_56 = vector.broadcast %add3A_55 : f32 to vector<2000x256xf32>
    %add3A_57 = arith.addf %add3A_56, %mul3A_54 : vector<2000x256xf32>
    %mul3A_58 = arith.mulf %add3A_47, %add3A_57 : vector<2000x256xf32>
    %add3A_59 = arith.addf %mul3A_37, %mul3A_58 : vector<2000x256xf32>
    %get3A_60 = arith.constant 0 : index
    %get3A_61 = arith.constant 0 : index
    %get3A_62 = vector.load %arg9[%get3A_60, %get3A_61] : memref<256x128xf32, #tpu.memory_space<vmem>>, vector<256x128xf32>
    %dot_general3A_63 = arith.constant dense<0.000000e+00> : vector<2000x128xf32>
    %dot_general3A_64 = tpu.matmul %add3A_59, %get3A_62, %dot_general3A_63 {dimension_numbers = #tpu.dot_dimension_numbers<[1], [0], [0], [1], [0, 0, 1, 1], [], []>, transpose_lhs_hint = false} : vector<2000x256xf32>, vector<256x128xf32>, vector<2000x128xf32> -> vector<2000x128xf32>
    %get3A_65 = arith.constant 0 : index
    %get3A_66 = vector.load %arg10[%get3A_65] : memref<128xf32, #tpu.memory_space<vmem>>, vector<128xf32>
    %broadcast_in_dim3A_67 = vector.shape_cast %get3A_66 : vector<128xf32> to vector<1x128xf32>
    %add3A_68 = vector.broadcast %broadcast_in_dim3A_67 : vector<1x128xf32> to vector<2000x128xf32>
    %add3A_69 = arith.addf %dot_general3A_64, %add3A_68 : vector<2000x128xf32>
    %get3A_70 = arith.constant 0 : index
    %get3A_71 = arith.constant 0 : index
    %get3A_72 = vector.load %arg11[%get3A_70, %get3A_71] : memref<50x128xf32, #tpu.memory_space<vmem>>, vector<50x128xf32>
    %dot_general3A_73 = arith.constant dense<0.000000e+00> : vector<2000x128xf32>
    %dot_general3A_74 = tpu.matmul %exp3A, %get3A_72, %dot_general3A_73 {dimension_numbers = #tpu.dot_dimension_numbers<[1], [0], [0], [1], [0, 0, 1, 1], [], []>, transpose_lhs_hint = false} : vector<2000x50xf32>, vector<50x128xf32>, vector<2000x128xf32> -> vector<2000x128xf32>
    %mul3A_75 = arith.mulf %add3A_69, %dot_general3A_74 : vector<2000x128xf32>
    %get3A_76 = arith.constant 0 : index
    %get3A_77 = arith.constant 0 : index
    %get3A_78 = vector.load %arg12[%get3A_76, %get3A_77] : memref<128x1xf32, #tpu.memory_space<vmem>>, vector<128x1xf32>
    %dot_general3A_79 = arith.constant dense<0.000000e+00> : vector<2000x1xf32>
    %dot_general3A_80 = tpu.matmul %mul3A_75, %get3A_78, %dot_general3A_79 {dimension_numbers = #tpu.dot_dimension_numbers<[1], [0], [0], [1], [0, 0, 1, 1], [], []>, transpose_lhs_hint = false} : vector<2000x128xf32>, vector<128x1xf32>, vector<2000x1xf32> -> vector<2000x1xf32>
    %get3A_81 = arith.constant 0 : index
    %get3A_82 = arith.constant 0 : index
    %get3A_83 = vector.load %arg13[%get3A_81, %get3A_82] : memref<384x256xf32, #tpu.memory_space<vmem>>, vector<384x256xf32>
    %slice3A_84 = vector.extract_strided_slice %get3A_83 {offsets = [0, 0], sizes = [256, 256], strides = [1, 1]} : vector<384x256xf32> to vector<256x256xf32>
    %dot_general3A_85 = arith.constant dense<0.000000e+00> : vector<2000x256xf32>
    %dot_general3A_86 = tpu.matmul %get3A_1, %slice3A_84, %dot_general3A_85 {dimension_numbers = #tpu.dot_dimension_numbers<[1], [0], [0], [1], [0, 0, 1, 1], [], []>, transpose_lhs_hint = false} : vector<2000x256xf32>, vector<256x256xf32>, vector<2000x256xf32> -> vector<2000x256xf32>
    %slice3A_87 = vector.extract_strided_slice %get3A_83 {offsets = [256, 0], sizes = [128, 256], strides = [1, 1]} : vector<384x256xf32> to vector<128x256xf32>
    %dot_general3A_88 = arith.constant dense<0.000000e+00> : vector<2000x256xf32>
    %dot_general3A_89 = tpu.matmul %get3A_4, %slice3A_87, %dot_general3A_88 {dimension_numbers = #tpu.dot_dimension_numbers<[1], [0], [0], [1], [0, 0, 1, 1], [], []>, transpose_lhs_hint = false} : vector<2000x128xf32>, vector<128x256xf32>, vector<2000x256xf32> -> vector<2000x256xf32>
    %add3A_90 = arith.addf %dot_general3A_86, %dot_general3A_89 : vector<2000x256xf32>
    %get3A_91 = arith.constant 0 : index
    %get3A_92 = vector.load %arg14[%get3A_91] : memref<256xf32, #tpu.memory_space<vmem>>, vector<256xf32>
    %broadcast_in_dim3A_93 = vector.shape_cast %get3A_92 : vector<256xf32> to vector<1x256xf32>
    %add3A_94 = vector.broadcast %broadcast_in_dim3A_93 : vector<1x256xf32> to vector<2000x256xf32>
    %add3A_95 = arith.addf %add3A_90, %add3A_94 : vector<2000x256xf32>
    %mul3A_96 = arith.constant 5.000000e-01 : f32
    %mul3A_97 = vector.broadcast %mul3A_96 : f32 to vector<2000x256xf32>
    %mul3A_98 = arith.mulf %mul3A_97, %add3A_95 : vector<2000x256xf32>
    %tanh3A_99 = math.tanh %mul3A_98 : vector<2000x256xf32>
    %mul3A_100 = arith.constant 5.000000e-01 : f32
    %mul3A_101 = vector.broadcast %mul3A_100 : f32 to vector<2000x256xf32>
    %mul3A_102 = arith.mulf %mul3A_101, %tanh3A_99 : vector<2000x256xf32>
    %add3A_103 = arith.constant 5.000000e-01 : f32
    %add3A_104 = vector.broadcast %add3A_103 : f32 to vector<2000x256xf32>
    %add3A_105 = arith.addf %add3A_104, %mul3A_102 : vector<2000x256xf32>
    %mul3A_106 = arith.mulf %add3A_95, %add3A_105 : vector<2000x256xf32>
    %get3A_107 = arith.constant 0 : index
    %get3A_108 = arith.constant 0 : index
    %get3A_109 = vector.load %arg15[%get3A_107, %get3A_108] : memref<256x256xf32, #tpu.memory_space<vmem>>, vector<256x256xf32>
    %dot_general3A_110 = arith.constant dense<0.000000e+00> : vector<2000x256xf32>
    %dot_general3A_111 = tpu.matmul %mul3A_106, %get3A_109, %dot_general3A_110 {dimension_numbers = #tpu.dot_dimension_numbers<[1], [0], [0], [1], [0, 0, 1, 1], [], []>, transpose_lhs_hint = false} : vector<2000x256xf32>, vector<256x256xf32>, vector<2000x256xf32> -> vector<2000x256xf32>
    %get3A_112 = arith.constant 0 : index
    %get3A_113 = vector.load %arg16[%get3A_112] : memref<256xf32, #tpu.memory_space<vmem>>, vector<256xf32>
    %broadcast_in_dim3A_114 = vector.shape_cast %get3A_113 : vector<256xf32> to vector<1x256xf32>
    %add3A_115 = vector.broadcast %broadcast_in_dim3A_114 : vector<1x256xf32> to vector<2000x256xf32>
    %add3A_116 = arith.addf %dot_general3A_111, %add3A_115 : vector<2000x256xf32>
    %mul3A_117 = arith.constant 5.000000e-01 : f32
    %mul3A_118 = vector.broadcast %mul3A_117 : f32 to vector<2000x256xf32>
    %mul3A_119 = arith.mulf %mul3A_118, %add3A_116 : vector<2000x256xf32>
    %tanh3A_120 = math.tanh %mul3A_119 : vector<2000x256xf32>
    %mul3A_121 = arith.constant 5.000000e-01 : f32
    %mul3A_122 = vector.broadcast %mul3A_121 : f32 to vector<2000x256xf32>
    %mul3A_123 = arith.mulf %mul3A_122, %tanh3A_120 : vector<2000x256xf32>
    %add3A_124 = arith.constant 5.000000e-01 : f32
    %add3A_125 = vector.broadcast %add3A_124 : f32 to vector<2000x256xf32>
    %add3A_126 = arith.addf %add3A_125, %mul3A_123 : vector<2000x256xf32>
    %mul3A_127 = arith.mulf %add3A_116, %add3A_126 : vector<2000x256xf32>
    %add3A_128 = arith.addf %mul3A_106, %mul3A_127 : vector<2000x256xf32>
    %get3A_129 = arith.constant 0 : index
    %get3A_130 = arith.constant 0 : index
    %get3A_131 = vector.load %arg17[%get3A_129, %get3A_130] : memref<256x128xf32, #tpu.memory_space<vmem>>, vector<256x128xf32>
    %dot_general3A_132 = arith.constant dense<0.000000e+00> : vector<2000x128xf32>
    %dot_general3A_133 = tpu.matmul %add3A_128, %get3A_131, %dot_general3A_132 {dimension_numbers = #tpu.dot_dimension_numbers<[1], [0], [0], [1], [0, 0, 1, 1], [], []>, transpose_lhs_hint = false} : vector<2000x256xf32>, vector<256x128xf32>, vector<2000x128xf32> -> vector<2000x128xf32>
    %get3A_134 = arith.constant 0 : index
    %get3A_135 = vector.load %arg18[%get3A_134] : memref<128xf32, #tpu.memory_space<vmem>>, vector<128xf32>
    %broadcast_in_dim3A_136 = vector.shape_cast %get3A_135 : vector<128xf32> to vector<1x128xf32>
    %add3A_137 = vector.broadcast %broadcast_in_dim3A_136 : vector<1x128xf32> to vector<2000x128xf32>
    %add3A_138 = arith.addf %dot_general3A_133, %add3A_137 : vector<2000x128xf32>
    %get3A_139 = arith.constant 0 : index
    %get3A_140 = arith.constant 0 : index
    %get3A_141 = vector.load %arg19[%get3A_139, %get3A_140] : memref<50x128xf32, #tpu.memory_space<vmem>>, vector<50x128xf32>
    %dot_general3A_142 = arith.constant dense<0.000000e+00> : vector<2000x128xf32>
    %dot_general3A_143 = tpu.matmul %exp3A, %get3A_141, %dot_general3A_142 {dimension_numbers = #tpu.dot_dimension_numbers<[1], [0], [0], [1], [0, 0, 1, 1], [], []>, transpose_lhs_hint = false} : vector<2000x50xf32>, vector<50x128xf32>, vector<2000x128xf32> -> vector<2000x128xf32>
    %mul3A_144 = arith.mulf %add3A_138, %dot_general3A_143 : vector<2000x128xf32>
    %get3A_145 = arith.constant 0 : index
    %get3A_146 = arith.constant 0 : index
    %get3A_147 = vector.load %arg20[%get3A_145, %get3A_146] : memref<128x1xf32, #tpu.memory_space<vmem>>, vector<128x1xf32>
    %dot_general3A_148 = arith.constant dense<0.000000e+00> : vector<2000x1xf32>
    %dot_general3A_149 = tpu.matmul %mul3A_144, %get3A_147, %dot_general3A_148 {dimension_numbers = #tpu.dot_dimension_numbers<[1], [0], [0], [1], [0, 0, 1, 1], [], []>, transpose_lhs_hint = false} : vector<2000x128xf32>, vector<128x1xf32>, vector<2000x1xf32> -> vector<2000x1xf32>
    %get3A_150 = arith.constant 0 : index
    %get3A_151 = arith.constant 0 : index
    %get3A_152 = arith.constant 0 : index
    %get3A_153 = vector.load %arg4[%get3A_150, %get3A_151, %get3A_152] : memref<1x3x2000xf32, #tpu.memory_space<vmem>>, vector<1x3x2000xf32>
    %reshape3A_154 = vector.shape_cast %get3A_153 : vector<1x3x2000xf32> to vector<3x2000xf32>
    %transpose3A_155 = tpu.transpose %dot_general3A_80, [1, 0] : vector<2000x1xf32> -> vector<1x2000xf32>
    %transpose3A_156 = tpu.transpose %dot_general3A_149, [1, 0] : vector<2000x1xf32> -> vector<1x2000xf32>
    %reshape3A_157 = vector.shape_cast %transpose3A_155 : vector<1x2000xf32> to vector<1x1x2000xf32>
    %swap3A = arith.constant 0 : index
    %swap3A_158 = arith.constant 0 : index
    %swap3A_159 = arith.constant 0 : index
    %swap3A_160 = vector.load %arg21[%swap3A, %swap3A_158, %swap3A_159] : memref<1x1x2000xf32, #tpu.memory_space<vmem>>, vector<1x1x2000xf32>
    tpu.vector_store %arg21[%swap3A, %swap3A_158, %swap3A_159], %reshape3A_157 {strides = array<i32>} : memref<1x1x2000xf32, #tpu.memory_space<vmem>>, vector<1x1x2000xf32>,
    %slice3A_161 = vector.extract_strided_slice %reshape3A_154 {offsets = [0, 0], sizes = [1, 2000], strides = [1, 1]} : vector<3x2000xf32> to vector<1x2000xf32>
    %mul3A_162 = arith.mulf %transpose3A_156, %slice3A_161 : vector<1x2000xf32>
    %reshape3A_163 = vector.shape_cast %mul3A_162 : vector<1x2000xf32> to vector<1x1x2000xf32>
    %swap3A_164 = arith.constant 0 : index
    %swap3A_165 = arith.constant 0 : index
    %swap3A_166 = arith.constant 0 : index
    %swap3A_167 = vector.load %arg22[%swap3A_164, %swap3A_165, %swap3A_166] : memref<1x1x2000xf32, #tpu.memory_space<vmem>>, vector<1x1x2000xf32>
    tpu.vector_store %arg22[%swap3A_164, %swap3A_165, %swap3A_166], %reshape3A_163 {strides = array<i32>} : memref<1x1x2000xf32, #tpu.memory_space<vmem>>, vector<1x1x2000xf32>,
    %slice3A_168 = vector.extract_strided_slice %reshape3A_154 {offsets = [1, 0], sizes = [1, 2000], strides = [1, 1]} : vector<3x2000xf32> to vector<1x2000xf32>
    %mul3A_169 = arith.mulf %transpose3A_156, %slice3A_168 : vector<1x2000xf32>
    %reshape3A_170 = vector.shape_cast %mul3A_169 : vector<1x2000xf32> to vector<1x1x2000xf32>
    %swap3A_171 = arith.constant 0 : index
    %swap3A_172 = arith.constant 0 : index
    %swap3A_173 = arith.constant 0 : index
    %swap3A_174 = vector.load %arg23[%swap3A_171, %swap3A_172, %swap3A_173] : memref<1x1x2000xf32, #tpu.memory_space<vmem>>, vector<1x1x2000xf32>
    tpu.vector_store %arg23[%swap3A_171, %swap3A_172, %swap3A_173], %reshape3A_170 {strides = array<i32>} : memref<1x1x2000xf32, #tpu.memory_space<vmem>>, vector<1x1x2000xf32>,
    %slice3A_175 = vector.extract_strided_slice %reshape3A_154 {offsets = [2, 0], sizes = [1, 2000], strides = [1, 1]} : vector<3x2000xf32> to vector<1x2000xf32>
    %mul3A_176 = arith.mulf %transpose3A_156, %slice3A_175 : vector<1x2000xf32>
    %reshape3A_177 = vector.shape_cast %mul3A_176 : vector<1x2000xf32> to vector<1x1x2000xf32>
    %swap3A_178 = arith.constant 0 : index
    %swap3A_179 = arith.constant 0 : index
    %swap3A_180 = arith.constant 0 : index
    %swap3A_181 = vector.load %arg24[%swap3A_178, %swap3A_179, %swap3A_180] : memref<1x1x2000xf32, #tpu.memory_space<vmem>>, vector<1x1x2000xf32>
    tpu.vector_store %arg24[%swap3A_178, %swap3A_179, %swap3A_180], %reshape3A_177 {strides = array<i32>} : memref<1x1x2000xf32, #tpu.memory_space<vmem>>, vector<1x1x2000xf32>,
    return
  }
  func.func @transform_0(%arg0: i32) -> (i32, i32) {
    %c0_i32 = arith.constant 0 : i32
    %c0_i32_0 = arith.constant 0 : i32
    return %arg0, %c0_i32 : i32, i32
  }
  func.func @transform_1(%arg0: i32) -> (i32, i32) {
    %add3A = arith.constant 53 : i32
    %add3A_0 = arith.addi %add3A, %arg0 : i32
    %c0_i32 = arith.constant 0 : i32
    %c0_i32_1 = arith.constant 0 : i32
    return %add3A_0, %c0_i32 : i32, i32
  }
  func.func @transform_2(%arg0: i32) -> (i32, i32, i32) {
    %add3A = arith.constant 48 : i32
    %add3A_0 = arith.addi %add3A, %arg0 : i32
    %c0_i32 = arith.constant 0 : i32
    %c0_i32_1 = arith.constant 0 : i32
    %c0_i32_2 = arith.constant 0 : i32
    return %add3A_0, %c0_i32, %c0_i32_1 : i32, i32, i32
  }
  func.func @transform_3(%arg0: i32) -> (i32, i32, i32) {
    %add3A = arith.constant 48 : i32
    %add3A_0 = arith.addi %add3A, %arg0 : i32
    %c0_i32 = arith.constant 0 : i32
    %c0_i32_1 = arith.constant 0 : i32
    %c0_i32_2 = arith.constant 0 : i32
    return %add3A_0, %c0_i32, %c0_i32_1 : i32, i32, i32
  }
  func.func @transform_4(%arg0: i32) -> (i32, i32) {
    %c0_i32 = arith.constant 0 : i32
    %c0_i32_0 = arith.constant 0 : i32
    %c0_i32_1 = arith.constant 0 : i32
    return %c0_i32, %c0_i32_0 : i32, i32
  }
  func.func @transform_5(%arg0: i32) -> i32 {
    %c0_i32 = arith.constant 0 : i32
    %c0_i32_0 = arith.constant 0 : i32
    return %c0_i32 : i32
  }
  func.func @transform_6(%arg0: i32) -> (i32, i32) {
    %c0_i32 = arith.constant 0 : i32
    %c0_i32_0 = arith.constant 0 : i32
    %c0_i32_1 = arith.constant 0 : i32
    return %c0_i32, %c0_i32_0 : i32, i32
  }
  func.func @transform_7(%arg0: i32) -> i32 {
    %c0_i32 = arith.constant 0 : i32
    %c0_i32_0 = arith.constant 0 : i32
    return %c0_i32 : i32
  }
  func.func @transform_8(%arg0: i32) -> (i32, i32) {
    %c0_i32 = arith.constant 0 : i32
    %c0_i32_0 = arith.constant 0 : i32
    %c0_i32_1 = arith.constant 0 : i32
    return %c0_i32, %c0_i32_0 : i32, i32
  }
  func.func @transform_9(%arg0: i32) -> i32 {
    %c0_i32 = arith.constant 0 : i32
    %c0_i32_0 = arith.constant 0 : i32
    return %c0_i32 : i32
  }
  func.func @transform_10(%arg0: i32) -> (i32, i32) {
    %c0_i32 = arith.constant 0 : i32
    %c0_i32_0 = arith.constant 0 : i32
    %c0_i32_1 = arith.constant 0 : i32
    return %c0_i32, %c0_i32_0 : i32, i32
  }
  func.func @transform_11(%arg0: i32) -> (i32, i32) {
    %c0_i32 = arith.constant 0 : i32
    %c0_i32_0 = arith.constant 0 : i32
    %c0_i32_1 = arith.constant 0 : i32
    return %c0_i32, %c0_i32_0 : i32, i32
  }
  func.func @transform_12(%arg0: i32) -> (i32, i32) {
    %c0_i32 = arith.constant 0 : i32
    %c0_i32_0 = arith.constant 0 : i32
    %c0_i32_1 = arith.constant 0 : i32
    return %c0_i32, %c0_i32_0 : i32, i32
  }
  func.func @transform_13(%arg0: i32) -> i32 {
    %c0_i32 = arith.constant 0 : i32
    %c0_i32_0 = arith.constant 0 : i32
    return %c0_i32 : i32
  }
  func.func @transform_14(%arg0: i32) -> (i32, i32) {
    %c0_i32 = arith.constant 0 : i32
    %c0_i32_0 = arith.constant 0 : i32
    %c0_i32_1 = arith.constant 0 : i32
    return %c0_i32, %c0_i32_0 : i32, i32
  }
  func.func @transform_15(%arg0: i32) -> i32 {
    %c0_i32 = arith.constant 0 : i32
    %c0_i32_0 = arith.constant 0 : i32
    return %c0_i32 : i32
  }
  func.func @transform_16(%arg0: i32) -> (i32, i32) {
    %c0_i32 = arith.constant 0 : i32
    %c0_i32_0 = arith.constant 0 : i32
    %c0_i32_1 = arith.constant 0 : i32
    return %c0_i32, %c0_i32_0 : i32, i32
  }
  func.func @transform_17(%arg0: i32) -> i32 {
    %c0_i32 = arith.constant 0 : i32
    %c0_i32_0 = arith.constant 0 : i32
    return %c0_i32 : i32
  }
  func.func @transform_18(%arg0: i32) -> (i32, i32) {
    %c0_i32 = arith.constant 0 : i32
    %c0_i32_0 = arith.constant 0 : i32
    %c0_i32_1 = arith.constant 0 : i32
    return %c0_i32, %c0_i32_0 : i32, i32
  }
  func.func @transform_19(%arg0: i32) -> (i32, i32) {
    %c0_i32 = arith.constant 0 : i32
    %c0_i32_0 = arith.constant 0 : i32
    %c0_i32_1 = arith.constant 0 : i32
    return %c0_i32, %c0_i32_0 : i32, i32
  }
  func.func @transform_20(%arg0: i32) -> (i32, i32, i32) {
    %c0_i32 = arith.constant 0 : i32
    %c0_i32_0 = arith.constant 0 : i32
    %c0_i32_1 = arith.constant 0 : i32
    return %arg0, %c0_i32, %c0_i32_0 : i32, i32, i32
  }
  func.func @transform_21(%arg0: i32) -> (i32, i32, i32) {
    %c0_i32 = arith.constant 0 : i32
    %c0_i32_0 = arith.constant 0 : i32
    %c0_i32_1 = arith.constant 0 : i32
    return %arg0, %c0_i32, %c0_i32_0 : i32, i32, i32
  }
  func.func @transform_22(%arg0: i32) -> (i32, i32, i32) {
    %c0_i32 = arith.constant 0 : i32
    %c0_i32_0 = arith.constant 0 : i32
    %c0_i32_1 = arith.constant 0 : i32
    return %arg0, %c0_i32, %c0_i32_0 : i32, i32, i32
  }
  func.func @transform_23(%arg0: i32) -> (i32, i32, i32) {
    %c0_i32 = arith.constant 0 : i32
    %c0_i32_0 = arith.constant 0 : i32
    %c0_i32_1 = arith.constant 0 : i32
    return %arg0, %c0_i32, %c0_i32_0 : i32, i32, i32
  }
}

module attributes {stable_mosaic.version = 14 : i64} {
  func.func @_mlp_body(%arg0: i32, %arg1: memref<2000x256xf32, #tpu.memory_space<vmem>>, %arg2: memref<2000x128xf32, #tpu.memory_space<vmem>>, %arg3: memref<1x1x2000xf32, #tpu.memory_space<vmem>>, %arg4: memref<1x3x2000xf32, #tpu.memory_space<vmem>>, %arg5: memref<384x256xf32, #tpu.memory_space<vmem>>, %arg6: memref<256xf32, #tpu.memory_space<vmem>>, %arg7: memref<256x256xf32, #tpu.memory_space<vmem>>, %arg8: memref<256xf32, #tpu.memory_space<vmem>>, %arg9: memref<256x128xf32, #tpu.memory_space<vmem>>, %arg10: memref<128xf32, #tpu.memory_space<vmem>>, %arg11: memref<50x128xf32, #tpu.memory_space<vmem>>, %arg12: memref<128x1xf32, #tpu.memory_space<vmem>>, %arg13: memref<384x256xf32, #tpu.memory_space<vmem>>, %arg14: memref<256xf32, #tpu.memory_space<vmem>>, %arg15: memref<256x256xf32, #tpu.memory_space<vmem>>, %arg16: memref<256xf32, #tpu.memory_space<vmem>>, %arg17: memref<256x128xf32, #tpu.memory_space<vmem>>, %arg18: memref<128xf32, #tpu.memory_space<vmem>>, %arg19: memref<50x128xf32, #tpu.memory_space<vmem>>, %arg20: memref<128x1xf32, #tpu.memory_space<vmem>>, %arg21: memref<1x1x2000xf32, #tpu.memory_space<vmem>>, %arg22: memref<1x1x2000xf32, #tpu.memory_space<vmem>>, %arg23: memref<1x1x2000xf32, #tpu.memory_space<vmem>>, %arg24: memref<1x1x2000xf32, #tpu.memory_space<vmem>>) attributes {dimension_semantics = [#tpu.dimension_semantics<arbitrary>], iteration_bounds = array<i64: 32>, scalar_prefetch = 0 : i64, scratch_operands = 0 : i64, tpu.core_type = #tpu.core_type<tc>, window_params = [{transform_indices = @transform_0, window_bounds = array<i64: 2000, 256>}, {transform_indices = @transform_1, window_bounds = array<i64: 2000, 128>}, {transform_indices = @transform_2, window_bounds = array<i64: 1, 1, 2000>}, {transform_indices = @transform_3, window_bounds = array<i64: 1, 3, 2000>}, {pipeline_mode = #tpu.pipeline_mode<synchronous>, transform_indices = @transform_4, window_bounds = array<i64: 384, 256>}, {pipeline_mode = #tpu.pipeline_mode<synchronous>, transform_indices = @transform_5, window_bounds = array<i64: 256>}, {pipeline_mode = #tpu.pipeline_mode<synchronous>, transform_indices = @transform_6, window_bounds = array<i64: 256, 256>}, {pipeline_mode = #tpu.pipeline_mode<synchronous>, transform_indices = @transform_7, window_bounds = array<i64: 256>}, {pipeline_mode = #tpu.pipeline_mode<synchronous>, transform_indices = @transform_8, window_bounds = array<i64: 256, 128>}, {pipeline_mode = #tpu.pipeline_mode<synchronous>, transform_indices = @transform_9, window_bounds = array<i64: 128>}, {pipeline_mode = #tpu.pipeline_mode<synchronous>, transform_indices = @transform_10, window_bounds = array<i64: 50, 128>}, {pipeline_mode = #tpu.pipeline_mode<synchronous>, transform_indices = @transform_11, window_bounds = array<i64: 128, 1>}, {pipeline_mode = #tpu.pipeline_mode<synchronous>, transform_indices = @transform_12, window_bounds = array<i64: 384, 256>}, {pipeline_mode = #tpu.pipeline_mode<synchronous>, transform_indices = @transform_13, window_bounds = array<i64: 256>}, {pipeline_mode = #tpu.pipeline_mode<synchronous>, transform_indices = @transform_14, window_bounds = array<i64: 256, 256>}, {pipeline_mode = #tpu.pipeline_mode<synchronous>, transform_indices = @transform_15, window_bounds = array<i64: 256>}, {pipeline_mode = #tpu.pipeline_mode<synchronous>, transform_indices = @transform_16, window_bounds = array<i64: 256, 128>}, {pipeline_mode = #tpu.pipeline_mode<synchronous>, transform_indices = @transform_17, window_bounds = array<i64: 128>}, {pipeline_mode = #tpu.pipeline_mode<synchronous>, transform_indices = @transform_18, window_bounds = array<i64: 50, 128>}, {pipeline_mode = #tpu.pipeline_mode<synchronous>, transform_indices = @transform_19, window_bounds = array<i64: 128, 1>}, {transform_indices = @transform_20, window_bounds = array<i64: 1, 1, 2000>}, {transform_indices = @transform_21, window_bounds = array<i64: 1, 1, 2000>}, {transform_indices = @transform_22, window_bounds = array<i64: 1, 1, 2000>}, {transform_indices = @transform_23, window_bounds = array<i64: 1, 1, 2000>}]} {
    %get3A = arith.constant 0 : index
    %get3A_0 = arith.constant 0 : index
    %get3A_1 = vector.load %arg1[%get3A, %get3A_0] : memref<2000x256xf32, #tpu.memory_space<vmem>>, vector<2000x256xf32>
    %get3A_2 = arith.constant 0 : index
    %get3A_3 = arith.constant 0 : index
    %get3A_4 = vector.load %arg2[%get3A_2, %get3A_3] : memref<2000x128xf32, #tpu.memory_space<vmem>>, vector<2000x128xf32>
    %get3A_5 = arith.constant 0 : index
    %get3A_6 = arith.constant 0 : index
    %get3A_7 = arith.constant 0 : index
    %get3A_8 = vector.load %arg3[%get3A_5, %get3A_6, %get3A_7] : memref<1x1x2000xf32, #tpu.memory_space<vmem>>, vector<1x1x2000xf32>
    %reshape3A = vector.shape_cast %get3A_8 : vector<1x1x2000xf32> to vector<1x2000xf32>
    %transpose3A = tpu.transpose %reshape3A, [1, 0] : vector<1x2000xf32> -> vector<2000x1xf32>
    %iota3A = tpu.iota {dimensions = array<i32: 1>} : vector<1x50xi32>
    %convert_element_type3A = arith.sitofp %iota3A : vector<1x50xi32> to vector<1x50xf32>
    %mul3A = arith.constant 0.244897962 : f32
    %mul3A_9 = vector.broadcast %mul3A : f32 to vector<1x50xf32>
    %mul3A_10 = arith.mulf %convert_element_type3A, %mul3A_9 : vector<1x50xf32>
    %sub3A = vector.broadcast %transpose3A : vector<2000x1xf32> to vector<2000x50xf32>
    %sub3A_11 = vector.broadcast %mul3A_10 : vector<1x50xf32> to vector<2000x50xf32>
    %sub3A_12 = arith.subf %sub3A, %sub3A_11 : vector<2000x50xf32>
    %mul3A_13 = arith.constant -8.33680534 : f32
    %mul3A_14 = vector.broadcast %mul3A_13 : f32 to vector<2000x50xf32>
    %mul3A_15 = arith.mulf %mul3A_14, %sub3A_12 : vector<2000x50xf32>
    %mul3A_16 = arith.mulf %mul3A_15, %sub3A_12 : vector<2000x50xf32>
    %exp3A = math.exp %mul3A_16 : vector<2000x50xf32>
    %get3A_17 = arith.constant 0 : index
    %get3A_18 = arith.constant 0 : index
    %get3A_19 = vector.load %arg5[%get3A_17, %get3A_18] : memref<384x256xf32, #tpu.memory_space<vmem>>, vector<384x256xf32>
    %slice3A = vector.extract_strided_slice %get3A_19 {offsets = [0, 0], sizes = [256, 256], strides = [1, 1]} : vector<384x256xf32> to vector<256x256xf32>
    %dot_general3A = arith.constant dense<0.000000e+00> : vector<2000x256xf32>
    %dot_general3A_20 = tpu.matmul %get3A_1, %slice3A, %dot_general3A {dimension_numbers = #tpu.dot_dimension_numbers<[1], [0], [0], [1], [0, 0, 1, 1], [], []>, transpose_lhs_hint = false} : vector<2000x256xf32>, vector<256x256xf32>, vector<2000x256xf32> -> vector<2000x256xf32>
    %slice3A_21 = vector.extract_strided_slice %get3A_19 {offsets = [256, 0], sizes = [128, 256], strides = [1, 1]} : vector<384x256xf32> to vector<128x256xf32>
    %dot_general3A_22 = arith.constant dense<0.000000e+00> : vector<2000x256xf32>
    %dot_general3A_23 = tpu.matmul %get3A_4, %slice3A_21, %dot_general3A_22 {dimension_numbers = #tpu.dot_dimension_numbers<[1], [0], [0], [1], [0, 0, 1, 1], [], []>, transpose_lhs_hint = false} : vector<2000x128xf32>, vector<128x256xf32>, vector<2000x256xf32> -> vector<2000x256xf32>
    %add3A = arith.addf %dot_general3A_20, %dot_general3A_23 : vector<2000x256xf32>
    %get3A_24 = arith.constant 0 : index
    %get3A_25 = vector.load %arg6[%get3A_24] : memref<256xf32, #tpu.memory_space<vmem>>, vector<256xf32>
    %broadcast_in_dim3A = vector.shape_cast %get3A_25 : vector<256xf32> to vector<1x256xf32>
    %add3A_26 = vector.broadcast %broadcast_in_dim3A : vector<1x256xf32> to vector<2000x256xf32>
    %add3A_27 = arith.addf %add3A, %add3A_26 : vector<2000x256xf32>
    %mul3A_28 = arith.constant 5.000000e-01 : f32
    %mul3A_29 = vector.broadcast %mul3A_28 : f32 to vector<2000x256xf32>
    %mul3A_30 = arith.mulf %mul3A_29, %add3A_27 : vector<2000x256xf32>
    %tanh3A = math.tanh %mul3A_30 : vector<2000x256xf32>
    %mul3A_31 = arith.constant 5.000000e-01 : f32
    %mul3A_32 = vector.broadcast %mul3A_31 : f32 to vector<2000x256xf32>
    %mul3A_33 = arith.mulf %mul3A_32, %tanh3A : vector<2000x256xf32>
    %add3A_34 = arith.constant 5.000000e-01 : f32
    %add3A_35 = vector.broadcast %add3A_34 : f32 to vector<2000x256xf32>
    %add3A_36 = arith.addf %add3A_35, %mul3A_33 : vector<2000x256xf32>
    %mul3A_37 = arith.mulf %add3A_27, %add3A_36 : vector<2000x256xf32>
    %get3A_38 = arith.constant 0 : index
    %get3A_39 = arith.constant 0 : index
    %get3A_40 = vector.load %arg7[%get3A_38, %get3A_39] : memref<256x256xf32, #tpu.memory_space<vmem>>, vector<256x256xf32>
    %dot_general3A_41 = arith.constant dense<0.000000e+00> : vector<2000x256xf32>
    %dot_general3A_42 = tpu.matmul %mul3A_37, %get3A_40, %dot_general3A_41 {dimension_numbers = #tpu.dot_dimension_numbers<[1], [0], [0], [1], [0, 0, 1, 1], [], []>, transpose_lhs_hint = false} : vector<2000x256xf32>, vector<256x256xf32>, vector<2000x256xf32> -> vector<2000x256xf32>
    %get3A_43 = arith.constant 0 : index
    %get3A_44 = vector.load %arg8[%get3A_43] : memref<256xf32, #tpu.memory_space<vmem>>, vector<256xf32>
    %broadcast_in_dim3A_45 = vector.shape_cast %get3A_44 : vector<256xf32> to vector<1x256xf32>
    %add3A_46 = vector.broadcast %broadcast_in_dim3A_45 : vector<1x256xf32> to vector<2000x256xf32>
    %add3A_47 = arith.addf %dot_general3A_42, %add3A_46 : vector<2000x256xf32>
    %mul3A_48 = arith.constant 5.000000e-01 : f32
    %mul3A_49 = vector.broadcast %mul3A_48 : f32 to vector<2000x256xf32>
    %mul3A_50 = arith.mulf %mul3A_49, %add3A_47 : vector<2000x256xf32>
    %tanh3A_51 = math.tanh %mul3A_50 : vector<2000x256xf32>
    %mul3A_52 = arith.constant 5.000000e-01 : f32
    %mul3A_53 = vector.broadcast %mul3A_52 : f32 to vector<2000x256xf32>
    %mul3A_54 = arith.mulf %mul3A_53, %tanh3A_51 : vector<2000x256xf32>
    %add3A_55 = arith.constant 5.000000e-01 : f32
    %add3A_56 = vector.broadcast %add3A_55 : f32 to vector<2000x256xf32>
    %add3A_57 = arith.addf %add3A_56, %mul3A_54 : vector<2000x256xf32>
    %mul3A_58 = arith.mulf %add3A_47, %add3A_57 : vector<2000x256xf32>
    %add3A_59 = arith.addf %mul3A_37, %mul3A_58 : vector<2000x256xf32>
    %get3A_60 = arith.constant 0 : index
    %get3A_61 = arith.constant 0 : index
    %get3A_62 = vector.load %arg9[%get3A_60, %get3A_61] : memref<256x128xf32, #tpu.memory_space<vmem>>, vector<256x128xf32>
    %dot_general3A_63 = arith.constant dense<0.000000e+00> : vector<2000x128xf32>
    %dot_general3A_64 = tpu.matmul %add3A_59, %get3A_62, %dot_general3A_63 {dimension_numbers = #tpu.dot_dimension_numbers<[1], [0], [0], [1], [0, 0, 1, 1], [], []>, transpose_lhs_hint = false} : vector<2000x256xf32>, vector<256x128xf32>, vector<2000x128xf32> -> vector<2000x128xf32>
    %get3A_65 = arith.constant 0 : index
    %get3A_66 = vector.load %arg10[%get3A_65] : memref<128xf32, #tpu.memory_space<vmem>>, vector<128xf32>
    %broadcast_in_dim3A_67 = vector.shape_cast %get3A_66 : vector<128xf32> to vector<1x128xf32>
    %add3A_68 = vector.broadcast %broadcast_in_dim3A_67 : vector<1x128xf32> to vector<2000x128xf32>
    %add3A_69 = arith.addf %dot_general3A_64, %add3A_68 : vector<2000x128xf32>
    %get3A_70 = arith.constant 0 : index
    %get3A_71 = arith.constant 0 : index
    %get3A_72 = vector.load %arg11[%get3A_70, %get3A_71] : memref<50x128xf32, #tpu.memory_space<vmem>>, vector<50x128xf32>
    %dot_general3A_73 = arith.constant dense<0.000000e+00> : vector<2000x128xf32>
    %dot_general3A_74 = tpu.matmul %exp3A, %get3A_72, %dot_general3A_73 {dimension_numbers = #tpu.dot_dimension_numbers<[1], [0], [0], [1], [0, 0, 1, 1], [], []>, transpose_lhs_hint = false} : vector<2000x50xf32>, vector<50x128xf32>, vector<2000x128xf32> -> vector<2000x128xf32>
    %mul3A_75 = arith.mulf %add3A_69, %dot_general3A_74 : vector<2000x128xf32>
    %get3A_76 = arith.constant 0 : index
    %get3A_77 = arith.constant 0 : index
    %get3A_78 = vector.load %arg12[%get3A_76, %get3A_77] : memref<128x1xf32, #tpu.memory_space<vmem>>, vector<128x1xf32>
    %dot_general3A_79 = arith.constant dense<0.000000e+00> : vector<2000x1xf32>
    %dot_general3A_80 = tpu.matmul %mul3A_75, %get3A_78, %dot_general3A_79 {dimension_numbers = #tpu.dot_dimension_numbers<[1], [0], [0], [1], [0, 0, 1, 1], [], []>, transpose_lhs_hint = false} : vector<2000x128xf32>, vector<128x1xf32>, vector<2000x1xf32> -> vector<2000x1xf32>
    %get3A_81 = arith.constant 0 : index
    %get3A_82 = arith.constant 0 : index
    %get3A_83 = vector.load %arg13[%get3A_81, %get3A_82] : memref<384x256xf32, #tpu.memory_space<vmem>>, vector<384x256xf32>
    %slice3A_84 = vector.extract_strided_slice %get3A_83 {offsets = [0, 0], sizes = [256, 256], strides = [1, 1]} : vector<384x256xf32> to vector<256x256xf32>
    %dot_general3A_85 = arith.constant dense<0.000000e+00> : vector<2000x256xf32>
    %dot_general3A_86 = tpu.matmul %get3A_1, %slice3A_84, %dot_general3A_85 {dimension_numbers = #tpu.dot_dimension_numbers<[1], [0], [0], [1], [0, 0, 1, 1], [], []>, transpose_lhs_hint = false} : vector<2000x256xf32>, vector<256x256xf32>, vector<2000x256xf32> -> vector<2000x256xf32>
    %slice3A_87 = vector.extract_strided_slice %get3A_83 {offsets = [256, 0], sizes = [128, 256], strides = [1, 1]} : vector<384x256xf32> to vector<128x256xf32>
    %dot_general3A_88 = arith.constant dense<0.000000e+00> : vector<2000x256xf32>
    %dot_general3A_89 = tpu.matmul %get3A_4, %slice3A_87, %dot_general3A_88 {dimension_numbers = #tpu.dot_dimension_numbers<[1], [0], [0], [1], [0, 0, 1, 1], [], []>, transpose_lhs_hint = false} : vector<2000x128xf32>, vector<128x256xf32>, vector<2000x256xf32> -> vector<2000x256xf32>
    %add3A_90 = arith.addf %dot_general3A_86, %dot_general3A_89 : vector<2000x256xf32>
    %get3A_91 = arith.constant 0 : index
    %get3A_92 = vector.load %arg14[%get3A_91] : memref<256xf32, #tpu.memory_space<vmem>>, vector<256xf32>
    %broadcast_in_dim3A_93 = vector.shape_cast %get3A_92 : vector<256xf32> to vector<1x256xf32>
    %add3A_94 = vector.broadcast %broadcast_in_dim3A_93 : vector<1x256xf32> to vector<2000x256xf32>
    %add3A_95 = arith.addf %add3A_90, %add3A_94 : vector<2000x256xf32>
    %mul3A_96 = arith.constant 5.000000e-01 : f32
    %mul3A_97 = vector.broadcast %mul3A_96 : f32 to vector<2000x256xf32>
    %mul3A_98 = arith.mulf %mul3A_97, %add3A_95 : vector<2000x256xf32>
    %tanh3A_99 = math.tanh %mul3A_98 : vector<2000x256xf32>
    %mul3A_100 = arith.constant 5.000000e-01 : f32
    %mul3A_101 = vector.broadcast %mul3A_100 : f32 to vector<2000x256xf32>
    %mul3A_102 = arith.mulf %mul3A_101, %tanh3A_99 : vector<2000x256xf32>
    %add3A_103 = arith.constant 5.000000e-01 : f32
    %add3A_104 = vector.broadcast %add3A_103 : f32 to vector<2000x256xf32>
    %add3A_105 = arith.addf %add3A_104, %mul3A_102 : vector<2000x256xf32>
    %mul3A_106 = arith.mulf %add3A_95, %add3A_105 : vector<2000x256xf32>
    %get3A_107 = arith.constant 0 : index
    %get3A_108 = arith.constant 0 : index
    %get3A_109 = vector.load %arg15[%get3A_107, %get3A_108] : memref<256x256xf32, #tpu.memory_space<vmem>>, vector<256x256xf32>
    %dot_general3A_110 = arith.constant dense<0.000000e+00> : vector<2000x256xf32>
    %dot_general3A_111 = tpu.matmul %mul3A_106, %get3A_109, %dot_general3A_110 {dimension_numbers = #tpu.dot_dimension_numbers<[1], [0], [0], [1], [0, 0, 1, 1], [], []>, transpose_lhs_hint = false} : vector<2000x256xf32>, vector<256x256xf32>, vector<2000x256xf32> -> vector<2000x256xf32>
    %get3A_112 = arith.constant 0 : index
    %get3A_113 = vector.load %arg16[%get3A_112] : memref<256xf32, #tpu.memory_space<vmem>>, vector<256xf32>
    %broadcast_in_dim3A_114 = vector.shape_cast %get3A_113 : vector<256xf32> to vector<1x256xf32>
    %add3A_115 = vector.broadcast %broadcast_in_dim3A_114 : vector<1x256xf32> to vector<2000x256xf32>
    %add3A_116 = arith.addf %dot_general3A_111, %add3A_115 : vector<2000x256xf32>
    %mul3A_117 = arith.constant 5.000000e-01 : f32
    %mul3A_118 = vector.broadcast %mul3A_117 : f32 to vector<2000x256xf32>
    %mul3A_119 = arith.mulf %mul3A_118, %add3A_116 : vector<2000x256xf32>
    %tanh3A_120 = math.tanh %mul3A_119 : vector<2000x256xf32>
    %mul3A_121 = arith.constant 5.000000e-01 : f32
    %mul3A_122 = vector.broadcast %mul3A_121 : f32 to vector<2000x256xf32>
    %mul3A_123 = arith.mulf %mul3A_122, %tanh3A_120 : vector<2000x256xf32>
    %add3A_124 = arith.constant 5.000000e-01 : f32
    %add3A_125 = vector.broadcast %add3A_124 : f32 to vector<2000x256xf32>
    %add3A_126 = arith.addf %add3A_125, %mul3A_123 : vector<2000x256xf32>
    %mul3A_127 = arith.mulf %add3A_116, %add3A_126 : vector<2000x256xf32>
    %add3A_128 = arith.addf %mul3A_106, %mul3A_127 : vector<2000x256xf32>
    %get3A_129 = arith.constant 0 : index
    %get3A_130 = arith.constant 0 : index
    %get3A_131 = vector.load %arg17[%get3A_129, %get3A_130] : memref<256x128xf32, #tpu.memory_space<vmem>>, vector<256x128xf32>
    %dot_general3A_132 = arith.constant dense<0.000000e+00> : vector<2000x128xf32>
    %dot_general3A_133 = tpu.matmul %add3A_128, %get3A_131, %dot_general3A_132 {dimension_numbers = #tpu.dot_dimension_numbers<[1], [0], [0], [1], [0, 0, 1, 1], [], []>, transpose_lhs_hint = false} : vector<2000x256xf32>, vector<256x128xf32>, vector<2000x128xf32> -> vector<2000x128xf32>
    %get3A_134 = arith.constant 0 : index
    %get3A_135 = vector.load %arg18[%get3A_134] : memref<128xf32, #tpu.memory_space<vmem>>, vector<128xf32>
    %broadcast_in_dim3A_136 = vector.shape_cast %get3A_135 : vector<128xf32> to vector<1x128xf32>
    %add3A_137 = vector.broadcast %broadcast_in_dim3A_136 : vector<1x128xf32> to vector<2000x128xf32>
    %add3A_138 = arith.addf %dot_general3A_133, %add3A_137 : vector<2000x128xf32>
    %get3A_139 = arith.constant 0 : index
    %get3A_140 = arith.constant 0 : index
    %get3A_141 = vector.load %arg19[%get3A_139, %get3A_140] : memref<50x128xf32, #tpu.memory_space<vmem>>, vector<50x128xf32>
    %dot_general3A_142 = arith.constant dense<0.000000e+00> : vector<2000x128xf32>
    %dot_general3A_143 = tpu.matmul %exp3A, %get3A_141, %dot_general3A_142 {dimension_numbers = #tpu.dot_dimension_numbers<[1], [0], [0], [1], [0, 0, 1, 1], [], []>, transpose_lhs_hint = false} : vector<2000x50xf32>, vector<50x128xf32>, vector<2000x128xf32> -> vector<2000x128xf32>
    %mul3A_144 = arith.mulf %add3A_138, %dot_general3A_143 : vector<2000x128xf32>
    %get3A_145 = arith.constant 0 : index
    %get3A_146 = arith.constant 0 : index
    %get3A_147 = vector.load %arg20[%get3A_145, %get3A_146] : memref<128x1xf32, #tpu.memory_space<vmem>>, vector<128x1xf32>
    %dot_general3A_148 = arith.constant dense<0.000000e+00> : vector<2000x1xf32>
    %dot_general3A_149 = tpu.matmul %mul3A_144, %get3A_147, %dot_general3A_148 {dimension_numbers = #tpu.dot_dimension_numbers<[1], [0], [0], [1], [0, 0, 1, 1], [], []>, transpose_lhs_hint = false} : vector<2000x128xf32>, vector<128x1xf32>, vector<2000x1xf32> -> vector<2000x1xf32>
    %get3A_150 = arith.constant 0 : index
    %get3A_151 = arith.constant 0 : index
    %get3A_152 = arith.constant 0 : index
    %get3A_153 = vector.load %arg4[%get3A_150, %get3A_151, %get3A_152] : memref<1x3x2000xf32, #tpu.memory_space<vmem>>, vector<1x3x2000xf32>
    %reshape3A_154 = vector.shape_cast %get3A_153 : vector<1x3x2000xf32> to vector<3x2000xf32>
    %transpose3A_155 = tpu.transpose %dot_general3A_80, [1, 0] : vector<2000x1xf32> -> vector<1x2000xf32>
    %transpose3A_156 = tpu.transpose %dot_general3A_149, [1, 0] : vector<2000x1xf32> -> vector<1x2000xf32>
    %reshape3A_157 = vector.shape_cast %transpose3A_155 : vector<1x2000xf32> to vector<1x1x2000xf32>
    %swap3A = arith.constant 0 : index
    %swap3A_158 = arith.constant 0 : index
    %swap3A_159 = arith.constant 0 : index
    %swap3A_160 = vector.load %arg21[%swap3A, %swap3A_158, %swap3A_159] : memref<1x1x2000xf32, #tpu.memory_space<vmem>>, vector<1x1x2000xf32>
    tpu.vector_store %arg21[%swap3A, %swap3A_158, %swap3A_159], %reshape3A_157 {strides = array<i32>} : memref<1x1x2000xf32, #tpu.memory_space<vmem>>, vector<1x1x2000xf32>,
    %slice3A_161 = vector.extract_strided_slice %reshape3A_154 {offsets = [0, 0], sizes = [1, 2000], strides = [1, 1]} : vector<3x2000xf32> to vector<1x2000xf32>
    %mul3A_162 = arith.mulf %transpose3A_156, %slice3A_161 : vector<1x2000xf32>
    %reshape3A_163 = vector.shape_cast %mul3A_162 : vector<1x2000xf32> to vector<1x1x2000xf32>
    %swap3A_164 = arith.constant 0 : index
    %swap3A_165 = arith.constant 0 : index
    %swap3A_166 = arith.constant 0 : index
    %swap3A_167 = vector.load %arg22[%swap3A_164, %swap3A_165, %swap3A_166] : memref<1x1x2000xf32, #tpu.memory_space<vmem>>, vector<1x1x2000xf32>
    tpu.vector_store %arg22[%swap3A_164, %swap3A_165, %swap3A_166], %reshape3A_163 {strides = array<i32>} : memref<1x1x2000xf32, #tpu.memory_space<vmem>>, vector<1x1x2000xf32>,
    %slice3A_168 = vector.extract_strided_slice %reshape3A_154 {offsets = [1, 0], sizes = [1, 2000], strides = [1, 1]} : vector<3x2000xf32> to vector<1x2000xf32>
    %mul3A_169 = arith.mulf %transpose3A_156, %slice3A_168 : vector<1x2000xf32>
    %reshape3A_170 = vector.shape_cast %mul3A_169 : vector<1x2000xf32> to vector<1x1x2000xf32>
    %swap3A_171 = arith.constant 0 : index
    %swap3A_172 = arith.constant 0 : index
    %swap3A_173 = arith.constant 0 : index
    %swap3A_174 = vector.load %arg23[%swap3A_171, %swap3A_172, %swap3A_173] : memref<1x1x2000xf32, #tpu.memory_space<vmem>>, vector<1x1x2000xf32>
    tpu.vector_store %arg23[%swap3A_171, %swap3A_172, %swap3A_173], %reshape3A_170 {strides = array<i32>} : memref<1x1x2000xf32, #tpu.memory_space<vmem>>, vector<1x1x2000xf32>,
    %slice3A_175 = vector.extract_strided_slice %reshape3A_154 {offsets = [2, 0], sizes = [1, 2000], strides = [1, 1]} : vector<3x2000xf32> to vector<1x2000xf32>
    %mul3A_176 = arith.mulf %transpose3A_156, %slice3A_175 : vector<1x2000xf32>
    %reshape3A_177 = vector.shape_cast %mul3A_176 : vector<1x2000xf32> to vector<1x1x2000xf32>
    %swap3A_178 = arith.constant 0 : index
    %swap3A_179 = arith.constant 0 : index
    %swap3A_180 = arith.constant 0 : index
    %swap3A_181 = vector.load %arg24[%swap3A_178, %swap3A_179, %swap3A_180] : memref<1x1x2000xf32, #tpu.memory_space<vmem>>, vector<1x1x2000xf32>
    tpu.vector_store %arg24[%swap3A_178, %swap3A_179, %swap3A_180], %reshape3A_177 {strides = array<i32>} : memref<1x1x2000xf32, #tpu.memory_space<vmem>>, vector<1x1x2000xf32>,
    return
  }
  func.func @transform_0(%arg0: i32) -> (i32, i32) {
    %c0_i32 = arith.constant 0 : i32
    %c0_i32_0 = arith.constant 0 : i32
    return %arg0, %c0_i32 : i32, i32
  }
  func.func @transform_1(%arg0: i32) -> (i32, i32) {
    %add3A = arith.constant 85 : i32
    %add3A_0 = arith.addi %add3A, %arg0 : i32
    %c0_i32 = arith.constant 0 : i32
    %c0_i32_1 = arith.constant 0 : i32
    return %add3A_0, %c0_i32 : i32, i32
  }
  func.func @transform_2(%arg0: i32) -> (i32, i32, i32) {
    %add3A = arith.constant 80 : i32
    %add3A_0 = arith.addi %add3A, %arg0 : i32
    %c0_i32 = arith.constant 0 : i32
    %c0_i32_1 = arith.constant 0 : i32
    %c0_i32_2 = arith.constant 0 : i32
    return %add3A_0, %c0_i32, %c0_i32_1 : i32, i32, i32
  }
  func.func @transform_3(%arg0: i32) -> (i32, i32, i32) {
    %add3A = arith.constant 80 : i32
    %add3A_0 = arith.addi %add3A, %arg0 : i32
    %c0_i32 = arith.constant 0 : i32
    %c0_i32_1 = arith.constant 0 : i32
    %c0_i32_2 = arith.constant 0 : i32
    return %add3A_0, %c0_i32, %c0_i32_1 : i32, i32, i32
  }
  func.func @transform_4(%arg0: i32) -> (i32, i32) {
    %c0_i32 = arith.constant 0 : i32
    %c0_i32_0 = arith.constant 0 : i32
    %c0_i32_1 = arith.constant 0 : i32
    return %c0_i32, %c0_i32_0 : i32, i32
  }
  func.func @transform_5(%arg0: i32) -> i32 {
    %c0_i32 = arith.constant 0 : i32
    %c0_i32_0 = arith.constant 0 : i32
    return %c0_i32 : i32
  }
  func.func @transform_6(%arg0: i32) -> (i32, i32) {
    %c0_i32 = arith.constant 0 : i32
    %c0_i32_0 = arith.constant 0 : i32
    %c0_i32_1 = arith.constant 0 : i32
    return %c0_i32, %c0_i32_0 : i32, i32
  }
  func.func @transform_7(%arg0: i32) -> i32 {
    %c0_i32 = arith.constant 0 : i32
    %c0_i32_0 = arith.constant 0 : i32
    return %c0_i32 : i32
  }
  func.func @transform_8(%arg0: i32) -> (i32, i32) {
    %c0_i32 = arith.constant 0 : i32
    %c0_i32_0 = arith.constant 0 : i32
    %c0_i32_1 = arith.constant 0 : i32
    return %c0_i32, %c0_i32_0 : i32, i32
  }
  func.func @transform_9(%arg0: i32) -> i32 {
    %c0_i32 = arith.constant 0 : i32
    %c0_i32_0 = arith.constant 0 : i32
    return %c0_i32 : i32
  }
  func.func @transform_10(%arg0: i32) -> (i32, i32) {
    %c0_i32 = arith.constant 0 : i32
    %c0_i32_0 = arith.constant 0 : i32
    %c0_i32_1 = arith.constant 0 : i32
    return %c0_i32, %c0_i32_0 : i32, i32
  }
  func.func @transform_11(%arg0: i32) -> (i32, i32) {
    %c0_i32 = arith.constant 0 : i32
    %c0_i32_0 = arith.constant 0 : i32
    %c0_i32_1 = arith.constant 0 : i32
    return %c0_i32, %c0_i32_0 : i32, i32
  }
  func.func @transform_12(%arg0: i32) -> (i32, i32) {
    %c0_i32 = arith.constant 0 : i32
    %c0_i32_0 = arith.constant 0 : i32
    %c0_i32_1 = arith.constant 0 : i32
    return %c0_i32, %c0_i32_0 : i32, i32
  }
  func.func @transform_13(%arg0: i32) -> i32 {
    %c0_i32 = arith.constant 0 : i32
    %c0_i32_0 = arith.constant 0 : i32
    return %c0_i32 : i32
  }
  func.func @transform_14(%arg0: i32) -> (i32, i32) {
    %c0_i32 = arith.constant 0 : i32
    %c0_i32_0 = arith.constant 0 : i32
    %c0_i32_1 = arith.constant 0 : i32
    return %c0_i32, %c0_i32_0 : i32, i32
  }
  func.func @transform_15(%arg0: i32) -> i32 {
    %c0_i32 = arith.constant 0 : i32
    %c0_i32_0 = arith.constant 0 : i32
    return %c0_i32 : i32
  }
  func.func @transform_16(%arg0: i32) -> (i32, i32) {
    %c0_i32 = arith.constant 0 : i32
    %c0_i32_0 = arith.constant 0 : i32
    %c0_i32_1 = arith.constant 0 : i32
    return %c0_i32, %c0_i32_0 : i32, i32
  }
  func.func @transform_17(%arg0: i32) -> i32 {
    %c0_i32 = arith.constant 0 : i32
    %c0_i32_0 = arith.constant 0 : i32
    return %c0_i32 : i32
  }
  func.func @transform_18(%arg0: i32) -> (i32, i32) {
    %c0_i32 = arith.constant 0 : i32
    %c0_i32_0 = arith.constant 0 : i32
    %c0_i32_1 = arith.constant 0 : i32
    return %c0_i32, %c0_i32_0 : i32, i32
  }
  func.func @transform_19(%arg0: i32) -> (i32, i32) {
    %c0_i32 = arith.constant 0 : i32
    %c0_i32_0 = arith.constant 0 : i32
    %c0_i32_1 = arith.constant 0 : i32
    return %c0_i32, %c0_i32_0 : i32, i32
  }
  func.func @transform_20(%arg0: i32) -> (i32, i32, i32) {
    %c0_i32 = arith.constant 0 : i32
    %c0_i32_0 = arith.constant 0 : i32
    %c0_i32_1 = arith.constant 0 : i32
    return %arg0, %c0_i32, %c0_i32_0 : i32, i32, i32
  }
  func.func @transform_21(%arg0: i32) -> (i32, i32, i32) {
    %c0_i32 = arith.constant 0 : i32
    %c0_i32_0 = arith.constant 0 : i32
    %c0_i32_1 = arith.constant 0 : i32
    return %arg0, %c0_i32, %c0_i32_0 : i32, i32, i32
  }
  func.func @transform_22(%arg0: i32) -> (i32, i32, i32) {
    %c0_i32 = arith.constant 0 : i32
    %c0_i32_0 = arith.constant 0 : i32
    %c0_i32_1 = arith.constant 0 : i32
    return %arg0, %c0_i32, %c0_i32_0 : i32, i32, i32
  }
  func.func @transform_23(%arg0: i32) -> (i32, i32, i32) {
    %c0_i32 = arith.constant 0 : i32
    %c0_i32_0 = arith.constant 0 : i32
    %c0_i32_1 = arith.constant 0 : i32
    return %arg0, %c0_i32, %c0_i32_0 : i32, i32, i32
  }
}

module attributes {stable_mosaic.version = 14 : i64} {
  func.func @_mlp_body(%arg0: i32, %arg1: memref<2000x256xf32, #tpu.memory_space<vmem>>, %arg2: memref<2000x128xf32, #tpu.memory_space<vmem>>, %arg3: memref<1x1x2000xf32, #tpu.memory_space<vmem>>, %arg4: memref<1x3x2000xf32, #tpu.memory_space<vmem>>, %arg5: memref<384x256xf32, #tpu.memory_space<vmem>>, %arg6: memref<256xf32, #tpu.memory_space<vmem>>, %arg7: memref<256x256xf32, #tpu.memory_space<vmem>>, %arg8: memref<256xf32, #tpu.memory_space<vmem>>, %arg9: memref<256x128xf32, #tpu.memory_space<vmem>>, %arg10: memref<128xf32, #tpu.memory_space<vmem>>, %arg11: memref<50x128xf32, #tpu.memory_space<vmem>>, %arg12: memref<128x1xf32, #tpu.memory_space<vmem>>, %arg13: memref<384x256xf32, #tpu.memory_space<vmem>>, %arg14: memref<256xf32, #tpu.memory_space<vmem>>, %arg15: memref<256x256xf32, #tpu.memory_space<vmem>>, %arg16: memref<256xf32, #tpu.memory_space<vmem>>, %arg17: memref<256x128xf32, #tpu.memory_space<vmem>>, %arg18: memref<128xf32, #tpu.memory_space<vmem>>, %arg19: memref<50x128xf32, #tpu.memory_space<vmem>>, %arg20: memref<128x1xf32, #tpu.memory_space<vmem>>, %arg21: memref<1x1x2000xf32, #tpu.memory_space<vmem>>, %arg22: memref<1x1x2000xf32, #tpu.memory_space<vmem>>, %arg23: memref<1x1x2000xf32, #tpu.memory_space<vmem>>, %arg24: memref<1x1x2000xf32, #tpu.memory_space<vmem>>) attributes {dimension_semantics = [#tpu.dimension_semantics<arbitrary>], iteration_bounds = array<i64: 48>, scalar_prefetch = 0 : i64, scratch_operands = 0 : i64, tpu.core_type = #tpu.core_type<tc>, window_params = [{transform_indices = @transform_0, window_bounds = array<i64: 2000, 256>}, {transform_indices = @transform_1, window_bounds = array<i64: 2000, 128>}, {transform_indices = @transform_2, window_bounds = array<i64: 1, 1, 2000>}, {transform_indices = @transform_3, window_bounds = array<i64: 1, 3, 2000>}, {pipeline_mode = #tpu.pipeline_mode<synchronous>, transform_indices = @transform_4, window_bounds = array<i64: 384, 256>}, {pipeline_mode = #tpu.pipeline_mode<synchronous>, transform_indices = @transform_5, window_bounds = array<i64: 256>}, {pipeline_mode = #tpu.pipeline_mode<synchronous>, transform_indices = @transform_6, window_bounds = array<i64: 256, 256>}, {pipeline_mode = #tpu.pipeline_mode<synchronous>, transform_indices = @transform_7, window_bounds = array<i64: 256>}, {pipeline_mode = #tpu.pipeline_mode<synchronous>, transform_indices = @transform_8, window_bounds = array<i64: 256, 128>}, {pipeline_mode = #tpu.pipeline_mode<synchronous>, transform_indices = @transform_9, window_bounds = array<i64: 128>}, {pipeline_mode = #tpu.pipeline_mode<synchronous>, transform_indices = @transform_10, window_bounds = array<i64: 50, 128>}, {pipeline_mode = #tpu.pipeline_mode<synchronous>, transform_indices = @transform_11, window_bounds = array<i64: 128, 1>}, {pipeline_mode = #tpu.pipeline_mode<synchronous>, transform_indices = @transform_12, window_bounds = array<i64: 384, 256>}, {pipeline_mode = #tpu.pipeline_mode<synchronous>, transform_indices = @transform_13, window_bounds = array<i64: 256>}, {pipeline_mode = #tpu.pipeline_mode<synchronous>, transform_indices = @transform_14, window_bounds = array<i64: 256, 256>}, {pipeline_mode = #tpu.pipeline_mode<synchronous>, transform_indices = @transform_15, window_bounds = array<i64: 256>}, {pipeline_mode = #tpu.pipeline_mode<synchronous>, transform_indices = @transform_16, window_bounds = array<i64: 256, 128>}, {pipeline_mode = #tpu.pipeline_mode<synchronous>, transform_indices = @transform_17, window_bounds = array<i64: 128>}, {pipeline_mode = #tpu.pipeline_mode<synchronous>, transform_indices = @transform_18, window_bounds = array<i64: 50, 128>}, {pipeline_mode = #tpu.pipeline_mode<synchronous>, transform_indices = @transform_19, window_bounds = array<i64: 128, 1>}, {transform_indices = @transform_20, window_bounds = array<i64: 1, 1, 2000>}, {transform_indices = @transform_21, window_bounds = array<i64: 1, 1, 2000>}, {transform_indices = @transform_22, window_bounds = array<i64: 1, 1, 2000>}, {transform_indices = @transform_23, window_bounds = array<i64: 1, 1, 2000>}]} {
    %get3A = arith.constant 0 : index
    %get3A_0 = arith.constant 0 : index
    %get3A_1 = vector.load %arg1[%get3A, %get3A_0] : memref<2000x256xf32, #tpu.memory_space<vmem>>, vector<2000x256xf32>
    %get3A_2 = arith.constant 0 : index
    %get3A_3 = arith.constant 0 : index
    %get3A_4 = vector.load %arg2[%get3A_2, %get3A_3] : memref<2000x128xf32, #tpu.memory_space<vmem>>, vector<2000x128xf32>
    %get3A_5 = arith.constant 0 : index
    %get3A_6 = arith.constant 0 : index
    %get3A_7 = arith.constant 0 : index
    %get3A_8 = vector.load %arg3[%get3A_5, %get3A_6, %get3A_7] : memref<1x1x2000xf32, #tpu.memory_space<vmem>>, vector<1x1x2000xf32>
    %reshape3A = vector.shape_cast %get3A_8 : vector<1x1x2000xf32> to vector<1x2000xf32>
    %transpose3A = tpu.transpose %reshape3A, [1, 0] : vector<1x2000xf32> -> vector<2000x1xf32>
    %iota3A = tpu.iota {dimensions = array<i32: 1>} : vector<1x50xi32>
    %convert_element_type3A = arith.sitofp %iota3A : vector<1x50xi32> to vector<1x50xf32>
    %mul3A = arith.constant 0.244897962 : f32
    %mul3A_9 = vector.broadcast %mul3A : f32 to vector<1x50xf32>
    %mul3A_10 = arith.mulf %convert_element_type3A, %mul3A_9 : vector<1x50xf32>
    %sub3A = vector.broadcast %transpose3A : vector<2000x1xf32> to vector<2000x50xf32>
    %sub3A_11 = vector.broadcast %mul3A_10 : vector<1x50xf32> to vector<2000x50xf32>
    %sub3A_12 = arith.subf %sub3A, %sub3A_11 : vector<2000x50xf32>
    %mul3A_13 = arith.constant -8.33680534 : f32
    %mul3A_14 = vector.broadcast %mul3A_13 : f32 to vector<2000x50xf32>
    %mul3A_15 = arith.mulf %mul3A_14, %sub3A_12 : vector<2000x50xf32>
    %mul3A_16 = arith.mulf %mul3A_15, %sub3A_12 : vector<2000x50xf32>
    %exp3A = math.exp %mul3A_16 : vector<2000x50xf32>
    %get3A_17 = arith.constant 0 : index
    %get3A_18 = arith.constant 0 : index
    %get3A_19 = vector.load %arg5[%get3A_17, %get3A_18] : memref<384x256xf32, #tpu.memory_space<vmem>>, vector<384x256xf32>
    %slice3A = vector.extract_strided_slice %get3A_19 {offsets = [0, 0], sizes = [256, 256], strides = [1, 1]} : vector<384x256xf32> to vector<256x256xf32>
    %dot_general3A = arith.constant dense<0.000000e+00> : vector<2000x256xf32>
    %dot_general3A_20 = tpu.matmul %get3A_1, %slice3A, %dot_general3A {dimension_numbers = #tpu.dot_dimension_numbers<[1], [0], [0], [1], [0, 0, 1, 1], [], []>, transpose_lhs_hint = false} : vector<2000x256xf32>, vector<256x256xf32>, vector<2000x256xf32> -> vector<2000x256xf32>
    %slice3A_21 = vector.extract_strided_slice %get3A_19 {offsets = [256, 0], sizes = [128, 256], strides = [1, 1]} : vector<384x256xf32> to vector<128x256xf32>
    %dot_general3A_22 = arith.constant dense<0.000000e+00> : vector<2000x256xf32>
    %dot_general3A_23 = tpu.matmul %get3A_4, %slice3A_21, %dot_general3A_22 {dimension_numbers = #tpu.dot_dimension_numbers<[1], [0], [0], [1], [0, 0, 1, 1], [], []>, transpose_lhs_hint = false} : vector<2000x128xf32>, vector<128x256xf32>, vector<2000x256xf32> -> vector<2000x256xf32>
    %add3A = arith.addf %dot_general3A_20, %dot_general3A_23 : vector<2000x256xf32>
    %get3A_24 = arith.constant 0 : index
    %get3A_25 = vector.load %arg6[%get3A_24] : memref<256xf32, #tpu.memory_space<vmem>>, vector<256xf32>
    %broadcast_in_dim3A = vector.shape_cast %get3A_25 : vector<256xf32> to vector<1x256xf32>
    %add3A_26 = vector.broadcast %broadcast_in_dim3A : vector<1x256xf32> to vector<2000x256xf32>
    %add3A_27 = arith.addf %add3A, %add3A_26 : vector<2000x256xf32>
    %mul3A_28 = arith.constant 5.000000e-01 : f32
    %mul3A_29 = vector.broadcast %mul3A_28 : f32 to vector<2000x256xf32>
    %mul3A_30 = arith.mulf %mul3A_29, %add3A_27 : vector<2000x256xf32>
    %tanh3A = math.tanh %mul3A_30 : vector<2000x256xf32>
    %mul3A_31 = arith.constant 5.000000e-01 : f32
    %mul3A_32 = vector.broadcast %mul3A_31 : f32 to vector<2000x256xf32>
    %mul3A_33 = arith.mulf %mul3A_32, %tanh3A : vector<2000x256xf32>
    %add3A_34 = arith.constant 5.000000e-01 : f32
    %add3A_35 = vector.broadcast %add3A_34 : f32 to vector<2000x256xf32>
    %add3A_36 = arith.addf %add3A_35, %mul3A_33 : vector<2000x256xf32>
    %mul3A_37 = arith.mulf %add3A_27, %add3A_36 : vector<2000x256xf32>
    %get3A_38 = arith.constant 0 : index
    %get3A_39 = arith.constant 0 : index
    %get3A_40 = vector.load %arg7[%get3A_38, %get3A_39] : memref<256x256xf32, #tpu.memory_space<vmem>>, vector<256x256xf32>
    %dot_general3A_41 = arith.constant dense<0.000000e+00> : vector<2000x256xf32>
    %dot_general3A_42 = tpu.matmul %mul3A_37, %get3A_40, %dot_general3A_41 {dimension_numbers = #tpu.dot_dimension_numbers<[1], [0], [0], [1], [0, 0, 1, 1], [], []>, transpose_lhs_hint = false} : vector<2000x256xf32>, vector<256x256xf32>, vector<2000x256xf32> -> vector<2000x256xf32>
    %get3A_43 = arith.constant 0 : index
    %get3A_44 = vector.load %arg8[%get3A_43] : memref<256xf32, #tpu.memory_space<vmem>>, vector<256xf32>
    %broadcast_in_dim3A_45 = vector.shape_cast %get3A_44 : vector<256xf32> to vector<1x256xf32>
    %add3A_46 = vector.broadcast %broadcast_in_dim3A_45 : vector<1x256xf32> to vector<2000x256xf32>
    %add3A_47 = arith.addf %dot_general3A_42, %add3A_46 : vector<2000x256xf32>
    %mul3A_48 = arith.constant 5.000000e-01 : f32
    %mul3A_49 = vector.broadcast %mul3A_48 : f32 to vector<2000x256xf32>
    %mul3A_50 = arith.mulf %mul3A_49, %add3A_47 : vector<2000x256xf32>
    %tanh3A_51 = math.tanh %mul3A_50 : vector<2000x256xf32>
    %mul3A_52 = arith.constant 5.000000e-01 : f32
    %mul3A_53 = vector.broadcast %mul3A_52 : f32 to vector<2000x256xf32>
    %mul3A_54 = arith.mulf %mul3A_53, %tanh3A_51 : vector<2000x256xf32>
    %add3A_55 = arith.constant 5.000000e-01 : f32
    %add3A_56 = vector.broadcast %add3A_55 : f32 to vector<2000x256xf32>
    %add3A_57 = arith.addf %add3A_56, %mul3A_54 : vector<2000x256xf32>
    %mul3A_58 = arith.mulf %add3A_47, %add3A_57 : vector<2000x256xf32>
    %add3A_59 = arith.addf %mul3A_37, %mul3A_58 : vector<2000x256xf32>
    %get3A_60 = arith.constant 0 : index
    %get3A_61 = arith.constant 0 : index
    %get3A_62 = vector.load %arg9[%get3A_60, %get3A_61] : memref<256x128xf32, #tpu.memory_space<vmem>>, vector<256x128xf32>
    %dot_general3A_63 = arith.constant dense<0.000000e+00> : vector<2000x128xf32>
    %dot_general3A_64 = tpu.matmul %add3A_59, %get3A_62, %dot_general3A_63 {dimension_numbers = #tpu.dot_dimension_numbers<[1], [0], [0], [1], [0, 0, 1, 1], [], []>, transpose_lhs_hint = false} : vector<2000x256xf32>, vector<256x128xf32>, vector<2000x128xf32> -> vector<2000x128xf32>
    %get3A_65 = arith.constant 0 : index
    %get3A_66 = vector.load %arg10[%get3A_65] : memref<128xf32, #tpu.memory_space<vmem>>, vector<128xf32>
    %broadcast_in_dim3A_67 = vector.shape_cast %get3A_66 : vector<128xf32> to vector<1x128xf32>
    %add3A_68 = vector.broadcast %broadcast_in_dim3A_67 : vector<1x128xf32> to vector<2000x128xf32>
    %add3A_69 = arith.addf %dot_general3A_64, %add3A_68 : vector<2000x128xf32>
    %get3A_70 = arith.constant 0 : index
    %get3A_71 = arith.constant 0 : index
    %get3A_72 = vector.load %arg11[%get3A_70, %get3A_71] : memref<50x128xf32, #tpu.memory_space<vmem>>, vector<50x128xf32>
    %dot_general3A_73 = arith.constant dense<0.000000e+00> : vector<2000x128xf32>
    %dot_general3A_74 = tpu.matmul %exp3A, %get3A_72, %dot_general3A_73 {dimension_numbers = #tpu.dot_dimension_numbers<[1], [0], [0], [1], [0, 0, 1, 1], [], []>, transpose_lhs_hint = false} : vector<2000x50xf32>, vector<50x128xf32>, vector<2000x128xf32> -> vector<2000x128xf32>
    %mul3A_75 = arith.mulf %add3A_69, %dot_general3A_74 : vector<2000x128xf32>
    %get3A_76 = arith.constant 0 : index
    %get3A_77 = arith.constant 0 : index
    %get3A_78 = vector.load %arg12[%get3A_76, %get3A_77] : memref<128x1xf32, #tpu.memory_space<vmem>>, vector<128x1xf32>
    %dot_general3A_79 = arith.constant dense<0.000000e+00> : vector<2000x1xf32>
    %dot_general3A_80 = tpu.matmul %mul3A_75, %get3A_78, %dot_general3A_79 {dimension_numbers = #tpu.dot_dimension_numbers<[1], [0], [0], [1], [0, 0, 1, 1], [], []>, transpose_lhs_hint = false} : vector<2000x128xf32>, vector<128x1xf32>, vector<2000x1xf32> -> vector<2000x1xf32>
    %get3A_81 = arith.constant 0 : index
    %get3A_82 = arith.constant 0 : index
    %get3A_83 = vector.load %arg13[%get3A_81, %get3A_82] : memref<384x256xf32, #tpu.memory_space<vmem>>, vector<384x256xf32>
    %slice3A_84 = vector.extract_strided_slice %get3A_83 {offsets = [0, 0], sizes = [256, 256], strides = [1, 1]} : vector<384x256xf32> to vector<256x256xf32>
    %dot_general3A_85 = arith.constant dense<0.000000e+00> : vector<2000x256xf32>
    %dot_general3A_86 = tpu.matmul %get3A_1, %slice3A_84, %dot_general3A_85 {dimension_numbers = #tpu.dot_dimension_numbers<[1], [0], [0], [1], [0, 0, 1, 1], [], []>, transpose_lhs_hint = false} : vector<2000x256xf32>, vector<256x256xf32>, vector<2000x256xf32> -> vector<2000x256xf32>
    %slice3A_87 = vector.extract_strided_slice %get3A_83 {offsets = [256, 0], sizes = [128, 256], strides = [1, 1]} : vector<384x256xf32> to vector<128x256xf32>
    %dot_general3A_88 = arith.constant dense<0.000000e+00> : vector<2000x256xf32>
    %dot_general3A_89 = tpu.matmul %get3A_4, %slice3A_87, %dot_general3A_88 {dimension_numbers = #tpu.dot_dimension_numbers<[1], [0], [0], [1], [0, 0, 1, 1], [], []>, transpose_lhs_hint = false} : vector<2000x128xf32>, vector<128x256xf32>, vector<2000x256xf32> -> vector<2000x256xf32>
    %add3A_90 = arith.addf %dot_general3A_86, %dot_general3A_89 : vector<2000x256xf32>
    %get3A_91 = arith.constant 0 : index
    %get3A_92 = vector.load %arg14[%get3A_91] : memref<256xf32, #tpu.memory_space<vmem>>, vector<256xf32>
    %broadcast_in_dim3A_93 = vector.shape_cast %get3A_92 : vector<256xf32> to vector<1x256xf32>
    %add3A_94 = vector.broadcast %broadcast_in_dim3A_93 : vector<1x256xf32> to vector<2000x256xf32>
    %add3A_95 = arith.addf %add3A_90, %add3A_94 : vector<2000x256xf32>
    %mul3A_96 = arith.constant 5.000000e-01 : f32
    %mul3A_97 = vector.broadcast %mul3A_96 : f32 to vector<2000x256xf32>
    %mul3A_98 = arith.mulf %mul3A_97, %add3A_95 : vector<2000x256xf32>
    %tanh3A_99 = math.tanh %mul3A_98 : vector<2000x256xf32>
    %mul3A_100 = arith.constant 5.000000e-01 : f32
    %mul3A_101 = vector.broadcast %mul3A_100 : f32 to vector<2000x256xf32>
    %mul3A_102 = arith.mulf %mul3A_101, %tanh3A_99 : vector<2000x256xf32>
    %add3A_103 = arith.constant 5.000000e-01 : f32
    %add3A_104 = vector.broadcast %add3A_103 : f32 to vector<2000x256xf32>
    %add3A_105 = arith.addf %add3A_104, %mul3A_102 : vector<2000x256xf32>
    %mul3A_106 = arith.mulf %add3A_95, %add3A_105 : vector<2000x256xf32>
    %get3A_107 = arith.constant 0 : index
    %get3A_108 = arith.constant 0 : index
    %get3A_109 = vector.load %arg15[%get3A_107, %get3A_108] : memref<256x256xf32, #tpu.memory_space<vmem>>, vector<256x256xf32>
    %dot_general3A_110 = arith.constant dense<0.000000e+00> : vector<2000x256xf32>
    %dot_general3A_111 = tpu.matmul %mul3A_106, %get3A_109, %dot_general3A_110 {dimension_numbers = #tpu.dot_dimension_numbers<[1], [0], [0], [1], [0, 0, 1, 1], [], []>, transpose_lhs_hint = false} : vector<2000x256xf32>, vector<256x256xf32>, vector<2000x256xf32> -> vector<2000x256xf32>
    %get3A_112 = arith.constant 0 : index
    %get3A_113 = vector.load %arg16[%get3A_112] : memref<256xf32, #tpu.memory_space<vmem>>, vector<256xf32>
    %broadcast_in_dim3A_114 = vector.shape_cast %get3A_113 : vector<256xf32> to vector<1x256xf32>
    %add3A_115 = vector.broadcast %broadcast_in_dim3A_114 : vector<1x256xf32> to vector<2000x256xf32>
    %add3A_116 = arith.addf %dot_general3A_111, %add3A_115 : vector<2000x256xf32>
    %mul3A_117 = arith.constant 5.000000e-01 : f32
    %mul3A_118 = vector.broadcast %mul3A_117 : f32 to vector<2000x256xf32>
    %mul3A_119 = arith.mulf %mul3A_118, %add3A_116 : vector<2000x256xf32>
    %tanh3A_120 = math.tanh %mul3A_119 : vector<2000x256xf32>
    %mul3A_121 = arith.constant 5.000000e-01 : f32
    %mul3A_122 = vector.broadcast %mul3A_121 : f32 to vector<2000x256xf32>
    %mul3A_123 = arith.mulf %mul3A_122, %tanh3A_120 : vector<2000x256xf32>
    %add3A_124 = arith.constant 5.000000e-01 : f32
    %add3A_125 = vector.broadcast %add3A_124 : f32 to vector<2000x256xf32>
    %add3A_126 = arith.addf %add3A_125, %mul3A_123 : vector<2000x256xf32>
    %mul3A_127 = arith.mulf %add3A_116, %add3A_126 : vector<2000x256xf32>
    %add3A_128 = arith.addf %mul3A_106, %mul3A_127 : vector<2000x256xf32>
    %get3A_129 = arith.constant 0 : index
    %get3A_130 = arith.constant 0 : index
    %get3A_131 = vector.load %arg17[%get3A_129, %get3A_130] : memref<256x128xf32, #tpu.memory_space<vmem>>, vector<256x128xf32>
    %dot_general3A_132 = arith.constant dense<0.000000e+00> : vector<2000x128xf32>
    %dot_general3A_133 = tpu.matmul %add3A_128, %get3A_131, %dot_general3A_132 {dimension_numbers = #tpu.dot_dimension_numbers<[1], [0], [0], [1], [0, 0, 1, 1], [], []>, transpose_lhs_hint = false} : vector<2000x256xf32>, vector<256x128xf32>, vector<2000x128xf32> -> vector<2000x128xf32>
    %get3A_134 = arith.constant 0 : index
    %get3A_135 = vector.load %arg18[%get3A_134] : memref<128xf32, #tpu.memory_space<vmem>>, vector<128xf32>
    %broadcast_in_dim3A_136 = vector.shape_cast %get3A_135 : vector<128xf32> to vector<1x128xf32>
    %add3A_137 = vector.broadcast %broadcast_in_dim3A_136 : vector<1x128xf32> to vector<2000x128xf32>
    %add3A_138 = arith.addf %dot_general3A_133, %add3A_137 : vector<2000x128xf32>
    %get3A_139 = arith.constant 0 : index
    %get3A_140 = arith.constant 0 : index
    %get3A_141 = vector.load %arg19[%get3A_139, %get3A_140] : memref<50x128xf32, #tpu.memory_space<vmem>>, vector<50x128xf32>
    %dot_general3A_142 = arith.constant dense<0.000000e+00> : vector<2000x128xf32>
    %dot_general3A_143 = tpu.matmul %exp3A, %get3A_141, %dot_general3A_142 {dimension_numbers = #tpu.dot_dimension_numbers<[1], [0], [0], [1], [0, 0, 1, 1], [], []>, transpose_lhs_hint = false} : vector<2000x50xf32>, vector<50x128xf32>, vector<2000x128xf32> -> vector<2000x128xf32>
    %mul3A_144 = arith.mulf %add3A_138, %dot_general3A_143 : vector<2000x128xf32>
    %get3A_145 = arith.constant 0 : index
    %get3A_146 = arith.constant 0 : index
    %get3A_147 = vector.load %arg20[%get3A_145, %get3A_146] : memref<128x1xf32, #tpu.memory_space<vmem>>, vector<128x1xf32>
    %dot_general3A_148 = arith.constant dense<0.000000e+00> : vector<2000x1xf32>
    %dot_general3A_149 = tpu.matmul %mul3A_144, %get3A_147, %dot_general3A_148 {dimension_numbers = #tpu.dot_dimension_numbers<[1], [0], [0], [1], [0, 0, 1, 1], [], []>, transpose_lhs_hint = false} : vector<2000x128xf32>, vector<128x1xf32>, vector<2000x1xf32> -> vector<2000x1xf32>
    %get3A_150 = arith.constant 0 : index
    %get3A_151 = arith.constant 0 : index
    %get3A_152 = arith.constant 0 : index
    %get3A_153 = vector.load %arg4[%get3A_150, %get3A_151, %get3A_152] : memref<1x3x2000xf32, #tpu.memory_space<vmem>>, vector<1x3x2000xf32>
    %reshape3A_154 = vector.shape_cast %get3A_153 : vector<1x3x2000xf32> to vector<3x2000xf32>
    %transpose3A_155 = tpu.transpose %dot_general3A_80, [1, 0] : vector<2000x1xf32> -> vector<1x2000xf32>
    %transpose3A_156 = tpu.transpose %dot_general3A_149, [1, 0] : vector<2000x1xf32> -> vector<1x2000xf32>
    %reshape3A_157 = vector.shape_cast %transpose3A_155 : vector<1x2000xf32> to vector<1x1x2000xf32>
    %swap3A = arith.constant 0 : index
    %swap3A_158 = arith.constant 0 : index
    %swap3A_159 = arith.constant 0 : index
    %swap3A_160 = vector.load %arg21[%swap3A, %swap3A_158, %swap3A_159] : memref<1x1x2000xf32, #tpu.memory_space<vmem>>, vector<1x1x2000xf32>
    tpu.vector_store %arg21[%swap3A, %swap3A_158, %swap3A_159], %reshape3A_157 {strides = array<i32>} : memref<1x1x2000xf32, #tpu.memory_space<vmem>>, vector<1x1x2000xf32>,
    %slice3A_161 = vector.extract_strided_slice %reshape3A_154 {offsets = [0, 0], sizes = [1, 2000], strides = [1, 1]} : vector<3x2000xf32> to vector<1x2000xf32>
    %mul3A_162 = arith.mulf %transpose3A_156, %slice3A_161 : vector<1x2000xf32>
    %reshape3A_163 = vector.shape_cast %mul3A_162 : vector<1x2000xf32> to vector<1x1x2000xf32>
    %swap3A_164 = arith.constant 0 : index
    %swap3A_165 = arith.constant 0 : index
    %swap3A_166 = arith.constant 0 : index
    %swap3A_167 = vector.load %arg22[%swap3A_164, %swap3A_165, %swap3A_166] : memref<1x1x2000xf32, #tpu.memory_space<vmem>>, vector<1x1x2000xf32>
    tpu.vector_store %arg22[%swap3A_164, %swap3A_165, %swap3A_166], %reshape3A_163 {strides = array<i32>} : memref<1x1x2000xf32, #tpu.memory_space<vmem>>, vector<1x1x2000xf32>,
    %slice3A_168 = vector.extract_strided_slice %reshape3A_154 {offsets = [1, 0], sizes = [1, 2000], strides = [1, 1]} : vector<3x2000xf32> to vector<1x2000xf32>
    %mul3A_169 = arith.mulf %transpose3A_156, %slice3A_168 : vector<1x2000xf32>
    %reshape3A_170 = vector.shape_cast %mul3A_169 : vector<1x2000xf32> to vector<1x1x2000xf32>
    %swap3A_171 = arith.constant 0 : index
    %swap3A_172 = arith.constant 0 : index
    %swap3A_173 = arith.constant 0 : index
    %swap3A_174 = vector.load %arg23[%swap3A_171, %swap3A_172, %swap3A_173] : memref<1x1x2000xf32, #tpu.memory_space<vmem>>, vector<1x1x2000xf32>
    tpu.vector_store %arg23[%swap3A_171, %swap3A_172, %swap3A_173], %reshape3A_170 {strides = array<i32>} : memref<1x1x2000xf32, #tpu.memory_space<vmem>>, vector<1x1x2000xf32>,
    %slice3A_175 = vector.extract_strided_slice %reshape3A_154 {offsets = [2, 0], sizes = [1, 2000], strides = [1, 1]} : vector<3x2000xf32> to vector<1x2000xf32>
    %mul3A_176 = arith.mulf %transpose3A_156, %slice3A_175 : vector<1x2000xf32>
    %reshape3A_177 = vector.shape_cast %mul3A_176 : vector<1x2000xf32> to vector<1x1x2000xf32>
    %swap3A_178 = arith.constant 0 : index
    %swap3A_179 = arith.constant 0 : index
    %swap3A_180 = arith.constant 0 : index
    %swap3A_181 = vector.load %arg24[%swap3A_178, %swap3A_179, %swap3A_180] : memref<1x1x2000xf32, #tpu.memory_space<vmem>>, vector<1x1x2000xf32>
    tpu.vector_store %arg24[%swap3A_178, %swap3A_179, %swap3A_180], %reshape3A_177 {strides = array<i32>} : memref<1x1x2000xf32, #tpu.memory_space<vmem>>, vector<1x1x2000xf32>,
    return
  }
  func.func @transform_0(%arg0: i32) -> (i32, i32) {
    %c0_i32 = arith.constant 0 : i32
    %c0_i32_0 = arith.constant 0 : i32
    return %arg0, %c0_i32 : i32, i32
  }
  func.func @transform_1(%arg0: i32) -> (i32, i32) {
    %add3A = arith.constant 117 : i32
    %add3A_0 = arith.addi %add3A, %arg0 : i32
    %c0_i32 = arith.constant 0 : i32
    %c0_i32_1 = arith.constant 0 : i32
    return %add3A_0, %c0_i32 : i32, i32
  }
  func.func @transform_2(%arg0: i32) -> (i32, i32, i32) {
    %add3A = arith.constant 112 : i32
    %add3A_0 = arith.addi %add3A, %arg0 : i32
    %c0_i32 = arith.constant 0 : i32
    %c0_i32_1 = arith.constant 0 : i32
    %c0_i32_2 = arith.constant 0 : i32
    return %add3A_0, %c0_i32, %c0_i32_1 : i32, i32, i32
  }
  func.func @transform_3(%arg0: i32) -> (i32, i32, i32) {
    %add3A = arith.constant 112 : i32
    %add3A_0 = arith.addi %add3A, %arg0 : i32
    %c0_i32 = arith.constant 0 : i32
    %c0_i32_1 = arith.constant 0 : i32
    %c0_i32_2 = arith.constant 0 : i32
    return %add3A_0, %c0_i32, %c0_i32_1 : i32, i32, i32
  }
  func.func @transform_4(%arg0: i32) -> (i32, i32) {
    %c0_i32 = arith.constant 0 : i32
    %c0_i32_0 = arith.constant 0 : i32
    %c0_i32_1 = arith.constant 0 : i32
    return %c0_i32, %c0_i32_0 : i32, i32
  }
  func.func @transform_5(%arg0: i32) -> i32 {
    %c0_i32 = arith.constant 0 : i32
    %c0_i32_0 = arith.constant 0 : i32
    return %c0_i32 : i32
  }
  func.func @transform_6(%arg0: i32) -> (i32, i32) {
    %c0_i32 = arith.constant 0 : i32
    %c0_i32_0 = arith.constant 0 : i32
    %c0_i32_1 = arith.constant 0 : i32
    return %c0_i32, %c0_i32_0 : i32, i32
  }
  func.func @transform_7(%arg0: i32) -> i32 {
    %c0_i32 = arith.constant 0 : i32
    %c0_i32_0 = arith.constant 0 : i32
    return %c0_i32 : i32
  }
  func.func @transform_8(%arg0: i32) -> (i32, i32) {
    %c0_i32 = arith.constant 0 : i32
    %c0_i32_0 = arith.constant 0 : i32
    %c0_i32_1 = arith.constant 0 : i32
    return %c0_i32, %c0_i32_0 : i32, i32
  }
  func.func @transform_9(%arg0: i32) -> i32 {
    %c0_i32 = arith.constant 0 : i32
    %c0_i32_0 = arith.constant 0 : i32
    return %c0_i32 : i32
  }
  func.func @transform_10(%arg0: i32) -> (i32, i32) {
    %c0_i32 = arith.constant 0 : i32
    %c0_i32_0 = arith.constant 0 : i32
    %c0_i32_1 = arith.constant 0 : i32
    return %c0_i32, %c0_i32_0 : i32, i32
  }
  func.func @transform_11(%arg0: i32) -> (i32, i32) {
    %c0_i32 = arith.constant 0 : i32
    %c0_i32_0 = arith.constant 0 : i32
    %c0_i32_1 = arith.constant 0 : i32
    return %c0_i32, %c0_i32_0 : i32, i32
  }
  func.func @transform_12(%arg0: i32) -> (i32, i32) {
    %c0_i32 = arith.constant 0 : i32
    %c0_i32_0 = arith.constant 0 : i32
    %c0_i32_1 = arith.constant 0 : i32
    return %c0_i32, %c0_i32_0 : i32, i32
  }
  func.func @transform_13(%arg0: i32) -> i32 {
    %c0_i32 = arith.constant 0 : i32
    %c0_i32_0 = arith.constant 0 : i32
    return %c0_i32 : i32
  }
  func.func @transform_14(%arg0: i32) -> (i32, i32) {
    %c0_i32 = arith.constant 0 : i32
    %c0_i32_0 = arith.constant 0 : i32
    %c0_i32_1 = arith.constant 0 : i32
    return %c0_i32, %c0_i32_0 : i32, i32
  }
  func.func @transform_15(%arg0: i32) -> i32 {
    %c0_i32 = arith.constant 0 : i32
    %c0_i32_0 = arith.constant 0 : i32
    return %c0_i32 : i32
  }
  func.func @transform_16(%arg0: i32) -> (i32, i32) {
    %c0_i32 = arith.constant 0 : i32
    %c0_i32_0 = arith.constant 0 : i32
    %c0_i32_1 = arith.constant 0 : i32
    return %c0_i32, %c0_i32_0 : i32, i32
  }
  func.func @transform_17(%arg0: i32) -> i32 {
    %c0_i32 = arith.constant 0 : i32
    %c0_i32_0 = arith.constant 0 : i32
    return %c0_i32 : i32
  }
  func.func @transform_18(%arg0: i32) -> (i32, i32) {
    %c0_i32 = arith.constant 0 : i32
    %c0_i32_0 = arith.constant 0 : i32
    %c0_i32_1 = arith.constant 0 : i32
    return %c0_i32, %c0_i32_0 : i32, i32
  }
  func.func @transform_19(%arg0: i32) -> (i32, i32) {
    %c0_i32 = arith.constant 0 : i32
    %c0_i32_0 = arith.constant 0 : i32
    %c0_i32_1 = arith.constant 0 : i32
    return %c0_i32, %c0_i32_0 : i32, i32
  }
  func.func @transform_20(%arg0: i32) -> (i32, i32, i32) {
    %c0_i32 = arith.constant 0 : i32
    %c0_i32_0 = arith.constant 0 : i32
    %c0_i32_1 = arith.constant 0 : i32
    return %arg0, %c0_i32, %c0_i32_0 : i32, i32, i32
  }
  func.func @transform_21(%arg0: i32) -> (i32, i32, i32) {
    %c0_i32 = arith.constant 0 : i32
    %c0_i32_0 = arith.constant 0 : i32
    %c0_i32_1 = arith.constant 0 : i32
    return %arg0, %c0_i32, %c0_i32_0 : i32, i32, i32
  }
  func.func @transform_22(%arg0: i32) -> (i32, i32, i32) {
    %c0_i32 = arith.constant 0 : i32
    %c0_i32_0 = arith.constant 0 : i32
    %c0_i32_1 = arith.constant 0 : i32
    return %arg0, %c0_i32, %c0_i32_0 : i32, i32, i32
  }
  func.func @transform_23(%arg0: i32) -> (i32, i32, i32) {
    %c0_i32 = arith.constant 0 : i32
    %c0_i32_0 = arith.constant 0 : i32
    %c0_i32_1 = arith.constant 0 : i32
    return %arg0, %c0_i32, %c0_i32_0 : i32, i32, i32
  }
}

module attributes {stable_mosaic.version = 14 : i64} {
  func.func @_reduce_body(%arg0: memref<32x40000xf32, #tpu.memory_space<vmem>>, %arg1: memref<32x64xf32, #tpu.memory_space<vmem>>, %arg2: memref<1x40000xf32, #tpu.memory_space<vmem>>, %arg3: memref<1x64xf32, #tpu.memory_space<vmem>>) attributes {dimension_semantics = [], scalar_prefetch = 0 : i64, scratch_operands = 0 : i64, tpu.core_type = #tpu.core_type<tc>} {
    %get3A = arith.constant 0 : index
    %get3A_0 = arith.constant 0 : index
    %get3A_1 = vector.load %arg0[%get3A, %get3A_0] : memref<32x40000xf32, #tpu.memory_space<vmem>>, vector<32x40000xf32>
    %reduce_sum3A = arith.constant dense<0.000000e+00> : vector<40000xf32>
    %reduce_sum3A_2 = vector.multi_reduction <add>, %get3A_1, %reduce_sum3A [0] : vector<32x40000xf32> to vector<40000xf32>
    %broadcast_in_dim3A = vector.shape_cast %reduce_sum3A_2 : vector<40000xf32> to vector<1x40000xf32>
    %get3A_3 = arith.constant 0 : index
    %get3A_4 = arith.constant 0 : index
    %get3A_5 = vector.load %arg1[%get3A_3, %get3A_4] : memref<32x64xf32, #tpu.memory_space<vmem>>, vector<32x64xf32>
    %reduce_sum3A_6 = arith.constant dense<0.000000e+00> : vector<64xf32>
    %reduce_sum3A_7 = vector.multi_reduction <add>, %get3A_5, %reduce_sum3A_6 [0] : vector<32x64xf32> to vector<64xf32>
    %broadcast_in_dim3A_8 = vector.shape_cast %reduce_sum3A_7 : vector<64xf32> to vector<1x64xf32>
    %swap3A = arith.constant 0 : index
    %swap3A_9 = arith.constant 0 : index
    %swap3A_10 = vector.load %arg2[%swap3A, %swap3A_9] : memref<1x40000xf32, #tpu.memory_space<vmem>>, vector<1x40000xf32>
    tpu.vector_store %arg2[%swap3A, %swap3A_9], %broadcast_in_dim3A {strides = array<i32>} : memref<1x40000xf32, #tpu.memory_space<vmem>>, vector<1x40000xf32>,
    %swap3A_11 = arith.constant 0 : index
    %swap3A_12 = arith.constant 0 : index
    %swap3A_13 = vector.load %arg3[%swap3A_11, %swap3A_12] : memref<1x64xf32, #tpu.memory_space<vmem>>, vector<1x64xf32>
    tpu.vector_store %arg3[%swap3A_11, %swap3A_12], %broadcast_in_dim3A_8 {strides = array<i32>} : memref<1x64xf32, #tpu.memory_space<vmem>>, vector<1x64xf32>,
    return
  }
}

</mosaic_0001>

<sc_bundles>
// kernel: kernel.14.cloned.1.call-start
scs
__scs_entry_jumppad:
0x0: {  	(pc) =	sbr.rel $0x88, $3  }
0x1: {  	(tag) =	ssettag $0x0;
	lr =	simm.s32 $0x1  }
0x2: {  	[smem:$0x3F8C] =	sst lr;
	_ =	strace $0xD0000000  }
0x3: {  	_ = 	snop  }
0x4: {  	_ = 	snop  }
0x5: {  	_ = 	snop  }
0x6: {  	_ = 	snop  }
0x7: {  	_ = 	snop  }
__scs_overlays_trampoline_lowered:
0x8: {  	[smem:$0x3F9B] =	sst s0  }
0x9: {  	[smem:$0x3F9C] =	sst s1  }
0xa: {  	[smem:$0x3F9D] =	sst s2  }
0xb: {  	[smem:$0x3F9E] =	sst s3  }
0xc: {  	[smem:$0x3F9F] =	sst s4  }
0xd: {  	[smem:$0x3FA0] =	sst s5  }
0xe: {  	[smem:$0x3FA1] =	sst s6  }
0xf: {  	[smem:$0x3FA2] =	sst s7  }
0x10: {  	[smem:$0x3FA3] =	sst s8  }
0x11: {  	[smem:$0x3FA4] =	sst s9;
	s0 =	simm.s32 @!p0 $0x0  }
0x12: {  	s1 =	sld [smem:$0x3F8A];
	s0 =	simm.s32 @p0 $0x1  }
0x13: {  	[smem:$0x3FA5] =	sst s0;
	s0 =	simm.s32 @!p1 $0x0  }
0x14: {  	s2 =	sld [smem:$0x3F89];
	s0 =	simm.s32 @p1 $0x1  }
0x15: {  	[smem:$0x3FA6] =	sst s0;
	s0 =	simm.s32 @!p2 $0x0  }
0x16: {  	s3 =	sld [smem:$0x3FDB];
	s0 =	simm.s32 @p2 $0x1  }
0x17: {  	s4 =	simm.s32 $0x1BF5;
	[smem:$0x3FA8] =	sst s0  }
0x18: {  	s0 =	sld [smem:$0x3F8B];
	_ =	swait.ge [sflag:s4], $0x0  }
0x19: {  	s7 =	sld [smem:$0x3F8C]  }
0x1a: {  	s8 =	sadd.s32 $0xFFFFE003, lr  }
0x1b: {  	s9 =	sadd.s32 $0xFFFFFEF7, lr;
	s5 =	simm.s32 $0xFFFFFFFF;
	p2 =	slt.u32 s8, $0xFFFFF086  }
0x1c: {  	p1 =	slt.u32 s9, $0xF7A;
	s5 =	simm.s32 @!p2 $0x0  }
0x1d: {  	s5 =	simm.s32 @p1 $0x1;
	p0 =	seq.s32 s7, s2  }
0x1e: {  	s7 =	smul.u32 @!p0 $0xF7A, s2;
	p2 =	seq.s32 @!p0 s5, $0x0  }
0x1f: {  	s9 =	smul.u32 $0xF7A, s1;
	s8 =	simm.s32 @!p0 $0x1BF5;
	p2 =	por !p2, p0  }
0x20: {  	[sflag:s8] =	ssyncset.s32 @!p0 $0xFFFFF086;
	s6 =	sadd.s32 @!p0 s3, s7;
	s7 =	simm.s32 @!p0 $0x108  }
0x21: {  	s3 =	sadd.s32 s3, s9;
	s6 =	sadd.s32 @!p0 $0x88, s6;
	s7 =	simm.s32 @p2 $0x1082  }
0x22: {  	[simem:s7], [sflag:s8] =	dma.local @!p0 [hbm:s6], $0xF7A  }
0x23: {  	s9 =	sor.u32 $0xD0000000, s2;
	s6 =	simm.s32 $0x108;
	_ =	swait.ge @!p0 [sflag:s8], $0x0  }
0x24: {  	s3 =	sadd.s32 $0x88, s3;
	s6 =	simm.s32 @!p1 $0x1082;
	[sflag:s4] =	ssyncset.s32 $0xFFFFF086  }
0x25: {  	[simem:s6], [sflag:s4] =	dma.local [hbm:s3], $0xF7A  }
0x26: {  	[smem:$0x3F8C] =	sst s1;
	(tag) =	ssettag s2;
	_ =	strace s9  }
0x27: {  	s1 =	sld [smem:$0x3F9C]  }
0x28: {  	s2 =	sld [smem:$0x3F9D]  }
0x29: {  	s4 =	sld [smem:$0x3F9F]  }
0x2a: {  	p0 =	seq.s32 s5, $0x0;
	s5 =	sld [smem:$0x3FA0]  }
0x2b: {  	s6 =	sld [smem:$0x3FA1]  }
0x2c: {  	s7 =	sld [smem:$0x3FA2]  }
0x2d: {  	s3 =	simm.s32 $0x108;
	s8 =	sld [smem:$0x3FA3]  }
0x2e: {  	s3 =	simm.s32 @!p0 $0x1082;
	s9 =	sld [smem:$0x3FA4]  }
0x2f: {  	lr =	sadd.s32 s0, s3;
	s0 =	sld [smem:$0x3F9B]  }
0x30: {  	s3 =	sld [smem:$0x3F9E]  }
0x31: {  	[smem:$0x3FA7] =	sst s10  }
0x32: {  	s10 =	sld [smem:$0x3FA5];
	_ =	sdelay $0x3  }
0x33: {  	p0 =	seq.s32 s10, $0x1;
	s10 =	sld [smem:$0x3FA7];
	_ =	sdelay $0x3  }
0x34: {  	[smem:$0x3FA7] =	sst s10  }
0x35: {  	s10 =	sld [smem:$0x3FA6];
	_ =	sdelay $0x3  }
0x36: {  	p1 =	seq.s32 s10, $0x1;
	s10 =	sld [smem:$0x3FA7];
	_ =	sdelay $0x3  }
0x37: {  	[smem:$0x3FA7] =	sst s10  }
0x38: {  	s10 =	sld [smem:$0x3FA8]  }
0x39: {  	_ = 	snop;
	(pc) =	sbr.ind lr, $3  }
0x3a: {  	_ = 	snop  }
0x3b: {  	_ = 	snop  }
0x3c: {  	p2 =	seq.s32 s10, $0x1;
	s10 =	sld [smem:$0x3FA7]  }
0x3d: {  	_ =	shalt  }
0x3e: {  	_ =	shalt  }
0x3f: {  	_ =	shalt  }
0x40: {  	_ =	shalt  }
0x41: {  	_ =	shalt  }
0x42: {  	_ =	shalt  }
0x43: {  	_ =	shalt  }
0x44: {  	_ =	shalt  }
0x45: {  	_ =	shalt  }
0x46: {  	_ =	shalt  }
0x47: {  	_ =	shalt  }
0x48: {  	_ =	shalt  }
0x49: {  	_ =	shalt  }
0x4a: {  	_ =	shalt  }
0x4b: {  	_ =	shalt  }
0x4c: {  	_ =	shalt  }
0x4d: {  	_ =	shalt  }
0x4e: {  	_ =	shalt  }
0x4f: {  	_ =	shalt  }
0x50: {  	_ =	shalt  }
0x51: {  	_ =	shalt  }
0x52: {  	_ =	shalt  }
0x53: {  	_ =	shalt  }
0x54: {  	_ =	shalt  }
0x55: {  	_ =	shalt  }
0x56: {  	_ =	shalt  }
0x57: {  	_ =	shalt  }
0x58: {  	_ =	shalt  }
0x59: {  	_ =	shalt  }
0x5a: {  	_ =	shalt  }
0x5b: {  	_ =	shalt  }
0x5c: {  	_ =	shalt  }
0x5d: {  	_ =	shalt  }
0x5e: {  	_ =	shalt  }
0x5f: {  	_ =	shalt  }
0x60: {  	_ =	shalt  }
0x61: {  	_ =	shalt  }
0x62: {  	_ =	shalt  }
0x63: {  	_ =	shalt  }
0x64: {  	_ =	shalt  }
0x65: {  	_ =	shalt  }
0x66: {  	_ =	shalt  }
0x67: {  	_ =	shalt  }
0x68: {  	_ =	shalt  }
0x69: {  	_ =	shalt  }
0x6a: {  	_ =	shalt  }
0x6b: {  	_ =	shalt  }
0x6c: {  	_ =	shalt  }
0x6d: {  	_ =	shalt  }
0x6e: {  	_ =	shalt  }
0x6f: {  	_ =	shalt  }
0x70: {  	_ =	shalt  }
0x71: {  	_ =	shalt  }
0x72: {  	_ =	shalt  }
0x73: {  	_ =	shalt  }
0x74: {  	_ =	shalt  }
0x75: {  	_ =	shalt  }
0x76: {  	_ =	shalt  }
0x77: {  	_ =	shalt  }
0x78: {  	_ =	shalt  }
0x79: {  	_ =	shalt  }
0x7a: {  	_ =	shalt  }
0x7b: {  	_ =	shalt  }
0x7c: {  	_ =	shalt  }
0x7d: {  	_ =	shalt  }
0x7e: {  	_ =	shalt  }
0x7f: {  	_ =	shalt  }
0x80: {  	_ =	shalt  }
0x81: {  	_ =	shalt  }
0x82: {  	_ =	shalt  }
0x83: {  	_ =	shalt  }
0x84: {  	_ =	shalt  }
0x85: {  	_ =	shalt  }
0x86: {  	_ =	shalt  }
0x87: {  	_ =	shalt  }
.Lfunc_end0:
.L_simem_size_0:
called_computation_lowered:
.L_overlay_start_0:
0x88: {  	s2 =	sld [smem:$0x3FD9]  }
0x89: {  	s3 =	sld [smem:$0x3FFE];
	_ =	sdelay $0x1  }
0x8a: {  	s1 =	srdreg.scid  }
0x8b: {  	s0 =	sand.u32 $0x1, s1  }
0x8c: {  	s16 =	sshll.u32 s0, $0xA;
	s2 =	sadd.s32 s3, s2  }
0x8d: {  	s2 =	sadd.s32 s2, s16  }
0x8e: {  	[smem:$0x3FB3] =	sst s2  }
0x8f: {  	_ = 	snop  }
0x90: {  	(tm) =	ssettm $0x1  }
0x91: {  	s17 =	sld [smem:$0x3FFB];
	_ =	sdelay $0x3  }
0x92: {  	_ =	strace s17  }
0x93: {  	s2 =	sld [smem:$0x3FFC];
	_ =	sdelay $0x3  }
0x94: {  	_ =	strace s2  }
0x95: {  	s2 =	sld [smem:$0x3FFD];
	_ =	sdelay $0x3  }
0x96: {  	_ =	strace s2  }
0x97: {  	_ =	strace $0x8FFFFFFF  }
0x98: {  	s18 =	sld [smem:$0x3FDB];
	_ =	sdelay $0x1  }
0x99: {  	s19 =	simm.s32 $_scs_section_size  }
0x9a: {  	s4 =	simm.s32 $_size__tile_overlayer_lowered;
	s5 =	simm.s32 $_tile_overlayer_lowered  }
0x9b: {  	s22 =	simm.s32 $0x1BFF;
	s21 =	sshll.u32 s5, $0x1;
	s2 =	sadd.s32 s19, s18  }
0x9c: {  	s6 =	simm.s32 $0x0;
	s20 =	sshll.u32 s4, $0x1;
	s4 =	sadd.s32 s21, s2  }
0x9d: {  	[timem:s6], [sflag:s22] =	dma.local [hbm:s4], s20  }
0x9e: {  	_ =	swait.ge [sflag:s22], s20  }
0x9f: {  	s3 =	ssub.s32 $0x0, s20;
	[sflag:s22] =	ssyncset.done $0x0  }
0xa0: {  	[sflag:s22] =	ssyncadd.s32 s3;
	_ =	sdelay $0x1  }
0xa1: {  	s23 =	simm.s32 $0x1B8B  }
0xa2: {  	_ =	swait.ge [sflag:s23], $0x1  }
0xa3: {  	[sflag:s23] =	ssyncset.done $0x0  }
0xa4: {  	s25 =	simm.s32 $0x1B8E;
	s24 =	sld [smem:$0x3FFE];
	[sflag:s23] =	ssyncadd.s32 $0xFFFFFFFF  }
0xa5: {  	s26 =	simm.s32 $execute0_lowered;
	[smem:$0x3FD2] =	sst s25  }
0xa6: {  	s4 =	sshll.u32 s26, $0x1;
	_ =	strace $0x80000046;
	[dreg:$0x1] =	wrdreg $0xFFFFFFFF  }
0xa7: {  	s28 =	simm.s32 $_size_execute0_lowered;
	s2 =	sadd.s32 s2, s4;
	[dreg:$0x0] =	wrdreg $0x0  }
0xa8: {  	s4 =	sshll.u32 s28, $0x1;
	[dreg:$0x2] =	wrdreg s2  }
0xa9: {  	[dreg:$0x3] =	wrdreg s4  }
0xaa: {  	[dreg:$0x4] =	wrdreg $0xC0  }
0xab: {  	_ =	task [dreg:s6], $0x5FFFF  }
0xac: {  	[dreg:$0x1] =	wrdreg $0xFFFFFFFF  }
0xad: {  	[dreg:$0x0] =	wrdreg $0x60  }
0xae: {  	[dreg:$0x2] =	wrdreg s24  }
0xaf: {  	[dreg:$0x3] =	wrdreg $0x9  }
0xb0: {  	_ =	task.clear_ibuf [dreg:s6], $0x4FFFF;
	_ =	strace $0x90000046  }
0xb1: {  	s29 =	simm.s32 $0x9;
	_ =	strace $0x80000048  }
0xb2: {  	_ =	swait.ge [sflag:s29], $0x1  }
0xb3: {  	[sflag:s29] =	ssyncadd.s32 $0xFFFFFFFF  }
0xb4: {  	_ =	strace $0x90000048  }
0xb5: {  	_ =	sfence  }
0xb6: {  	s30 =	sld [smem:$0x0];
	_ =	sdelay $0x2  }
0xb7: {  	s31 =	sshll.u32 s1, $0xD;
	s1 =	sshrl.u32 s1, $0x2  }
0xb8: {  	s3 =	sand.u32 $0x4000, s31;
	s1 =	sadd.s32 s1, s30  }
0xb9: {  	s0 =	sor.u32 s3, s0;
	s1 =	sshll.u32 s1, $0x11  }
0xba: {  	s0 =	sor.u32 s1, s0  }
0xbb: {  	s0 =	sadd.s32 $0x8F2B, s0  }
0xbc: {  	[sflag:s0] =	ssyncadd.remote.s32 $0x1  }
0xbd: {  	_ =	sfence.sel $0xFFFF  }
0xbe: {  	[dreg:$0x0] =	wrdreg $0xFFFFFFFF;
	(pc) =	sbr.abs _section_cstart, $3  }
0xbf: {  	[dreg:$0x1] =	wrdreg $0xFFFFFFFF  }
0xc0: {  	_ =	task.clear_ibuf [dreg:s6], $0x2FFFF;
	_ =	strace $0x9FFFFFFF  }
0xc1: {  	(tm) =	ssettm $0x7FFFFFFF  }
tec
execute0_lowered:
.L_overlay_start_1:
0x0: {  	(tag) =	ssettag $0x1  }
0x1: {  	s0 =	srdreg.scid  }
0x2: {  	s10 =	stileid.u32;
	s8 =	rddreg [dreg:$0x0];
	s2 =	simm.s32 $0x0  }
0x3: {  	s11 =	simm.s32 $0x11;
	s12 =	simm.s32 $0x400;
	s13 =	simm.s32 $0x28  }
0x4: {  	s14 =	simm.s32 $0x800;
	s15 =	simm.s32 $0x5800;
	s19 =	simm.s32 $0x3000  }
0x5: {  	s20 =	simm.s32 $0x8000;
	s21 =	simm.s32 $0x1;
	s22 =	simm.s32 $0x5  }
0x6: {  	s23 =	simm.s32 $0xC;
	s24 =	simm.s32 $0x10;
	s25 =	simm.s32 $0x9  }
0x7: {  	s26 =	simm.s32 $0xD;
	s0 =	sand.u32 $0x1, s0;
	s1 =	sshll.u32 s10, $0x1  }
0x8: {  	s28 =	simm.s32 $0x0;
	[smem:$0x7FF] =	sst s2;
	s1 =	sor.u32 s0, s1  }
0x9: {  	s4 =	sadd.s32 $0x18A00, s8;
	s6 =	ssub.s32 $0x2, s0;
	s3 =	smul.u32 $0x3E8, s1  }
0xa: {  	s5 =	sadd.s32 $0x3FC00, s8;
	s10 =	smul.u32 $0xFA00, s10;
	s7 =	sshrl.u32 s6, $0x1  }
.Ltmp0:
0xb: {  	s9 =	ssub.s32 s6, s7;
	s1 =	sshrl.u32 s3, $0x3;
	(pc) =	sbr.rel .LBB2_1-.Ltmp0, $4  }
0xc: {  	_ =	strace $0x80000047;
	s30 =	smax.u32 s9, $0x1;
	s1 =	sadd.s32 s1, s8  }
0xd: {  	s0 =	smul.u32 $0x7D00, s0;
	[dreg:$0x4] =	wrdreg s30;
	s29 =	sadd.s32 $0xEC00, s1  }
0xe: {  	s31 =	sadd.s32 s10, s5;
	s1 =	sadd.s32 $0x4E00, s1;
	[dreg:$0x2] =	wrdreg s29  }
0xf: {  	s10 =	sadd.s32 s0, s31;
	s8 =	sadd.s32 $0x3FC80, s8;
	[dreg:$0x3] =	wrdreg s1  }
.LBB2_5:
0x10: {  	_ =	swait.ge [sflag:s23], $0x1400  }
0x11: {  	[sflag:s23] =	ssyncset.done $0x0  }
0x12: {  	[sflag:s23] =	ssyncadd.s32 $0xFFFFEC00  }
0x13: {  	_ =	swait.ge [sflag:s24], $0x1400  }
0x14: {  	[sflag:s24] =	ssyncset.done $0x0  }
0x15: {  	[sflag:s24] =	ssyncadd.s32 $0xFFFFEC00  }
0x16: {  	_ =	swait.ge [sflag:s25], $0x1400  }
0x17: {  	[sflag:s25] =	ssyncset.done $0x0  }
0x18: {  	[sflag:s25] =	ssyncadd.s32 $0xFFFFEC00  }
0x19: {  	_ =	swait.ge [sflag:s26], $0x1400  }
0x1a: {  	s28 =	sadd.s32 $0x1, s28;
	s0 =	rddreg [dreg:$0x4]  }
0x1b: {  	p0 =	sne.s32 s28, s0  }
.Ltmp1:
0x1c: {  	_ = 	snop;
	(pc) =	sbr.rel @!p0 .LBB2_6-.Ltmp1, $3  }
0x1d: {  	_ =	sdelay $0x1  }
0x1e: {  	[sflag:s26] =	ssyncset.done $0x0  }
0x1f: {  	[sflag:s26] =	ssyncadd.s32 $0xFFFFEC00  }
.LBB2_1:
0x20: {  	s0 =	rddreg [dreg:$0x2]  }
0x21: {  	[tilespmem:s2], [sflag:$0x11] =	stream.linear.gather [hbm4b:s0+s2], $0x3E8, $0x38;
	[tilespmem:$0xA800] =	vst v63  }
0x22: {  	_ =	swait.ge [sflag:s11], $0x3E8  }
0x23: {  	[sflag:s11] =	ssyncset.done $0x0  }
0x24: {  	s16 =	rddreg [dreg:$0x3];
	[sflag:s11] =	ssyncadd.s32 $0xFFFFFC18  }
0x25: {  	[tilespmem:s12], [sflag:$0x11] =	stream.linear.gather [hbm4b:s16+s2], $0x3E8, $0x38;
	[tilespmem:$0xA800] =	vst v63  }
0x26: {  	_ =	swait.ge [sflag:s11], $0x3E8  }
0x27: {  	[sflag:s11] =	ssyncset.done $0x0  }
0x28: {  	[sflag:s11] =	ssyncadd.s32 $0xFFFFFC18  }
0x29: {  	[tilespmem:s14], [sflag:$0x1] =	stream.indirect.gather [hbm4b:s4+s13], $0x80, s2, s13, $0xb8;
	[tilespmem:$0xA800] =	vst v63  }
0x2a: {  	_ = 	snop  }
0x2b: {  	[tilespmem:s15], [sflag:$0x5] =	stream.indirect.gather [hbm4b:s4+s13], $0x80, s12, s13, $0xb8;
	[tilespmem:$0xA800] =	vst v63  }
.Ltmp2:
0x2c: {  	s17 =	simm.s32 $0x1C00;
	s18 =	simm.s32 $0x428;
	(pc) =	sbr.rel .LBB2_2-.Ltmp2, $4  }
0x2d: {  	[tilespmem:s17], [sflag:$0x2] =	stream.indirect.gather [hbm4b:s4+s13], $0x80, s13, s13, $0xb8;
	[tilespmem:$0xA800] =	vst v63  }
0x2e: {  	s1 =	simm.s32 $0x6C00;
	s29 =	simm.s32 $0x78;
	s30 =	simm.s32 $0x3  }
0x2f: {  	[tilespmem:s1], [sflag:$0x6] =	stream.indirect.gather [hbm4b:s4+s13], $0x80, s18, s13, $0xb8;
	[tilespmem:$0xA800] =	vst v63  }
0x30: {  	s31 =	simm.s32 $0x0;
	s0 =	simm.s32 $0x0;
	s1 =	simm.s32 $0x0  }
.LBB2_4:
0x31: {  	_ =	swait.ge [sflag:s21], $0x1400  }
0x32: {  	[sflag:s21] =	ssyncset.done $0x0  }
0x33: {  	[sflag:s21] =	ssyncadd.s32 $0xFFFFEC00  }
0x34: {  	s18 =	sadd.s32 $0xFFFFFFFE, s30;
	_ =	swait.ge [sflag:s22], $0x1400  }
0x35: {  	p1 =	sgt.u32 s18, $0x18;
	[sflag:s22] =	ssyncset.done $0x0  }
0x36: {  	s17 =	sadd.s32 s1, s10;
	p2 =	seq.s32 @!p1 s1, $0x0;
	[sflag:s22] =	ssyncadd.s32 $0xFFFFEC00  }
0x37: {  	[hbm4b:s17+s12] =	stream.strided.scatter [tilespmem:s14], [sflag:$0x9], $0x1400, s14, s12, $0x38;
	[tilespmem:$0xA800] =	vst v63  }
0x38: {  	p3 =	por p2, p1;
	s17 =	sadd.s32 $0x80, s17  }
0x39: {  	[hbm4b:s17+s12] =	stream.strided.scatter [tilespmem:s15], [sflag:$0xD], $0x1400, s14, s12, $0x38;
	[tilespmem:$0xA800] =	vst v63  }
0x3a: {  	s17 =	simm.s32 @!p3 $0xC  }
0x3b: {  	_ =	swait.ge @!p3 [sflag:s17], $0x1400  }
0x3c: {  	[sflag:s17] =	ssyncset.done @!p3 $0x0  }
0x3d: {  	[sflag:s17] =	ssyncadd.s32 @!p3 $0xFFFFEC00;
	s17 =	simm.s32 @!p3 $0x10  }
0x3e: {  	_ =	swait.ge @!p3 [sflag:s17], $0x1400  }
0x3f: {  	[sflag:s17] =	ssyncset.done @!p3 $0x0  }
0x40: {  	p2 =	por !p2, p1;
	[sflag:s17] =	ssyncadd.s32 @!p3 $0xFFFFEC00;
	s17 =	smov.u32 s29  }
0x41: {  	s18 =	simm.s32 @!p1 $0x28;
	s6 =	simm.s32 @!p1 $0x4400;
	s17 =	simm.s32 @!p2 $0x78  }
0x42: {  	[tilespmem:s6], [sflag:$0x4] =	stream.indirect.gather @!p1 [hbm4b:s4+s18], $0x80, s17, s18, $0xb8;
	[tilespmem:$0xA800] =	vst v63  }
0x43: {  	s6 =	sadd.s32 @!p1 $0x400, s17;
	s17 =	simm.s32 @!p1 $0x9400  }
0x44: {  	[tilespmem:s17], [sflag:$0x8] =	stream.indirect.gather @!p1 [hbm4b:s4+s18], $0x80, s6, s18, $0xb8;
	[tilespmem:$0xA800] =	vst v63  }
0x45: {  	s6 =	simm.s32 @!p1 $0x2  }
0x46: {  	_ =	swait.ge @!p1 [sflag:s6], $0x1400  }
0x47: {  	[sflag:s6] =	ssyncset.done @!p1 $0x0  }
0x48: {  	[sflag:s6] =	ssyncadd.s32 @!p1 $0xFFFFEC00;
	s6 =	simm.s32 @!p1 $0x6  }
0x49: {  	s7 =	simm.s32 @!p1 $0x800;
	_ =	swait.ge @!p1 [sflag:s6], $0x1400  }
0x4a: {  	s9 =	simm.s32 @!p1 $0x1C00;
	s17 =	sadd.s32 @!p1 s1, s10;
	[sflag:s6] =	ssyncset.done @!p1 $0x0  }
0x4b: {  	s18 =	simm.s32 @!p1 $0x400;
	[sflag:s6] =	ssyncadd.s32 @!p1 $0xFFFFEC00;
	s6 =	sadd.s32 @!p1 $0x500, s17  }
0x4c: {  	[hbm4b:s6+s18] =	stream.strided.scatter @!p1 [tilespmem:s9], [sflag:$0xA], $0x1400, s7, s18, $0x38;
	[tilespmem:$0xA800] =	vst v63  }
0x4d: {  	s6 =	sadd.s32 @!p1 $0x580, s17;
	s9 =	simm.s32 @!p1 $0x6C00  }
0x4e: {  	[hbm4b:s6+s18] =	stream.strided.scatter @!p1 [tilespmem:s9], [sflag:$0xE], $0x1400, s7, s18, $0x38;
	[tilespmem:$0xA800] =	vst v63  }
0x4f: {  	s6 =	simm.s32 @p0 $0x9  }
0x50: {  	_ =	swait.ge @p0 [sflag:s6], $0x1400  }
0x51: {  	[sflag:s6] =	ssyncset.done @p0 $0x0  }
0x52: {  	[sflag:s6] =	ssyncadd.s32 @p0 $0xFFFFEC00;
	s6 =	simm.s32 @p0 $0xD  }
0x53: {  	p1 =	seq.s32 @p0 s1, $0x7800;
	_ =	swait.ge @p0 [sflag:s6], $0x1400  }
0x54: {  	p1 =	por p1, !p0;
	[sflag:s6] =	ssyncset.done @p0 $0x0  }
0x55: {  	[sflag:s6] =	ssyncadd.s32 @p0 $0xFFFFEC00;
	s6 =	sshra.s32 @!p1 s31, $0x2  }
0x56: {  	s9 =	simm.s32 @!p1 $0x28;
	s17 =	simm.s32 @!p1 $0x800;
	s7 =	sadd.s32 @!p1 $0xA0, s6  }
0x57: {  	[tilespmem:s17], [sflag:$0x1] =	stream.indirect.gather @!p1 [hbm4b:s4+s9], $0x80, s7, s9, $0xb8;
	[tilespmem:$0xA800] =	vst v63  }
0x58: {  	s6 =	sadd.s32 @!p1 $0x4A0, s6;
	s7 =	simm.s32 @!p1 $0x5800  }
0x59: {  	[tilespmem:s7], [sflag:$0x5] =	stream.indirect.gather @!p1 [hbm4b:s4+s9], $0x80, s6, s9, $0xb8;
	[tilespmem:$0xA800] =	vst v63  }
0x5a: {  	s6 =	simm.s32 @p0 $0x3  }
0x5b: {  	_ =	swait.ge @p0 [sflag:s6], $0x1400  }
0x5c: {  	s7 =	smul.u32 @p0 $0x28, s16;
	[sflag:s6] =	ssyncset.done @p0 $0x0  }
0x5d: {  	[sflag:s6] =	ssyncadd.s32 @p0 $0xFFFFEC00;
	s6 =	simm.s32 @p0 $0x7  }
0x5e: {  	s17 =	simm.s32 @p0 $0x3000;
	s7 =	sadd.s32 @p0 s3, s7;
	_ =	swait.ge @p0 [sflag:s6], $0x1400  }
0x5f: {  	s9 =	simm.s32 @p0 $0x400;
	s7 =	sshll.u32 @p0 s7, $0x5;
	[sflag:s6] =	ssyncset.done @p0 $0x0  }
0x60: {  	s16 =	simm.s32 @p0 $0x800;
	[sflag:s6] =	ssyncadd.s32 @p0 $0xFFFFEC00;
	s6 =	sadd.s32 @p0 s5, s7  }
0x61: {  	[hbm4b:s6+s9] =	stream.strided.scatter @p0 [tilespmem:s17], [sflag:$0xB], $0x1400, s16, s9, $0x38;
	[tilespmem:$0xA800] =	vst v63  }
0x62: {  	s6 =	sadd.s32 @p0 s7, s8;
	s7 =	simm.s32 @p0 $0x8000  }
0x63: {  	[hbm4b:s6+s9] =	stream.strided.scatter @p0 [tilespmem:s7], [sflag:$0xF], $0x1400, s16, s9, $0x38;
	[tilespmem:$0xA800] =	vst v63  }
0x64: {  	p0 =	sgt.u32 s30, $0x18  }
0x65: {  	s6 =	simm.s32 @!p0 $0xA  }
0x66: {  	_ =	swait.ge @!p0 [sflag:s6], $0x1400  }
0x67: {  	[sflag:s6] =	ssyncset.done @!p0 $0x0  }
0x68: {  	[sflag:s6] =	ssyncadd.s32 @!p0 $0xFFFFEC00;
	s6 =	simm.s32 @!p0 $0xE  }
0x69: {  	p1 =	sgt.u32 @!p0 s0, $0x4;
	_ =	swait.ge @!p0 [sflag:s6], $0x1400  }
0x6a: {  	p1 =	por p1, p0;
	[sflag:s6] =	ssyncset.done @!p0 $0x0  }
0x6b: {  	[sflag:s6] =	ssyncadd.s32 @!p0 $0xFFFFEC00;
	s6 =	sshra.s32 @!p1 s31, $0x2  }
0x6c: {  	s9 =	simm.s32 @!p1 $0x28;
	s16 =	simm.s32 @!p1 $0x1C00;
	s7 =	sadd.s32 @!p1 $0xC8, s6  }
0x6d: {  	[tilespmem:s16], [sflag:$0x2] =	stream.indirect.gather @!p1 [hbm4b:s4+s9], $0x80, s7, s9, $0xb8;
	[tilespmem:$0xA800] =	vst v63  }
0x6e: {  	s6 =	sadd.s32 @!p1 $0x4C8, s6;
	s7 =	simm.s32 @!p1 $0x6C00  }
0x6f: {  	[tilespmem:s7], [sflag:$0x6] =	stream.indirect.gather @!p1 [hbm4b:s4+s9], $0x80, s6, s9, $0xb8;
	[tilespmem:$0xA800] =	vst v63  }
0x70: {  	s6 =	simm.s32 @!p0 $0x4  }
0x71: {  	_ =	swait.ge @!p0 [sflag:s6], $0x1400  }
0x72: {  	[sflag:s6] =	ssyncset.done @!p0 $0x0  }
0x73: {  	[sflag:s6] =	ssyncadd.s32 @!p0 $0xFFFFEC00;
	s6 =	simm.s32 @!p0 $0x8  }
0x74: {  	s17 =	simm.s32 @!p0 $0x4400;
	_ =	swait.ge @!p0 [sflag:s6], $0x1400  }
0x75: {  	s16 =	simm.s32 @!p0 $0x800;
	s7 =	sadd.s32 @!p0 s1, s10;
	[sflag:s6] =	ssyncset.done @!p0 $0x0  }
0x76: {  	s9 =	simm.s32 @!p0 $0x400;
	[sflag:s6] =	ssyncadd.s32 @!p0 $0xFFFFEC00;
	s6 =	sadd.s32 @!p0 $0xF00, s7  }
0x77: {  	[hbm4b:s6+s9] =	stream.strided.scatter @!p0 [tilespmem:s17], [sflag:$0xC], $0x1400, s16, s9, $0x38;
	[tilespmem:$0xA800] =	vst v63  }
0x78: {  	s1 =	sadd.s32 $0x1400, s1;
	s6 =	sadd.s32 @!p0 $0xF80, s7;
	s7 =	simm.s32 @!p0 $0x9400  }
0x79: {  	[hbm4b:s6+s9] =	stream.strided.scatter @!p0 [tilespmem:s7], [sflag:$0x10], $0x1400, s16, s9, $0x38;
	[tilespmem:$0xA800] =	vst v63  }
0x7a: {  	p0 =	sne.s32 s1, $0x8C00  }
.Ltmp3:
0x7b: {  	_ = 	snop;
	(pc) =	sbr.rel @!p0 .LBB2_5-.Ltmp3, $3  }
0x7c: {  	_ =	sdelay $0x1  }
0x7d: {  	s29 =	sadd.s32 $0xA0, s29  }
0x7e: {  	s30 =	sadd.s32 $0x4, s30;
	s0 =	sadd.s32 $0x1, s0;
	s31 =	sadd.s32 $0x280, s31  }
.LBB2_2:
0x7f: {  	p1 =	seq.s32 s1, $0x0  }
0x80: {  	s16 =	simm.s32 @!p1 $0xB  }
0x81: {  	_ =	swait.ge @!p1 [sflag:s16], $0x1400  }
0x82: {  	[sflag:s16] =	ssyncset.done @!p1 $0x0  }
0x83: {  	[sflag:s16] =	ssyncadd.s32 @!p1 $0xFFFFEC00;
	s16 =	sadd.s32 @!p1 $0xFFFFFFFF, s30  }
0x84: {  	p0 =	sgt.u32 @!p1 s16, $0x18  }
0x85: {  	p2 =	por p1, !p0  }
.Ltmp4:
0x86: {  	_ = 	snop;
	(pc) =	sbr.rel @!p2 .LBB2_4-.Ltmp4, $4  }
0x87: {  	s17 =	simm.s32 @!p1 $0xF  }
0x88: {  	_ =	swait.ge @!p1 [sflag:s17], $0x1400  }
0x89: {  	[sflag:s17] =	ssyncset.done @!p1 $0x0  }
0x8a: {  	p0 =	por @!p1 $0x0, $0x0;
	[sflag:s17] =	ssyncadd.s32 @!p1 $0xFFFFEC00  }
0x8b: {  	s16 =	simm.s32 @p1 $0x2  }
0x8c: {  	s17 =	smul.u32 $0x28, s16  }
.Ltmp5:
0x8d: {  	_ = 	snop;
	(pc) =	sbr.rel .LBB2_4-.Ltmp5, $4  }
0x8e: {  	_ = 	snop  }
0x8f: {  	[tilespmem:s19], [sflag:$0x3] =	stream.indirect.gather [hbm4b:s4+s13], $0x80, s17, s13, $0xb8;
	[tilespmem:$0xA800] =	vst v63  }
0x90: {  	p0 =	por $0x1, $0x1;
	s17 =	sadd.s32 $0x400, s17  }
0x91: {  	[tilespmem:s20], [sflag:$0x7] =	stream.indirect.gather [hbm4b:s4+s13], $0x80, s17, s13, $0xb8;
	[tilespmem:$0xA800] =	vst v63  }
.LBB2_6:
0x92: {  	_ =	sfence.sel $0x180000  }
0x93: {  	[bflag:$0x0] =	sbarrier.arrive $0xFFFF  }
0x94: {  	_ =	strace $0x90000047  }
0x95: {  	s0 =	stileid.u32;
	[bflag:$0x2] =	sbarrier.arrive $0xFFFF  }
0x96: {  	p0 =	sne.s32 s0, $0x0;
	s0 =	rddreg [dreg:$0x1]  }
0x97: {  	s0 =	sadd.s32 @!p0 $0x100000, s0  }
0x98: {  	[sflag:s0] =	ssyncadd.tile.s32 @!p0 $0x1;
	_ =	shalt  }
.Lfunc_end2:
_tile_overlayer_lowered:
.L_overlay_start_2:
0x99: {  	(tag) =	ssettag $0x2  }
0x9a: {  	s0 =	rddreg [dreg:$0x0];
	s2 =	stileid.u32  }
0x9b: {  	s1 =	rddreg [dreg:$0x1];
	p0 =	sne.s32 s2, $0x0  }
0x9c: {  	s3 =	rddreg [dreg:$0x2];
	[bflag:$0x3] =	sbarrier.arrive $0xFFFF;
	s2 =	simm.s32 @!p0 $0x1C11  }
0x9d: {  	[timem:s3], [sflag:s2] =	dma.local @!p0 [hbm:s0], s1  }
0x9e: {  	s0 =	simm.s32 @!p0 $0x11  }
0x9f: {  	_ =	swait.ge @!p0 [sflag:s0], s1  }
0xa0: {  	s1 =	ssub.s32 @!p0 $0x0, s1;
	[sflag:s0] =	ssyncset.done @!p0 $0x0  }
0xa1: {  	[sflag:s0] =	ssyncadd.s32 @!p0 s1  }
0xa2: {  	[bflag:$0x3] =	sbarrier.arrive $0xFFFF  }
0xa3: {  	_ =	shalt  }

// kernel: kernel.17.cloned.1.call-start
scs
__scs_entry_jumppad:
0x0: {  	(pc) =	sbr.rel $0x88, $3  }
0x1: {  	(tag) =	ssettag $0x0;
	lr =	simm.s32 $0x1  }
0x2: {  	[smem:$0x3F8C] =	sst lr;
	_ =	strace $0xD0000000  }
0x3: {  	_ = 	snop  }
0x4: {  	_ = 	snop  }
0x5: {  	_ = 	snop  }
0x6: {  	_ = 	snop  }
0x7: {  	_ = 	snop  }
__scs_overlays_trampoline_lowered:
0x8: {  	[smem:$0x3F9B] =	sst s0  }
0x9: {  	[smem:$0x3F9C] =	sst s1  }
0xa: {  	[smem:$0x3F9D] =	sst s2  }
0xb: {  	[smem:$0x3F9E] =	sst s3  }
0xc: {  	[smem:$0x3F9F] =	sst s4  }
0xd: {  	[smem:$0x3FA0] =	sst s5  }
0xe: {  	[smem:$0x3FA1] =	sst s6  }
0xf: {  	[smem:$0x3FA2] =	sst s7  }
0x10: {  	[smem:$0x3FA3] =	sst s8  }
0x11: {  	[smem:$0x3FA4] =	sst s9;
	s0 =	simm.s32 @!p0 $0x0  }
0x12: {  	s1 =	sld [smem:$0x3F8A];
	s0 =	simm.s32 @p0 $0x1  }
0x13: {  	[smem:$0x3FA5] =	sst s0;
	s0 =	simm.s32 @!p1 $0x0  }
0x14: {  	s2 =	sld [smem:$0x3F89];
	s0 =	simm.s32 @p1 $0x1  }
0x15: {  	[smem:$0x3FA6] =	sst s0;
	s0 =	simm.s32 @!p2 $0x0  }
0x16: {  	s3 =	sld [smem:$0x3FDB];
	s0 =	simm.s32 @p2 $0x1  }
0x17: {  	s4 =	simm.s32 $0x1BF5;
	[smem:$0x3FA8] =	sst s0  }
0x18: {  	s0 =	sld [smem:$0x3F8B];
	_ =	swait.ge [sflag:s4], $0x0  }
0x19: {  	s7 =	sld [smem:$0x3F8C]  }
0x1a: {  	s8 =	sadd.s32 $0xFFFFE003, lr  }
0x1b: {  	s9 =	sadd.s32 $0xFFFFFEF7, lr;
	s5 =	simm.s32 $0xFFFFFFFF;
	p2 =	slt.u32 s8, $0xFFFFF086  }
0x1c: {  	p1 =	slt.u32 s9, $0xF7A;
	s5 =	simm.s32 @!p2 $0x0  }
0x1d: {  	s5 =	simm.s32 @p1 $0x1;
	p0 =	seq.s32 s7, s2  }
0x1e: {  	s7 =	smul.u32 @!p0 $0xF7A, s2;
	p2 =	seq.s32 @!p0 s5, $0x0  }
0x1f: {  	s9 =	smul.u32 $0xF7A, s1;
	s8 =	simm.s32 @!p0 $0x1BF5;
	p2 =	por !p2, p0  }
0x20: {  	[sflag:s8] =	ssyncset.s32 @!p0 $0xFFFFF086;
	s6 =	sadd.s32 @!p0 s3, s7;
	s7 =	simm.s32 @!p0 $0x108  }
0x21: {  	s3 =	sadd.s32 s3, s9;
	s6 =	sadd.s32 @!p0 $0x88, s6;
	s7 =	simm.s32 @p2 $0x1082  }
0x22: {  	[simem:s7], [sflag:s8] =	dma.local @!p0 [hbm:s6], $0xF7A  }
0x23: {  	s9 =	sor.u32 $0xD0000000, s2;
	s6 =	simm.s32 $0x108;
	_ =	swait.ge @!p0 [sflag:s8], $0x0  }
0x24: {  	s3 =	sadd.s32 $0x88, s3;
	s6 =	simm.s32 @!p1 $0x1082;
	[sflag:s4] =	ssyncset.s32 $0xFFFFF086  }
0x25: {  	[simem:s6], [sflag:s4] =	dma.local [hbm:s3], $0xF7A  }
0x26: {  	[smem:$0x3F8C] =	sst s1;
	(tag) =	ssettag s2;
	_ =	strace s9  }
0x27: {  	s1 =	sld [smem:$0x3F9C]  }
0x28: {  	s2 =	sld [smem:$0x3F9D]  }
0x29: {  	s4 =	sld [smem:$0x3F9F]  }
0x2a: {  	p0 =	seq.s32 s5, $0x0;
	s5 =	sld [smem:$0x3FA0]  }
0x2b: {  	s6 =	sld [smem:$0x3FA1]  }
0x2c: {  	s7 =	sld [smem:$0x3FA2]  }
0x2d: {  	s3 =	simm.s32 $0x108;
	s8 =	sld [smem:$0x3FA3]  }
0x2e: {  	s3 =	simm.s32 @!p0 $0x1082;
	s9 =	sld [smem:$0x3FA4]  }
0x2f: {  	lr =	sadd.s32 s0, s3;
	s0 =	sld [smem:$0x3F9B]  }
0x30: {  	s3 =	sld [smem:$0x3F9E]  }
0x31: {  	[smem:$0x3FA7] =	sst s10  }
0x32: {  	s10 =	sld [smem:$0x3FA5];
	_ =	sdelay $0x3  }
0x33: {  	p0 =	seq.s32 s10, $0x1;
	s10 =	sld [smem:$0x3FA7];
	_ =	sdelay $0x3  }
0x34: {  	[smem:$0x3FA7] =	sst s10  }
0x35: {  	s10 =	sld [smem:$0x3FA6];
	_ =	sdelay $0x3  }
0x36: {  	p1 =	seq.s32 s10, $0x1;
	s10 =	sld [smem:$0x3FA7];
	_ =	sdelay $0x3  }
0x37: {  	[smem:$0x3FA7] =	sst s10  }
0x38: {  	s10 =	sld [smem:$0x3FA8]  }
0x39: {  	_ = 	snop;
	(pc) =	sbr.ind lr, $3  }
0x3a: {  	_ = 	snop  }
0x3b: {  	_ = 	snop  }
0x3c: {  	p2 =	seq.s32 s10, $0x1;
	s10 =	sld [smem:$0x3FA7]  }
0x3d: {  	_ =	shalt  }
0x3e: {  	_ =	shalt  }
0x3f: {  	_ =	shalt  }
0x40: {  	_ =	shalt  }
0x41: {  	_ =	shalt  }
0x42: {  	_ =	shalt  }
0x43: {  	_ =	shalt  }
0x44: {  	_ =	shalt  }
0x45: {  	_ =	shalt  }
0x46: {  	_ =	shalt  }
0x47: {  	_ =	shalt  }
0x48: {  	_ =	shalt  }
0x49: {  	_ =	shalt  }
0x4a: {  	_ =	shalt  }
0x4b: {  	_ =	shalt  }
0x4c: {  	_ =	shalt  }
0x4d: {  	_ =	shalt  }
0x4e: {  	_ =	shalt  }
0x4f: {  	_ =	shalt  }
0x50: {  	_ =	shalt  }
0x51: {  	_ =	shalt  }
0x52: {  	_ =	shalt  }
0x53: {  	_ =	shalt  }
0x54: {  	_ =	shalt  }
0x55: {  	_ =	shalt  }
0x56: {  	_ =	shalt  }
0x57: {  	_ =	shalt  }
0x58: {  	_ =	shalt  }
0x59: {  	_ =	shalt  }
0x5a: {  	_ =	shalt  }
0x5b: {  	_ =	shalt  }
0x5c: {  	_ =	shalt  }
0x5d: {  	_ =	shalt  }
0x5e: {  	_ =	shalt  }
0x5f: {  	_ =	shalt  }
0x60: {  	_ =	shalt  }
0x61: {  	_ =	shalt  }
0x62: {  	_ =	shalt  }
0x63: {  	_ =	shalt  }
0x64: {  	_ =	shalt  }
0x65: {  	_ =	shalt  }
0x66: {  	_ =	shalt  }
0x67: {  	_ =	shalt  }
0x68: {  	_ =	shalt  }
0x69: {  	_ =	shalt  }
0x6a: {  	_ =	shalt  }
0x6b: {  	_ =	shalt  }
0x6c: {  	_ =	shalt  }
0x6d: {  	_ =	shalt  }
0x6e: {  	_ =	shalt  }
0x6f: {  	_ =	shalt  }
0x70: {  	_ =	shalt  }
0x71: {  	_ =	shalt  }
0x72: {  	_ =	shalt  }
0x73: {  	_ =	shalt  }
0x74: {  	_ =	shalt  }
0x75: {  	_ =	shalt  }
0x76: {  	_ =	shalt  }
0x77: {  	_ =	shalt  }
0x78: {  	_ =	shalt  }
0x79: {  	_ =	shalt  }
0x7a: {  	_ =	shalt  }
0x7b: {  	_ =	shalt  }
0x7c: {  	_ =	shalt  }
0x7d: {  	_ =	shalt  }
0x7e: {  	_ =	shalt  }
0x7f: {  	_ =	shalt  }
0x80: {  	_ =	shalt  }
0x81: {  	_ =	shalt  }
0x82: {  	_ =	shalt  }
0x83: {  	_ =	shalt  }
0x84: {  	_ =	shalt  }
0x85: {  	_ =	shalt  }
0x86: {  	_ =	shalt  }
0x87: {  	_ =	shalt  }
.Lfunc_end0:
.L_simem_size_0:
called_computation.1_lowered:
.L_overlay_start_0:
0x88: {  	s2 =	sld [smem:$0x3FD9]  }
0x89: {  	s3 =	sld [smem:$0x3FFE];
	_ =	sdelay $0x1  }
0x8a: {  	s1 =	srdreg.scid  }
0x8b: {  	s0 =	sand.u32 $0x1, s1  }
0x8c: {  	s17 =	sshll.u32 s0, $0xA;
	s2 =	sadd.s32 s3, s2  }
0x8d: {  	s2 =	sadd.s32 s2, s17  }
0x8e: {  	[smem:$0x3FB3] =	sst s2  }
0x8f: {  	_ = 	snop  }
0x90: {  	(tm) =	ssettm $0x1  }
0x91: {  	s18 =	sld [smem:$0x3FFB];
	_ =	sdelay $0x3  }
0x92: {  	_ =	strace s18  }
0x93: {  	s2 =	sld [smem:$0x3FFC];
	_ =	sdelay $0x3  }
0x94: {  	_ =	strace s2  }
0x95: {  	s2 =	sld [smem:$0x3FFD];
	_ =	sdelay $0x3  }
0x96: {  	_ =	strace s2  }
0x97: {  	_ =	strace $0x8FFFFFFF  }
0x98: {  	s19 =	sld [smem:$0x3FDB];
	_ =	sdelay $0x1  }
0x99: {  	s20 =	simm.s32 $_scs_section_size  }
0x9a: {  	s4 =	simm.s32 $_size__tile_overlayer_lowered;
	s5 =	simm.s32 $_tile_overlayer_lowered  }
0x9b: {  	s6 =	simm.s32 $0x1BFF;
	s21 =	sshll.u32 s5, $0x1;
	s3 =	sadd.s32 s20, s19  }
0x9c: {  	s22 =	simm.s32 $0x0;
	s4 =	sshll.u32 s4, $0x1;
	s5 =	sadd.s32 s21, s3  }
0x9d: {  	[timem:s22], [sflag:s6] =	dma.local [hbm:s5], s4  }
0x9e: {  	_ =	swait.ge [sflag:s6], s4  }
0x9f: {  	s4 =	ssub.s32 $0x0, s4;
	[sflag:s6] =	ssyncset.done $0x0  }
0xa0: {  	[sflag:s6] =	ssyncadd.s32 s4;
	_ =	sdelay $0x1  }
0xa1: {  	s23 =	simm.s32 $0x1B8B  }
0xa2: {  	_ =	swait.ge [sflag:s23], $0x1  }
0xa3: {  	[sflag:s23] =	ssyncset.done $0x0  }
0xa4: {  	[sflag:s23] =	ssyncadd.s32 $0xFFFFFFFF  }
0xa5: {  	s4 =	sld [smem:$0x0]  }
0xa6: {  	s5 =	sand.u32 $0xFFFFFFFE, s1  }
0xa7: {  	p0 =	sne.s32 s1, s5  }
0xa8: {  	s5 =	sshll.u32 @p0 s5, $0xE  }
0xa9: {  	s5 =	sadd.s32 @p0 $0x11B8D, s5;
	s6 =	sshll.u32 @p0 s4, $0x11  }
0xaa: {  	s5 =	sor.u32 @p0 s6, s5  }
0xab: {  	[sflag:s5] =	ssyncadd.remote.s32 @p0 $0x1;
	_ =	sdelay $0x1  }
0xac: {  	s5 =	simm.s32 @p0 $0x1B8D  }
0xad: {  	_ =	swait.eq @p0 [sflag:s5], $0x1  }
0xae: {  	[sflag:s5] =	ssyncadd.s32 @p0 $0xFFFFFFFF  }
0xaf: {  	s6 =	sshll.u32 @!p0 s1, $0xE  }
0xb0: {  	s6 =	sor.u32 @!p0 $0x4000, s6;
	s5 =	simm.s32 @!p0 $0x1B8D  }
0xb1: {  	s4 =	sshll.u32 @!p0 s4, $0x11;
	s6 =	sadd.s32 @!p0 $0x11B8D, s6;
	_ =	swait.eq @!p0 [sflag:s5], $0x1  }
0xb2: {  	s4 =	sor.u32 @!p0 s4, s6;
	[sflag:s5] =	ssyncadd.s32 @!p0 $0xFFFFFFFF  }
0xb3: {  	s25 =	simm.s32 $0x1B8E;
	s24 =	sld [smem:$0x3FFE];
	[sflag:s4] =	ssyncadd.remote.s32 @!p0 $0x1  }
0xb4: {  	s26 =	simm.s32 $execute0_lowered;
	[smem:$0x3FD2] =	sst s25  }
0xb5: {  	s5 =	sshll.u32 s26, $0x1;
	_ =	strace $0x80000049;
	[dreg:$0x1] =	wrdreg $0xFFFFFFFF  }
0xb6: {  	s28 =	simm.s32 $_size_execute0_lowered;
	s3 =	sadd.s32 s3, s5;
	[dreg:$0x0] =	wrdreg $0x0  }
0xb7: {  	s5 =	sshll.u32 s28, $0x1;
	[dreg:$0x2] =	wrdreg s3  }
0xb8: {  	[dreg:$0x3] =	wrdreg s5  }
0xb9: {  	[dreg:$0x4] =	wrdreg $0xC0  }
0xba: {  	_ =	task [dreg:s22], $0x5FFFF  }
0xbb: {  	[dreg:$0x1] =	wrdreg $0xFFFFFFFF  }
0xbc: {  	[dreg:$0x0] =	wrdreg $0x60  }
0xbd: {  	[dreg:$0x2] =	wrdreg s24  }
0xbe: {  	[dreg:$0x3] =	wrdreg $0xA  }
0xbf: {  	_ =	task.clear_ibuf [dreg:s22], $0x4FFFF;
	_ =	strace $0x90000049  }
0xc0: {  	s29 =	simm.s32 $0xA;
	_ =	strace $0x8000004B  }
0xc1: {  	_ =	swait.ge [sflag:s29], $0x1  }
0xc2: {  	[sflag:s29] =	ssyncadd.s32 $0xFFFFFFFF  }
0xc3: {  	_ =	strace $0x9000004B  }
0xc4: {  	_ =	sfence  }
0xc5: {  	s30 =	sld [smem:$0x0];
	_ =	sdelay $0x2  }
0xc6: {  	s31 =	sshll.u32 s1, $0xD;
	s1 =	sshrl.u32 s1, $0x2  }
0xc7: {  	s4 =	sand.u32 $0x4000, s31;
	s1 =	sadd.s32 s1, s30  }
0xc8: {  	s0 =	sor.u32 s4, s0;
	s1 =	sshll.u32 s1, $0x11  }
0xc9: {  	s0 =	sor.u32 s1, s0  }
0xca: {  	s0 =	sadd.s32 $0x8F2B, s0  }
0xcb: {  	[sflag:s0] =	ssyncadd.remote.s32 $0x1  }
0xcc: {  	_ =	sfence.sel $0xFFFF  }
0xcd: {  	[dreg:$0x0] =	wrdreg $0xFFFFFFFF;
	(pc) =	sbr.abs _section_cstart, $3  }
0xce: {  	[dreg:$0x1] =	wrdreg $0xFFFFFFFF  }
0xcf: {  	_ =	task.clear_ibuf [dreg:s22], $0x2FFFF;
	_ =	strace $0x9FFFFFFF  }
0xd0: {  	(tm) =	ssettm $0x7FFFFFFF  }
0xd1: {  	_ =	shalt  }
tec
execute0_lowered:
.L_overlay_start_1:
0x0: {  	(tag) =	ssettag $0x1  }
0x1: {  	s0 =	rddreg [dreg:$0x0];
	s1 =	srdreg.scid  }
0x2: {  	s2 =	stileid.u32;
	s4 =	simm.s32 $0x0;
	s12 =	simm.s32 $0x800  }
0x3: {  	s13 =	simm.s32 $0x50;
	s14 =	simm.s32 $0x1000;
	s15 =	simm.s32 $0xB000  }
0x4: {  	s19 =	simm.s32 $0x6000;
	s20 =	simm.s32 $0x10000;
	s21 =	simm.s32 $0x1  }
0x5: {  	s22 =	simm.s32 $0x5;
	s23 =	simm.s32 $0x400;
	s24 =	simm.s32 $0xC  }
0x6: {  	s28 =	simm.s32 $0xD;
	s29 =	simm.s32 $0x0;
	s1 =	sand.u32 $0x1, s1  }
0x7: {  	s3 =	sshll.u32 s2, $0x1;
	[smem:$0x7FF] =	sst s4;
	s4 =	sadd.s32 $0x18A00, s0  }
0x8: {  	s5 =	sadd.s32 $0x139C00, s0;
	s9 =	smul.u32 $0x1F400, s2;
	s3 =	sor.u32 s1, s3  }
0x9: {  	_ =	strace $0x8000004A;
	s6 =	ssub.s32 $0x2, s1;
	s3 =	smul.u32 $0x7D0, s3  }
0xa: {  	s1 =	smul.u32 $0xFA00, s1;
	s7 =	sshrl.u32 s6, $0x1;
	s11 =	sadd.s32 s9, s5  }
.Ltmp0:
0xb: {  	s10 =	ssub.s32 s6, s7;
	s8 =	sshrl.u32 s3, $0x3;
	(pc) =	sbr.rel .LBB2_1-.Ltmp0, $4  }
0xc: {  	s31 =	smax.u32 s10, $0x1;
	s10 =	sadd.s32 s1, s11;
	s25 =	sadd.s32 s0, s8  }
0xd: {  	s11 =	simm.s32 $0x11;
	[dreg:$0x4] =	wrdreg s31;
	s26 =	sadd.s32 $0xFBA0, s25  }
0xe: {  	s8 =	sadd.s32 $0x139C80, s0;
	s30 =	sadd.s32 $0x5DA0, s25;
	[dreg:$0x2] =	wrdreg s26  }
0xf: {  	s25 =	simm.s32 $0x10;
	[dreg:$0x3] =	wrdreg s30;
	s26 =	simm.s32 $0x9  }
.LBB2_5:
0x10: {  	_ =	swait.ge [sflag:s24], $0x2800  }
0x11: {  	[sflag:s24] =	ssyncset.done $0x0  }
0x12: {  	[sflag:s24] =	ssyncadd.s32 $0xFFFFD800  }
0x13: {  	_ =	swait.ge [sflag:s25], $0x2800  }
0x14: {  	[sflag:s25] =	ssyncset.done $0x0  }
0x15: {  	[sflag:s25] =	ssyncadd.s32 $0xFFFFD800  }
0x16: {  	_ =	swait.ge [sflag:s26], $0x2800  }
0x17: {  	[sflag:s26] =	ssyncset.done $0x0  }
0x18: {  	[sflag:s26] =	ssyncadd.s32 $0xFFFFD800  }
0x19: {  	_ =	swait.ge [sflag:s28], $0x2800  }
0x1a: {  	s29 =	sadd.s32 $0x1, s29;
	s0 =	rddreg [dreg:$0x4]  }
0x1b: {  	p0 =	sne.s32 s29, s0  }
.Ltmp1:
0x1c: {  	_ = 	snop;
	(pc) =	sbr.rel @!p0 .LBB2_6-.Ltmp1, $3  }
0x1d: {  	_ =	sdelay $0x1  }
0x1e: {  	[sflag:s28] =	ssyncset.done $0x0  }
0x1f: {  	[sflag:s28] =	ssyncadd.s32 $0xFFFFD800  }
.LBB2_1:
0x20: {  	s0 =	simm.s32 $0x0;
	s1 =	rddreg [dreg:$0x2]  }
0x21: {  	[tilespmem:s0], [sflag:$0x11] =	stream.linear.gather [hbm4b:s1+s0], $0x7D0, $0x38;
	[tilespmem:$0x15000] =	vst v63  }
0x22: {  	_ =	swait.ge [sflag:s11], $0x7D0  }
0x23: {  	[sflag:s11] =	ssyncset.done $0x0  }
0x24: {  	s9 =	rddreg [dreg:$0x3];
	[sflag:s11] =	ssyncadd.s32 $0xFFFFF830  }
0x25: {  	[tilespmem:s12], [sflag:$0x11] =	stream.linear.gather [hbm4b:s9+s0], $0x7D0, $0x38;
	[tilespmem:$0x15000] =	vst v63  }
0x26: {  	_ =	swait.ge [sflag:s11], $0x7D0  }
0x27: {  	[sflag:s11] =	ssyncset.done $0x0  }
0x28: {  	[sflag:s11] =	ssyncadd.s32 $0xFFFFF830  }
0x29: {  	[tilespmem:s14], [sflag:$0x1] =	stream.indirect.gather [hbm4b:s4+s13], $0x80, s0, s13, $0xb8;
	[tilespmem:$0x15000] =	vst v63  }
0x2a: {  	_ = 	snop  }
0x2b: {  	[tilespmem:s15], [sflag:$0x5] =	stream.indirect.gather [hbm4b:s4+s13], $0x80, s12, s13, $0xb8;
	[tilespmem:$0x15000] =	vst v63  }
.Ltmp2:
0x2c: {  	s16 =	simm.s32 $0x3800;
	s17 =	simm.s32 $0x850;
	(pc) =	sbr.rel .LBB2_2-.Ltmp2, $4  }
0x2d: {  	s18 =	simm.s32 $0xD800;
	s30 =	simm.s32 $0xF0;
	s31 =	simm.s32 $0x3  }
0x2e: {  	[tilespmem:s16], [sflag:$0x2] =	stream.indirect.gather [hbm4b:s4+s13], $0x80, s13, s13, $0xb8;
	[tilespmem:$0x15000] =	vst v63  }
0x2f: {  	s1 =	simm.s32 $0x0;
	s0 =	simm.s32 $0x0;
	s16 =	simm.s32 $0x0  }
0x30: {  	[tilespmem:s18], [sflag:$0x6] =	stream.indirect.gather [hbm4b:s4+s13], $0x80, s17, s13, $0xb8;
	[tilespmem:$0x15000] =	vst v63  }
.LBB2_4:
0x31: {  	_ =	swait.ge [sflag:s21], $0x2800  }
0x32: {  	[sflag:s21] =	ssyncset.done $0x0  }
0x33: {  	[sflag:s21] =	ssyncadd.s32 $0xFFFFD800  }
0x34: {  	s9 =	sadd.s32 $0xFFFFFFFE, s31;
	_ =	swait.ge [sflag:s22], $0x2800  }
0x35: {  	p1 =	sgt.u32 s9, $0x18;
	[sflag:s22] =	ssyncset.done $0x0  }
0x36: {  	s18 =	sadd.s32 s1, s10;
	p2 =	seq.s32 @!p1 s1, $0x0;
	[sflag:s22] =	ssyncadd.s32 $0xFFFFD800  }
0x37: {  	[hbm4b:s18+s23] =	stream.strided.scatter [tilespmem:s14], [sflag:$0x9], $0x2800, s12, s23, $0x38;
	[tilespmem:$0x15000] =	vst v63  }
0x38: {  	p3 =	por p2, p1;
	s18 =	sadd.s32 $0x80, s18  }
0x39: {  	[hbm4b:s18+s23] =	stream.strided.scatter [tilespmem:s15], [sflag:$0xD], $0x2800, s12, s23, $0x38;
	[tilespmem:$0x15000] =	vst v63  }
0x3a: {  	s18 =	simm.s32 @!p3 $0xC  }
0x3b: {  	_ =	swait.ge @!p3 [sflag:s18], $0x2800  }
0x3c: {  	[sflag:s18] =	ssyncset.done @!p3 $0x0  }
0x3d: {  	[sflag:s18] =	ssyncadd.s32 @!p3 $0xFFFFD800;
	s18 =	simm.s32 @!p3 $0x10  }
0x3e: {  	_ =	swait.ge @!p3 [sflag:s18], $0x2800  }
0x3f: {  	[sflag:s18] =	ssyncset.done @!p3 $0x0  }
0x40: {  	p2 =	por !p2, p1;
	[sflag:s18] =	ssyncadd.s32 @!p3 $0xFFFFD800;
	s18 =	smov.u32 s30  }
0x41: {  	s6 =	simm.s32 @!p1 $0x50;
	s7 =	simm.s32 @!p1 $0x8800;
	s18 =	simm.s32 @!p2 $0xF0  }
0x42: {  	[tilespmem:s7], [sflag:$0x4] =	stream.indirect.gather @!p1 [hbm4b:s4+s6], $0x80, s18, s6, $0xb8;
	[tilespmem:$0x15000] =	vst v63  }
0x43: {  	s7 =	sadd.s32 @!p1 $0x800, s18;
	s18 =	simm.s32 @!p1 $0x12800  }
0x44: {  	[tilespmem:s18], [sflag:$0x8] =	stream.indirect.gather @!p1 [hbm4b:s4+s6], $0x80, s7, s6, $0xb8;
	[tilespmem:$0x15000] =	vst v63  }
0x45: {  	s6 =	simm.s32 @!p1 $0x2  }
0x46: {  	_ =	swait.ge @!p1 [sflag:s6], $0x2800  }
0x47: {  	[sflag:s6] =	ssyncset.done @!p1 $0x0  }
0x48: {  	[sflag:s6] =	ssyncadd.s32 @!p1 $0xFFFFD800;
	s6 =	simm.s32 @!p1 $0x6  }
0x49: {  	s9 =	simm.s32 @!p1 $0x800;
	_ =	swait.ge @!p1 [sflag:s6], $0x2800  }
0x4a: {  	s2 =	simm.s32 @!p1 $0x3800;
	s7 =	sadd.s32 @!p1 s1, s10;
	[sflag:s6] =	ssyncset.done @!p1 $0x0  }
0x4b: {  	s18 =	simm.s32 @!p1 $0x400;
	[sflag:s6] =	ssyncadd.s32 @!p1 $0xFFFFD800;
	s6 =	sadd.s32 @!p1 $0xA00, s7  }
0x4c: {  	[hbm4b:s6+s18] =	stream.strided.scatter @!p1 [tilespmem:s2], [sflag:$0xA], $0x2800, s9, s18, $0x38;
	[tilespmem:$0x15000] =	vst v63  }
0x4d: {  	s2 =	sadd.s32 @!p1 $0xA80, s7;
	s6 =	simm.s32 @!p1 $0xD800  }
0x4e: {  	[hbm4b:s2+s18] =	stream.strided.scatter @!p1 [tilespmem:s6], [sflag:$0xE], $0x2800, s9, s18, $0x38;
	[tilespmem:$0x15000] =	vst v63  }
0x4f: {  	s2 =	simm.s32 @p0 $0x9  }
0x50: {  	_ =	swait.ge @p0 [sflag:s2], $0x2800  }
0x51: {  	[sflag:s2] =	ssyncset.done @p0 $0x0  }
0x52: {  	[sflag:s2] =	ssyncadd.s32 @p0 $0xFFFFD800;
	s2 =	simm.s32 @p0 $0xD  }
0x53: {  	p1 =	seq.s32 @p0 s1, $0xF000;
	_ =	swait.ge @p0 [sflag:s2], $0x2800  }
0x54: {  	p1 =	por p1, !p0;
	[sflag:s2] =	ssyncset.done @p0 $0x0  }
0x55: {  	[sflag:s2] =	ssyncadd.s32 @p0 $0xFFFFD800;
	s2 =	sshra.s32 @!p1 s0, $0x2  }
0x56: {  	s7 =	simm.s32 @!p1 $0x50;
	s9 =	simm.s32 @!p1 $0x1000;
	s6 =	sadd.s32 @!p1 $0x140, s2  }
0x57: {  	[tilespmem:s9], [sflag:$0x1] =	stream.indirect.gather @!p1 [hbm4b:s4+s7], $0x80, s6, s7, $0xb8;
	[tilespmem:$0x15000] =	vst v63  }
0x58: {  	s2 =	sadd.s32 @!p1 $0x940, s2;
	s6 =	simm.s32 @!p1 $0xB000  }
0x59: {  	[tilespmem:s6], [sflag:$0x5] =	stream.indirect.gather @!p1 [hbm4b:s4+s7], $0x80, s2, s7, $0xb8;
	[tilespmem:$0x15000] =	vst v63  }
0x5a: {  	s2 =	simm.s32 @p0 $0x3  }
0x5b: {  	_ =	swait.ge @p0 [sflag:s2], $0x2800  }
0x5c: {  	s6 =	smul.u32 @p0 $0x50, s17;
	[sflag:s2] =	ssyncset.done @p0 $0x0  }
0x5d: {  	[sflag:s2] =	ssyncadd.s32 @p0 $0xFFFFD800;
	s2 =	simm.s32 @p0 $0x7  }
0x5e: {  	s9 =	simm.s32 @p0 $0x800;
	s6 =	sadd.s32 @p0 s3, s6;
	_ =	swait.ge @p0 [sflag:s2], $0x2800  }
0x5f: {  	s7 =	simm.s32 @p0 $0x400;
	s6 =	sshll.u32 @p0 s6, $0x5;
	[sflag:s2] =	ssyncset.done @p0 $0x0  }
0x60: {  	s17 =	simm.s32 @p0 $0x6000;
	[sflag:s2] =	ssyncadd.s32 @p0 $0xFFFFD800;
	s2 =	sadd.s32 @p0 s5, s6  }
0x61: {  	[hbm4b:s2+s7] =	stream.strided.scatter @p0 [tilespmem:s17], [sflag:$0xB], $0x2800, s9, s7, $0x38;
	[tilespmem:$0x15000] =	vst v63  }
0x62: {  	s2 =	sadd.s32 @p0 s6, s8;
	s6 =	simm.s32 @p0 $0x10000  }
0x63: {  	[hbm4b:s2+s7] =	stream.strided.scatter @p0 [tilespmem:s6], [sflag:$0xF], $0x2800, s9, s7, $0x38;
	[tilespmem:$0x15000] =	vst v63  }
0x64: {  	p0 =	sgt.u32 s31, $0x18  }
0x65: {  	s2 =	simm.s32 @!p0 $0xA  }
0x66: {  	_ =	swait.ge @!p0 [sflag:s2], $0x2800  }
0x67: {  	[sflag:s2] =	ssyncset.done @!p0 $0x0  }
0x68: {  	[sflag:s2] =	ssyncadd.s32 @!p0 $0xFFFFD800;
	s2 =	simm.s32 @!p0 $0xE  }
0x69: {  	p1 =	sgt.u32 @!p0 s16, $0x4;
	_ =	swait.ge @!p0 [sflag:s2], $0x2800  }
0x6a: {  	p1 =	por p1, p0;
	[sflag:s2] =	ssyncset.done @!p0 $0x0  }
0x6b: {  	[sflag:s2] =	ssyncadd.s32 @!p0 $0xFFFFD800;
	s2 =	sshra.s32 @!p1 s0, $0x2  }
0x6c: {  	s7 =	simm.s32 @!p1 $0x50;
	s9 =	simm.s32 @!p1 $0x3800;
	s6 =	sadd.s32 @!p1 $0x190, s2  }
0x6d: {  	[tilespmem:s9], [sflag:$0x2] =	stream.indirect.gather @!p1 [hbm4b:s4+s7], $0x80, s6, s7, $0xb8;
	[tilespmem:$0x15000] =	vst v63  }
0x6e: {  	s2 =	sadd.s32 @!p1 $0x990, s2;
	s6 =	simm.s32 @!p1 $0xD800  }
0x6f: {  	[tilespmem:s6], [sflag:$0x6] =	stream.indirect.gather @!p1 [hbm4b:s4+s7], $0x80, s2, s7, $0xb8;
	[tilespmem:$0x15000] =	vst v63  }
0x70: {  	s2 =	simm.s32 @!p0 $0x4  }
0x71: {  	_ =	swait.ge @!p0 [sflag:s2], $0x2800  }
0x72: {  	[sflag:s2] =	ssyncset.done @!p0 $0x0  }
0x73: {  	[sflag:s2] =	ssyncadd.s32 @!p0 $0xFFFFD800;
	s2 =	simm.s32 @!p0 $0x8  }
0x74: {  	s17 =	simm.s32 @!p0 $0x8800;
	_ =	swait.ge @!p0 [sflag:s2], $0x2800  }
0x75: {  	s9 =	simm.s32 @!p0 $0x800;
	s6 =	sadd.s32 @!p0 s1, s10;
	[sflag:s2] =	ssyncset.done @!p0 $0x0  }
0x76: {  	s7 =	simm.s32 @!p0 $0x400;
	[sflag:s2] =	ssyncadd.s32 @!p0 $0xFFFFD800;
	s2 =	sadd.s32 @!p0 $0x1E00, s6  }
0x77: {  	[hbm4b:s2+s7] =	stream.strided.scatter @!p0 [tilespmem:s17], [sflag:$0xC], $0x2800, s9, s7, $0x38;
	[tilespmem:$0x15000] =	vst v63  }
0x78: {  	s1 =	sadd.s32 $0x2800, s1;
	s2 =	sadd.s32 @!p0 $0x1E80, s6;
	s6 =	simm.s32 @!p0 $0x12800  }
0x79: {  	[hbm4b:s2+s7] =	stream.strided.scatter @!p0 [tilespmem:s6], [sflag:$0x10], $0x2800, s9, s7, $0x38;
	[tilespmem:$0x15000] =	vst v63  }
0x7a: {  	p0 =	sne.s32 s1, $0x11800  }
.Ltmp3:
0x7b: {  	_ = 	snop;
	(pc) =	sbr.rel @!p0 .LBB2_5-.Ltmp3, $3  }
0x7c: {  	_ =	sdelay $0x1  }
0x7d: {  	s30 =	sadd.s32 $0x140, s30  }
0x7e: {  	s31 =	sadd.s32 $0x4, s31;
	s16 =	sadd.s32 $0x1, s16;
	s0 =	sadd.s32 $0x500, s0  }
.LBB2_2:
0x7f: {  	p1 =	seq.s32 s1, $0x0  }
0x80: {  	s17 =	simm.s32 @!p1 $0xB  }
0x81: {  	_ =	swait.ge @!p1 [sflag:s17], $0x2800  }
0x82: {  	[sflag:s17] =	ssyncset.done @!p1 $0x0  }
0x83: {  	[sflag:s17] =	ssyncadd.s32 @!p1 $0xFFFFD800;
	s17 =	sadd.s32 @!p1 $0xFFFFFFFF, s31  }
0x84: {  	p0 =	sgt.u32 @!p1 s17, $0x18  }
0x85: {  	p2 =	por p1, !p0  }
.Ltmp4:
0x86: {  	_ = 	snop;
	(pc) =	sbr.rel @!p2 .LBB2_4-.Ltmp4, $4  }
0x87: {  	s18 =	simm.s32 @!p1 $0xF  }
0x88: {  	_ =	swait.ge @!p1 [sflag:s18], $0x2800  }
0x89: {  	[sflag:s18] =	ssyncset.done @!p1 $0x0  }
0x8a: {  	p0 =	por @!p1 $0x0, $0x0;
	[sflag:s18] =	ssyncadd.s32 @!p1 $0xFFFFD800  }
0x8b: {  	s17 =	simm.s32 @p1 $0x2  }
0x8c: {  	s18 =	smul.u32 $0x50, s17  }
.Ltmp5:
0x8d: {  	_ = 	snop;
	(pc) =	sbr.rel .LBB2_4-.Ltmp5, $4  }
0x8e: {  	_ = 	snop  }
0x8f: {  	[tilespmem:s19], [sflag:$0x3] =	stream.indirect.gather [hbm4b:s4+s13], $0x80, s18, s13, $0xb8;
	[tilespmem:$0x15000] =	vst v63  }
0x90: {  	p0 =	por $0x1, $0x1;
	s18 =	sadd.s32 $0x800, s18  }
0x91: {  	[tilespmem:s20], [sflag:$0x7] =	stream.indirect.gather [hbm4b:s4+s13], $0x80, s18, s13, $0xb8;
	[tilespmem:$0x15000] =	vst v63  }
.LBB2_6:
0x92: {  	_ =	sfence.sel $0x180000  }
0x93: {  	[bflag:$0x0] =	sbarrier.arrive $0xFFFF  }
0x94: {  	_ =	strace $0x9000004A  }
0x95: {  	s0 =	stileid.u32;
	[bflag:$0x2] =	sbarrier.arrive $0xFFFF  }
0x96: {  	p0 =	sne.s32 s0, $0x0;
	s0 =	rddreg [dreg:$0x1]  }
0x97: {  	s0 =	sadd.s32 @!p0 $0x100000, s0  }
0x98: {  	[sflag:s0] =	ssyncadd.tile.s32 @!p0 $0x1;
	_ =	shalt  }
.Lfunc_end2:
_tile_overlayer_lowered:
.L_overlay_start_2:
0x99: {  	(tag) =	ssettag $0x2  }
0x9a: {  	s0 =	rddreg [dreg:$0x0];
	s2 =	stileid.u32  }
0x9b: {  	s1 =	rddreg [dreg:$0x1];
	p0 =	sne.s32 s2, $0x0  }
0x9c: {  	s3 =	rddreg [dreg:$0x2];
	[bflag:$0x3] =	sbarrier.arrive $0xFFFF;
	s2 =	simm.s32 @!p0 $0x1C11  }
0x9d: {  	[timem:s3], [sflag:s2] =	dma.local @!p0 [hbm:s0], s1  }
0x9e: {  	s0 =	simm.s32 @!p0 $0x11  }
0x9f: {  	_ =	swait.ge @!p0 [sflag:s0], s1  }
0xa0: {  	s1 =	ssub.s32 @!p0 $0x0, s1;
	[sflag:s0] =	ssyncset.done @!p0 $0x0  }
0xa1: {  	[sflag:s0] =	ssyncadd.s32 @!p0 s1  }
0xa2: {  	[bflag:$0x3] =	sbarrier.arrive $0xFFFF  }
0xa3: {  	_ =	shalt  }

// kernel: kernel.20.cloned.1.call-start
scs
__scs_entry_jumppad:
0x0: {  	(pc) =	sbr.rel $0x88, $3  }
0x1: {  	(tag) =	ssettag $0x0;
	lr =	simm.s32 $0x1  }
0x2: {  	[smem:$0x3F8C] =	sst lr;
	_ =	strace $0xD0000000  }
0x3: {  	_ = 	snop  }
0x4: {  	_ = 	snop  }
0x5: {  	_ = 	snop  }
0x6: {  	_ = 	snop  }
0x7: {  	_ = 	snop  }
__scs_overlays_trampoline_lowered:
0x8: {  	[smem:$0x3F9B] =	sst s0  }
0x9: {  	[smem:$0x3F9C] =	sst s1  }
0xa: {  	[smem:$0x3F9D] =	sst s2  }
0xb: {  	[smem:$0x3F9E] =	sst s3  }
0xc: {  	[smem:$0x3F9F] =	sst s4  }
0xd: {  	[smem:$0x3FA0] =	sst s5  }
0xe: {  	[smem:$0x3FA1] =	sst s6  }
0xf: {  	[smem:$0x3FA2] =	sst s7  }
0x10: {  	[smem:$0x3FA3] =	sst s8  }
0x11: {  	[smem:$0x3FA4] =	sst s9;
	s0 =	simm.s32 @!p0 $0x0  }
0x12: {  	s1 =	sld [smem:$0x3F8A];
	s0 =	simm.s32 @p0 $0x1  }
0x13: {  	[smem:$0x3FA5] =	sst s0;
	s0 =	simm.s32 @!p1 $0x0  }
0x14: {  	s2 =	sld [smem:$0x3F89];
	s0 =	simm.s32 @p1 $0x1  }
0x15: {  	[smem:$0x3FA6] =	sst s0;
	s0 =	simm.s32 @!p2 $0x0  }
0x16: {  	s3 =	sld [smem:$0x3FDB];
	s0 =	simm.s32 @p2 $0x1  }
0x17: {  	s4 =	simm.s32 $0x1BF5;
	[smem:$0x3FA8] =	sst s0  }
0x18: {  	s0 =	sld [smem:$0x3F8B];
	_ =	swait.ge [sflag:s4], $0x0  }
0x19: {  	s7 =	sld [smem:$0x3F8C]  }
0x1a: {  	s8 =	sadd.s32 $0xFFFFE003, lr  }
0x1b: {  	s9 =	sadd.s32 $0xFFFFFEF7, lr;
	s5 =	simm.s32 $0xFFFFFFFF;
	p2 =	slt.u32 s8, $0xFFFFF086  }
0x1c: {  	p1 =	slt.u32 s9, $0xF7A;
	s5 =	simm.s32 @!p2 $0x0  }
0x1d: {  	s5 =	simm.s32 @p1 $0x1;
	p0 =	seq.s32 s7, s2  }
0x1e: {  	s7 =	smul.u32 @!p0 $0xF7A, s2;
	p2 =	seq.s32 @!p0 s5, $0x0  }
0x1f: {  	s9 =	smul.u32 $0xF7A, s1;
	s8 =	simm.s32 @!p0 $0x1BF5;
	p2 =	por !p2, p0  }
0x20: {  	[sflag:s8] =	ssyncset.s32 @!p0 $0xFFFFF086;
	s6 =	sadd.s32 @!p0 s3, s7;
	s7 =	simm.s32 @!p0 $0x108  }
0x21: {  	s3 =	sadd.s32 s3, s9;
	s6 =	sadd.s32 @!p0 $0x88, s6;
	s7 =	simm.s32 @p2 $0x1082  }
0x22: {  	[simem:s7], [sflag:s8] =	dma.local @!p0 [hbm:s6], $0xF7A  }
0x23: {  	s9 =	sor.u32 $0xD0000000, s2;
	s6 =	simm.s32 $0x108;
	_ =	swait.ge @!p0 [sflag:s8], $0x0  }
0x24: {  	s3 =	sadd.s32 $0x88, s3;
	s6 =	simm.s32 @!p1 $0x1082;
	[sflag:s4] =	ssyncset.s32 $0xFFFFF086  }
0x25: {  	[simem:s6], [sflag:s4] =	dma.local [hbm:s3], $0xF7A  }
0x26: {  	[smem:$0x3F8C] =	sst s1;
	(tag) =	ssettag s2;
	_ =	strace s9  }
0x27: {  	s1 =	sld [smem:$0x3F9C]  }
0x28: {  	s2 =	sld [smem:$0x3F9D]  }
0x29: {  	s4 =	sld [smem:$0x3F9F]  }
0x2a: {  	p0 =	seq.s32 s5, $0x0;
	s5 =	sld [smem:$0x3FA0]  }
0x2b: {  	s6 =	sld [smem:$0x3FA1]  }
0x2c: {  	s7 =	sld [smem:$0x3FA2]  }
0x2d: {  	s3 =	simm.s32 $0x108;
	s8 =	sld [smem:$0x3FA3]  }
0x2e: {  	s3 =	simm.s32 @!p0 $0x1082;
	s9 =	sld [smem:$0x3FA4]  }
0x2f: {  	lr =	sadd.s32 s0, s3;
	s0 =	sld [smem:$0x3F9B]  }
0x30: {  	s3 =	sld [smem:$0x3F9E]  }
0x31: {  	[smem:$0x3FA7] =	sst s10  }
0x32: {  	s10 =	sld [smem:$0x3FA5];
	_ =	sdelay $0x3  }
0x33: {  	p0 =	seq.s32 s10, $0x1;
	s10 =	sld [smem:$0x3FA7];
	_ =	sdelay $0x3  }
0x34: {  	[smem:$0x3FA7] =	sst s10  }
0x35: {  	s10 =	sld [smem:$0x3FA6];
	_ =	sdelay $0x3  }
0x36: {  	p1 =	seq.s32 s10, $0x1;
	s10 =	sld [smem:$0x3FA7];
	_ =	sdelay $0x3  }
0x37: {  	[smem:$0x3FA7] =	sst s10  }
0x38: {  	s10 =	sld [smem:$0x3FA8]  }
0x39: {  	_ = 	snop;
	(pc) =	sbr.ind lr, $3  }
0x3a: {  	_ = 	snop  }
0x3b: {  	_ = 	snop  }
0x3c: {  	p2 =	seq.s32 s10, $0x1;
	s10 =	sld [smem:$0x3FA7]  }
0x3d: {  	_ =	shalt  }
0x3e: {  	_ =	shalt  }
0x3f: {  	_ =	shalt  }
0x40: {  	_ =	shalt  }
0x41: {  	_ =	shalt  }
0x42: {  	_ =	shalt  }
0x43: {  	_ =	shalt  }
0x44: {  	_ =	shalt  }
0x45: {  	_ =	shalt  }
0x46: {  	_ =	shalt  }
0x47: {  	_ =	shalt  }
0x48: {  	_ =	shalt  }
0x49: {  	_ =	shalt  }
0x4a: {  	_ =	shalt  }
0x4b: {  	_ =	shalt  }
0x4c: {  	_ =	shalt  }
0x4d: {  	_ =	shalt  }
0x4e: {  	_ =	shalt  }
0x4f: {  	_ =	shalt  }
0x50: {  	_ =	shalt  }
0x51: {  	_ =	shalt  }
0x52: {  	_ =	shalt  }
0x53: {  	_ =	shalt  }
0x54: {  	_ =	shalt  }
0x55: {  	_ =	shalt  }
0x56: {  	_ =	shalt  }
0x57: {  	_ =	shalt  }
0x58: {  	_ =	shalt  }
0x59: {  	_ =	shalt  }
0x5a: {  	_ =	shalt  }
0x5b: {  	_ =	shalt  }
0x5c: {  	_ =	shalt  }
0x5d: {  	_ =	shalt  }
0x5e: {  	_ =	shalt  }
0x5f: {  	_ =	shalt  }
0x60: {  	_ =	shalt  }
0x61: {  	_ =	shalt  }
0x62: {  	_ =	shalt  }
0x63: {  	_ =	shalt  }
0x64: {  	_ =	shalt  }
0x65: {  	_ =	shalt  }
0x66: {  	_ =	shalt  }
0x67: {  	_ =	shalt  }
0x68: {  	_ =	shalt  }
0x69: {  	_ =	shalt  }
0x6a: {  	_ =	shalt  }
0x6b: {  	_ =	shalt  }
0x6c: {  	_ =	shalt  }
0x6d: {  	_ =	shalt  }
0x6e: {  	_ =	shalt  }
0x6f: {  	_ =	shalt  }
0x70: {  	_ =	shalt  }
0x71: {  	_ =	shalt  }
0x72: {  	_ =	shalt  }
0x73: {  	_ =	shalt  }
0x74: {  	_ =	shalt  }
0x75: {  	_ =	shalt  }
0x76: {  	_ =	shalt  }
0x77: {  	_ =	shalt  }
0x78: {  	_ =	shalt  }
0x79: {  	_ =	shalt  }
0x7a: {  	_ =	shalt  }
0x7b: {  	_ =	shalt  }
0x7c: {  	_ =	shalt  }
0x7d: {  	_ =	shalt  }
0x7e: {  	_ =	shalt  }
0x7f: {  	_ =	shalt  }
0x80: {  	_ =	shalt  }
0x81: {  	_ =	shalt  }
0x82: {  	_ =	shalt  }
0x83: {  	_ =	shalt  }
0x84: {  	_ =	shalt  }
0x85: {  	_ =	shalt  }
0x86: {  	_ =	shalt  }
0x87: {  	_ =	shalt  }
.Lfunc_end0:
.L_simem_size_0:
called_computation.2_lowered:
.L_overlay_start_0:
0x88: {  	s2 =	sld [smem:$0x3FD9]  }
0x89: {  	s3 =	sld [smem:$0x3FFE];
	_ =	sdelay $0x1  }
0x8a: {  	s1 =	srdreg.scid  }
0x8b: {  	s0 =	sand.u32 $0x1, s1  }
0x8c: {  	s17 =	sshll.u32 s0, $0xA;
	s2 =	sadd.s32 s3, s2  }
0x8d: {  	s2 =	sadd.s32 s2, s17  }
0x8e: {  	[smem:$0x3FB3] =	sst s2  }
0x8f: {  	_ = 	snop  }
0x90: {  	(tm) =	ssettm $0x1  }
0x91: {  	s18 =	sld [smem:$0x3FFB];
	_ =	sdelay $0x3  }
0x92: {  	_ =	strace s18  }
0x93: {  	s2 =	sld [smem:$0x3FFC];
	_ =	sdelay $0x3  }
0x94: {  	_ =	strace s2  }
0x95: {  	s2 =	sld [smem:$0x3FFD];
	_ =	sdelay $0x3  }
0x96: {  	_ =	strace s2  }
0x97: {  	_ =	strace $0x8FFFFFFF  }
0x98: {  	s19 =	sld [smem:$0x3FDB];
	_ =	sdelay $0x1  }
0x99: {  	s20 =	simm.s32 $_scs_section_size  }
0x9a: {  	s4 =	simm.s32 $_size__tile_overlayer_lowered;
	s5 =	simm.s32 $_tile_overlayer_lowered  }
0x9b: {  	s6 =	simm.s32 $0x1BFF;
	s21 =	sshll.u32 s5, $0x1;
	s3 =	sadd.s32 s20, s19  }
0x9c: {  	s22 =	simm.s32 $0x0;
	s4 =	sshll.u32 s4, $0x1;
	s5 =	sadd.s32 s21, s3  }
0x9d: {  	[timem:s22], [sflag:s6] =	dma.local [hbm:s5], s4  }
0x9e: {  	_ =	swait.ge [sflag:s6], s4  }
0x9f: {  	s4 =	ssub.s32 $0x0, s4;
	[sflag:s6] =	ssyncset.done $0x0  }
0xa0: {  	[sflag:s6] =	ssyncadd.s32 s4;
	_ =	sdelay $0x1  }
0xa1: {  	s23 =	simm.s32 $0x1B8B  }
0xa2: {  	_ =	swait.ge [sflag:s23], $0x1  }
0xa3: {  	[sflag:s23] =	ssyncset.done $0x0  }
0xa4: {  	[sflag:s23] =	ssyncadd.s32 $0xFFFFFFFF  }
0xa5: {  	s4 =	sld [smem:$0x0]  }
0xa6: {  	s5 =	sand.u32 $0xFFFFFFFE, s1  }
0xa7: {  	p0 =	sne.s32 s1, s5  }
0xa8: {  	s5 =	sshll.u32 @p0 s5, $0xE  }
0xa9: {  	s5 =	sadd.s32 @p0 $0x11B8D, s5;
	s6 =	sshll.u32 @p0 s4, $0x11  }
0xaa: {  	s5 =	sor.u32 @p0 s6, s5  }
0xab: {  	[sflag:s5] =	ssyncadd.remote.s32 @p0 $0x1;
	_ =	sdelay $0x1  }
0xac: {  	s5 =	simm.s32 @p0 $0x1B8D  }
0xad: {  	_ =	swait.eq @p0 [sflag:s5], $0x1  }
0xae: {  	[sflag:s5] =	ssyncadd.s32 @p0 $0xFFFFFFFF  }
0xaf: {  	s6 =	sshll.u32 @!p0 s1, $0xE  }
0xb0: {  	s6 =	sor.u32 @!p0 $0x4000, s6;
	s5 =	simm.s32 @!p0 $0x1B8D  }
0xb1: {  	s4 =	sshll.u32 @!p0 s4, $0x11;
	s6 =	sadd.s32 @!p0 $0x11B8D, s6;
	_ =	swait.eq @!p0 [sflag:s5], $0x1  }
0xb2: {  	s4 =	sor.u32 @!p0 s4, s6;
	[sflag:s5] =	ssyncadd.s32 @!p0 $0xFFFFFFFF  }
0xb3: {  	s25 =	simm.s32 $0x1B8E;
	s24 =	sld [smem:$0x3FFE];
	[sflag:s4] =	ssyncadd.remote.s32 @!p0 $0x1  }
0xb4: {  	s26 =	simm.s32 $execute0_lowered;
	[smem:$0x3FD2] =	sst s25  }
0xb5: {  	s5 =	sshll.u32 s26, $0x1;
	_ =	strace $0x8000004C;
	[dreg:$0x1] =	wrdreg $0xFFFFFFFF  }
0xb6: {  	s28 =	simm.s32 $_size_execute0_lowered;
	s3 =	sadd.s32 s3, s5;
	[dreg:$0x0] =	wrdreg $0x0  }
0xb7: {  	s5 =	sshll.u32 s28, $0x1;
	[dreg:$0x2] =	wrdreg s3  }
0xb8: {  	[dreg:$0x3] =	wrdreg s5  }
0xb9: {  	[dreg:$0x4] =	wrdreg $0xC0  }
0xba: {  	_ =	task [dreg:s22], $0x5FFFF  }
0xbb: {  	[dreg:$0x1] =	wrdreg $0xFFFFFFFF  }
0xbc: {  	[dreg:$0x0] =	wrdreg $0x60  }
0xbd: {  	[dreg:$0x2] =	wrdreg s24  }
0xbe: {  	[dreg:$0x3] =	wrdreg $0xB  }
0xbf: {  	_ =	task.clear_ibuf [dreg:s22], $0x4FFFF;
	_ =	strace $0x9000004C  }
0xc0: {  	s29 =	simm.s32 $0xB;
	_ =	strace $0x8000004E  }
0xc1: {  	_ =	swait.ge [sflag:s29], $0x1  }
0xc2: {  	[sflag:s29] =	ssyncadd.s32 $0xFFFFFFFF  }
0xc3: {  	_ =	strace $0x9000004E  }
0xc4: {  	_ =	sfence  }
0xc5: {  	s30 =	sld [smem:$0x0];
	_ =	sdelay $0x2  }
0xc6: {  	s31 =	sshll.u32 s1, $0xD;
	s1 =	sshrl.u32 s1, $0x2  }
0xc7: {  	s4 =	sand.u32 $0x4000, s31;
	s1 =	sadd.s32 s1, s30  }
0xc8: {  	s0 =	sor.u32 s4, s0;
	s1 =	sshll.u32 s1, $0x11  }
0xc9: {  	s0 =	sor.u32 s1, s0  }
0xca: {  	s0 =	sadd.s32 $0x8F2B, s0  }
0xcb: {  	[sflag:s0] =	ssyncadd.remote.s32 $0x1  }
0xcc: {  	_ =	sfence.sel $0xFFFF  }
0xcd: {  	[dreg:$0x0] =	wrdreg $0xFFFFFFFF;
	(pc) =	sbr.abs _section_cstart, $3  }
0xce: {  	[dreg:$0x1] =	wrdreg $0xFFFFFFFF  }
0xcf: {  	_ =	task.clear_ibuf [dreg:s22], $0x2FFFF;
	_ =	strace $0x9FFFFFFF  }
0xd0: {  	(tm) =	ssettm $0x7FFFFFFF  }
0xd1: {  	_ =	shalt  }
tec
execute0_lowered:
.L_overlay_start_1:
0x0: {  	(tag) =	ssettag $0x1  }
0x1: {  	s0 =	rddreg [dreg:$0x0];
	s1 =	srdreg.scid  }
0x2: {  	s2 =	stileid.u32;
	s4 =	simm.s32 $0x0;
	s12 =	simm.s32 $0x800  }
0x3: {  	s13 =	simm.s32 $0x50;
	s14 =	simm.s32 $0x1000;
	s15 =	simm.s32 $0xB000  }
0x4: {  	s19 =	simm.s32 $0x6000;
	s20 =	simm.s32 $0x10000;
	s21 =	simm.s32 $0x1  }
0x5: {  	s22 =	simm.s32 $0x5;
	s23 =	simm.s32 $0x400;
	s24 =	simm.s32 $0xC  }
0x6: {  	s28 =	simm.s32 $0xD;
	s29 =	simm.s32 $0x0;
	s1 =	sand.u32 $0x1, s1  }
0x7: {  	s3 =	sshll.u32 s2, $0x1;
	[smem:$0x7FF] =	sst s4;
	s4 =	sadd.s32 $0x18A00, s0  }
0x8: {  	s5 =	sadd.s32 $0x32DC00, s0;
	s9 =	smul.u32 $0x1F400, s2;
	s3 =	sor.u32 s1, s3  }
0x9: {  	_ =	strace $0x8000004D;
	s6 =	ssub.s32 $0x2, s1;
	s3 =	smul.u32 $0x7D0, s3  }
0xa: {  	s1 =	smul.u32 $0xFA00, s1;
	s7 =	sshrl.u32 s6, $0x1;
	s11 =	sadd.s32 s9, s5  }
.Ltmp0:
0xb: {  	s10 =	ssub.s32 s6, s7;
	s8 =	sshrl.u32 s3, $0x3;
	(pc) =	sbr.rel .LBB2_1-.Ltmp0, $4  }
0xc: {  	s31 =	smax.u32 s10, $0x1;
	s10 =	sadd.s32 s1, s11;
	s25 =	sadd.s32 s0, s8  }
0xd: {  	s11 =	simm.s32 $0x11;
	[dreg:$0x4] =	wrdreg s31;
	s26 =	sadd.s32 $0x11AE0, s25  }
0xe: {  	s8 =	sadd.s32 $0x32DC80, s0;
	s30 =	sadd.s32 $0x7CE0, s25;
	[dreg:$0x2] =	wrdreg s26  }
0xf: {  	s25 =	simm.s32 $0x10;
	[dreg:$0x3] =	wrdreg s30;
	s26 =	simm.s32 $0x9  }
.LBB2_5:
0x10: {  	_ =	swait.ge [sflag:s24], $0x2800  }
0x11: {  	[sflag:s24] =	ssyncset.done $0x0  }
0x12: {  	[sflag:s24] =	ssyncadd.s32 $0xFFFFD800  }
0x13: {  	_ =	swait.ge [sflag:s25], $0x2800  }
0x14: {  	[sflag:s25] =	ssyncset.done $0x0  }
0x15: {  	[sflag:s25] =	ssyncadd.s32 $0xFFFFD800  }
0x16: {  	_ =	swait.ge [sflag:s26], $0x2800  }
0x17: {  	[sflag:s26] =	ssyncset.done $0x0  }
0x18: {  	[sflag:s26] =	ssyncadd.s32 $0xFFFFD800  }
0x19: {  	_ =	swait.ge [sflag:s28], $0x2800  }
0x1a: {  	s29 =	sadd.s32 $0x1, s29;
	s0 =	rddreg [dreg:$0x4]  }
0x1b: {  	p0 =	sne.s32 s29, s0  }
.Ltmp1:
0x1c: {  	_ = 	snop;
	(pc) =	sbr.rel @!p0 .LBB2_6-.Ltmp1, $3  }
0x1d: {  	_ =	sdelay $0x1  }
0x1e: {  	[sflag:s28] =	ssyncset.done $0x0  }
0x1f: {  	[sflag:s28] =	ssyncadd.s32 $0xFFFFD800  }
.LBB2_1:
0x20: {  	s0 =	simm.s32 $0x0;
	s1 =	rddreg [dreg:$0x2]  }
0x21: {  	[tilespmem:s0], [sflag:$0x11] =	stream.linear.gather [hbm4b:s1+s0], $0x7D0, $0x38;
	[tilespmem:$0x15000] =	vst v63  }
0x22: {  	_ =	swait.ge [sflag:s11], $0x7D0  }
0x23: {  	[sflag:s11] =	ssyncset.done $0x0  }
0x24: {  	s9 =	rddreg [dreg:$0x3];
	[sflag:s11] =	ssyncadd.s32 $0xFFFFF830  }
0x25: {  	[tilespmem:s12], [sflag:$0x11] =	stream.linear.gather [hbm4b:s9+s0], $0x7D0, $0x38;
	[tilespmem:$0x15000] =	vst v63  }
0x26: {  	_ =	swait.ge [sflag:s11], $0x7D0  }
0x27: {  	[sflag:s11] =	ssyncset.done $0x0  }
0x28: {  	[sflag:s11] =	ssyncadd.s32 $0xFFFFF830  }
0x29: {  	[tilespmem:s14], [sflag:$0x1] =	stream.indirect.gather [hbm4b:s4+s13], $0x80, s0, s13, $0xb8;
	[tilespmem:$0x15000] =	vst v63  }
0x2a: {  	_ = 	snop  }
0x2b: {  	[tilespmem:s15], [sflag:$0x5] =	stream.indirect.gather [hbm4b:s4+s13], $0x80, s12, s13, $0xb8;
	[tilespmem:$0x15000] =	vst v63  }
.Ltmp2:
0x2c: {  	s16 =	simm.s32 $0x3800;
	s17 =	simm.s32 $0x850;
	(pc) =	sbr.rel .LBB2_2-.Ltmp2, $4  }
0x2d: {  	s18 =	simm.s32 $0xD800;
	s30 =	simm.s32 $0xF0;
	s31 =	simm.s32 $0x3  }
0x2e: {  	[tilespmem:s16], [sflag:$0x2] =	stream.indirect.gather [hbm4b:s4+s13], $0x80, s13, s13, $0xb8;
	[tilespmem:$0x15000] =	vst v63  }
0x2f: {  	s1 =	simm.s32 $0x0;
	s0 =	simm.s32 $0x0;
	s16 =	simm.s32 $0x0  }
0x30: {  	[tilespmem:s18], [sflag:$0x6] =	stream.indirect.gather [hbm4b:s4+s13], $0x80, s17, s13, $0xb8;
	[tilespmem:$0x15000] =	vst v63  }
.LBB2_4:
0x31: {  	_ =	swait.ge [sflag:s21], $0x2800  }
0x32: {  	[sflag:s21] =	ssyncset.done $0x0  }
0x33: {  	[sflag:s21] =	ssyncadd.s32 $0xFFFFD800  }
0x34: {  	s9 =	sadd.s32 $0xFFFFFFFE, s31;
	_ =	swait.ge [sflag:s22], $0x2800  }
0x35: {  	p1 =	sgt.u32 s9, $0x18;
	[sflag:s22] =	ssyncset.done $0x0  }
0x36: {  	s18 =	sadd.s32 s1, s10;
	p2 =	seq.s32 @!p1 s1, $0x0;
	[sflag:s22] =	ssyncadd.s32 $0xFFFFD800  }
0x37: {  	[hbm4b:s18+s23] =	stream.strided.scatter [tilespmem:s14], [sflag:$0x9], $0x2800, s12, s23, $0x38;
	[tilespmem:$0x15000] =	vst v63  }
0x38: {  	p3 =	por p2, p1;
	s18 =	sadd.s32 $0x80, s18  }
0x39: {  	[hbm4b:s18+s23] =	stream.strided.scatter [tilespmem:s15], [sflag:$0xD], $0x2800, s12, s23, $0x38;
	[tilespmem:$0x15000] =	vst v63  }
0x3a: {  	s18 =	simm.s32 @!p3 $0xC  }
0x3b: {  	_ =	swait.ge @!p3 [sflag:s18], $0x2800  }
0x3c: {  	[sflag:s18] =	ssyncset.done @!p3 $0x0  }
0x3d: {  	[sflag:s18] =	ssyncadd.s32 @!p3 $0xFFFFD800;
	s18 =	simm.s32 @!p3 $0x10  }
0x3e: {  	_ =	swait.ge @!p3 [sflag:s18], $0x2800  }
0x3f: {  	[sflag:s18] =	ssyncset.done @!p3 $0x0  }
0x40: {  	p2 =	por !p2, p1;
	[sflag:s18] =	ssyncadd.s32 @!p3 $0xFFFFD800;
	s18 =	smov.u32 s30  }
0x41: {  	s6 =	simm.s32 @!p1 $0x50;
	s7 =	simm.s32 @!p1 $0x8800;
	s18 =	simm.s32 @!p2 $0xF0  }
0x42: {  	[tilespmem:s7], [sflag:$0x4] =	stream.indirect.gather @!p1 [hbm4b:s4+s6], $0x80, s18, s6, $0xb8;
	[tilespmem:$0x15000] =	vst v63  }
0x43: {  	s7 =	sadd.s32 @!p1 $0x800, s18;
	s18 =	simm.s32 @!p1 $0x12800  }
0x44: {  	[tilespmem:s18], [sflag:$0x8] =	stream.indirect.gather @!p1 [hbm4b:s4+s6], $0x80, s7, s6, $0xb8;
	[tilespmem:$0x15000] =	vst v63  }
0x45: {  	s6 =	simm.s32 @!p1 $0x2  }
0x46: {  	_ =	swait.ge @!p1 [sflag:s6], $0x2800  }
0x47: {  	[sflag:s6] =	ssyncset.done @!p1 $0x0  }
0x48: {  	[sflag:s6] =	ssyncadd.s32 @!p1 $0xFFFFD800;
	s6 =	simm.s32 @!p1 $0x6  }
0x49: {  	s9 =	simm.s32 @!p1 $0x800;
	_ =	swait.ge @!p1 [sflag:s6], $0x2800  }
0x4a: {  	s2 =	simm.s32 @!p1 $0x3800;
	s7 =	sadd.s32 @!p1 s1, s10;
	[sflag:s6] =	ssyncset.done @!p1 $0x0  }
0x4b: {  	s18 =	simm.s32 @!p1 $0x400;
	[sflag:s6] =	ssyncadd.s32 @!p1 $0xFFFFD800;
	s6 =	sadd.s32 @!p1 $0xA00, s7  }
0x4c: {  	[hbm4b:s6+s18] =	stream.strided.scatter @!p1 [tilespmem:s2], [sflag:$0xA], $0x2800, s9, s18, $0x38;
	[tilespmem:$0x15000] =	vst v63  }
0x4d: {  	s2 =	sadd.s32 @!p1 $0xA80, s7;
	s6 =	simm.s32 @!p1 $0xD800  }
0x4e: {  	[hbm4b:s2+s18] =	stream.strided.scatter @!p1 [tilespmem:s6], [sflag:$0xE], $0x2800, s9, s18, $0x38;
	[tilespmem:$0x15000] =	vst v63  }
0x4f: {  	s2 =	simm.s32 @p0 $0x9  }
0x50: {  	_ =	swait.ge @p0 [sflag:s2], $0x2800  }
0x51: {  	[sflag:s2] =	ssyncset.done @p0 $0x0  }
0x52: {  	[sflag:s2] =	ssyncadd.s32 @p0 $0xFFFFD800;
	s2 =	simm.s32 @p0 $0xD  }
0x53: {  	p1 =	seq.s32 @p0 s1, $0xF000;
	_ =	swait.ge @p0 [sflag:s2], $0x2800  }
0x54: {  	p1 =	por p1, !p0;
	[sflag:s2] =	ssyncset.done @p0 $0x0  }
0x55: {  	[sflag:s2] =	ssyncadd.s32 @p0 $0xFFFFD800;
	s2 =	sshra.s32 @!p1 s0, $0x2  }
0x56: {  	s7 =	simm.s32 @!p1 $0x50;
	s9 =	simm.s32 @!p1 $0x1000;
	s6 =	sadd.s32 @!p1 $0x140, s2  }
0x57: {  	[tilespmem:s9], [sflag:$0x1] =	stream.indirect.gather @!p1 [hbm4b:s4+s7], $0x80, s6, s7, $0xb8;
	[tilespmem:$0x15000] =	vst v63  }
0x58: {  	s2 =	sadd.s32 @!p1 $0x940, s2;
	s6 =	simm.s32 @!p1 $0xB000  }
0x59: {  	[tilespmem:s6], [sflag:$0x5] =	stream.indirect.gather @!p1 [hbm4b:s4+s7], $0x80, s2, s7, $0xb8;
	[tilespmem:$0x15000] =	vst v63  }
0x5a: {  	s2 =	simm.s32 @p0 $0x3  }
0x5b: {  	_ =	swait.ge @p0 [sflag:s2], $0x2800  }
0x5c: {  	s6 =	smul.u32 @p0 $0x50, s17;
	[sflag:s2] =	ssyncset.done @p0 $0x0  }
0x5d: {  	[sflag:s2] =	ssyncadd.s32 @p0 $0xFFFFD800;
	s2 =	simm.s32 @p0 $0x7  }
0x5e: {  	s9 =	simm.s32 @p0 $0x800;
	s6 =	sadd.s32 @p0 s3, s6;
	_ =	swait.ge @p0 [sflag:s2], $0x2800  }
0x5f: {  	s7 =	simm.s32 @p0 $0x400;
	s6 =	sshll.u32 @p0 s6, $0x5;
	[sflag:s2] =	ssyncset.done @p0 $0x0  }
0x60: {  	s17 =	simm.s32 @p0 $0x6000;
	[sflag:s2] =	ssyncadd.s32 @p0 $0xFFFFD800;
	s2 =	sadd.s32 @p0 s5, s6  }
0x61: {  	[hbm4b:s2+s7] =	stream.strided.scatter @p0 [tilespmem:s17], [sflag:$0xB], $0x2800, s9, s7, $0x38;
	[tilespmem:$0x15000] =	vst v63  }
0x62: {  	s2 =	sadd.s32 @p0 s6, s8;
	s6 =	simm.s32 @p0 $0x10000  }
0x63: {  	[hbm4b:s2+s7] =	stream.strided.scatter @p0 [tilespmem:s6], [sflag:$0xF], $0x2800, s9, s7, $0x38;
	[tilespmem:$0x15000] =	vst v63  }
0x64: {  	p0 =	sgt.u32 s31, $0x18  }
0x65: {  	s2 =	simm.s32 @!p0 $0xA  }
0x66: {  	_ =	swait.ge @!p0 [sflag:s2], $0x2800  }
0x67: {  	[sflag:s2] =	ssyncset.done @!p0 $0x0  }
0x68: {  	[sflag:s2] =	ssyncadd.s32 @!p0 $0xFFFFD800;
	s2 =	simm.s32 @!p0 $0xE  }
0x69: {  	p1 =	sgt.u32 @!p0 s16, $0x4;
	_ =	swait.ge @!p0 [sflag:s2], $0x2800  }
0x6a: {  	p1 =	por p1, p0;
	[sflag:s2] =	ssyncset.done @!p0 $0x0  }
0x6b: {  	[sflag:s2] =	ssyncadd.s32 @!p0 $0xFFFFD800;
	s2 =	sshra.s32 @!p1 s0, $0x2  }
0x6c: {  	s7 =	simm.s32 @!p1 $0x50;
	s9 =	simm.s32 @!p1 $0x3800;
	s6 =	sadd.s32 @!p1 $0x190, s2  }
0x6d: {  	[tilespmem:s9], [sflag:$0x2] =	stream.indirect.gather @!p1 [hbm4b:s4+s7], $0x80, s6, s7, $0xb8;
	[tilespmem:$0x15000] =	vst v63  }
0x6e: {  	s2 =	sadd.s32 @!p1 $0x990, s2;
	s6 =	simm.s32 @!p1 $0xD800  }
0x6f: {  	[tilespmem:s6], [sflag:$0x6] =	stream.indirect.gather @!p1 [hbm4b:s4+s7], $0x80, s2, s7, $0xb8;
	[tilespmem:$0x15000] =	vst v63  }
0x70: {  	s2 =	simm.s32 @!p0 $0x4  }
0x71: {  	_ =	swait.ge @!p0 [sflag:s2], $0x2800  }
0x72: {  	[sflag:s2] =	ssyncset.done @!p0 $0x0  }
0x73: {  	[sflag:s2] =	ssyncadd.s32 @!p0 $0xFFFFD800;
	s2 =	simm.s32 @!p0 $0x8  }
0x74: {  	s17 =	simm.s32 @!p0 $0x8800;
	_ =	swait.ge @!p0 [sflag:s2], $0x2800  }
0x75: {  	s9 =	simm.s32 @!p0 $0x800;
	s6 =	sadd.s32 @!p0 s1, s10;
	[sflag:s2] =	ssyncset.done @!p0 $0x0  }
0x76: {  	s7 =	simm.s32 @!p0 $0x400;
	[sflag:s2] =	ssyncadd.s32 @!p0 $0xFFFFD800;
	s2 =	sadd.s32 @!p0 $0x1E00, s6  }
0x77: {  	[hbm4b:s2+s7] =	stream.strided.scatter @!p0 [tilespmem:s17], [sflag:$0xC], $0x2800, s9, s7, $0x38;
	[tilespmem:$0x15000] =	vst v63  }
0x78: {  	s1 =	sadd.s32 $0x2800, s1;
	s2 =	sadd.s32 @!p0 $0x1E80, s6;
	s6 =	simm.s32 @!p0 $0x12800  }
0x79: {  	[hbm4b:s2+s7] =	stream.strided.scatter @!p0 [tilespmem:s6], [sflag:$0x10], $0x2800, s9, s7, $0x38;
	[tilespmem:$0x15000] =	vst v63  }
0x7a: {  	p0 =	sne.s32 s1, $0x11800  }
.Ltmp3:
0x7b: {  	_ = 	snop;
	(pc) =	sbr.rel @!p0 .LBB2_5-.Ltmp3, $3  }
0x7c: {  	_ =	sdelay $0x1  }
0x7d: {  	s30 =	sadd.s32 $0x140, s30  }
0x7e: {  	s31 =	sadd.s32 $0x4, s31;
	s16 =	sadd.s32 $0x1, s16;
	s0 =	sadd.s32 $0x500, s0  }
.LBB2_2:
0x7f: {  	p1 =	seq.s32 s1, $0x0  }
0x80: {  	s17 =	simm.s32 @!p1 $0xB  }
0x81: {  	_ =	swait.ge @!p1 [sflag:s17], $0x2800  }
0x82: {  	[sflag:s17] =	ssyncset.done @!p1 $0x0  }
0x83: {  	[sflag:s17] =	ssyncadd.s32 @!p1 $0xFFFFD800;
	s17 =	sadd.s32 @!p1 $0xFFFFFFFF, s31  }
0x84: {  	p0 =	sgt.u32 @!p1 s17, $0x18  }
0x85: {  	p2 =	por p1, !p0  }
.Ltmp4:
0x86: {  	_ = 	snop;
	(pc) =	sbr.rel @!p2 .LBB2_4-.Ltmp4, $4  }
0x87: {  	s18 =	simm.s32 @!p1 $0xF  }
0x88: {  	_ =	swait.ge @!p1 [sflag:s18], $0x2800  }
0x89: {  	[sflag:s18] =	ssyncset.done @!p1 $0x0  }
0x8a: {  	p0 =	por @!p1 $0x0, $0x0;
	[sflag:s18] =	ssyncadd.s32 @!p1 $0xFFFFD800  }
0x8b: {  	s17 =	simm.s32 @p1 $0x2  }
0x8c: {  	s18 =	smul.u32 $0x50, s17  }
.Ltmp5:
0x8d: {  	_ = 	snop;
	(pc) =	sbr.rel .LBB2_4-.Ltmp5, $4  }
0x8e: {  	_ = 	snop  }
0x8f: {  	[tilespmem:s19], [sflag:$0x3] =	stream.indirect.gather [hbm4b:s4+s13], $0x80, s18, s13, $0xb8;
	[tilespmem:$0x15000] =	vst v63  }
0x90: {  	p0 =	por $0x1, $0x1;
	s18 =	sadd.s32 $0x800, s18  }
0x91: {  	[tilespmem:s20], [sflag:$0x7] =	stream.indirect.gather [hbm4b:s4+s13], $0x80, s18, s13, $0xb8;
	[tilespmem:$0x15000] =	vst v63  }
.LBB2_6:
0x92: {  	_ =	sfence.sel $0x180000  }
0x93: {  	[bflag:$0x0] =	sbarrier.arrive $0xFFFF  }
0x94: {  	_ =	strace $0x9000004D  }
0x95: {  	s0 =	stileid.u32;
	[bflag:$0x2] =	sbarrier.arrive $0xFFFF  }
0x96: {  	p0 =	sne.s32 s0, $0x0;
	s0 =	rddreg [dreg:$0x1]  }
0x97: {  	s0 =	sadd.s32 @!p0 $0x100000, s0  }
0x98: {  	[sflag:s0] =	ssyncadd.tile.s32 @!p0 $0x1;
	_ =	shalt  }
.Lfunc_end2:
_tile_overlayer_lowered:
.L_overlay_start_2:
0x99: {  	(tag) =	ssettag $0x2  }
0x9a: {  	s0 =	rddreg [dreg:$0x0];
	s2 =	stileid.u32  }
0x9b: {  	s1 =	rddreg [dreg:$0x1];
	p0 =	sne.s32 s2, $0x0  }
0x9c: {  	s3 =	rddreg [dreg:$0x2];
	[bflag:$0x3] =	sbarrier.arrive $0xFFFF;
	s2 =	simm.s32 @!p0 $0x1C11  }
0x9d: {  	[timem:s3], [sflag:s2] =	dma.local @!p0 [hbm:s0], s1  }
0x9e: {  	s0 =	simm.s32 @!p0 $0x11  }
0x9f: {  	_ =	swait.ge @!p0 [sflag:s0], s1  }
0xa0: {  	s1 =	ssub.s32 @!p0 $0x0, s1;
	[sflag:s0] =	ssyncset.done @!p0 $0x0  }
0xa1: {  	[sflag:s0] =	ssyncadd.s32 @!p0 s1  }
0xa2: {  	[bflag:$0x3] =	sbarrier.arrive $0xFFFF  }
0xa3: {  	_ =	shalt  }

// kernel: kernel.23.cloned.1.call-start
scs
__scs_entry_jumppad:
0x0: {  	(pc) =	sbr.rel $0x88, $3  }
0x1: {  	(tag) =	ssettag $0x0;
	lr =	simm.s32 $0x1  }
0x2: {  	[smem:$0x3F8C] =	sst lr;
	_ =	strace $0xD0000000  }
0x3: {  	_ = 	snop  }
0x4: {  	_ = 	snop  }
0x5: {  	_ = 	snop  }
0x6: {  	_ = 	snop  }
0x7: {  	_ = 	snop  }
__scs_overlays_trampoline_lowered:
0x8: {  	[smem:$0x3F9B] =	sst s0  }
0x9: {  	[smem:$0x3F9C] =	sst s1  }
0xa: {  	[smem:$0x3F9D] =	sst s2  }
0xb: {  	[smem:$0x3F9E] =	sst s3  }
0xc: {  	[smem:$0x3F9F] =	sst s4  }
0xd: {  	[smem:$0x3FA0] =	sst s5  }
0xe: {  	[smem:$0x3FA1] =	sst s6  }
0xf: {  	[smem:$0x3FA2] =	sst s7  }
0x10: {  	[smem:$0x3FA3] =	sst s8  }
0x11: {  	[smem:$0x3FA4] =	sst s9;
	s0 =	simm.s32 @!p0 $0x0  }
0x12: {  	s1 =	sld [smem:$0x3F8A];
	s0 =	simm.s32 @p0 $0x1  }
0x13: {  	[smem:$0x3FA5] =	sst s0;
	s0 =	simm.s32 @!p1 $0x0  }
0x14: {  	s2 =	sld [smem:$0x3F89];
	s0 =	simm.s32 @p1 $0x1  }
0x15: {  	[smem:$0x3FA6] =	sst s0;
	s0 =	simm.s32 @!p2 $0x0  }
0x16: {  	s3 =	sld [smem:$0x3FDB];
	s0 =	simm.s32 @p2 $0x1  }
0x17: {  	s4 =	simm.s32 $0x1BF5;
	[smem:$0x3FA8] =	sst s0  }
0x18: {  	s0 =	sld [smem:$0x3F8B];
	_ =	swait.ge [sflag:s4], $0x0  }
0x19: {  	s7 =	sld [smem:$0x3F8C]  }
0x1a: {  	s8 =	sadd.s32 $0xFFFFE003, lr  }
0x1b: {  	s9 =	sadd.s32 $0xFFFFFEF7, lr;
	s5 =	simm.s32 $0xFFFFFFFF;
	p2 =	slt.u32 s8, $0xFFFFF086  }
0x1c: {  	p1 =	slt.u32 s9, $0xF7A;
	s5 =	simm.s32 @!p2 $0x0  }
0x1d: {  	s5 =	simm.s32 @p1 $0x1;
	p0 =	seq.s32 s7, s2  }
0x1e: {  	s7 =	smul.u32 @!p0 $0xF7A, s2;
	p2 =	seq.s32 @!p0 s5, $0x0  }
0x1f: {  	s9 =	smul.u32 $0xF7A, s1;
	s8 =	simm.s32 @!p0 $0x1BF5;
	p2 =	por !p2, p0  }
0x20: {  	[sflag:s8] =	ssyncset.s32 @!p0 $0xFFFFF086;
	s6 =	sadd.s32 @!p0 s3, s7;
	s7 =	simm.s32 @!p0 $0x108  }
0x21: {  	s3 =	sadd.s32 s3, s9;
	s6 =	sadd.s32 @!p0 $0x88, s6;
	s7 =	simm.s32 @p2 $0x1082  }
0x22: {  	[simem:s7], [sflag:s8] =	dma.local @!p0 [hbm:s6], $0xF7A  }
0x23: {  	s9 =	sor.u32 $0xD0000000, s2;
	s6 =	simm.s32 $0x108;
	_ =	swait.ge @!p0 [sflag:s8], $0x0  }
0x24: {  	s3 =	sadd.s32 $0x88, s3;
	s6 =	simm.s32 @!p1 $0x1082;
	[sflag:s4] =	ssyncset.s32 $0xFFFFF086  }
0x25: {  	[simem:s6], [sflag:s4] =	dma.local [hbm:s3], $0xF7A  }
0x26: {  	[smem:$0x3F8C] =	sst s1;
	(tag) =	ssettag s2;
	_ =	strace s9  }
0x27: {  	s1 =	sld [smem:$0x3F9C]  }
0x28: {  	s2 =	sld [smem:$0x3F9D]  }
0x29: {  	s4 =	sld [smem:$0x3F9F]  }
0x2a: {  	p0 =	seq.s32 s5, $0x0;
	s5 =	sld [smem:$0x3FA0]  }
0x2b: {  	s6 =	sld [smem:$0x3FA1]  }
0x2c: {  	s7 =	sld [smem:$0x3FA2]  }
0x2d: {  	s3 =	simm.s32 $0x108;
	s8 =	sld [smem:$0x3FA3]  }
0x2e: {  	s3 =	simm.s32 @!p0 $0x1082;
	s9 =	sld [smem:$0x3FA4]  }
0x2f: {  	lr =	sadd.s32 s0, s3;
	s0 =	sld [smem:$0x3F9B]  }
0x30: {  	s3 =	sld [smem:$0x3F9E]  }
0x31: {  	[smem:$0x3FA7] =	sst s10  }
0x32: {  	s10 =	sld [smem:$0x3FA5];
	_ =	sdelay $0x3  }
0x33: {  	p0 =	seq.s32 s10, $0x1;
	s10 =	sld [smem:$0x3FA7];
	_ =	sdelay $0x3  }
0x34: {  	[smem:$0x3FA7] =	sst s10  }
0x35: {  	s10 =	sld [smem:$0x3FA6];
	_ =	sdelay $0x3  }
0x36: {  	p1 =	seq.s32 s10, $0x1;
	s10 =	sld [smem:$0x3FA7];
	_ =	sdelay $0x3  }
0x37: {  	[smem:$0x3FA7] =	sst s10  }
0x38: {  	s10 =	sld [smem:$0x3FA8]  }
0x39: {  	_ = 	snop;
	(pc) =	sbr.ind lr, $3  }
0x3a: {  	_ = 	snop  }
0x3b: {  	_ = 	snop  }
0x3c: {  	p2 =	seq.s32 s10, $0x1;
	s10 =	sld [smem:$0x3FA7]  }
0x3d: {  	_ =	shalt  }
0x3e: {  	_ =	shalt  }
0x3f: {  	_ =	shalt  }
0x40: {  	_ =	shalt  }
0x41: {  	_ =	shalt  }
0x42: {  	_ =	shalt  }
0x43: {  	_ =	shalt  }
0x44: {  	_ =	shalt  }
0x45: {  	_ =	shalt  }
0x46: {  	_ =	shalt  }
0x47: {  	_ =	shalt  }
0x48: {  	_ =	shalt  }
0x49: {  	_ =	shalt  }
0x4a: {  	_ =	shalt  }
0x4b: {  	_ =	shalt  }
0x4c: {  	_ =	shalt  }
0x4d: {  	_ =	shalt  }
0x4e: {  	_ =	shalt  }
0x4f: {  	_ =	shalt  }
0x50: {  	_ =	shalt  }
0x51: {  	_ =	shalt  }
0x52: {  	_ =	shalt  }
0x53: {  	_ =	shalt  }
0x54: {  	_ =	shalt  }
0x55: {  	_ =	shalt  }
0x56: {  	_ =	shalt  }
0x57: {  	_ =	shalt  }
0x58: {  	_ =	shalt  }
0x59: {  	_ =	shalt  }
0x5a: {  	_ =	shalt  }
0x5b: {  	_ =	shalt  }
0x5c: {  	_ =	shalt  }
0x5d: {  	_ =	shalt  }
0x5e: {  	_ =	shalt  }
0x5f: {  	_ =	shalt  }
0x60: {  	_ =	shalt  }
0x61: {  	_ =	shalt  }
0x62: {  	_ =	shalt  }
0x63: {  	_ =	shalt  }
0x64: {  	_ =	shalt  }
0x65: {  	_ =	shalt  }
0x66: {  	_ =	shalt  }
0x67: {  	_ =	shalt  }
0x68: {  	_ =	shalt  }
0x69: {  	_ =	shalt  }
0x6a: {  	_ =	shalt  }
0x6b: {  	_ =	shalt  }
0x6c: {  	_ =	shalt  }
0x6d: {  	_ =	shalt  }
0x6e: {  	_ =	shalt  }
0x6f: {  	_ =	shalt  }
0x70: {  	_ =	shalt  }
0x71: {  	_ =	shalt  }
0x72: {  	_ =	shalt  }
0x73: {  	_ =	shalt  }
0x74: {  	_ =	shalt  }
0x75: {  	_ =	shalt  }
0x76: {  	_ =	shalt  }
0x77: {  	_ =	shalt  }
0x78: {  	_ =	shalt  }
0x79: {  	_ =	shalt  }
0x7a: {  	_ =	shalt  }
0x7b: {  	_ =	shalt  }
0x7c: {  	_ =	shalt  }
0x7d: {  	_ =	shalt  }
0x7e: {  	_ =	shalt  }
0x7f: {  	_ =	shalt  }
0x80: {  	_ =	shalt  }
0x81: {  	_ =	shalt  }
0x82: {  	_ =	shalt  }
0x83: {  	_ =	shalt  }
0x84: {  	_ =	shalt  }
0x85: {  	_ =	shalt  }
0x86: {  	_ =	shalt  }
0x87: {  	_ =	shalt  }
.Lfunc_end0:
.L_simem_size_0:
called_computation.3_lowered:
.L_overlay_start_0:
0x88: {  	s2 =	sld [smem:$0x3FD9]  }
0x89: {  	s3 =	sld [smem:$0x3FFE];
	_ =	sdelay $0x1  }
0x8a: {  	s1 =	srdreg.scid  }
0x8b: {  	s0 =	sand.u32 $0x1, s1  }
0x8c: {  	s17 =	sshll.u32 s0, $0xA;
	s2 =	sadd.s32 s3, s2  }
0x8d: {  	s2 =	sadd.s32 s2, s17  }
0x8e: {  	[smem:$0x3FB3] =	sst s2  }
0x8f: {  	_ = 	snop  }
0x90: {  	(tm) =	ssettm $0x1  }
0x91: {  	s18 =	sld [smem:$0x3FFB];
	_ =	sdelay $0x3  }
0x92: {  	_ =	strace s18  }
0x93: {  	s2 =	sld [smem:$0x3FFC];
	_ =	sdelay $0x3  }
0x94: {  	_ =	strace s2  }
0x95: {  	s2 =	sld [smem:$0x3FFD];
	_ =	sdelay $0x3  }
0x96: {  	_ =	strace s2  }
0x97: {  	_ =	strace $0x8FFFFFFF  }
0x98: {  	s19 =	sld [smem:$0x3FDB];
	_ =	sdelay $0x1  }
0x99: {  	s20 =	simm.s32 $_scs_section_size  }
0x9a: {  	s4 =	simm.s32 $_size__tile_overlayer_lowered;
	s5 =	simm.s32 $_tile_overlayer_lowered  }
0x9b: {  	s6 =	simm.s32 $0x1BFF;
	s21 =	sshll.u32 s5, $0x1;
	s3 =	sadd.s32 s20, s19  }
0x9c: {  	s22 =	simm.s32 $0x0;
	s4 =	sshll.u32 s4, $0x1;
	s5 =	sadd.s32 s21, s3  }
0x9d: {  	[timem:s22], [sflag:s6] =	dma.local [hbm:s5], s4  }
0x9e: {  	_ =	swait.ge [sflag:s6], s4  }
0x9f: {  	s4 =	ssub.s32 $0x0, s4;
	[sflag:s6] =	ssyncset.done $0x0  }
0xa0: {  	[sflag:s6] =	ssyncadd.s32 s4;
	_ =	sdelay $0x1  }
0xa1: {  	s23 =	simm.s32 $0x1B8B  }
0xa2: {  	_ =	swait.ge [sflag:s23], $0x1  }
0xa3: {  	[sflag:s23] =	ssyncset.done $0x0  }
0xa4: {  	[sflag:s23] =	ssyncadd.s32 $0xFFFFFFFF  }
0xa5: {  	s4 =	sld [smem:$0x0]  }
0xa6: {  	s5 =	sand.u32 $0xFFFFFFFE, s1  }
0xa7: {  	p0 =	sne.s32 s1, s5  }
0xa8: {  	s5 =	sshll.u32 @p0 s5, $0xE  }
0xa9: {  	s5 =	sadd.s32 @p0 $0x11B8D, s5;
	s6 =	sshll.u32 @p0 s4, $0x11  }
0xaa: {  	s5 =	sor.u32 @p0 s6, s5  }
0xab: {  	[sflag:s5] =	ssyncadd.remote.s32 @p0 $0x1;
	_ =	sdelay $0x1  }
0xac: {  	s5 =	simm.s32 @p0 $0x1B8D  }
0xad: {  	_ =	swait.eq @p0 [sflag:s5], $0x1  }
0xae: {  	[sflag:s5] =	ssyncadd.s32 @p0 $0xFFFFFFFF  }
0xaf: {  	s6 =	sshll.u32 @!p0 s1, $0xE  }
0xb0: {  	s6 =	sor.u32 @!p0 $0x4000, s6;
	s5 =	simm.s32 @!p0 $0x1B8D  }
0xb1: {  	s4 =	sshll.u32 @!p0 s4, $0x11;
	s6 =	sadd.s32 @!p0 $0x11B8D, s6;
	_ =	swait.eq @!p0 [sflag:s5], $0x1  }
0xb2: {  	s4 =	sor.u32 @!p0 s4, s6;
	[sflag:s5] =	ssyncadd.s32 @!p0 $0xFFFFFFFF  }
0xb3: {  	s25 =	simm.s32 $0x1B8E;
	s24 =	sld [smem:$0x3FFE];
	[sflag:s4] =	ssyncadd.remote.s32 @!p0 $0x1  }
0xb4: {  	s26 =	simm.s32 $execute0_lowered;
	[smem:$0x3FD2] =	sst s25  }
0xb5: {  	s5 =	sshll.u32 s26, $0x1;
	_ =	strace $0x8000004F;
	[dreg:$0x1] =	wrdreg $0xFFFFFFFF  }
0xb6: {  	s28 =	simm.s32 $_size_execute0_lowered;
	s3 =	sadd.s32 s3, s5;
	[dreg:$0x0] =	wrdreg $0x0  }
0xb7: {  	s5 =	sshll.u32 s28, $0x1;
	[dreg:$0x2] =	wrdreg s3  }
0xb8: {  	[dreg:$0x3] =	wrdreg s5  }
0xb9: {  	[dreg:$0x4] =	wrdreg $0xC0  }
0xba: {  	_ =	task [dreg:s22], $0x5FFFF  }
0xbb: {  	[dreg:$0x1] =	wrdreg $0xFFFFFFFF  }
0xbc: {  	[dreg:$0x0] =	wrdreg $0x60  }
0xbd: {  	[dreg:$0x2] =	wrdreg s24  }
0xbe: {  	[dreg:$0x3] =	wrdreg $0xC  }
0xbf: {  	_ =	task.clear_ibuf [dreg:s22], $0x4FFFF;
	_ =	strace $0x9000004F  }
0xc0: {  	s29 =	simm.s32 $0xC;
	_ =	strace $0x80000051  }
0xc1: {  	_ =	swait.ge [sflag:s29], $0x1  }
0xc2: {  	[sflag:s29] =	ssyncadd.s32 $0xFFFFFFFF  }
0xc3: {  	_ =	strace $0x90000051  }
0xc4: {  	_ =	sfence  }
0xc5: {  	s30 =	sld [smem:$0x0];
	_ =	sdelay $0x2  }
0xc6: {  	s31 =	sshll.u32 s1, $0xD;
	s1 =	sshrl.u32 s1, $0x2  }
0xc7: {  	s4 =	sand.u32 $0x4000, s31;
	s1 =	sadd.s32 s1, s30  }
0xc8: {  	s0 =	sor.u32 s4, s0;
	s1 =	sshll.u32 s1, $0x11  }
0xc9: {  	s0 =	sor.u32 s1, s0  }
0xca: {  	s0 =	sadd.s32 $0x8F2B, s0  }
0xcb: {  	[sflag:s0] =	ssyncadd.remote.s32 $0x1  }
0xcc: {  	_ =	sfence.sel $0xFFFF  }
0xcd: {  	[dreg:$0x0] =	wrdreg $0xFFFFFFFF;
	(pc) =	sbr.abs _section_cstart, $3  }
0xce: {  	[dreg:$0x1] =	wrdreg $0xFFFFFFFF  }
0xcf: {  	_ =	task.clear_ibuf [dreg:s22], $0x2FFFF;
	_ =	strace $0x9FFFFFFF  }
0xd0: {  	(tm) =	ssettm $0x7FFFFFFF  }
0xd1: {  	_ =	shalt  }
tec
execute0_lowered:
.L_overlay_start_1:
0x0: {  	(tag) =	ssettag $0x1  }
0x1: {  	s0 =	rddreg [dreg:$0x0];
	s1 =	srdreg.scid  }
0x2: {  	s2 =	stileid.u32;
	s4 =	simm.s32 $0x0;
	s12 =	simm.s32 $0x800  }
0x3: {  	s13 =	simm.s32 $0x50;
	s14 =	simm.s32 $0x1000;
	s15 =	simm.s32 $0xB000  }
0x4: {  	s19 =	simm.s32 $0x6000;
	s20 =	simm.s32 $0x10000;
	s21 =	simm.s32 $0x1  }
0x5: {  	s22 =	simm.s32 $0x5;
	s23 =	simm.s32 $0x400;
	s24 =	simm.s32 $0xC  }
0x6: {  	s28 =	simm.s32 $0xD;
	s29 =	simm.s32 $0x0;
	s1 =	sand.u32 $0x1, s1  }
0x7: {  	s3 =	sshll.u32 s2, $0x1;
	[smem:$0x7FF] =	sst s4;
	s4 =	sadd.s32 $0x18A00, s0  }
0x8: {  	s5 =	sadd.s32 $0x521C00, s0;
	s9 =	smul.u32 $0x1F400, s2;
	s3 =	sor.u32 s1, s3  }
0x9: {  	_ =	strace $0x80000050;
	s6 =	ssub.s32 $0x2, s1;
	s3 =	smul.u32 $0x7D0, s3  }
0xa: {  	s1 =	smul.u32 $0xFA00, s1;
	s7 =	sshrl.u32 s6, $0x1;
	s11 =	sadd.s32 s9, s5  }
.Ltmp0:
0xb: {  	s10 =	ssub.s32 s6, s7;
	s8 =	sshrl.u32 s3, $0x3;
	(pc) =	sbr.rel .LBB2_1-.Ltmp0, $4  }
0xc: {  	s31 =	smax.u32 s10, $0x1;
	s10 =	sadd.s32 s1, s11;
	s25 =	sadd.s32 s0, s8  }
0xd: {  	s11 =	simm.s32 $0x11;
	[dreg:$0x4] =	wrdreg s31;
	s26 =	sadd.s32 $0x13A20, s25  }
0xe: {  	s8 =	sadd.s32 $0x521C80, s0;
	s30 =	sadd.s32 $0x9C20, s25;
	[dreg:$0x2] =	wrdreg s26  }
0xf: {  	s25 =	simm.s32 $0x10;
	[dreg:$0x3] =	wrdreg s30;
	s26 =	simm.s32 $0x9  }
.LBB2_5:
0x10: {  	_ =	swait.ge [sflag:s24], $0x2800  }
0x11: {  	[sflag:s24] =	ssyncset.done $0x0  }
0x12: {  	[sflag:s24] =	ssyncadd.s32 $0xFFFFD800  }
0x13: {  	_ =	swait.ge [sflag:s25], $0x2800  }
0x14: {  	[sflag:s25] =	ssyncset.done $0x0  }
0x15: {  	[sflag:s25] =	ssyncadd.s32 $0xFFFFD800  }
0x16: {  	_ =	swait.ge [sflag:s26], $0x2800  }
0x17: {  	[sflag:s26] =	ssyncset.done $0x0  }
0x18: {  	[sflag:s26] =	ssyncadd.s32 $0xFFFFD800  }
0x19: {  	_ =	swait.ge [sflag:s28], $0x2800  }
0x1a: {  	s29 =	sadd.s32 $0x1, s29;
	s0 =	rddreg [dreg:$0x4]  }
0x1b: {  	p0 =	sne.s32 s29, s0  }
.Ltmp1:
0x1c: {  	_ = 	snop;
	(pc) =	sbr.rel @!p0 .LBB2_6-.Ltmp1, $3  }
0x1d: {  	_ =	sdelay $0x1  }
0x1e: {  	[sflag:s28] =	ssyncset.done $0x0  }
0x1f: {  	[sflag:s28] =	ssyncadd.s32 $0xFFFFD800  }
.LBB2_1:
0x20: {  	s0 =	simm.s32 $0x0;
	s1 =	rddreg [dreg:$0x2]  }
0x21: {  	[tilespmem:s0], [sflag:$0x11] =	stream.linear.gather [hbm4b:s1+s0], $0x7D0, $0x38;
	[tilespmem:$0x15000] =	vst v63  }
0x22: {  	_ =	swait.ge [sflag:s11], $0x7D0  }
0x23: {  	[sflag:s11] =	ssyncset.done $0x0  }
0x24: {  	s9 =	rddreg [dreg:$0x3];
	[sflag:s11] =	ssyncadd.s32 $0xFFFFF830  }
0x25: {  	[tilespmem:s12], [sflag:$0x11] =	stream.linear.gather [hbm4b:s9+s0], $0x7D0, $0x38;
	[tilespmem:$0x15000] =	vst v63  }
0x26: {  	_ =	swait.ge [sflag:s11], $0x7D0  }
0x27: {  	[sflag:s11] =	ssyncset.done $0x0  }
0x28: {  	[sflag:s11] =	ssyncadd.s32 $0xFFFFF830  }
0x29: {  	[tilespmem:s14], [sflag:$0x1] =	stream.indirect.gather [hbm4b:s4+s13], $0x80, s0, s13, $0xb8;
	[tilespmem:$0x15000] =	vst v63  }
0x2a: {  	_ = 	snop  }
0x2b: {  	[tilespmem:s15], [sflag:$0x5] =	stream.indirect.gather [hbm4b:s4+s13], $0x80, s12, s13, $0xb8;
	[tilespmem:$0x15000] =	vst v63  }
.Ltmp2:
0x2c: {  	s16 =	simm.s32 $0x3800;
	s17 =	simm.s32 $0x850;
	(pc) =	sbr.rel .LBB2_2-.Ltmp2, $4  }
0x2d: {  	s18 =	simm.s32 $0xD800;
	s30 =	simm.s32 $0xF0;
	s31 =	simm.s32 $0x3  }
0x2e: {  	[tilespmem:s16], [sflag:$0x2] =	stream.indirect.gather [hbm4b:s4+s13], $0x80, s13, s13, $0xb8;
	[tilespmem:$0x15000] =	vst v63  }
0x2f: {  	s1 =	simm.s32 $0x0;
	s0 =	simm.s32 $0x0;
	s16 =	simm.s32 $0x0  }
0x30: {  	[tilespmem:s18], [sflag:$0x6] =	stream.indirect.gather [hbm4b:s4+s13], $0x80, s17, s13, $0xb8;
	[tilespmem:$0x15000] =	vst v63  }
.LBB2_4:
0x31: {  	_ =	swait.ge [sflag:s21], $0x2800  }
0x32: {  	[sflag:s21] =	ssyncset.done $0x0  }
0x33: {  	[sflag:s21] =	ssyncadd.s32 $0xFFFFD800  }
0x34: {  	s9 =	sadd.s32 $0xFFFFFFFE, s31;
	_ =	swait.ge [sflag:s22], $0x2800  }
0x35: {  	p1 =	sgt.u32 s9, $0x18;
	[sflag:s22] =	ssyncset.done $0x0  }
0x36: {  	s18 =	sadd.s32 s1, s10;
	p2 =	seq.s32 @!p1 s1, $0x0;
	[sflag:s22] =	ssyncadd.s32 $0xFFFFD800  }
0x37: {  	[hbm4b:s18+s23] =	stream.strided.scatter [tilespmem:s14], [sflag:$0x9], $0x2800, s12, s23, $0x38;
	[tilespmem:$0x15000] =	vst v63  }
0x38: {  	p3 =	por p2, p1;
	s18 =	sadd.s32 $0x80, s18  }
0x39: {  	[hbm4b:s18+s23] =	stream.strided.scatter [tilespmem:s15], [sflag:$0xD], $0x2800, s12, s23, $0x38;
	[tilespmem:$0x15000] =	vst v63  }
0x3a: {  	s18 =	simm.s32 @!p3 $0xC  }
0x3b: {  	_ =	swait.ge @!p3 [sflag:s18], $0x2800  }
0x3c: {  	[sflag:s18] =	ssyncset.done @!p3 $0x0  }
0x3d: {  	[sflag:s18] =	ssyncadd.s32 @!p3 $0xFFFFD800;
	s18 =	simm.s32 @!p3 $0x10  }
0x3e: {  	_ =	swait.ge @!p3 [sflag:s18], $0x2800  }
0x3f: {  	[sflag:s18] =	ssyncset.done @!p3 $0x0  }
0x40: {  	p2 =	por !p2, p1;
	[sflag:s18] =	ssyncadd.s32 @!p3 $0xFFFFD800;
	s18 =	smov.u32 s30  }
0x41: {  	s6 =	simm.s32 @!p1 $0x50;
	s7 =	simm.s32 @!p1 $0x8800;
	s18 =	simm.s32 @!p2 $0xF0  }
0x42: {  	[tilespmem:s7], [sflag:$0x4] =	stream.indirect.gather @!p1 [hbm4b:s4+s6], $0x80, s18, s6, $0xb8;
	[tilespmem:$0x15000] =	vst v63  }
0x43: {  	s7 =	sadd.s32 @!p1 $0x800, s18;
	s18 =	simm.s32 @!p1 $0x12800  }
0x44: {  	[tilespmem:s18], [sflag:$0x8] =	stream.indirect.gather @!p1 [hbm4b:s4+s6], $0x80, s7, s6, $0xb8;
	[tilespmem:$0x15000] =	vst v63  }
0x45: {  	s6 =	simm.s32 @!p1 $0x2  }
0x46: {  	_ =	swait.ge @!p1 [sflag:s6], $0x2800  }
0x47: {  	[sflag:s6] =	ssyncset.done @!p1 $0x0  }
0x48: {  	[sflag:s6] =	ssyncadd.s32 @!p1 $0xFFFFD800;
	s6 =	simm.s32 @!p1 $0x6  }
0x49: {  	s9 =	simm.s32 @!p1 $0x800;
	_ =	swait.ge @!p1 [sflag:s6], $0x2800  }
0x4a: {  	s2 =	simm.s32 @!p1 $0x3800;
	s7 =	sadd.s32 @!p1 s1, s10;
	[sflag:s6] =	ssyncset.done @!p1 $0x0  }
0x4b: {  	s18 =	simm.s32 @!p1 $0x400;
	[sflag:s6] =	ssyncadd.s32 @!p1 $0xFFFFD800;
	s6 =	sadd.s32 @!p1 $0xA00, s7  }
0x4c: {  	[hbm4b:s6+s18] =	stream.strided.scatter @!p1 [tilespmem:s2], [sflag:$0xA], $0x2800, s9, s18, $0x38;
	[tilespmem:$0x15000] =	vst v63  }
0x4d: {  	s2 =	sadd.s32 @!p1 $0xA80, s7;
	s6 =	simm.s32 @!p1 $0xD800  }
0x4e: {  	[hbm4b:s2+s18] =	stream.strided.scatter @!p1 [tilespmem:s6], [sflag:$0xE], $0x2800, s9, s18, $0x38;
	[tilespmem:$0x15000] =	vst v63  }
0x4f: {  	s2 =	simm.s32 @p0 $0x9  }
0x50: {  	_ =	swait.ge @p0 [sflag:s2], $0x2800  }
0x51: {  	[sflag:s2] =	ssyncset.done @p0 $0x0  }
0x52: {  	[sflag:s2] =	ssyncadd.s32 @p0 $0xFFFFD800;
	s2 =	simm.s32 @p0 $0xD  }
0x53: {  	p1 =	seq.s32 @p0 s1, $0xF000;
	_ =	swait.ge @p0 [sflag:s2], $0x2800  }
0x54: {  	p1 =	por p1, !p0;
	[sflag:s2] =	ssyncset.done @p0 $0x0  }
0x55: {  	[sflag:s2] =	ssyncadd.s32 @p0 $0xFFFFD800;
	s2 =	sshra.s32 @!p1 s0, $0x2  }
0x56: {  	s7 =	simm.s32 @!p1 $0x50;
	s9 =	simm.s32 @!p1 $0x1000;
	s6 =	sadd.s32 @!p1 $0x140, s2  }
0x57: {  	[tilespmem:s9], [sflag:$0x1] =	stream.indirect.gather @!p1 [hbm4b:s4+s7], $0x80, s6, s7, $0xb8;
	[tilespmem:$0x15000] =	vst v63  }
0x58: {  	s2 =	sadd.s32 @!p1 $0x940, s2;
	s6 =	simm.s32 @!p1 $0xB000  }
0x59: {  	[tilespmem:s6], [sflag:$0x5] =	stream.indirect.gather @!p1 [hbm4b:s4+s7], $0x80, s2, s7, $0xb8;
	[tilespmem:$0x15000] =	vst v63  }
0x5a: {  	s2 =	simm.s32 @p0 $0x3  }
0x5b: {  	_ =	swait.ge @p0 [sflag:s2], $0x2800  }
0x5c: {  	s6 =	smul.u32 @p0 $0x50, s17;
	[sflag:s2] =	ssyncset.done @p0 $0x0  }
0x5d: {  	[sflag:s2] =	ssyncadd.s32 @p0 $0xFFFFD800;
	s2 =	simm.s32 @p0 $0x7  }
0x5e: {  	s9 =	simm.s32 @p0 $0x800;
	s6 =	sadd.s32 @p0 s3, s6;
	_ =	swait.ge @p0 [sflag:s2], $0x2800  }
0x5f: {  	s7 =	simm.s32 @p0 $0x400;
	s6 =	sshll.u32 @p0 s6, $0x5;
	[sflag:s2] =	ssyncset.done @p0 $0x0  }
0x60: {  	s17 =	simm.s32 @p0 $0x6000;
	[sflag:s2] =	ssyncadd.s32 @p0 $0xFFFFD800;
	s2 =	sadd.s32 @p0 s5, s6  }
0x61: {  	[hbm4b:s2+s7] =	stream.strided.scatter @p0 [tilespmem:s17], [sflag:$0xB], $0x2800, s9, s7, $0x38;
	[tilespmem:$0x15000] =	vst v63  }
0x62: {  	s2 =	sadd.s32 @p0 s6, s8;
	s6 =	simm.s32 @p0 $0x10000  }
0x63: {  	[hbm4b:s2+s7] =	stream.strided.scatter @p0 [tilespmem:s6], [sflag:$0xF], $0x2800, s9, s7, $0x38;
	[tilespmem:$0x15000] =	vst v63  }
0x64: {  	p0 =	sgt.u32 s31, $0x18  }
0x65: {  	s2 =	simm.s32 @!p0 $0xA  }
0x66: {  	_ =	swait.ge @!p0 [sflag:s2], $0x2800  }
0x67: {  	[sflag:s2] =	ssyncset.done @!p0 $0x0  }
0x68: {  	[sflag:s2] =	ssyncadd.s32 @!p0 $0xFFFFD800;
	s2 =	simm.s32 @!p0 $0xE  }
0x69: {  	p1 =	sgt.u32 @!p0 s16, $0x4;
	_ =	swait.ge @!p0 [sflag:s2], $0x2800  }
0x6a: {  	p1 =	por p1, p0;
	[sflag:s2] =	ssyncset.done @!p0 $0x0  }
0x6b: {  	[sflag:s2] =	ssyncadd.s32 @!p0 $0xFFFFD800;
	s2 =	sshra.s32 @!p1 s0, $0x2  }
0x6c: {  	s7 =	simm.s32 @!p1 $0x50;
	s9 =	simm.s32 @!p1 $0x3800;
	s6 =	sadd.s32 @!p1 $0x190, s2  }
0x6d: {  	[tilespmem:s9], [sflag:$0x2] =	stream.indirect.gather @!p1 [hbm4b:s4+s7], $0x80, s6, s7, $0xb8;
	[tilespmem:$0x15000] =	vst v63  }
0x6e: {  	s2 =	sadd.s32 @!p1 $0x990, s2;
	s6 =	simm.s32 @!p1 $0xD800  }
0x6f: {  	[tilespmem:s6], [sflag:$0x6] =	stream.indirect.gather @!p1 [hbm4b:s4+s7], $0x80, s2, s7, $0xb8;
	[tilespmem:$0x15000] =	vst v63  }
0x70: {  	s2 =	simm.s32 @!p0 $0x4  }
0x71: {  	_ =	swait.ge @!p0 [sflag:s2], $0x2800  }
0x72: {  	[sflag:s2] =	ssyncset.done @!p0 $0x0  }
0x73: {  	[sflag:s2] =	ssyncadd.s32 @!p0 $0xFFFFD800;
	s2 =	simm.s32 @!p0 $0x8  }
0x74: {  	s17 =	simm.s32 @!p0 $0x8800;
	_ =	swait.ge @!p0 [sflag:s2], $0x2800  }
0x75: {  	s9 =	simm.s32 @!p0 $0x800;
	s6 =	sadd.s32 @!p0 s1, s10;
	[sflag:s2] =	ssyncset.done @!p0 $0x0  }
0x76: {  	s7 =	simm.s32 @!p0 $0x400;
	[sflag:s2] =	ssyncadd.s32 @!p0 $0xFFFFD800;
	s2 =	sadd.s32 @!p0 $0x1E00, s6  }
0x77: {  	[hbm4b:s2+s7] =	stream.strided.scatter @!p0 [tilespmem:s17], [sflag:$0xC], $0x2800, s9, s7, $0x38;
	[tilespmem:$0x15000] =	vst v63  }
0x78: {  	s1 =	sadd.s32 $0x2800, s1;
	s2 =	sadd.s32 @!p0 $0x1E80, s6;
	s6 =	simm.s32 @!p0 $0x12800  }
0x79: {  	[hbm4b:s2+s7] =	stream.strided.scatter @!p0 [tilespmem:s6], [sflag:$0x10], $0x2800, s9, s7, $0x38;
	[tilespmem:$0x15000] =	vst v63  }
0x7a: {  	p0 =	sne.s32 s1, $0x11800  }
.Ltmp3:
0x7b: {  	_ = 	snop;
	(pc) =	sbr.rel @!p0 .LBB2_5-.Ltmp3, $3  }
0x7c: {  	_ =	sdelay $0x1  }
0x7d: {  	s30 =	sadd.s32 $0x140, s30  }
0x7e: {  	s31 =	sadd.s32 $0x4, s31;
	s16 =	sadd.s32 $0x1, s16;
	s0 =	sadd.s32 $0x500, s0  }
.LBB2_2:
0x7f: {  	p1 =	seq.s32 s1, $0x0  }
0x80: {  	s17 =	simm.s32 @!p1 $0xB  }
0x81: {  	_ =	swait.ge @!p1 [sflag:s17], $0x2800  }
0x82: {  	[sflag:s17] =	ssyncset.done @!p1 $0x0  }
0x83: {  	[sflag:s17] =	ssyncadd.s32 @!p1 $0xFFFFD800;
	s17 =	sadd.s32 @!p1 $0xFFFFFFFF, s31  }
0x84: {  	p0 =	sgt.u32 @!p1 s17, $0x18  }
0x85: {  	p2 =	por p1, !p0  }
.Ltmp4:
0x86: {  	_ = 	snop;
	(pc) =	sbr.rel @!p2 .LBB2_4-.Ltmp4, $4  }
0x87: {  	s18 =	simm.s32 @!p1 $0xF  }
0x88: {  	_ =	swait.ge @!p1 [sflag:s18], $0x2800  }
0x89: {  	[sflag:s18] =	ssyncset.done @!p1 $0x0  }
0x8a: {  	p0 =	por @!p1 $0x0, $0x0;
	[sflag:s18] =	ssyncadd.s32 @!p1 $0xFFFFD800  }
0x8b: {  	s17 =	simm.s32 @p1 $0x2  }
0x8c: {  	s18 =	smul.u32 $0x50, s17  }
.Ltmp5:
0x8d: {  	_ = 	snop;
	(pc) =	sbr.rel .LBB2_4-.Ltmp5, $4  }
0x8e: {  	_ = 	snop  }
0x8f: {  	[tilespmem:s19], [sflag:$0x3] =	stream.indirect.gather [hbm4b:s4+s13], $0x80, s18, s13, $0xb8;
	[tilespmem:$0x15000] =	vst v63  }
0x90: {  	p0 =	por $0x1, $0x1;
	s18 =	sadd.s32 $0x800, s18  }
0x91: {  	[tilespmem:s20], [sflag:$0x7] =	stream.indirect.gather [hbm4b:s4+s13], $0x80, s18, s13, $0xb8;
	[tilespmem:$0x15000] =	vst v63  }
.LBB2_6:
0x92: {  	_ =	sfence.sel $0x180000  }
0x93: {  	[bflag:$0x0] =	sbarrier.arrive $0xFFFF  }
0x94: {  	_ =	strace $0x90000050  }
0x95: {  	s0 =	stileid.u32;
	[bflag:$0x2] =	sbarrier.arrive $0xFFFF  }
0x96: {  	p0 =	sne.s32 s0, $0x0;
	s0 =	rddreg [dreg:$0x1]  }
0x97: {  	s0 =	sadd.s32 @!p0 $0x100000, s0  }
0x98: {  	[sflag:s0] =	ssyncadd.tile.s32 @!p0 $0x1;
	_ =	shalt  }
.Lfunc_end2:
_tile_overlayer_lowered:
.L_overlay_start_2:
0x99: {  	(tag) =	ssettag $0x2  }
0x9a: {  	s0 =	rddreg [dreg:$0x0];
	s2 =	stileid.u32  }
0x9b: {  	s1 =	rddreg [dreg:$0x1];
	p0 =	sne.s32 s2, $0x0  }
0x9c: {  	s3 =	rddreg [dreg:$0x2];
	[bflag:$0x3] =	sbarrier.arrive $0xFFFF;
	s2 =	simm.s32 @!p0 $0x1C11  }
0x9d: {  	[timem:s3], [sflag:s2] =	dma.local @!p0 [hbm:s0], s1  }
0x9e: {  	s0 =	simm.s32 @!p0 $0x11  }
0x9f: {  	_ =	swait.ge @!p0 [sflag:s0], s1  }
0xa0: {  	s1 =	ssub.s32 @!p0 $0x0, s1;
	[sflag:s0] =	ssyncset.done @!p0 $0x0  }
0xa1: {  	[sflag:s0] =	ssyncadd.s32 @!p0 s1  }
0xa2: {  	[bflag:$0x3] =	sbarrier.arrive $0xFFFF  }
0xa3: {  	_ =	shalt  }

// kernel: kernel.26.cloned.1.call-start
scs
__scs_entry_jumppad:
0x0: {  	(pc) =	sbr.rel $0x88, $3  }
0x1: {  	(tag) =	ssettag $0x0;
	lr =	simm.s32 $0x1  }
0x2: {  	[smem:$0x3F8C] =	sst lr;
	_ =	strace $0xD0000000  }
0x3: {  	_ = 	snop  }
0x4: {  	_ = 	snop  }
0x5: {  	_ = 	snop  }
0x6: {  	_ = 	snop  }
0x7: {  	_ = 	snop  }
__scs_overlays_trampoline_lowered:
0x8: {  	[smem:$0x3F9B] =	sst s0  }
0x9: {  	[smem:$0x3F9C] =	sst s1  }
0xa: {  	[smem:$0x3F9D] =	sst s2  }
0xb: {  	[smem:$0x3F9E] =	sst s3  }
0xc: {  	[smem:$0x3F9F] =	sst s4  }
0xd: {  	[smem:$0x3FA0] =	sst s5  }
0xe: {  	[smem:$0x3FA1] =	sst s6  }
0xf: {  	[smem:$0x3FA2] =	sst s7  }
0x10: {  	[smem:$0x3FA3] =	sst s8  }
0x11: {  	[smem:$0x3FA4] =	sst s9;
	s0 =	simm.s32 @!p0 $0x0  }
0x12: {  	s1 =	sld [smem:$0x3F8A];
	s0 =	simm.s32 @p0 $0x1  }
0x13: {  	[smem:$0x3FA5] =	sst s0;
	s0 =	simm.s32 @!p1 $0x0  }
0x14: {  	s2 =	sld [smem:$0x3F89];
	s0 =	simm.s32 @p1 $0x1  }
0x15: {  	[smem:$0x3FA6] =	sst s0;
	s0 =	simm.s32 @!p2 $0x0  }
0x16: {  	s3 =	sld [smem:$0x3FDB];
	s0 =	simm.s32 @p2 $0x1  }
0x17: {  	s4 =	simm.s32 $0x1BF5;
	[smem:$0x3FA8] =	sst s0  }
0x18: {  	s0 =	sld [smem:$0x3F8B];
	_ =	swait.ge [sflag:s4], $0x0  }
0x19: {  	s7 =	sld [smem:$0x3F8C]  }
0x1a: {  	s8 =	sadd.s32 $0xFFFFE003, lr  }
0x1b: {  	s9 =	sadd.s32 $0xFFFFFEF7, lr;
	s5 =	simm.s32 $0xFFFFFFFF;
	p2 =	slt.u32 s8, $0xFFFFF086  }
0x1c: {  	p1 =	slt.u32 s9, $0xF7A;
	s5 =	simm.s32 @!p2 $0x0  }
0x1d: {  	s5 =	simm.s32 @p1 $0x1;
	p0 =	seq.s32 s7, s2  }
0x1e: {  	s7 =	smul.u32 @!p0 $0xF7A, s2;
	p2 =	seq.s32 @!p0 s5, $0x0  }
0x1f: {  	s9 =	smul.u32 $0xF7A, s1;
	s8 =	simm.s32 @!p0 $0x1BF5;
	p2 =	por !p2, p0  }
0x20: {  	[sflag:s8] =	ssyncset.s32 @!p0 $0xFFFFF086;
	s6 =	sadd.s32 @!p0 s3, s7;
	s7 =	simm.s32 @!p0 $0x108  }
0x21: {  	s3 =	sadd.s32 s3, s9;
	s6 =	sadd.s32 @!p0 $0x88, s6;
	s7 =	simm.s32 @p2 $0x1082  }
0x22: {  	[simem:s7], [sflag:s8] =	dma.local @!p0 [hbm:s6], $0xF7A  }
0x23: {  	s9 =	sor.u32 $0xD0000000, s2;
	s6 =	simm.s32 $0x108;
	_ =	swait.ge @!p0 [sflag:s8], $0x0  }
0x24: {  	s3 =	sadd.s32 $0x88, s3;
	s6 =	simm.s32 @!p1 $0x1082;
	[sflag:s4] =	ssyncset.s32 $0xFFFFF086  }
0x25: {  	[simem:s6], [sflag:s4] =	dma.local [hbm:s3], $0xF7A  }
0x26: {  	[smem:$0x3F8C] =	sst s1;
	(tag) =	ssettag s2;
	_ =	strace s9  }
0x27: {  	s1 =	sld [smem:$0x3F9C]  }
0x28: {  	s2 =	sld [smem:$0x3F9D]  }
0x29: {  	s4 =	sld [smem:$0x3F9F]  }
0x2a: {  	p0 =	seq.s32 s5, $0x0;
	s5 =	sld [smem:$0x3FA0]  }
0x2b: {  	s6 =	sld [smem:$0x3FA1]  }
0x2c: {  	s7 =	sld [smem:$0x3FA2]  }
0x2d: {  	s3 =	simm.s32 $0x108;
	s8 =	sld [smem:$0x3FA3]  }
0x2e: {  	s3 =	simm.s32 @!p0 $0x1082;
	s9 =	sld [smem:$0x3FA4]  }
0x2f: {  	lr =	sadd.s32 s0, s3;
	s0 =	sld [smem:$0x3F9B]  }
0x30: {  	s3 =	sld [smem:$0x3F9E]  }
0x31: {  	[smem:$0x3FA7] =	sst s10  }
0x32: {  	s10 =	sld [smem:$0x3FA5];
	_ =	sdelay $0x3  }
0x33: {  	p0 =	seq.s32 s10, $0x1;
	s10 =	sld [smem:$0x3FA7];
	_ =	sdelay $0x3  }
0x34: {  	[smem:$0x3FA7] =	sst s10  }
0x35: {  	s10 =	sld [smem:$0x3FA6];
	_ =	sdelay $0x3  }
0x36: {  	p1 =	seq.s32 s10, $0x1;
	s10 =	sld [smem:$0x3FA7];
	_ =	sdelay $0x3  }
0x37: {  	[smem:$0x3FA7] =	sst s10  }
0x38: {  	s10 =	sld [smem:$0x3FA8]  }
0x39: {  	_ = 	snop;
	(pc) =	sbr.ind lr, $3  }
0x3a: {  	_ = 	snop  }
0x3b: {  	_ = 	snop  }
0x3c: {  	p2 =	seq.s32 s10, $0x1;
	s10 =	sld [smem:$0x3FA7]  }
0x3d: {  	_ =	shalt  }
0x3e: {  	_ =	shalt  }
0x3f: {  	_ =	shalt  }
0x40: {  	_ =	shalt  }
0x41: {  	_ =	shalt  }
0x42: {  	_ =	shalt  }
0x43: {  	_ =	shalt  }
0x44: {  	_ =	shalt  }
0x45: {  	_ =	shalt  }
0x46: {  	_ =	shalt  }
0x47: {  	_ =	shalt  }
0x48: {  	_ =	shalt  }
0x49: {  	_ =	shalt  }
0x4a: {  	_ =	shalt  }
0x4b: {  	_ =	shalt  }
0x4c: {  	_ =	shalt  }
0x4d: {  	_ =	shalt  }
0x4e: {  	_ =	shalt  }
0x4f: {  	_ =	shalt  }
0x50: {  	_ =	shalt  }
0x51: {  	_ =	shalt  }
0x52: {  	_ =	shalt  }
0x53: {  	_ =	shalt  }
0x54: {  	_ =	shalt  }
0x55: {  	_ =	shalt  }
0x56: {  	_ =	shalt  }
0x57: {  	_ =	shalt  }
0x58: {  	_ =	shalt  }
0x59: {  	_ =	shalt  }
0x5a: {  	_ =	shalt  }
0x5b: {  	_ =	shalt  }
0x5c: {  	_ =	shalt  }
0x5d: {  	_ =	shalt  }
0x5e: {  	_ =	shalt  }
0x5f: {  	_ =	shalt  }
0x60: {  	_ =	shalt  }
0x61: {  	_ =	shalt  }
0x62: {  	_ =	shalt  }
0x63: {  	_ =	shalt  }
0x64: {  	_ =	shalt  }
0x65: {  	_ =	shalt  }
0x66: {  	_ =	shalt  }
0x67: {  	_ =	shalt  }
0x68: {  	_ =	shalt  }
0x69: {  	_ =	shalt  }
0x6a: {  	_ =	shalt  }
0x6b: {  	_ =	shalt  }
0x6c: {  	_ =	shalt  }
0x6d: {  	_ =	shalt  }
0x6e: {  	_ =	shalt  }
0x6f: {  	_ =	shalt  }
0x70: {  	_ =	shalt  }
0x71: {  	_ =	shalt  }
0x72: {  	_ =	shalt  }
0x73: {  	_ =	shalt  }
0x74: {  	_ =	shalt  }
0x75: {  	_ =	shalt  }
0x76: {  	_ =	shalt  }
0x77: {  	_ =	shalt  }
0x78: {  	_ =	shalt  }
0x79: {  	_ =	shalt  }
0x7a: {  	_ =	shalt  }
0x7b: {  	_ =	shalt  }
0x7c: {  	_ =	shalt  }
0x7d: {  	_ =	shalt  }
0x7e: {  	_ =	shalt  }
0x7f: {  	_ =	shalt  }
0x80: {  	_ =	shalt  }
0x81: {  	_ =	shalt  }
0x82: {  	_ =	shalt  }
0x83: {  	_ =	shalt  }
0x84: {  	_ =	shalt  }
0x85: {  	_ =	shalt  }
0x86: {  	_ =	shalt  }
0x87: {  	_ =	shalt  }
.Lfunc_end0:
.L_simem_size_0:
called_computation.4_lowered:
.L_overlay_start_0:
0x88: {  	s2 =	sld [smem:$0x3FD9]  }
0x89: {  	s3 =	sld [smem:$0x3FFE];
	_ =	sdelay $0x1  }
0x8a: {  	s1 =	srdreg.scid  }
0x8b: {  	s0 =	sand.u32 $0x1, s1  }
0x8c: {  	s17 =	sshll.u32 s0, $0xA;
	s2 =	sadd.s32 s3, s2  }
0x8d: {  	s2 =	sadd.s32 s2, s17  }
0x8e: {  	[smem:$0x3FB3] =	sst s2  }
0x8f: {  	_ = 	snop  }
0x90: {  	(tm) =	ssettm $0x1  }
0x91: {  	s18 =	sld [smem:$0x3FFB];
	_ =	sdelay $0x3  }
0x92: {  	_ =	strace s18  }
0x93: {  	s2 =	sld [smem:$0x3FFC];
	_ =	sdelay $0x3  }
0x94: {  	_ =	strace s2  }
0x95: {  	s2 =	sld [smem:$0x3FFD];
	_ =	sdelay $0x3  }
0x96: {  	_ =	strace s2  }
0x97: {  	_ =	strace $0x8FFFFFFF  }
0x98: {  	s19 =	sld [smem:$0x3FDB];
	_ =	sdelay $0x1  }
0x99: {  	s20 =	simm.s32 $_scs_section_size  }
0x9a: {  	s4 =	simm.s32 $_size__tile_overlayer_lowered;
	s5 =	simm.s32 $_tile_overlayer_lowered  }
0x9b: {  	s6 =	simm.s32 $0x1BFF;
	s21 =	sshll.u32 s5, $0x1;
	s3 =	sadd.s32 s20, s19  }
0x9c: {  	s22 =	simm.s32 $0x0;
	s4 =	sshll.u32 s4, $0x1;
	s5 =	sadd.s32 s21, s3  }
0x9d: {  	[timem:s22], [sflag:s6] =	dma.local [hbm:s5], s4  }
0x9e: {  	_ =	swait.ge [sflag:s6], s4  }
0x9f: {  	s4 =	ssub.s32 $0x0, s4;
	[sflag:s6] =	ssyncset.done $0x0  }
0xa0: {  	[sflag:s6] =	ssyncadd.s32 s4;
	_ =	sdelay $0x1  }
0xa1: {  	s23 =	simm.s32 $0x1B8B  }
0xa2: {  	_ =	swait.ge [sflag:s23], $0x1  }
0xa3: {  	[sflag:s23] =	ssyncset.done $0x0  }
0xa4: {  	[sflag:s23] =	ssyncadd.s32 $0xFFFFFFFF  }
0xa5: {  	s4 =	sld [smem:$0x0]  }
0xa6: {  	s5 =	sand.u32 $0xFFFFFFFE, s1  }
0xa7: {  	p0 =	sne.s32 s1, s5  }
0xa8: {  	s5 =	sshll.u32 @p0 s5, $0xE  }
0xa9: {  	s5 =	sadd.s32 @p0 $0x11B8D, s5;
	s6 =	sshll.u32 @p0 s4, $0x11  }
0xaa: {  	s5 =	sor.u32 @p0 s6, s5  }
0xab: {  	[sflag:s5] =	ssyncadd.remote.s32 @p0 $0x1;
	_ =	sdelay $0x1  }
0xac: {  	s5 =	simm.s32 @p0 $0x1B8D  }
0xad: {  	_ =	swait.eq @p0 [sflag:s5], $0x1  }
0xae: {  	[sflag:s5] =	ssyncadd.s32 @p0 $0xFFFFFFFF  }
0xaf: {  	s6 =	sshll.u32 @!p0 s1, $0xE  }
0xb0: {  	s6 =	sor.u32 @!p0 $0x4000, s6;
	s5 =	simm.s32 @!p0 $0x1B8D  }
0xb1: {  	s4 =	sshll.u32 @!p0 s4, $0x11;
	s6 =	sadd.s32 @!p0 $0x11B8D, s6;
	_ =	swait.eq @!p0 [sflag:s5], $0x1  }
0xb2: {  	s4 =	sor.u32 @!p0 s4, s6;
	[sflag:s5] =	ssyncadd.s32 @!p0 $0xFFFFFFFF  }
0xb3: {  	s25 =	simm.s32 $0x1B8E;
	s24 =	sld [smem:$0x3FFE];
	[sflag:s4] =	ssyncadd.remote.s32 @!p0 $0x1  }
0xb4: {  	s26 =	simm.s32 $execute0_lowered;
	[smem:$0x3FD2] =	sst s25  }
0xb5: {  	s5 =	sshll.u32 s26, $0x1;
	_ =	strace $0x80000052;
	[dreg:$0x1] =	wrdreg $0xFFFFFFFF  }
0xb6: {  	s28 =	simm.s32 $_size_execute0_lowered;
	s3 =	sadd.s32 s3, s5;
	[dreg:$0x0] =	wrdreg $0x0  }
0xb7: {  	s5 =	sshll.u32 s28, $0x1;
	[dreg:$0x2] =	wrdreg s3  }
0xb8: {  	[dreg:$0x3] =	wrdreg s5  }
0xb9: {  	[dreg:$0x4] =	wrdreg $0xC0  }
0xba: {  	_ =	task [dreg:s22], $0x5FFFF  }
0xbb: {  	[dreg:$0x1] =	wrdreg $0xFFFFFFFF  }
0xbc: {  	[dreg:$0x0] =	wrdreg $0x60  }
0xbd: {  	[dreg:$0x2] =	wrdreg s24  }
0xbe: {  	[dreg:$0x3] =	wrdreg $0xD  }
0xbf: {  	_ =	task.clear_ibuf [dreg:s22], $0x4FFFF;
	_ =	strace $0x90000052  }
0xc0: {  	s29 =	simm.s32 $0xD;
	_ =	strace $0x80000054  }
0xc1: {  	_ =	swait.ge [sflag:s29], $0x1  }
0xc2: {  	[sflag:s29] =	ssyncadd.s32 $0xFFFFFFFF  }
0xc3: {  	_ =	strace $0x90000054  }
0xc4: {  	_ =	sfence  }
0xc5: {  	s30 =	sld [smem:$0x0];
	_ =	sdelay $0x2  }
0xc6: {  	s31 =	sshll.u32 s1, $0xD;
	s1 =	sshrl.u32 s1, $0x2  }
0xc7: {  	s4 =	sand.u32 $0x4000, s31;
	s1 =	sadd.s32 s1, s30  }
0xc8: {  	s0 =	sor.u32 s4, s0;
	s1 =	sshll.u32 s1, $0x11  }
0xc9: {  	s0 =	sor.u32 s1, s0  }
0xca: {  	s0 =	sadd.s32 $0x8F2B, s0  }
0xcb: {  	[sflag:s0] =	ssyncadd.remote.s32 $0x1  }
0xcc: {  	_ =	sfence.sel $0xFFFF  }
0xcd: {  	[dreg:$0x0] =	wrdreg $0xFFFFFFFF;
	(pc) =	sbr.abs _section_cstart, $3  }
0xce: {  	[dreg:$0x1] =	wrdreg $0xFFFFFFFF  }
0xcf: {  	_ =	task.clear_ibuf [dreg:s22], $0x2FFFF;
	_ =	strace $0x9FFFFFFF  }
0xd0: {  	(tm) =	ssettm $0x7FFFFFFF  }
0xd1: {  	_ =	shalt  }
tec
execute0_lowered:
.L_overlay_start_1:
0x0: {  	(tag) =	ssettag $0x1  }
0x1: {  	s0 =	rddreg [dreg:$0x0]  }
0x2: {  	s1 =	srdreg.scid;
	s7 =	stileid.u32  }
0x3: {  	s3 =	simm.s32 $0x0;
	s14 =	simm.s32 $0x28;
	s15 =	simm.s32 $0x1800  }
0x4: {  	s16 =	simm.s32 $0x6800;
	s17 =	simm.s32 $0x2C00;
	s19 =	simm.s32 $0x7C00  }
0x5: {  	s20 =	simm.s32 $0x4000;
	s21 =	simm.s32 $0x9000;
	s22 =	simm.s32 $0x1  }
0x6: {  	s23 =	simm.s32 $0x5;
	s29 =	simm.s32 $0xA400;
	s30 =	simm.s32 $0x2  }
0x7: {  	s31 =	simm.s32 $0x6;
	s18 =	simm.s32 $0x7;
	s1 =	sand.u32 $0x1, s1  }
0x8: {  	s2 =	sshll.u32 s7, $0x1;
	[smem:$0x7FF] =	sst s3;
	s4 =	sadd.s32 $0x18A00, s0  }
0x9: {  	s5 =	sadd.s32 $0x715C00, s0;
	s7 =	smul.u32 $0x2EE00, s7;
	s2 =	sor.u32 s1, s2  }
0xa: {  	_ =	strace $0x80000053;
	s24 =	ssub.s32 $0x2, s1;
	s1 =	smul.u32 $0x17700, s1  }
0xb: {  	s3 =	smul.u32 $0xBB8, s2;
	s8 =	sshrl.u32 s24, $0x1;
	s7 =	sadd.s32 s7, s5  }
0xc: {  	s2 =	ssub.s32 s24, s8;
	s8 =	sadd.s32 $0x715C80, s0;
	s26 =	sadd.s32 s1, s7  }
0xd: {  	s24 =	simm.s32 $0x400;
	s1 =	simm.s32 $0xD;
	s7 =	simm.s32 $0x0  }
.Ltmp0:
0xe: {  	s6 =	sshrl.u32 s3, $0x3;
	s28 =	smax.u32 s2, $0x1;
	(pc) =	sbr.rel .LBB2_1-.Ltmp0, $4  }
0xf: {  	s6 =	sadd.s32 s0, s6;
	[dreg:$0x4] =	wrdreg s28;
	s0 =	sadd.s32 $0xF80, s26  }
0x10: {  	s9 =	sadd.s32 $0x28, s3;
	s25 =	sadd.s32 $0x15960, s6;
	[dreg:$0x5] =	wrdreg s0  }
0x11: {  	s26 =	simm.s32 $0x3;
	s6 =	sadd.s32 $0xBB60, s6;
	[dreg:$0x2] =	wrdreg s25  }
0x12: {  	s0 =	simm.s32 $0x9;
	[dreg:$0x3] =	wrdreg s6;
	s25 =	simm.s32 $0x800  }
.LBB2_5:
0x13: {  	s2 =	simm.s32 $0xA  }
0x14: {  	_ =	swait.ge [sflag:s2], $0x1400  }
0x15: {  	[sflag:s2] =	ssyncset.done $0x0  }
0x16: {  	s12 =	simm.s32 $0xE;
	[sflag:s2] =	ssyncadd.s32 $0xFFFFEC00  }
0x17: {  	_ =	swait.ge [sflag:s12], $0x1400  }
0x18: {  	[sflag:s12] =	ssyncset.done $0x0  }
0x19: {  	s13 =	simm.s32 $0xB;
	[sflag:s12] =	ssyncadd.s32 $0xFFFFEC00  }
0x1a: {  	_ =	swait.ge [sflag:s13], $0x1400  }
0x1b: {  	[sflag:s13] =	ssyncset.done $0x0  }
0x1c: {  	s6 =	simm.s32 $0xF;
	[sflag:s13] =	ssyncadd.s32 $0xFFFFEC00  }
0x1d: {  	_ =	swait.ge [sflag:s6], $0x1400  }
0x1e: {  	s7 =	rddreg [dreg:$0x6]  }
0x1f: {  	s28 =	rddreg [dreg:$0x4];
	s7 =	sadd.s32 $0x1, s7  }
0x20: {  	p0 =	sne.s32 s7, s28  }
.Ltmp1:
0x21: {  	_ = 	snop;
	(pc) =	sbr.rel @!p0 .LBB2_6-.Ltmp1, $3  }
0x22: {  	_ =	sdelay $0x1  }
0x23: {  	[sflag:s6] =	ssyncset.done $0x0  }
0x24: {  	[sflag:s6] =	ssyncadd.s32 $0xFFFFEC00  }
.LBB2_1:
0x25: {  	[dreg:$0x6] =	wrdreg s7  }
0x26: {  	s2 =	simm.s32 $0x0;
	s6 =	rddreg [dreg:$0x2];
	s12 =	simm.s32 $0x11  }
0x27: {  	[tilespmem:s2], [sflag:$0x11] =	stream.linear.gather [hbm4b:s6+s2], $0xBB8, $0x38;
	[tilespmem:$0xB800] =	vst v63  }
0x28: {  	_ =	swait.ge [sflag:s12], $0xBB8  }
0x29: {  	[sflag:s12] =	ssyncset.done $0x0  }
0x2a: {  	s10 =	simm.s32 $0xC00;
	s13 =	rddreg [dreg:$0x3];
	[sflag:s12] =	ssyncadd.s32 $0xFFFFF448  }
0x2b: {  	[tilespmem:s10], [sflag:$0x11] =	stream.linear.gather [hbm4b:s13+s2], $0xBB8, $0x38;
	[tilespmem:$0xB800] =	vst v63  }
0x2c: {  	_ =	swait.ge [sflag:s12], $0xBB8  }
0x2d: {  	[sflag:s12] =	ssyncset.done $0x0  }
0x2e: {  	[sflag:s12] =	ssyncadd.s32 $0xFFFFF448  }
0x2f: {  	[tilespmem:s15], [sflag:$0x1] =	stream.indirect.gather [hbm4b:s4+s14], $0x80, s2, s14, $0xb8;
	[tilespmem:$0xB800] =	vst v63  }
0x30: {  	_ = 	snop  }
0x31: {  	[tilespmem:s16], [sflag:$0x5] =	stream.indirect.gather [hbm4b:s4+s14], $0x80, s10, s14, $0xb8;
	[tilespmem:$0xB800] =	vst v63  }
.Ltmp2:
0x32: {  	_ = 	snop;
	(pc) =	sbr.rel .LBB2_2-.Ltmp2, $4  }
0x33: {  	s28 =	simm.s32 $0xC28  }
0x34: {  	[tilespmem:s17], [sflag:$0x2] =	stream.indirect.gather [hbm4b:s4+s14], $0x80, s14, s14, $0xb8;
	[tilespmem:$0xB800] =	vst v63  }
0x35: {  	s13 =	simm.s32 $0x0;
	s6 =	rddreg [dreg:$0x5];
	s2 =	simm.s32 $0x3  }
0x36: {  	[tilespmem:s19], [sflag:$0x6] =	stream.indirect.gather [hbm4b:s4+s14], $0x80, s28, s14, $0xb8;
	[tilespmem:$0xB800] =	vst v63  }
.LBB2_4:
0x37: {  	_ =	swait.ge [sflag:s30], $0x1400  }
0x38: {  	[sflag:s30] =	ssyncset.done $0x0  }
0x39: {  	[sflag:s30] =	ssyncadd.s32 $0xFFFFEC00  }
0x3a: {  	s11 =	sadd.s32 s7, s9;
	_ =	swait.ge [sflag:s31], $0x1400  }
0x3b: {  	s11 =	sshll.u32 s11, $0x5;
	[sflag:s31] =	ssyncset.done $0x0  }
0x3c: {  	s12 =	sadd.s32 s5, s11;
	[sflag:s31] =	ssyncadd.s32 $0xFFFFEC00  }
0x3d: {  	[hbm4b:s12+s24] =	stream.strided.scatter [tilespmem:s17], [sflag:$0xA], $0x1400, s25, s24, $0x38;
	[tilespmem:$0xB800] =	vst v63  }
0x3e: {  	s11 =	sadd.s32 s11, s8  }
0x3f: {  	[hbm4b:s11+s24] =	stream.strided.scatter [tilespmem:s19], [sflag:$0xE], $0x1400, s25, s24, $0x38;
	[tilespmem:$0xB800] =	vst v63  }
0x40: {  	_ =	swait.ge [sflag:s0], $0x1400  }
0x41: {  	[sflag:s0] =	ssyncset.done $0x0  }
0x42: {  	[sflag:s0] =	ssyncadd.s32 $0xFFFFEC00  }
0x43: {  	p0 =	seq.s32 s13, $0xB40;
	_ =	swait.ge [sflag:s1], $0x1400  }
0x44: {  	s28 =	simm.s32 @!p0 $0x1800;
	[sflag:s1] =	ssyncset.done $0x0  }
0x45: {  	s12 =	simm.s32 @!p0 $0x28;
	s11 =	sadd.s32 @!p0 $0xA0, s7;
	[sflag:s1] =	ssyncadd.s32 $0xFFFFEC00  }
0x46: {  	[tilespmem:s28], [sflag:$0x1] =	stream.indirect.gather @!p0 [hbm4b:s4+s12], $0x80, s11, s12, $0xb8;
	[tilespmem:$0xB800] =	vst v63  }
0x47: {  	s11 =	sadd.s32 @!p0 $0xCA0, s7;
	s28 =	simm.s32 @!p0 $0x6800  }
0x48: {  	[tilespmem:s28], [sflag:$0x5] =	stream.indirect.gather @!p0 [hbm4b:s4+s12], $0x80, s11, s12, $0xb8;
	[tilespmem:$0xB800] =	vst v63  }
0x49: {  	_ =	swait.ge [sflag:s26], $0x1400  }
0x4a: {  	[sflag:s26] =	ssyncset.done $0x0  }
0x4b: {  	[sflag:s26] =	ssyncadd.s32 $0xFFFFEC00  }
0x4c: {  	s10 =	sadd.s32 s3, s10;
	_ =	swait.ge [sflag:s18], $0x1400  }
0x4d: {  	s10 =	sshll.u32 s10, $0x5;
	[sflag:s18] =	ssyncset.done $0x0  }
0x4e: {  	s28 =	sadd.s32 s5, s10;
	[sflag:s18] =	ssyncadd.s32 $0xFFFFEC00  }
0x4f: {  	[hbm4b:s28+s24] =	stream.strided.scatter [tilespmem:s20], [sflag:$0xB], $0x1400, s25, s24, $0x38;
	[tilespmem:$0xB800] =	vst v63  }
0x50: {  	s10 =	sadd.s32 s10, s8;
	p0 =	sgt.u32 s2, $0x4A  }
0x51: {  	[hbm4b:s10+s24] =	stream.strided.scatter [tilespmem:s21], [sflag:$0xF], $0x1400, s25, s24, $0x38;
	[tilespmem:$0xB800] =	vst v63  }
0x52: {  	s10 =	simm.s32 @!p0 $0xA  }
0x53: {  	_ =	swait.ge @!p0 [sflag:s10], $0x1400  }
0x54: {  	[sflag:s10] =	ssyncset.done @!p0 $0x0  }
0x55: {  	[sflag:s10] =	ssyncadd.s32 @!p0 $0xFFFFEC00;
	s10 =	simm.s32 @!p0 $0xE  }
0x56: {  	_ =	swait.ge @!p0 [sflag:s10], $0x1400  }
0x57: {  	s11 =	simm.s32 @!p0 $0x28;
	[sflag:s10] =	ssyncset.done @!p0 $0x0  }
0x58: {  	s12 =	simm.s32 @!p0 $0x2C00;
	[sflag:s10] =	ssyncadd.s32 @!p0 $0xFFFFEC00;
	s10 =	sadd.s32 @!p0 $0xC8, s7  }
0x59: {  	[tilespmem:s12], [sflag:$0x2] =	stream.indirect.gather @!p0 [hbm4b:s4+s11], $0x80, s10, s11, $0xb8;
	[tilespmem:$0xB800] =	vst v63  }
0x5a: {  	s7 =	sadd.s32 @!p0 $0xCC8, s7;
	s10 =	simm.s32 @!p0 $0x7C00  }
0x5b: {  	[tilespmem:s10], [sflag:$0x6] =	stream.indirect.gather @!p0 [hbm4b:s4+s11], $0x80, s7, s11, $0xb8;
	[tilespmem:$0xB800] =	vst v63  }
0x5c: {  	s7 =	simm.s32 @!p0 $0x4  }
0x5d: {  	_ =	swait.ge @!p0 [sflag:s7], $0x1400  }
0x5e: {  	[sflag:s7] =	ssyncset.done @!p0 $0x0  }
0x5f: {  	[sflag:s7] =	ssyncadd.s32 @!p0 $0xFFFFEC00;
	s7 =	simm.s32 @!p0 $0x8  }
0x60: {  	_ =	swait.ge @!p0 [sflag:s7], $0x1400  }
0x61: {  	s12 =	simm.s32 @!p0 $0x5400;
	s10 =	simm.s32 @!p0 $0x400;
	[sflag:s7] =	ssyncset.done @!p0 $0x0  }
0x62: {  	s11 =	simm.s32 @!p0 $0x800;
	[sflag:s7] =	ssyncadd.s32 @!p0 $0xFFFFEC00;
	s7 =	sadd.s32 @!p0 $0xFFFFFF80, s6  }
0x63: {  	[hbm4b:s7+s10] =	stream.strided.scatter @!p0 [tilespmem:s12], [sflag:$0xC], $0x1400, s11, s10, $0x38;
	[tilespmem:$0xB800] =	vst v63  }
0x64: {  	s13 =	sadd.s32 $0xA0, s13;
	s7 =	simm.s32 @!p0 $0xA400  }
0x65: {  	[hbm4b:s6+s10] =	stream.strided.scatter @!p0 [tilespmem:s7], [sflag:$0x10], $0x1400, s11, s10, $0x38;
	[tilespmem:$0xB800] =	vst v63  }
0x66: {  	p0 =	sne.s32 s13, $0xBE0  }
.Ltmp3:
0x67: {  	_ = 	snop;
	(pc) =	sbr.rel @!p0 .LBB2_5-.Ltmp3, $2  }
0x68: {  	_ =	sdelay $0x2  }
0x69: {  	s2 =	sadd.s32 $0x4, s2;
	s6 =	sadd.s32 $0x1400, s6  }
.LBB2_2:
0x6a: {  	p0 =	seq.s32 s13, $0x0  }
0x6b: {  	s7 =	simm.s32 @!p0 $0xB  }
0x6c: {  	_ =	swait.ge @!p0 [sflag:s7], $0x1400  }
0x6d: {  	[sflag:s7] =	ssyncset.done @!p0 $0x0  }
0x6e: {  	[sflag:s7] =	ssyncadd.s32 @!p0 $0xFFFFEC00;
	s7 =	simm.s32 @!p0 $0xF  }
0x6f: {  	_ =	swait.ge @!p0 [sflag:s7], $0x1400  }
0x70: {  	s10 =	sadd.s32 @!p0 $0x50, s13;
	[sflag:s7] =	ssyncset.done @!p0 $0x0  }
0x71: {  	s10 =	simm.s32 @p0 $0x50;
	[sflag:s7] =	ssyncadd.s32 @!p0 $0xFFFFEC00  }
0x72: {  	[tilespmem:s20], [sflag:$0x3] =	stream.indirect.gather [hbm4b:s4+s14], $0x80, s10, s14, $0xb8;
	[tilespmem:$0xB800] =	vst v63  }
0x73: {  	s12 =	sadd.s32 $0xC00, s10  }
0x74: {  	[tilespmem:s21], [sflag:$0x7] =	stream.indirect.gather [hbm4b:s4+s14], $0x80, s12, s14, $0xb8;
	[tilespmem:$0xB800] =	vst v63  }
0x75: {  	_ =	swait.ge [sflag:s22], $0x1400  }
0x76: {  	s7 =	smov.u32 s13;
	[sflag:s22] =	ssyncset.done $0x0  }
0x77: {  	s7 =	simm.s32 @p0 $0x0;
	[sflag:s22] =	ssyncadd.s32 $0xFFFFEC00  }
0x78: {  	s12 =	sadd.s32 s3, s7;
	_ =	swait.ge [sflag:s23], $0x1400  }
0x79: {  	s12 =	sshll.u32 s12, $0x5;
	[sflag:s23] =	ssyncset.done $0x0  }
0x7a: {  	s11 =	sadd.s32 s5, s12;
	[sflag:s23] =	ssyncadd.s32 $0xFFFFEC00  }
0x7b: {  	[hbm4b:s11+s24] =	stream.strided.scatter [tilespmem:s15], [sflag:$0x9], $0x1400, s25, s24, $0x38;
	[tilespmem:$0xB800] =	vst v63  }
0x7c: {  	p1 =	sgt.u32 @!p0 s2, $0x4A;
	s28 =	sadd.s32 s12, s8;
	s11 =	simm.s32 @!p0 $0xC  }
0x7d: {  	[hbm4b:s28+s24] =	stream.strided.scatter [tilespmem:s16], [sflag:$0xD], $0x1400, s25, s24, $0x38;
	[tilespmem:$0xB800] =	vst v63  }
0x7e: {  	p1 =	por p0, !p1;
	_ =	swait.ge @!p0 [sflag:s11], $0x1400  }
.Ltmp4:
0x7f: {  	[sflag:s11] =	ssyncset.done @!p0 $0x0;
	(pc) =	sbr.rel @!p1 .LBB2_4-.Ltmp4, $4  }
0x80: {  	[sflag:s11] =	ssyncadd.s32 @!p0 $0xFFFFEC00;
	s11 =	simm.s32 @!p0 $0x10  }
0x81: {  	_ =	swait.ge @!p0 [sflag:s11], $0x1400  }
0x82: {  	[sflag:s11] =	ssyncset.done @!p0 $0x0  }
0x83: {  	[sflag:s11] =	ssyncadd.s32 @!p0 $0xFFFFEC00  }
0x84: {  	s11 =	smov.u32 s2  }
0x85: {  	s11 =	simm.s32 @p0 $0x3  }
0x86: {  	s11 =	smul.u32 $0x28, s11  }
.Ltmp5:
0x87: {  	_ = 	snop;
	(pc) =	sbr.rel .LBB2_4-.Ltmp5, $4  }
0x88: {  	s12 =	simm.s32 $0x5400  }
0x89: {  	[tilespmem:s12], [sflag:$0x4] =	stream.indirect.gather [hbm4b:s4+s14], $0x80, s11, s14, $0xb8;
	[tilespmem:$0xB800] =	vst v63  }
0x8a: {  	s11 =	sadd.s32 $0xC00, s11  }
0x8b: {  	[tilespmem:s29], [sflag:$0x8] =	stream.indirect.gather [hbm4b:s4+s14], $0x80, s11, s14, $0xb8;
	[tilespmem:$0xB800] =	vst v63  }
.LBB2_6:
0x8c: {  	_ =	sfence.sel $0x180000  }
0x8d: {  	[bflag:$0x0] =	sbarrier.arrive $0xFFFF  }
0x8e: {  	_ =	strace $0x90000053  }
0x8f: {  	s0 =	stileid.u32;
	[bflag:$0x2] =	sbarrier.arrive $0xFFFF  }
0x90: {  	p0 =	sne.s32 s0, $0x0;
	s0 =	rddreg [dreg:$0x1]  }
0x91: {  	s0 =	sadd.s32 @!p0 $0x100000, s0  }
0x92: {  	[sflag:s0] =	ssyncadd.tile.s32 @!p0 $0x1;
	_ =	shalt  }
.Lfunc_end2:
_tile_overlayer_lowered:
.L_overlay_start_2:
0x93: {  	(tag) =	ssettag $0x2  }
0x94: {  	s0 =	rddreg [dreg:$0x0];
	s2 =	stileid.u32  }
0x95: {  	s1 =	rddreg [dreg:$0x1];
	p0 =	sne.s32 s2, $0x0  }
0x96: {  	s3 =	rddreg [dreg:$0x2];
	[bflag:$0x3] =	sbarrier.arrive $0xFFFF;
	s2 =	simm.s32 @!p0 $0x1C11  }
0x97: {  	[timem:s3], [sflag:s2] =	dma.local @!p0 [hbm:s0], s1  }
0x98: {  	s0 =	simm.s32 @!p0 $0x11  }
0x99: {  	_ =	swait.ge @!p0 [sflag:s0], s1  }
0x9a: {  	s1 =	ssub.s32 @!p0 $0x0, s1;
	[sflag:s0] =	ssyncset.done @!p0 $0x0  }
0x9b: {  	[sflag:s0] =	ssyncadd.s32 @!p0 s1  }
0x9c: {  	[bflag:$0x3] =	sbarrier.arrive $0xFFFF  }
0x9d: {  	_ =	shalt  }

// kernel: kernel.29.cloned.1.call-start
scs
__scs_entry_jumppad:
0x0: {  	(pc) =	sbr.rel $0x88, $3  }
0x1: {  	(tag) =	ssettag $0x0;
	lr =	simm.s32 $0x1  }
0x2: {  	[smem:$0x3F8C] =	sst lr;
	_ =	strace $0xD0000000  }
0x3: {  	_ = 	snop  }
0x4: {  	_ = 	snop  }
0x5: {  	_ = 	snop  }
0x6: {  	_ = 	snop  }
0x7: {  	_ = 	snop  }
__scs_overlays_trampoline_lowered:
0x8: {  	[smem:$0x3F9B] =	sst s0  }
0x9: {  	[smem:$0x3F9C] =	sst s1  }
0xa: {  	[smem:$0x3F9D] =	sst s2  }
0xb: {  	[smem:$0x3F9E] =	sst s3  }
0xc: {  	[smem:$0x3F9F] =	sst s4  }
0xd: {  	[smem:$0x3FA0] =	sst s5  }
0xe: {  	[smem:$0x3FA1] =	sst s6  }
0xf: {  	[smem:$0x3FA2] =	sst s7  }
0x10: {  	[smem:$0x3FA3] =	sst s8  }
0x11: {  	[smem:$0x3FA4] =	sst s9;
	s0 =	simm.s32 @!p0 $0x0  }
0x12: {  	s1 =	sld [smem:$0x3F8A];
	s0 =	simm.s32 @p0 $0x1  }
0x13: {  	[smem:$0x3FA5] =	sst s0;
	s0 =	simm.s32 @!p1 $0x0  }
0x14: {  	s2 =	sld [smem:$0x3F89];
	s0 =	simm.s32 @p1 $0x1  }
0x15: {  	[smem:$0x3FA6] =	sst s0;
	s0 =	simm.s32 @!p2 $0x0  }
0x16: {  	s3 =	sld [smem:$0x3FDB];
	s0 =	simm.s32 @p2 $0x1  }
0x17: {  	s4 =	simm.s32 $0x1BF5;
	[smem:$0x3FA8] =	sst s0  }
0x18: {  	s0 =	sld [smem:$0x3F8B];
	_ =	swait.ge [sflag:s4], $0x0  }
0x19: {  	s7 =	sld [smem:$0x3F8C]  }
0x1a: {  	s8 =	sadd.s32 $0xFFFFE003, lr  }
0x1b: {  	s9 =	sadd.s32 $0xFFFFFEF7, lr;
	s5 =	simm.s32 $0xFFFFFFFF;
	p2 =	slt.u32 s8, $0xFFFFF086  }
0x1c: {  	p1 =	slt.u32 s9, $0xF7A;
	s5 =	simm.s32 @!p2 $0x0  }
0x1d: {  	s5 =	simm.s32 @p1 $0x1;
	p0 =	seq.s32 s7, s2  }
0x1e: {  	s7 =	smul.u32 @!p0 $0xF7A, s2;
	p2 =	seq.s32 @!p0 s5, $0x0  }
0x1f: {  	s9 =	smul.u32 $0xF7A, s1;
	s8 =	simm.s32 @!p0 $0x1BF5;
	p2 =	por !p2, p0  }
0x20: {  	[sflag:s8] =	ssyncset.s32 @!p0 $0xFFFFF086;
	s6 =	sadd.s32 @!p0 s3, s7;
	s7 =	simm.s32 @!p0 $0x108  }
0x21: {  	s3 =	sadd.s32 s3, s9;
	s6 =	sadd.s32 @!p0 $0x88, s6;
	s7 =	simm.s32 @p2 $0x1082  }
0x22: {  	[simem:s7], [sflag:s8] =	dma.local @!p0 [hbm:s6], $0xF7A  }
0x23: {  	s9 =	sor.u32 $0xD0000000, s2;
	s6 =	simm.s32 $0x108;
	_ =	swait.ge @!p0 [sflag:s8], $0x0  }
0x24: {  	s3 =	sadd.s32 $0x88, s3;
	s6 =	simm.s32 @!p1 $0x1082;
	[sflag:s4] =	ssyncset.s32 $0xFFFFF086  }
0x25: {  	[simem:s6], [sflag:s4] =	dma.local [hbm:s3], $0xF7A  }
0x26: {  	[smem:$0x3F8C] =	sst s1;
	(tag) =	ssettag s2;
	_ =	strace s9  }
0x27: {  	s1 =	sld [smem:$0x3F9C]  }
0x28: {  	s2 =	sld [smem:$0x3F9D]  }
0x29: {  	s4 =	sld [smem:$0x3F9F]  }
0x2a: {  	p0 =	seq.s32 s5, $0x0;
	s5 =	sld [smem:$0x3FA0]  }
0x2b: {  	s6 =	sld [smem:$0x3FA1]  }
0x2c: {  	s7 =	sld [smem:$0x3FA2]  }
0x2d: {  	s3 =	simm.s32 $0x108;
	s8 =	sld [smem:$0x3FA3]  }
0x2e: {  	s3 =	simm.s32 @!p0 $0x1082;
	s9 =	sld [smem:$0x3FA4]  }
0x2f: {  	lr =	sadd.s32 s0, s3;
	s0 =	sld [smem:$0x3F9B]  }
0x30: {  	s3 =	sld [smem:$0x3F9E]  }
0x31: {  	[smem:$0x3FA7] =	sst s10  }
0x32: {  	s10 =	sld [smem:$0x3FA5];
	_ =	sdelay $0x3  }
0x33: {  	p0 =	seq.s32 s10, $0x1;
	s10 =	sld [smem:$0x3FA7];
	_ =	sdelay $0x3  }
0x34: {  	[smem:$0x3FA7] =	sst s10  }
0x35: {  	s10 =	sld [smem:$0x3FA6];
	_ =	sdelay $0x3  }
0x36: {  	p1 =	seq.s32 s10, $0x1;
	s10 =	sld [smem:$0x3FA7];
	_ =	sdelay $0x3  }
0x37: {  	[smem:$0x3FA7] =	sst s10  }
0x38: {  	s10 =	sld [smem:$0x3FA8]  }
0x39: {  	_ = 	snop;
	(pc) =	sbr.ind lr, $3  }
0x3a: {  	_ = 	snop  }
0x3b: {  	_ = 	snop  }
0x3c: {  	p2 =	seq.s32 s10, $0x1;
	s10 =	sld [smem:$0x3FA7]  }
0x3d: {  	_ =	shalt  }
0x3e: {  	_ =	shalt  }
0x3f: {  	_ =	shalt  }
0x40: {  	_ =	shalt  }
0x41: {  	_ =	shalt  }
0x42: {  	_ =	shalt  }
0x43: {  	_ =	shalt  }
0x44: {  	_ =	shalt  }
0x45: {  	_ =	shalt  }
0x46: {  	_ =	shalt  }
0x47: {  	_ =	shalt  }
0x48: {  	_ =	shalt  }
0x49: {  	_ =	shalt  }
0x4a: {  	_ =	shalt  }
0x4b: {  	_ =	shalt  }
0x4c: {  	_ =	shalt  }
0x4d: {  	_ =	shalt  }
0x4e: {  	_ =	shalt  }
0x4f: {  	_ =	shalt  }
0x50: {  	_ =	shalt  }
0x51: {  	_ =	shalt  }
0x52: {  	_ =	shalt  }
0x53: {  	_ =	shalt  }
0x54: {  	_ =	shalt  }
0x55: {  	_ =	shalt  }
0x56: {  	_ =	shalt  }
0x57: {  	_ =	shalt  }
0x58: {  	_ =	shalt  }
0x59: {  	_ =	shalt  }
0x5a: {  	_ =	shalt  }
0x5b: {  	_ =	shalt  }
0x5c: {  	_ =	shalt  }
0x5d: {  	_ =	shalt  }
0x5e: {  	_ =	shalt  }
0x5f: {  	_ =	shalt  }
0x60: {  	_ =	shalt  }
0x61: {  	_ =	shalt  }
0x62: {  	_ =	shalt  }
0x63: {  	_ =	shalt  }
0x64: {  	_ =	shalt  }
0x65: {  	_ =	shalt  }
0x66: {  	_ =	shalt  }
0x67: {  	_ =	shalt  }
0x68: {  	_ =	shalt  }
0x69: {  	_ =	shalt  }
0x6a: {  	_ =	shalt  }
0x6b: {  	_ =	shalt  }
0x6c: {  	_ =	shalt  }
0x6d: {  	_ =	shalt  }
0x6e: {  	_ =	shalt  }
0x6f: {  	_ =	shalt  }
0x70: {  	_ =	shalt  }
0x71: {  	_ =	shalt  }
0x72: {  	_ =	shalt  }
0x73: {  	_ =	shalt  }
0x74: {  	_ =	shalt  }
0x75: {  	_ =	shalt  }
0x76: {  	_ =	shalt  }
0x77: {  	_ =	shalt  }
0x78: {  	_ =	shalt  }
0x79: {  	_ =	shalt  }
0x7a: {  	_ =	shalt  }
0x7b: {  	_ =	shalt  }
0x7c: {  	_ =	shalt  }
0x7d: {  	_ =	shalt  }
0x7e: {  	_ =	shalt  }
0x7f: {  	_ =	shalt  }
0x80: {  	_ =	shalt  }
0x81: {  	_ =	shalt  }
0x82: {  	_ =	shalt  }
0x83: {  	_ =	shalt  }
0x84: {  	_ =	shalt  }
0x85: {  	_ =	shalt  }
0x86: {  	_ =	shalt  }
0x87: {  	_ =	shalt  }
.Lfunc_end0:
.L_simem_size_0:
called_computation.5_lowered:
.L_overlay_start_0:
0x88: {  	s2 =	sld [smem:$0x3FD9]  }
0x89: {  	s3 =	sld [smem:$0x3FFE];
	_ =	sdelay $0x1  }
0x8a: {  	s1 =	srdreg.scid  }
0x8b: {  	s0 =	sand.u32 $0x1, s1  }
0x8c: {  	s14 =	sshll.u32 s0, $0xA;
	s2 =	sadd.s32 s3, s2  }
0x8d: {  	s2 =	sadd.s32 s2, s14  }
0x8e: {  	[smem:$0x3FB3] =	sst s2  }
0x8f: {  	_ = 	snop  }
0x90: {  	s2 =	sld [smem:$0x3FD0];
	_ =	sdelay $0x2  }
0x91: {  	s4 =	simm.s32 $0xE;
	s5 =	simm.s32 $0x10;
	s15 =	sld [smem:$0x3FC6]  }
0x92: {  	[smem:s5], [sflag:s4] =	dma.local [hbm:s2], $0x1  }
0x93: {  	_ =	swait.eq [sflag:s4], $0x1  }
0x94: {  	[sflag:s4] =	ssyncset.done $0x0  }
0x95: {  	[sflag:s4] =	ssyncadd.s32 $0xFFFFFFFF  }
0x96: {  	s16 =	sld [smem:$0x11];
	(tm) =	ssettm $0x1  }
0x97: {  	s17 =	sld [smem:$0x3FFB];
	_ =	sdelay $0x3  }
0x98: {  	_ =	strace s17  }
0x99: {  	s4 =	sld [smem:$0x3FFC];
	_ =	sdelay $0x3  }
0x9a: {  	_ =	strace s4  }
0x9b: {  	s4 =	sld [smem:$0x3FFD];
	_ =	sdelay $0x3  }
0x9c: {  	_ =	strace s4  }
0x9d: {  	_ =	strace $0x8FFFFFFF  }
0x9e: {  	s18 =	sld [smem:$0x3FDB];
	_ =	sdelay $0x1  }
0x9f: {  	s19 =	simm.s32 $_scs_section_size  }
0xa0: {  	s6 =	simm.s32 $_size__tile_overlayer_lowered;
	s7 =	simm.s32 $_tile_overlayer_lowered  }
0xa1: {  	s22 =	simm.s32 $0x1BFF;
	s21 =	sshll.u32 s7, $0x1;
	s4 =	sadd.s32 s19, s18  }
0xa2: {  	s8 =	simm.s32 $0x0;
	s20 =	sshll.u32 s6, $0x1;
	s6 =	sadd.s32 s21, s4  }
0xa3: {  	[timem:s8], [sflag:s22] =	dma.local [hbm:s6], s20  }
0xa4: {  	_ =	swait.ge [sflag:s22], s20  }
0xa5: {  	s5 =	ssub.s32 $0x0, s20;
	[sflag:s22] =	ssyncset.done $0x0  }
0xa6: {  	[sflag:s22] =	ssyncadd.s32 s5;
	_ =	sdelay $0x1  }
0xa7: {  	s23 =	simm.s32 $0x1B8B  }
0xa8: {  	_ =	swait.ge [sflag:s23], $0x1  }
0xa9: {  	[sflag:s23] =	ssyncset.done $0x0  }
0xaa: {  	s25 =	simm.s32 $0x1B8E;
	s24 =	sld [smem:$0x3FFE];
	[sflag:s23] =	ssyncadd.s32 $0xFFFFFFFF  }
0xab: {  	s26 =	simm.s32 $execute0_lowered;
	[smem:$0x3FD2] =	sst s25  }
0xac: {  	s6 =	sshll.u32 s26, $0x1;
	_ =	strace $0x80000055;
	[dreg:$0x1] =	wrdreg $0xFFFFFFFF  }
0xad: {  	s28 =	simm.s32 $_size_execute0_lowered;
	s4 =	sadd.s32 s4, s6;
	[dreg:$0x0] =	wrdreg $0x0  }
0xae: {  	s6 =	sshll.u32 s28, $0x1;
	[dreg:$0x2] =	wrdreg s4  }
0xaf: {  	[dreg:$0x3] =	wrdreg s6  }
0xb0: {  	[dreg:$0x4] =	wrdreg $0xC0  }
0xb1: {  	_ =	task [dreg:s8], $0x5FFFF  }
0xb2: {  	[dreg:$0x1] =	wrdreg $0xFFFFFFFF  }
0xb3: {  	[dreg:$0x0] =	wrdreg $0x60  }
0xb4: {  	[dreg:$0x2] =	wrdreg s24  }
0xb5: {  	[dreg:$0x3] =	wrdreg s15  }
0xb6: {  	[dreg:$0x4] =	wrdreg s16  }
0xb7: {  	[dreg:$0x5] =	wrdreg $0x9  }
0xb8: {  	_ =	task.clear_ibuf [dreg:s8], $0x6FFFF;
	_ =	strace $0x90000055  }
0xb9: {  	s29 =	simm.s32 $0x9;
	_ =	strace $0x80000057  }
0xba: {  	_ =	swait.ge [sflag:s29], $0x1  }
0xbb: {  	[sflag:s29] =	ssyncadd.s32 $0xFFFFFFFF  }
0xbc: {  	_ =	strace $0x90000057  }
0xbd: {  	_ =	sfence  }
0xbe: {  	s30 =	sld [smem:$0x0];
	_ =	sdelay $0x2  }
0xbf: {  	s31 =	sshll.u32 s1, $0xD;
	s1 =	sshrl.u32 s1, $0x2  }
0xc0: {  	s3 =	sand.u32 $0x4000, s31;
	s1 =	sadd.s32 s1, s30  }
0xc1: {  	s0 =	sor.u32 s3, s0;
	s1 =	sshll.u32 s1, $0x11  }
0xc2: {  	s0 =	sor.u32 s1, s0  }
0xc3: {  	s0 =	sadd.s32 $0x8F2B, s0  }
0xc4: {  	[sflag:s0] =	ssyncadd.remote.s32 $0x1  }
0xc5: {  	_ =	sfence.sel $0xFFFF  }
0xc6: {  	[dreg:$0x0] =	wrdreg $0xFFFFFFFF;
	(pc) =	sbr.abs _section_cstart, $3  }
0xc7: {  	[dreg:$0x1] =	wrdreg $0xFFFFFFFF  }
0xc8: {  	_ =	task.clear_ibuf [dreg:s8], $0x2FFFF;
	_ =	strace $0x9FFFFFFF  }
0xc9: {  	(tm) =	ssettm $0x7FFFFFFF  }
tec
execute0_lowered:
.L_overlay_start_1:
0x0: {  	(tag) =	ssettag $0x1  }
0x1: {  	s5 =	rddreg [dreg:$0x0]  }
0x2: {  	s2 =	rddreg [dreg:$0x1];
	s1 =	srdreg.scid  }
0x3: {  	s0 =	stileid.u32;
	s11 =	rddreg [dreg:$0x2]  }
0x4: {  	s16 =	simm.s32 $0x7680;
	s17 =	simm.s32 $0x9E00;
	s18 =	simm.s32 $0xC580  }
0x5: {  	s19 =	simm.s32 $0xED00;
	s20 =	simm.s32 $0x18980;
	s21 =	simm.s32 $0x80  }
0x6: {  	s22 =	simm.s32 $0x400;
	s23 =	simm.s32 $0x0;
	s4 =	sand.u32 $0x1, s1  }
0x7: {  	s3 =	sshll.u32 s0, $0x1;
	s1 =	rddreg [dreg:$0x3];
	s8 =	sshrl.u32 s0, $0x2  }
0x8: {  	s6 =	sor.u32 s4, s3;
	s3 =	simm.s32 $0x0;
	s9 =	smul.u32 $0x4E400, s8  }
0x9: {  	s28 =	ssub.s32 $0x2, s4;
	s4 =	sadd.s32 $0x36400, s5;
	s30 =	sshll.u32 s8, $0xA  }
0xa: {  	s7 =	smul.u32 $0x4E2, s6;
	[smem:$0x7FF] =	sst s3;
	s6 =	sshll.u32 s6, $0x7  }
0xb: {  	s29 =	sshrl.u32 s28, $0x1;
	_ =	strace $0x80000056;
	s10 =	sand.u32 $0x380, s6  }
0xc: {  	s14 =	ssub.s32 s28, s29;
	s12 =	sadd.s32 s7, s5;
	s6 =	sor.u32 s9, s10  }
0xd: {  	s31 =	sor.u32 s30, s10;
	s6 =	sshrl.u32 s6, $0x3;
	s7 =	sadd.s32 $0x22800, s12  }
0xe: {  	s8 =	sadd.s32 $0x18A00, s12;
	s15 =	sshrl.u32 s31, $0x3;
	s9 =	sadd.s32 $0x4E00, s12  }
0xf: {  	s13 =	sadd.s32 s6, s5;
	s5 =	sadd.s32 $0xEC00, s12;
	s6 =	sadd.s32 $0x2C600, s12  }
0x10: {  	s11 =	sadd.s32 s11, s15;
	s12 =	smax.u32 s14, $0x1;
	s14 =	simm.s32 $0x2780  }
0x11: {  	v0 =	vimm.f32 $0.0e+00;
	s15 =	simm.s32 $0x4F00;
	s10 =	sadd.s32 $0x37800, s13;
	s13 =	simm.s32 $0x1  }
.LBB2_1:
0x12: {  	[tilespmem:s3], [sflag:$0x1] =	stream.linear.gather [hbm4b:s5+s3], $0x2710, $0x38;
	[tilespmem:$0x18A00] =	vst v63  }
0x13: {  	_ =	swait.ge [sflag:s13], $0x2710  }
0x14: {  	[sflag:s13] =	ssyncset.done $0x0  }
0x15: {  	[sflag:s13] =	ssyncadd.s32 $0xFFFFD8F0  }
0x16: {  	[tilespmem:s14], [sflag:$0x1] =	stream.linear.gather [hbm4b:s2+s3], $0x2780, $0x38;
	[tilespmem:$0x18A00] =	vst v63  }
0x17: {  	_ =	swait.ge [sflag:s13], $0x2780  }
0x18: {  	[sflag:s13] =	ssyncset.done $0x0  }
0x19: {  	[sflag:s13] =	ssyncadd.s32 $0xFFFFD880  }
0x1a: {  	[tilespmem:s15], [sflag:$0x1] =	stream.linear.gather [hbm4b:s6+s3], $0x2710, $0x38;
	[tilespmem:$0x18A00] =	vst v63  }
0x1b: {  	_ =	swait.ge [sflag:s13], $0x2710  }
0x1c: {  	[sflag:s13] =	ssyncset.done $0x0  }
0x1d: {  	[sflag:s13] =	ssyncadd.s32 $0xFFFFD8F0  }
0x1e: {  	[tilespmem:s16], [sflag:$0x1] =	stream.linear.gather [hbm4b:s7+s3], $0x2710, $0x38;
	[tilespmem:$0x18A00] =	vst v63  }
0x1f: {  	_ =	swait.ge [sflag:s13], $0x2710  }
0x20: {  	[sflag:s13] =	ssyncset.done $0x0  }
0x21: {  	[sflag:s13] =	ssyncadd.s32 $0xFFFFD8F0  }
0x22: {  	[tilespmem:s17], [sflag:$0x1] =	stream.linear.gather [hbm4b:s8+s3], $0x2710, $0x38;
	[tilespmem:$0x18A00] =	vst v63  }
0x23: {  	_ =	swait.ge [sflag:s13], $0x2710  }
0x24: {  	[sflag:s13] =	ssyncset.done $0x0  }
0x25: {  	[sflag:s13] =	ssyncadd.s32 $0xFFFFD8F0  }
0x26: {  	[tilespmem:s18], [sflag:$0x1] =	stream.linear.gather [hbm4b:s9+s3], $0x2710, $0x38;
	[tilespmem:$0x18A00] =	vst v63  }
0x27: {  	_ =	swait.ge [sflag:s13], $0x2710  }
0x28: {  	[sflag:s13] =	ssyncset.done $0x0  }
0x29: {  	[sflag:s13] =	ssyncadd.s32 $0xFFFFD8F0  }
0x2a: {  	[tilespmem:s19], [sflag:$0x1] =	stream.linear.gather [hbm4b:s4+s3], $0x9C80, $0x38;
	[tilespmem:$0x18A00] =	vst v63  }
0x2b: {  	_ =	swait.ge [sflag:s13], $0x9C80  }
0x2c: {  	[sflag:s13] =	ssyncset.done $0x0  }
0x2d: {  	[sflag:s13] =	ssyncadd.s32 $0xFFFF6380  }
0x2e: {  	[tilespmem:$0x18980] =	vst v0  }
0x2f: {  	[tilespmem:$0x18990] =	vst v0  }
0x30: {  	[tilespmem:$0x189A0] =	vst v0  }
0x31: {  	s24 =	simm.s32 $0x0;
	s25 =	simm.s32 $0x40;
	[tilespmem:$0x189B0] =	vst v0  }
.LBB2_2:
0x32: {  	p0 =	sne.s32 s25, $0x9C00;
	v1 =	vld [tilespmem:s24+$0x0]  }
0x33: {  	v2 =	vld [tilespmem:s24+$0x4F00];
	_ =	sdelay $0x6  }
0x34: {  	v3 =	vld.idx.msk [tilespmem:v1+s14+$0x0], $0xffff;
	_ =	sdelay $0x7  }
0x35: {  	[tilespmem:v3+s20+$0x0] =	vst.idx.add.f32.msk $0xffff, v2  }
0x36: {  	v1 =	vshll.u32 v1, $0x2;
	v2 =	vld [tilespmem:s24+$0x7680];
	_ =	sdelay $0x4  }
0x37: {  	[tilespmem:v1+s19+$0x0] =	vst.idx.add.f32.msk $0xffff, v2  }
0x38: {  	v3 =	vor.u32 $0x1, v1;
	v2 =	vld [tilespmem:s24+$0x9E00];
	_ =	sdelay $0x4  }
0x39: {  	[tilespmem:v3+s19+$0x0] =	vst.idx.add.f32.msk $0xffff, v2  }
0x3a: {  	v1 =	vor.u32 $0x2, v1;
	v2 =	vld [tilespmem:s24+$0xC580]  }
.Ltmp0:
0x3b: {  	(pc) =	sbr.rel @p0 .LBB2_2-.Ltmp0, $2  }
0x3c: {  	_ =	sdelay $0x2  }
0x3d: {  	s24 =	sshra.s32 s25, $0x2;
	s25 =	sadd.s32 $0x40, s25;
	[tilespmem:v1+s19+$0x0] =	vst.idx.add.f32.msk $0xffff, v2  }
0x3e: {  	v1 =	vld [tilespmem:s24+$0x0];
	_ =	sdelay $0x7  }
0x3f: {  	v2 =	vld.idx.msk [tilespmem:v1+s14+$0x0], $0xffff;
	_ =	sdelay $0x2  }
0x40: {  	v3 =	vld [tilespmem:s24+$0x4F00];
	_ =	sdelay $0x4  }
0x41: {  	[tilespmem:v2+s20+$0x0] =	vst.idx.add.f32.msk $0xffff, v3  }
0x42: {  	v1 =	vshll.u32 v1, $0x2;
	v2 =	vld [tilespmem:s24+$0x7680];
	_ =	sdelay $0x4  }
0x43: {  	[tilespmem:v1+s19+$0x0] =	vst.idx.add.f32.msk $0xffff, v2  }
0x44: {  	v3 =	vor.u32 $0x1, v1;
	v2 =	vld [tilespmem:s24+$0x9E00];
	_ =	sdelay $0x4  }
0x45: {  	[tilespmem:v3+s19+$0x0] =	vst.idx.add.f32.msk $0xffff, v2  }
0x46: {  	v1 =	vor.u32 $0x2, v1;
	v2 =	vld [tilespmem:s24+$0xC580];
	_ =	sdelay $0x4  }
0x47: {  	[tilespmem:v1+s19+$0x0] =	vst.idx.add.f32.msk $0xffff, v2  }
0x48: {  	[hbm4b:s10+s21] =	stream.strided.scatter [tilespmem:s19], [sflag:$0x1], $0x9C80, s22, s21, $0x38;
	[tilespmem:$0x18A00] =	vst v63  }
0x49: {  	s23 =	sadd.s32 $0x1, s23;
	_ =	swait.ge [sflag:s13], $0x9C80  }
0x4a: {  	p0 =	sne.s32 s23, s12;
	[sflag:s13] =	ssyncset.done $0x0  }
.Ltmp1:
0x4b: {  	[sflag:s13] =	ssyncadd.s32 $0xFFFF6380;
	(pc) =	sbr.rel @p0 .LBB2_1-.Ltmp1, $4  }
0x4c: {  	[hbm4b:s11+s3] =	stream.linear.scatter [tilespmem:s20], [sflag:$0x1], $0x80, $0x38;
	[tilespmem:$0x18A00] =	vst v63  }
0x4d: {  	_ =	swait.ge [sflag:s13], $0x80  }
0x4e: {  	[sflag:s13] =	ssyncset.done $0x0  }
0x4f: {  	[sflag:s13] =	ssyncadd.s32 $0xFFFFFF80  }
0x50: {  	_ =	sfence.sel $0x180000  }
0x51: {  	[bflag:$0x0] =	sbarrier.arrive $0xFFFF  }
0x52: {  	p0 =	sne.s32 s0, $0x0;
	_ =	strace $0x90000056  }
0x53: {  	s0 =	sadd.s32 @!p0 $0x100000, s1;
	[bflag:$0x2] =	sbarrier.arrive $0xFFFF  }
0x54: {  	[sflag:s0] =	ssyncadd.tile.s32 @!p0 $0x1;
	_ =	shalt  }
.Lfunc_end2:
_tile_overlayer_lowered:
.L_overlay_start_2:
0x55: {  	(tag) =	ssettag $0x2  }
0x56: {  	s0 =	rddreg [dreg:$0x0];
	s2 =	stileid.u32  }
0x57: {  	s1 =	rddreg [dreg:$0x1];
	p0 =	sne.s32 s2, $0x0  }
0x58: {  	s3 =	rddreg [dreg:$0x2];
	[bflag:$0x3] =	sbarrier.arrive $0xFFFF;
	s2 =	simm.s32 @!p0 $0x1C01  }
0x59: {  	[timem:s3], [sflag:s2] =	dma.local @!p0 [hbm:s0], s1  }
0x5a: {  	s0 =	simm.s32 @!p0 $0x1  }
0x5b: {  	_ =	swait.ge @!p0 [sflag:s0], s1  }
0x5c: {  	s1 =	ssub.s32 @!p0 $0x0, s1;
	[sflag:s0] =	ssyncset.done @!p0 $0x0  }
0x5d: {  	[sflag:s0] =	ssyncadd.s32 @!p0 s1  }
0x5e: {  	[bflag:$0x3] =	sbarrier.arrive $0xFFFF  }
0x5f: {  	_ =	shalt  }

</sc_bundles>
